<compile_context>
chip_gen: v7x
topology: tpu7x:2x2x1
jax: 0.10.2.dev20260603
libtpu: 0.0.44.dev20260713+nightly
codegen_flags: <defaults>
</compile_context>

<pallas_src>
import functools

import jax
import jax.numpy as jnp
from jax import lax
from jax.experimental import pallas as pl
from jax.experimental.pallas import tpu as pltpu
from jax.experimental.pallas import tpu_sc as plsc

N_TOKENS = 16384
CODEBOOK = 8192
DIM = 64
BETA = 0.25

M_BLK = 512


_HALF = CODEBOOK // 2


def _argmin_body(z2_ref, e2_ref, z_ref, e_ref, idx_ref):
    z = z_ref[...]
    e = e_ref[...]
    m = lax.dot_general(z, e, (((1,), (1,)), ((), ())),
                        preferred_element_type=jnp.float32)
    z2col = lax.transpose(z2_ref[...].reshape(1, M_BLK), (1, 0))
    dist = (z2col + e2_ref[...]) - 2.0 * m
    d_a = dist[:, :_HALF]
    d_b = dist[:, _HALF:]
    min_a = jnp.min(d_a, axis=1, keepdims=True)
    min_b = jnp.min(d_b, axis=1, keepdims=True)
    iota = lax.broadcasted_iota(jnp.int32, (M_BLK, _HALF), 1)
    big = jnp.int32(1 << 30)
    idx_a = jnp.min(jnp.where(d_a == min_a, iota, big), axis=1)
    idx_b = jnp.min(jnp.where(d_b == min_b, iota, big), axis=1) + _HALF
    min_a_bf = min_a[:, 0].astype(jnp.bfloat16).astype(jnp.float32)
    idx = jnp.where(min_b[:, 0] < min_a_bf, idx_b, idx_a)
    idx_ref[...] = lax.transpose(idx.reshape(M_BLK, 1),
                                 (1, 0)).reshape(1, 1, M_BLK)


def _compute_indices(z_e, embedding, z2, e2):
    grid = (N_TOKENS // M_BLK,)
    return pl.pallas_call(
        _argmin_body,
        grid=grid,
        in_specs=[
            pl.BlockSpec((1, 1, M_BLK), lambda i: (i, 0, 0)),
            pl.BlockSpec((1, CODEBOOK), lambda i: (0, 0)),
            pl.BlockSpec((M_BLK, DIM), lambda i: (i, 0)),
            pl.BlockSpec((CODEBOOK, DIM), lambda i: (0, 0)),
        ],
        out_specs=pl.BlockSpec((1, 1, M_BLK), lambda i: (i, 0, 0)),
        out_shape=jax.ShapeDtypeStruct((N_TOKENS // M_BLK, 1, M_BLK),
                                       jnp.int32),
    )(z2, e2, z_e, embedding)


_NW = 32
_B_W = N_TOKENS // _NW
_CHUNK = 128
_N_CHUNK = _B_W // _CHUNK


def _sc_gather_hist(idx_hbm, emb_hbm, zq_hbm, hist_hbm, idx_v, rows_v,
                    hist_v, sem):
    wid = lax.axis_index("s") * 2 + lax.axis_index("c")
    pltpu.sync_copy(idx_hbm.at[pl.ds(wid * _N_CHUNK, _N_CHUNK)], idx_v)
    copies = []
    for j in range(_N_CHUNK):
        copies.append(pltpu.async_copy(
            emb_hbm.at[idx_v.at[j]],
            rows_v.at[pl.ds(j * _CHUNK, _CHUNK)], sem))
    for c in copies:
        c.wait()
    pltpu.sync_copy(rows_v, zq_hbm.at[pl.ds(wid * _B_W, _B_W)])

    zeros = jnp.zeros((16,), jnp.int32)
    for b in range(CODEBOOK // 16):
        hist_v[pl.ds(b * 16, 16)] = zeros
    lane = lax.iota(jnp.int32, 16)
    ones = jnp.ones((16,), jnp.int32)
    for j in range(_N_CHUNK):
        for k in range(_CHUNK // 16):
            vec = idx_v[j, pl.ds(k * 16, 16)]
            for l in range(16):
                plsc.addupdate_scatter(hist_v, [vec], ones, mask=lane == l)
    pltpu.sync_copy(hist_v, hist_hbm.at[wid])


def _run_sc(indices_2d, embedding):
    mesh = plsc.VectorSubcoreMesh(core_axis_name="c", subcore_axis_name="s")
    fn = functools.partial(
        pl.kernel, mesh=mesh,
        compiler_params=pltpu.CompilerParams(
            needs_layout_passes=False, use_tc_tiling_on_sc=False),
        out_type=(
            jax.ShapeDtypeStruct((N_TOKENS, DIM), jnp.float32),
            jax.ShapeDtypeStruct((_NW, CODEBOOK), jnp.int32),
        ),
        scratch_types=[
            pltpu.VMEM((_N_CHUNK, _CHUNK), jnp.int32),
            pltpu.VMEM((_B_W, DIM), jnp.float32),
            pltpu.VMEM((CODEBOOK,), jnp.int32),
            pltpu.SemaphoreType.DMA,
        ],
    )(_sc_gather_hist)
    return fn(indices_2d, embedding)


def _stats_body(z_ref, zq_ref, hist_ref, zqst_ref, s_ref):
    z = z_ref[...]
    zq = zq_ref[...]
    zqst_ref[...] = z + (zq - z)
    codebook_loss = jnp.mean((zq - z) ** 2)
    commit_loss = jnp.mean((z - zq) ** 2)
    counts = jnp.sum(hist_ref[...], axis=0).astype(jnp.float32)
    avg = counts / float(N_TOKENS)
    ent = -jnp.sum(avg * jnp.log(avg + 1e-10))
    perplexity = jnp.exp(ent)
    active = jnp.sum((avg > 0).astype(jnp.float32))
    s_ref[0, 0] = codebook_loss
    s_ref[0, 1] = commit_loss
    s_ref[0, 2] = codebook_loss + BETA * commit_loss
    s_ref[0, 3] = perplexity
    s_ref[0, 4] = active


def _run_stats(z_e, z_q, hist):
    return pl.pallas_call(
        _stats_body,
        in_specs=[
            pl.BlockSpec(),
            pl.BlockSpec(),
            pl.BlockSpec(),
        ],
        out_specs=(
            pl.BlockSpec(),
            pl.BlockSpec(memory_space=pltpu.SMEM),
        ),
        out_shape=(
            jax.ShapeDtypeStruct((N_TOKENS, DIM), jnp.float32),
            jax.ShapeDtypeStruct((1, 8), jnp.float32),
        ),
    )(z_e, z_q, hist)


def kernel(z_e, embedding):
    z2 = jnp.sum(z_e ** 2, axis=1)
    e2 = jnp.sum(embedding ** 2, axis=1)
    idx3 = _compute_indices(z_e, embedding,
                            z2.reshape(N_TOKENS // M_BLK, 1, M_BLK),
                            e2[None, :])
    indices = idx3.reshape(N_TOKENS)
    z_q, hist = _run_sc(idx3.reshape(_NW * _N_CHUNK, _CHUNK), embedding)
    z_q_st, stats = _run_stats(z_e, z_q, hist)
    codebook_loss = stats[0, 0]
    commit_loss = stats[0, 1]
    vq_loss = stats[0, 2]
    perplexity = stats[0, 3]
    active_codes = stats[0, 4]
    return (z_q_st, vq_loss, codebook_loss, commit_loss, indices,
            perplexity, active_codes)

# --- scband reference (transcript-rebuilt; emitter-appended) ---
"""Pipeline reference for scband-vector-quantizer-68427418960144 (READ-ONLY COPY).

The authoritative reference and input builder live on the scoring server;
editing this copy changes nothing except your own understanding.
"""

import jax, jax.numpy as jnp
import numpy as np

N_TOKENS = 16384
CODEBOOK_SIZE = 8192
EMBED_DIM = 64
BETA = 0.25


def setup_inputs(seed: int = 0) -> dict:
    key = jax.random.key(seed)
    k1, k2 = jax.random.split(key)
    z_e = jax.random.normal(k1, (N_TOKENS, EMBED_DIM), dtype=jnp.float32)
    bound = 1.0 / CODEBOOK_SIZE
    embedding = jax.random.uniform(k2, (CODEBOOK_SIZE, EMBED_DIM), dtype=jnp.float32, minval=-bound, maxval=bound)
    return {"z_e": z_e, "embedding": embedding}


def reference(z_e, embedding):
    z = z_e
    z2 = jnp.sum(z ** 2, axis=1, keepdims=True)
    e2 = jnp.sum(embedding ** 2, axis=1)
    dist = z2 + e2[None, :] - 2.0 * (z @ embedding.T)
    indices = jnp.argmin(dist, axis=1)
    z_q = jnp.take(embedding, indices, axis=0)
    codebook_loss = jnp.mean((z_q - jax.lax.stop_gradient(z)) ** 2)
    commit_loss = jnp.mean((z - jax.lax.stop_gradient(z_q)) ** 2)
    vq_loss = codebook_loss + BETA * commit_loss
    z_q_st = z + jax.lax.stop_gradient(z_q - z)
    counts = jnp.bincount(indices, length=CODEBOOK_SIZE).astype(jnp.float32)
    avg_probs = counts / indices.shape[0]
    perplexity = jnp.exp(-jnp.sum(avg_probs * jnp.log(avg_probs + 1e-10)))
    active_codes = jnp.sum(avg_probs > 0).astype(jnp.float32)
    return (z_q_st, vq_loss, codebook_loss, commit_loss, indices, perplexity, active_codes)

if __name__ == "__main__":
    import jax
    _d = setup_inputs()
    print(jax.jit(kernel)(*tuple(_d.values())))

</pallas_src>

<mosaic_0001>
#map = affine_map<(d0, d1) -> (0, 0)>
module attributes {stable_mosaic.version = 14 : i64} {
  func.func @_sc_gather_hist(%arg0: i32, %arg1: i32, %arg2: memref<128x128xi32, #tpu.memory_space<hbm>>, %arg3: memref<8192x64xf32, #tpu.memory_space<hbm>>, %arg4: memref<16384x64xf32, #tpu.memory_space<hbm>>, %arg5: memref<32x8192xi32, #tpu.memory_space<hbm>>, %arg6: memref<4x128xi32, #tpu.memory_space<vmem>>, %arg7: memref<512x64xf32, #tpu.memory_space<vmem>>, %arg8: memref<8192xi32, #tpu.memory_space<vmem>>, %arg9: memref<!tpu.dma_semaphore, #tpu.memory_space<semaphore_mem>>) attributes {dimension_semantics = [#tpu.dimension_semantics<core_parallel>, #tpu.dimension_semantics<subcore_parallel>], iteration_bounds = array<i64: 2, 16>, scalar_prefetch = 0 : i64, scratch_operands = 4 : i64, tpu.core_type = #tpu.core_type<sc_vector_subcore>, window_params = [{transform_indices = #map}, {transform_indices = #map}, {transform_indices = #map}, {transform_indices = #map}]} {
    %mul3A = arith.constant 2 : i32
    %mul3A_0 = arith.muli %arg1, %mul3A : i32
    %add3A = arith.addi %mul3A_0, %arg0 : i32
    %mul3A_1 = arith.constant 4 : i32
    %mul3A_2 = arith.muli %add3A, %mul3A_1 : i32
    "tpu.region"() ({
      %run_scoped3A = tpu.sem_alloc : memref<!tpu.dma_semaphore, #tpu.memory_space<semaphore_mem>>
      %dma_start3A_2771 = arith.constant 0 : i32
      %dma_start3A_2772 = tpu.memref_slice %arg2[%mul3A_2, %dma_start3A_2771] : memref<128x128xi32, #tpu.memory_space<hbm>> -> memref<4x128xi32, #tpu.memory_space<hbm>>
      %dma_start3A_2773 = arith.constant 0 : i32
      %dma_start3A_2774 = tpu.memref_slice %arg2[%mul3A_2, %dma_start3A_2773] : memref<128x128xi32, #tpu.memory_space<hbm>> -> memref<4x128xi32, #tpu.memory_space<hbm>>
      tpu.enqueue_dma source(%dma_start3A_2774 : memref<4x128xi32, #tpu.memory_space<hbm>>) target(%arg6 : memref<4x128xi32, #tpu.memory_space<vmem>>) target_semaphore(%run_scoped3A : memref<!tpu.dma_semaphore, #tpu.memory_space<semaphore_mem>>)
      %dma_wait3A_2775 = arith.constant 0 : i32
      %dma_wait3A_2776 = tpu.memref_slice %arg2[%mul3A_2, %dma_wait3A_2775] : memref<128x128xi32, #tpu.memory_space<hbm>> -> memref<4x128xi32, #tpu.memory_space<hbm>>
      %dma_wait3A_2777 = arith.constant 0 : i32
      %dma_wait3A_2778 = tpu.memref_slice %arg2[%mul3A_2, %dma_wait3A_2777] : memref<128x128xi32, #tpu.memory_space<hbm>> -> memref<4x128xi32, #tpu.memory_space<hbm>>
      tpu.wait_dma2 semaphore(%run_scoped3A : memref<!tpu.dma_semaphore, #tpu.memory_space<semaphore_mem>>) src(%dma_wait3A_2778 : memref<4x128xi32, #tpu.memory_space<hbm>>) dst(%arg6 : memref<4x128xi32, #tpu.memory_space<vmem>>)
      tpu.yield
    }) : () -> ()
    %dma_start3A = arith.constant 0 : i32
    %dma_start3A_3 = arith.constant 0 : i32
    %dma_start3A_4 = arith.constant 0 : i32
    %dma_start3A_5 = tpu.memref_slice %arg7[%dma_start3A_3, %dma_start3A_4] : memref<512x64xf32, #tpu.memory_space<vmem>> -> memref<128x64xf32, #tpu.memory_space<vmem>>
    %dma_start3A_6 = arith.constant 0 : i32
    %dma_start3A_7 = tpu.memref_slice %arg6[%dma_start3A, %dma_start3A_6] : memref<4x128xi32, #tpu.memory_space<vmem>> -> memref<1x128xi32, #tpu.memory_space<vmem>>
    %dma_start3A_8 = tpu.memref_squeeze %dma_start3A_7 : memref<1x128xi32, #tpu.memory_space<vmem>> -> memref<128xi32, #tpu.memory_space<vmem>>
    %dma_start3A_9 = arith.constant 0 : i32
    %dma_start3A_10 = arith.constant 0 : i32
    %dma_start3A_11 = tpu.memref_slice %arg3[%dma_start3A_9, %dma_start3A_10] : memref<8192x64xf32, #tpu.memory_space<hbm>> -> memref<8192x64xf32, #tpu.memory_space<hbm>>
    tpu.enqueue_indirect_dma source(%dma_start3A_11 : memref<8192x64xf32, #tpu.memory_space<hbm>>) target(%dma_start3A_5 : memref<128x64xf32, #tpu.memory_space<vmem>>) offsets(%dma_start3A_8 : memref<128xi32, #tpu.memory_space<vmem>>) semaphore(%arg9 : memref<!tpu.dma_semaphore, #tpu.memory_space<semaphore_mem>>)
    %dma_start3A_12 = arith.constant 1 : i32
    %dma_start3A_13 = arith.constant 128 : i32
    %dma_start3A_14 = arith.constant 0 : i32
    %dma_start3A_15 = tpu.memref_slice %arg7[%dma_start3A_13, %dma_start3A_14] : memref<512x64xf32, #tpu.memory_space<vmem>> -> memref<128x64xf32, #tpu.memory_space<vmem>>
    %dma_start3A_16 = arith.constant 0 : i32
    %dma_start3A_17 = tpu.memref_slice %arg6[%dma_start3A_12, %dma_start3A_16] : memref<4x128xi32, #tpu.memory_space<vmem>> -> memref<1x128xi32, #tpu.memory_space<vmem>>
    %dma_start3A_18 = tpu.memref_squeeze %dma_start3A_17 : memref<1x128xi32, #tpu.memory_space<vmem>> -> memref<128xi32, #tpu.memory_space<vmem>>
    %dma_start3A_19 = arith.constant 0 : i32
    %dma_start3A_20 = arith.constant 0 : i32
    %dma_start3A_21 = tpu.memref_slice %arg3[%dma_start3A_19, %dma_start3A_20] : memref<8192x64xf32, #tpu.memory_space<hbm>> -> memref<8192x64xf32, #tpu.memory_space<hbm>>
    tpu.enqueue_indirect_dma source(%dma_start3A_21 : memref<8192x64xf32, #tpu.memory_space<hbm>>) target(%dma_start3A_15 : memref<128x64xf32, #tpu.memory_space<vmem>>) offsets(%dma_start3A_18 : memref<128xi32, #tpu.memory_space<vmem>>) semaphore(%arg9 : memref<!tpu.dma_semaphore, #tpu.memory_space<semaphore_mem>>)
    %dma_start3A_22 = arith.constant 2 : i32
    %dma_start3A_23 = arith.constant 256 : i32
    %dma_start3A_24 = arith.constant 0 : i32
    %dma_start3A_25 = tpu.memref_slice %arg7[%dma_start3A_23, %dma_start3A_24] : memref<512x64xf32, #tpu.memory_space<vmem>> -> memref<128x64xf32, #tpu.memory_space<vmem>>
    %dma_start3A_26 = arith.constant 0 : i32
    %dma_start3A_27 = tpu.memref_slice %arg6[%dma_start3A_22, %dma_start3A_26] : memref<4x128xi32, #tpu.memory_space<vmem>> -> memref<1x128xi32, #tpu.memory_space<vmem>>
    %dma_start3A_28 = tpu.memref_squeeze %dma_start3A_27 : memref<1x128xi32, #tpu.memory_space<vmem>> -> memref<128xi32, #tpu.memory_space<vmem>>
    %dma_start3A_29 = arith.constant 0 : i32
    %dma_start3A_30 = arith.constant 0 : i32
    %dma_start3A_31 = tpu.memref_slice %arg3[%dma_start3A_29, %dma_start3A_30] : memref<8192x64xf32, #tpu.memory_space<hbm>> -> memref<8192x64xf32, #tpu.memory_space<hbm>>
    tpu.enqueue_indirect_dma source(%dma_start3A_31 : memref<8192x64xf32, #tpu.memory_space<hbm>>) target(%dma_start3A_25 : memref<128x64xf32, #tpu.memory_space<vmem>>) offsets(%dma_start3A_28 : memref<128xi32, #tpu.memory_space<vmem>>) semaphore(%arg9 : memref<!tpu.dma_semaphore, #tpu.memory_space<semaphore_mem>>)
    %dma_start3A_32 = arith.constant 3 : i32
    %dma_start3A_33 = arith.constant 384 : i32
    %dma_start3A_34 = arith.constant 0 : i32
    %dma_start3A_35 = tpu.memref_slice %arg7[%dma_start3A_33, %dma_start3A_34] : memref<512x64xf32, #tpu.memory_space<vmem>> -> memref<128x64xf32, #tpu.memory_space<vmem>>
    %dma_start3A_36 = arith.constant 0 : i32
    %dma_start3A_37 = tpu.memref_slice %arg6[%dma_start3A_32, %dma_start3A_36] : memref<4x128xi32, #tpu.memory_space<vmem>> -> memref<1x128xi32, #tpu.memory_space<vmem>>
    %dma_start3A_38 = tpu.memref_squeeze %dma_start3A_37 : memref<1x128xi32, #tpu.memory_space<vmem>> -> memref<128xi32, #tpu.memory_space<vmem>>
    %dma_start3A_39 = arith.constant 0 : i32
    %dma_start3A_40 = arith.constant 0 : i32
    %dma_start3A_41 = tpu.memref_slice %arg3[%dma_start3A_39, %dma_start3A_40] : memref<8192x64xf32, #tpu.memory_space<hbm>> -> memref<8192x64xf32, #tpu.memory_space<hbm>>
    tpu.enqueue_indirect_dma source(%dma_start3A_41 : memref<8192x64xf32, #tpu.memory_space<hbm>>) target(%dma_start3A_35 : memref<128x64xf32, #tpu.memory_space<vmem>>) offsets(%dma_start3A_38 : memref<128xi32, #tpu.memory_space<vmem>>) semaphore(%arg9 : memref<!tpu.dma_semaphore, #tpu.memory_space<semaphore_mem>>)
    %dma_wait3A = arith.constant 0 : i32
    %dma_wait3A_42 = arith.constant 0 : i32
    %dma_wait3A_43 = arith.constant 0 : i32
    %dma_wait3A_44 = tpu.memref_slice %arg7[%dma_wait3A_42, %dma_wait3A_43] : memref<512x64xf32, #tpu.memory_space<vmem>> -> memref<128x64xf32, #tpu.memory_space<vmem>>
    %dma_wait3A_45 = arith.constant 0 : i32
    %dma_wait3A_46 = tpu.memref_slice %arg6[%dma_wait3A, %dma_wait3A_45] : memref<4x128xi32, #tpu.memory_space<vmem>> -> memref<1x128xi32, #tpu.memory_space<vmem>>
    %dma_wait3A_47 = tpu.memref_squeeze %dma_wait3A_46 : memref<1x128xi32, #tpu.memory_space<vmem>> -> memref<128xi32, #tpu.memory_space<vmem>>
    %dma_wait3A_48 = arith.constant 0 : i32
    %dma_wait3A_49 = arith.constant 0 : i32
    %dma_wait3A_50 = tpu.memref_slice %arg3[%dma_wait3A_48, %dma_wait3A_49] : memref<8192x64xf32, #tpu.memory_space<hbm>> -> memref<8192x64xf32, #tpu.memory_space<hbm>>
    tpu.wait_indirect_dma semaphore(%arg9 : memref<!tpu.dma_semaphore, #tpu.memory_space<semaphore_mem>>) src(%dma_wait3A_50 : memref<8192x64xf32, #tpu.memory_space<hbm>>) dst(%dma_wait3A_44 : memref<128x64xf32, #tpu.memory_space<vmem>>)
    %dma_wait3A_51 = arith.constant 1 : i32
    %dma_wait3A_52 = arith.constant 128 : i32
    %dma_wait3A_53 = arith.constant 0 : i32
    %dma_wait3A_54 = tpu.memref_slice %arg7[%dma_wait3A_52, %dma_wait3A_53] : memref<512x64xf32, #tpu.memory_space<vmem>> -> memref<128x64xf32, #tpu.memory_space<vmem>>
    %dma_wait3A_55 = arith.constant 0 : i32
    %dma_wait3A_56 = tpu.memref_slice %arg6[%dma_wait3A_51, %dma_wait3A_55] : memref<4x128xi32, #tpu.memory_space<vmem>> -> memref<1x128xi32, #tpu.memory_space<vmem>>
    %dma_wait3A_57 = tpu.memref_squeeze %dma_wait3A_56 : memref<1x128xi32, #tpu.memory_space<vmem>> -> memref<128xi32, #tpu.memory_space<vmem>>
    %dma_wait3A_58 = arith.constant 0 : i32
    %dma_wait3A_59 = arith.constant 0 : i32
    %dma_wait3A_60 = tpu.memref_slice %arg3[%dma_wait3A_58, %dma_wait3A_59] : memref<8192x64xf32, #tpu.memory_space<hbm>> -> memref<8192x64xf32, #tpu.memory_space<hbm>>
    tpu.wait_indirect_dma semaphore(%arg9 : memref<!tpu.dma_semaphore, #tpu.memory_space<semaphore_mem>>) src(%dma_wait3A_60 : memref<8192x64xf32, #tpu.memory_space<hbm>>) dst(%dma_wait3A_54 : memref<128x64xf32, #tpu.memory_space<vmem>>)
    %dma_wait3A_61 = arith.constant 2 : i32
    %dma_wait3A_62 = arith.constant 256 : i32
    %dma_wait3A_63 = arith.constant 0 : i32
    %dma_wait3A_64 = tpu.memref_slice %arg7[%dma_wait3A_62, %dma_wait3A_63] : memref<512x64xf32, #tpu.memory_space<vmem>> -> memref<128x64xf32, #tpu.memory_space<vmem>>
    %dma_wait3A_65 = arith.constant 0 : i32
    %dma_wait3A_66 = tpu.memref_slice %arg6[%dma_wait3A_61, %dma_wait3A_65] : memref<4x128xi32, #tpu.memory_space<vmem>> -> memref<1x128xi32, #tpu.memory_space<vmem>>
    %dma_wait3A_67 = tpu.memref_squeeze %dma_wait3A_66 : memref<1x128xi32, #tpu.memory_space<vmem>> -> memref<128xi32, #tpu.memory_space<vmem>>
    %dma_wait3A_68 = arith.constant 0 : i32
    %dma_wait3A_69 = arith.constant 0 : i32
    %dma_wait3A_70 = tpu.memref_slice %arg3[%dma_wait3A_68, %dma_wait3A_69] : memref<8192x64xf32, #tpu.memory_space<hbm>> -> memref<8192x64xf32, #tpu.memory_space<hbm>>
    tpu.wait_indirect_dma semaphore(%arg9 : memref<!tpu.dma_semaphore, #tpu.memory_space<semaphore_mem>>) src(%dma_wait3A_70 : memref<8192x64xf32, #tpu.memory_space<hbm>>) dst(%dma_wait3A_64 : memref<128x64xf32, #tpu.memory_space<vmem>>)
    %dma_wait3A_71 = arith.constant 3 : i32
    %dma_wait3A_72 = arith.constant 384 : i32
    %dma_wait3A_73 = arith.constant 0 : i32
    %dma_wait3A_74 = tpu.memref_slice %arg7[%dma_wait3A_72, %dma_wait3A_73] : memref<512x64xf32, #tpu.memory_space<vmem>> -> memref<128x64xf32, #tpu.memory_space<vmem>>
    %dma_wait3A_75 = arith.constant 0 : i32
    %dma_wait3A_76 = tpu.memref_slice %arg6[%dma_wait3A_71, %dma_wait3A_75] : memref<4x128xi32, #tpu.memory_space<vmem>> -> memref<1x128xi32, #tpu.memory_space<vmem>>
    %dma_wait3A_77 = tpu.memref_squeeze %dma_wait3A_76 : memref<1x128xi32, #tpu.memory_space<vmem>> -> memref<128xi32, #tpu.memory_space<vmem>>
    %dma_wait3A_78 = arith.constant 0 : i32
    %dma_wait3A_79 = arith.constant 0 : i32
    %dma_wait3A_80 = tpu.memref_slice %arg3[%dma_wait3A_78, %dma_wait3A_79] : memref<8192x64xf32, #tpu.memory_space<hbm>> -> memref<8192x64xf32, #tpu.memory_space<hbm>>
    tpu.wait_indirect_dma semaphore(%arg9 : memref<!tpu.dma_semaphore, #tpu.memory_space<semaphore_mem>>) src(%dma_wait3A_80 : memref<8192x64xf32, #tpu.memory_space<hbm>>) dst(%dma_wait3A_74 : memref<128x64xf32, #tpu.memory_space<vmem>>)
    %mul3A_81 = arith.constant 512 : i32
    %mul3A_82 = arith.muli %add3A, %mul3A_81 : i32
    "tpu.region"() ({
      %run_scoped3A = tpu.sem_alloc : memref<!tpu.dma_semaphore, #tpu.memory_space<semaphore_mem>>
      %dma_start3A_2771 = arith.constant 0 : i32
      %dma_start3A_2772 = tpu.memref_slice %arg4[%mul3A_82, %dma_start3A_2771] : memref<16384x64xf32, #tpu.memory_space<hbm>> -> memref<512x64xf32, #tpu.memory_space<hbm>>
      %dma_start3A_2773 = arith.constant 0 : i32
      %dma_start3A_2774 = tpu.memref_slice %arg4[%mul3A_82, %dma_start3A_2773] : memref<16384x64xf32, #tpu.memory_space<hbm>> -> memref<512x64xf32, #tpu.memory_space<hbm>>
      tpu.enqueue_dma source(%arg7 : memref<512x64xf32, #tpu.memory_space<vmem>>) target(%dma_start3A_2774 : memref<512x64xf32, #tpu.memory_space<hbm>>) target_semaphore(%run_scoped3A : memref<!tpu.dma_semaphore, #tpu.memory_space<semaphore_mem>>)
      %dma_wait3A_2775 = arith.constant 0 : i32
      %dma_wait3A_2776 = tpu.memref_slice %arg4[%mul3A_82, %dma_wait3A_2775] : memref<16384x64xf32, #tpu.memory_space<hbm>> -> memref<512x64xf32, #tpu.memory_space<hbm>>
      %dma_wait3A_2777 = arith.constant 0 : i32
      %dma_wait3A_2778 = tpu.memref_slice %arg4[%mul3A_82, %dma_wait3A_2777] : memref<16384x64xf32, #tpu.memory_space<hbm>> -> memref<512x64xf32, #tpu.memory_space<hbm>>
      tpu.wait_dma2 semaphore(%run_scoped3A : memref<!tpu.dma_semaphore, #tpu.memory_space<semaphore_mem>>) src(%arg7 : memref<512x64xf32, #tpu.memory_space<vmem>>) dst(%dma_wait3A_2778 : memref<512x64xf32, #tpu.memory_space<hbm>>)
      tpu.yield
    }) : () -> ()
    %broadcast_in_dim3A = arith.constant 0 : i32
    %broadcast_in_dim3A_83 = vector.broadcast %broadcast_in_dim3A : i32 to vector<16xi32>
    %swap3A = arith.constant 0 : index
    %swap3A_84 = tpu.vector_load %arg8[%swap3A] {strides = array<i32>} : memref<8192xi32, #tpu.memory_space<vmem>>, vector<16xi32>,
    tpu.vector_store %arg8[%swap3A], %broadcast_in_dim3A_83 {strides = array<i32>} : memref<8192xi32, #tpu.memory_space<vmem>>, vector<16xi32>,
    %swap3A_85 = arith.constant 16 : index
    %swap3A_86 = tpu.vector_load %arg8[%swap3A_85] {strides = array<i32>} : memref<8192xi32, #tpu.memory_space<vmem>>, vector<16xi32>,
    tpu.vector_store %arg8[%swap3A_85], %broadcast_in_dim3A_83 {strides = array<i32>} : memref<8192xi32, #tpu.memory_space<vmem>>, vector<16xi32>,
    %swap3A_87 = arith.constant 32 : index
    %swap3A_88 = tpu.vector_load %arg8[%swap3A_87] {strides = array<i32>} : memref<8192xi32, #tpu.memory_space<vmem>>, vector<16xi32>,
    tpu.vector_store %arg8[%swap3A_87], %broadcast_in_dim3A_83 {strides = array<i32>} : memref<8192xi32, #tpu.memory_space<vmem>>, vector<16xi32>,
    %swap3A_89 = arith.constant 48 : index
    %swap3A_90 = tpu.vector_load %arg8[%swap3A_89] {strides = array<i32>} : memref<8192xi32, #tpu.memory_space<vmem>>, vector<16xi32>,
    tpu.vector_store %arg8[%swap3A_89], %broadcast_in_dim3A_83 {strides = array<i32>} : memref<8192xi32, #tpu.memory_space<vmem>>, vector<16xi32>,
    %swap3A_91 = arith.constant 64 : index
    %swap3A_92 = tpu.vector_load %arg8[%swap3A_91] {strides = array<i32>} : memref<8192xi32, #tpu.memory_space<vmem>>, vector<16xi32>,
    tpu.vector_store %arg8[%swap3A_91], %broadcast_in_dim3A_83 {strides = array<i32>} : memref<8192xi32, #tpu.memory_space<vmem>>, vector<16xi32>,
    %swap3A_93 = arith.constant 80 : index
    %swap3A_94 = tpu.vector_load %arg8[%swap3A_93] {strides = array<i32>} : memref<8192xi32, #tpu.memory_space<vmem>>, vector<16xi32>,
    tpu.vector_store %arg8[%swap3A_93], %broadcast_in_dim3A_83 {strides = array<i32>} : memref<8192xi32, #tpu.memory_space<vmem>>, vector<16xi32>,
    %swap3A_95 = arith.constant 96 : index
    %swap3A_96 = tpu.vector_load %arg8[%swap3A_95] {strides = array<i32>} : memref<8192xi32, #tpu.memory_space<vmem>>, vector<16xi32>,
    tpu.vector_store %arg8[%swap3A_95], %broadcast_in_dim3A_83 {strides = array<i32>} : memref<8192xi32, #tpu.memory_space<vmem>>, vector<16xi32>,
    %swap3A_97 = arith.constant 112 : index
    %swap3A_98 = tpu.vector_load %arg8[%swap3A_97] {strides = array<i32>} : memref<8192xi32, #tpu.memory_space<vmem>>, vector<16xi32>,
    tpu.vector_store %arg8[%swap3A_97], %broadcast_in_dim3A_83 {strides = array<i32>} : memref<8192xi32, #tpu.memory_space<vmem>>, vector<16xi32>,
    %swap3A_99 = arith.constant 128 : index
    %swap3A_100 = tpu.vector_load %arg8[%swap3A_99] {strides = array<i32>} : memref<8192xi32, #tpu.memory_space<vmem>>, vector<16xi32>,
    tpu.vector_store %arg8[%swap3A_99], %broadcast_in_dim3A_83 {strides = array<i32>} : memref<8192xi32, #tpu.memory_space<vmem>>, vector<16xi32>,
    %swap3A_101 = arith.constant 144 : index
    %swap3A_102 = tpu.vector_load %arg8[%swap3A_101] {strides = array<i32>} : memref<8192xi32, #tpu.memory_space<vmem>>, vector<16xi32>,
    tpu.vector_store %arg8[%swap3A_101], %broadcast_in_dim3A_83 {strides = array<i32>} : memref<8192xi32, #tpu.memory_space<vmem>>, vector<16xi32>,
    %swap3A_103 = arith.constant 160 : index
    %swap3A_104 = tpu.vector_load %arg8[%swap3A_103] {strides = array<i32>} : memref<8192xi32, #tpu.memory_space<vmem>>, vector<16xi32>,
    tpu.vector_store %arg8[%swap3A_103], %broadcast_in_dim3A_83 {strides = array<i32>} : memref<8192xi32, #tpu.memory_space<vmem>>, vector<16xi32>,
    %swap3A_105 = arith.constant 176 : index
    %swap3A_106 = tpu.vector_load %arg8[%swap3A_105] {strides = array<i32>} : memref<8192xi32, #tpu.memory_space<vmem>>, vector<16xi32>,
    tpu.vector_store %arg8[%swap3A_105], %broadcast_in_dim3A_83 {strides = array<i32>} : memref<8192xi32, #tpu.memory_space<vmem>>, vector<16xi32>,
    %swap3A_107 = arith.constant 192 : index
    %swap3A_108 = tpu.vector_load %arg8[%swap3A_107] {strides = array<i32>} : memref<8192xi32, #tpu.memory_space<vmem>>, vector<16xi32>,
    tpu.vector_store %arg8[%swap3A_107], %broadcast_in_dim3A_83 {strides = array<i32>} : memref<8192xi32, #tpu.memory_space<vmem>>, vector<16xi32>,
    %swap3A_109 = arith.constant 208 : index
    %swap3A_110 = tpu.vector_load %arg8[%swap3A_109] {strides = array<i32>} : memref<8192xi32, #tpu.memory_space<vmem>>, vector<16xi32>,
    tpu.vector_store %arg8[%swap3A_109], %broadcast_in_dim3A_83 {strides = array<i32>} : memref<8192xi32, #tpu.memory_space<vmem>>, vector<16xi32>,
    %swap3A_111 = arith.constant 224 : index
    %swap3A_112 = tpu.vector_load %arg8[%swap3A_111] {strides = array<i32>} : memref<8192xi32, #tpu.memory_space<vmem>>, vector<16xi32>,
    tpu.vector_store %arg8[%swap3A_111], %broadcast_in_dim3A_83 {strides = array<i32>} : memref<8192xi32, #tpu.memory_space<vmem>>, vector<16xi32>,
    %swap3A_113 = arith.constant 240 : index
    %swap3A_114 = tpu.vector_load %arg8[%swap3A_113] {strides = array<i32>} : memref<8192xi32, #tpu.memory_space<vmem>>, vector<16xi32>,
    tpu.vector_store %arg8[%swap3A_113], %broadcast_in_dim3A_83 {strides = array<i32>} : memref<8192xi32, #tpu.memory_space<vmem>>, vector<16xi32>,
    %swap3A_115 = arith.constant 256 : index
    %swap3A_116 = tpu.vector_load %arg8[%swap3A_115] {strides = array<i32>} : memref<8192xi32, #tpu.memory_space<vmem>>, vector<16xi32>,
    tpu.vector_store %arg8[%swap3A_115], %broadcast_in_dim3A_83 {strides = array<i32>} : memref<8192xi32, #tpu.memory_space<vmem>>, vector<16xi32>,
    %swap3A_117 = arith.constant 272 : index
    %swap3A_118 = tpu.vector_load %arg8[%swap3A_117] {strides = array<i32>} : memref<8192xi32, #tpu.memory_space<vmem>>, vector<16xi32>,
    tpu.vector_store %arg8[%swap3A_117], %broadcast_in_dim3A_83 {strides = array<i32>} : memref<8192xi32, #tpu.memory_space<vmem>>, vector<16xi32>,
    %swap3A_119 = arith.constant 288 : index
    %swap3A_120 = tpu.vector_load %arg8[%swap3A_119] {strides = array<i32>} : memref<8192xi32, #tpu.memory_space<vmem>>, vector<16xi32>,
    tpu.vector_store %arg8[%swap3A_119], %broadcast_in_dim3A_83 {strides = array<i32>} : memref<8192xi32, #tpu.memory_space<vmem>>, vector<16xi32>,
    %swap3A_121 = arith.constant 304 : index
    %swap3A_122 = tpu.vector_load %arg8[%swap3A_121] {strides = array<i32>} : memref<8192xi32, #tpu.memory_space<vmem>>, vector<16xi32>,
    tpu.vector_store %arg8[%swap3A_121], %broadcast_in_dim3A_83 {strides = array<i32>} : memref<8192xi32, #tpu.memory_space<vmem>>, vector<16xi32>,
    %swap3A_123 = arith.constant 320 : index
    %swap3A_124 = tpu.vector_load %arg8[%swap3A_123] {strides = array<i32>} : memref<8192xi32, #tpu.memory_space<vmem>>, vector<16xi32>,
    tpu.vector_store %arg8[%swap3A_123], %broadcast_in_dim3A_83 {strides = array<i32>} : memref<8192xi32, #tpu.memory_space<vmem>>, vector<16xi32>,
    %swap3A_125 = arith.constant 336 : index
    %swap3A_126 = tpu.vector_load %arg8[%swap3A_125] {strides = array<i32>} : memref<8192xi32, #tpu.memory_space<vmem>>, vector<16xi32>,
    tpu.vector_store %arg8[%swap3A_125], %broadcast_in_dim3A_83 {strides = array<i32>} : memref<8192xi32, #tpu.memory_space<vmem>>, vector<16xi32>,
    %swap3A_127 = arith.constant 352 : index
    %swap3A_128 = tpu.vector_load %arg8[%swap3A_127] {strides = array<i32>} : memref<8192xi32, #tpu.memory_space<vmem>>, vector<16xi32>,
    tpu.vector_store %arg8[%swap3A_127], %broadcast_in_dim3A_83 {strides = array<i32>} : memref<8192xi32, #tpu.memory_space<vmem>>, vector<16xi32>,
    %swap3A_129 = arith.constant 368 : index
    %swap3A_130 = tpu.vector_load %arg8[%swap3A_129] {strides = array<i32>} : memref<8192xi32, #tpu.memory_space<vmem>>, vector<16xi32>,
    tpu.vector_store %arg8[%swap3A_129], %broadcast_in_dim3A_83 {strides = array<i32>} : memref<8192xi32, #tpu.memory_space<vmem>>, vector<16xi32>,
    %swap3A_131 = arith.constant 384 : index
    %swap3A_132 = tpu.vector_load %arg8[%swap3A_131] {strides = array<i32>} : memref<8192xi32, #tpu.memory_space<vmem>>, vector<16xi32>,
    tpu.vector_store %arg8[%swap3A_131], %broadcast_in_dim3A_83 {strides = array<i32>} : memref<8192xi32, #tpu.memory_space<vmem>>, vector<16xi32>,
    %swap3A_133 = arith.constant 400 : index
    %swap3A_134 = tpu.vector_load %arg8[%swap3A_133] {strides = array<i32>} : memref<8192xi32, #tpu.memory_space<vmem>>, vector<16xi32>,
    tpu.vector_store %arg8[%swap3A_133], %broadcast_in_dim3A_83 {strides = array<i32>} : memref<8192xi32, #tpu.memory_space<vmem>>, vector<16xi32>,
    %swap3A_135 = arith.constant 416 : index
    %swap3A_136 = tpu.vector_load %arg8[%swap3A_135] {strides = array<i32>} : memref<8192xi32, #tpu.memory_space<vmem>>, vector<16xi32>,
    tpu.vector_store %arg8[%swap3A_135], %broadcast_in_dim3A_83 {strides = array<i32>} : memref<8192xi32, #tpu.memory_space<vmem>>, vector<16xi32>,
    %swap3A_137 = arith.constant 432 : index
    %swap3A_138 = tpu.vector_load %arg8[%swap3A_137] {strides = array<i32>} : memref<8192xi32, #tpu.memory_space<vmem>>, vector<16xi32>,
    tpu.vector_store %arg8[%swap3A_137], %broadcast_in_dim3A_83 {strides = array<i32>} : memref<8192xi32, #tpu.memory_space<vmem>>, vector<16xi32>,
    %swap3A_139 = arith.constant 448 : index
    %swap3A_140 = tpu.vector_load %arg8[%swap3A_139] {strides = array<i32>} : memref<8192xi32, #tpu.memory_space<vmem>>, vector<16xi32>,
    tpu.vector_store %arg8[%swap3A_139], %broadcast_in_dim3A_83 {strides = array<i32>} : memref<8192xi32, #tpu.memory_space<vmem>>, vector<16xi32>,
    %swap3A_141 = arith.constant 464 : index
    %swap3A_142 = tpu.vector_load %arg8[%swap3A_141] {strides = array<i32>} : memref<8192xi32, #tpu.memory_space<vmem>>, vector<16xi32>,
    tpu.vector_store %arg8[%swap3A_141], %broadcast_in_dim3A_83 {strides = array<i32>} : memref<8192xi32, #tpu.memory_space<vmem>>, vector<16xi32>,
    %swap3A_143 = arith.constant 480 : index
    %swap3A_144 = tpu.vector_load %arg8[%swap3A_143] {strides = array<i32>} : memref<8192xi32, #tpu.memory_space<vmem>>, vector<16xi32>,
    tpu.vector_store %arg8[%swap3A_143], %broadcast_in_dim3A_83 {strides = array<i32>} : memref<8192xi32, #tpu.memory_space<vmem>>, vector<16xi32>,
    %swap3A_145 = arith.constant 496 : index
    %swap3A_146 = tpu.vector_load %arg8[%swap3A_145] {strides = array<i32>} : memref<8192xi32, #tpu.memory_space<vmem>>, vector<16xi32>,
    tpu.vector_store %arg8[%swap3A_145], %broadcast_in_dim3A_83 {strides = array<i32>} : memref<8192xi32, #tpu.memory_space<vmem>>, vector<16xi32>,
    %swap3A_147 = arith.constant 512 : index
    %swap3A_148 = tpu.vector_load %arg8[%swap3A_147] {strides = array<i32>} : memref<8192xi32, #tpu.memory_space<vmem>>, vector<16xi32>,
    tpu.vector_store %arg8[%swap3A_147], %broadcast_in_dim3A_83 {strides = array<i32>} : memref<8192xi32, #tpu.memory_space<vmem>>, vector<16xi32>,
    %swap3A_149 = arith.constant 528 : index
    %swap3A_150 = tpu.vector_load %arg8[%swap3A_149] {strides = array<i32>} : memref<8192xi32, #tpu.memory_space<vmem>>, vector<16xi32>,
    tpu.vector_store %arg8[%swap3A_149], %broadcast_in_dim3A_83 {strides = array<i32>} : memref<8192xi32, #tpu.memory_space<vmem>>, vector<16xi32>,
    %swap3A_151 = arith.constant 544 : index
    %swap3A_152 = tpu.vector_load %arg8[%swap3A_151] {strides = array<i32>} : memref<8192xi32, #tpu.memory_space<vmem>>, vector<16xi32>,
    tpu.vector_store %arg8[%swap3A_151], %broadcast_in_dim3A_83 {strides = array<i32>} : memref<8192xi32, #tpu.memory_space<vmem>>, vector<16xi32>,
    %swap3A_153 = arith.constant 560 : index
    %swap3A_154 = tpu.vector_load %arg8[%swap3A_153] {strides = array<i32>} : memref<8192xi32, #tpu.memory_space<vmem>>, vector<16xi32>,
    tpu.vector_store %arg8[%swap3A_153], %broadcast_in_dim3A_83 {strides = array<i32>} : memref<8192xi32, #tpu.memory_space<vmem>>, vector<16xi32>,
    %swap3A_155 = arith.constant 576 : index
    %swap3A_156 = tpu.vector_load %arg8[%swap3A_155] {strides = array<i32>} : memref<8192xi32, #tpu.memory_space<vmem>>, vector<16xi32>,
    tpu.vector_store %arg8[%swap3A_155], %broadcast_in_dim3A_83 {strides = array<i32>} : memref<8192xi32, #tpu.memory_space<vmem>>, vector<16xi32>,
    %swap3A_157 = arith.constant 592 : index
    %swap3A_158 = tpu.vector_load %arg8[%swap3A_157] {strides = array<i32>} : memref<8192xi32, #tpu.memory_space<vmem>>, vector<16xi32>,
    tpu.vector_store %arg8[%swap3A_157], %broadcast_in_dim3A_83 {strides = array<i32>} : memref<8192xi32, #tpu.memory_space<vmem>>, vector<16xi32>,
    %swap3A_159 = arith.constant 608 : index
    %swap3A_160 = tpu.vector_load %arg8[%swap3A_159] {strides = array<i32>} : memref<8192xi32, #tpu.memory_space<vmem>>, vector<16xi32>,
    tpu.vector_store %arg8[%swap3A_159], %broadcast_in_dim3A_83 {strides = array<i32>} : memref<8192xi32, #tpu.memory_space<vmem>>, vector<16xi32>,
    %swap3A_161 = arith.constant 624 : index
    %swap3A_162 = tpu.vector_load %arg8[%swap3A_161] {strides = array<i32>} : memref<8192xi32, #tpu.memory_space<vmem>>, vector<16xi32>,
    tpu.vector_store %arg8[%swap3A_161], %broadcast_in_dim3A_83 {strides = array<i32>} : memref<8192xi32, #tpu.memory_space<vmem>>, vector<16xi32>,
    %swap3A_163 = arith.constant 640 : index
    %swap3A_164 = tpu.vector_load %arg8[%swap3A_163] {strides = array<i32>} : memref<8192xi32, #tpu.memory_space<vmem>>, vector<16xi32>,
    tpu.vector_store %arg8[%swap3A_163], %broadcast_in_dim3A_83 {strides = array<i32>} : memref<8192xi32, #tpu.memory_space<vmem>>, vector<16xi32>,
    %swap3A_165 = arith.constant 656 : index
    %swap3A_166 = tpu.vector_load %arg8[%swap3A_165] {strides = array<i32>} : memref<8192xi32, #tpu.memory_space<vmem>>, vector<16xi32>,
    tpu.vector_store %arg8[%swap3A_165], %broadcast_in_dim3A_83 {strides = array<i32>} : memref<8192xi32, #tpu.memory_space<vmem>>, vector<16xi32>,
    %swap3A_167 = arith.constant 672 : index
    %swap3A_168 = tpu.vector_load %arg8[%swap3A_167] {strides = array<i32>} : memref<8192xi32, #tpu.memory_space<vmem>>, vector<16xi32>,
    tpu.vector_store %arg8[%swap3A_167], %broadcast_in_dim3A_83 {strides = array<i32>} : memref<8192xi32, #tpu.memory_space<vmem>>, vector<16xi32>,
    %swap3A_169 = arith.constant 688 : index
    %swap3A_170 = tpu.vector_load %arg8[%swap3A_169] {strides = array<i32>} : memref<8192xi32, #tpu.memory_space<vmem>>, vector<16xi32>,
    tpu.vector_store %arg8[%swap3A_169], %broadcast_in_dim3A_83 {strides = array<i32>} : memref<8192xi32, #tpu.memory_space<vmem>>, vector<16xi32>,
    %swap3A_171 = arith.constant 704 : index
    %swap3A_172 = tpu.vector_load %arg8[%swap3A_171] {strides = array<i32>} : memref<8192xi32, #tpu.memory_space<vmem>>, vector<16xi32>,
    tpu.vector_store %arg8[%swap3A_171], %broadcast_in_dim3A_83 {strides = array<i32>} : memref<8192xi32, #tpu.memory_space<vmem>>, vector<16xi32>,
    %swap3A_173 = arith.constant 720 : index
    %swap3A_174 = tpu.vector_load %arg8[%swap3A_173] {strides = array<i32>} : memref<8192xi32, #tpu.memory_space<vmem>>, vector<16xi32>,
    tpu.vector_store %arg8[%swap3A_173], %broadcast_in_dim3A_83 {strides = array<i32>} : memref<8192xi32, #tpu.memory_space<vmem>>, vector<16xi32>,
    %swap3A_175 = arith.constant 736 : index
    %swap3A_176 = tpu.vector_load %arg8[%swap3A_175] {strides = array<i32>} : memref<8192xi32, #tpu.memory_space<vmem>>, vector<16xi32>,
    tpu.vector_store %arg8[%swap3A_175], %broadcast_in_dim3A_83 {strides = array<i32>} : memref<8192xi32, #tpu.memory_space<vmem>>, vector<16xi32>,
    %swap3A_177 = arith.constant 752 : index
    %swap3A_178 = tpu.vector_load %arg8[%swap3A_177] {strides = array<i32>} : memref<8192xi32, #tpu.memory_space<vmem>>, vector<16xi32>,
    tpu.vector_store %arg8[%swap3A_177], %broadcast_in_dim3A_83 {strides = array<i32>} : memref<8192xi32, #tpu.memory_space<vmem>>, vector<16xi32>,
    %swap3A_179 = arith.constant 768 : index
    %swap3A_180 = tpu.vector_load %arg8[%swap3A_179] {strides = array<i32>} : memref<8192xi32, #tpu.memory_space<vmem>>, vector<16xi32>,
    tpu.vector_store %arg8[%swap3A_179], %broadcast_in_dim3A_83 {strides = array<i32>} : memref<8192xi32, #tpu.memory_space<vmem>>, vector<16xi32>,
    %swap3A_181 = arith.constant 784 : index
    %swap3A_182 = tpu.vector_load %arg8[%swap3A_181] {strides = array<i32>} : memref<8192xi32, #tpu.memory_space<vmem>>, vector<16xi32>,
    tpu.vector_store %arg8[%swap3A_181], %broadcast_in_dim3A_83 {strides = array<i32>} : memref<8192xi32, #tpu.memory_space<vmem>>, vector<16xi32>,
    %swap3A_183 = arith.constant 800 : index
    %swap3A_184 = tpu.vector_load %arg8[%swap3A_183] {strides = array<i32>} : memref<8192xi32, #tpu.memory_space<vmem>>, vector<16xi32>,
    tpu.vector_store %arg8[%swap3A_183], %broadcast_in_dim3A_83 {strides = array<i32>} : memref<8192xi32, #tpu.memory_space<vmem>>, vector<16xi32>,
    %swap3A_185 = arith.constant 816 : index
    %swap3A_186 = tpu.vector_load %arg8[%swap3A_185] {strides = array<i32>} : memref<8192xi32, #tpu.memory_space<vmem>>, vector<16xi32>,
    tpu.vector_store %arg8[%swap3A_185], %broadcast_in_dim3A_83 {strides = array<i32>} : memref<8192xi32, #tpu.memory_space<vmem>>, vector<16xi32>,
    %swap3A_187 = arith.constant 832 : index
    %swap3A_188 = tpu.vector_load %arg8[%swap3A_187] {strides = array<i32>} : memref<8192xi32, #tpu.memory_space<vmem>>, vector<16xi32>,
    tpu.vector_store %arg8[%swap3A_187], %broadcast_in_dim3A_83 {strides = array<i32>} : memref<8192xi32, #tpu.memory_space<vmem>>, vector<16xi32>,
    %swap3A_189 = arith.constant 848 : index
    %swap3A_190 = tpu.vector_load %arg8[%swap3A_189] {strides = array<i32>} : memref<8192xi32, #tpu.memory_space<vmem>>, vector<16xi32>,
    tpu.vector_store %arg8[%swap3A_189], %broadcast_in_dim3A_83 {strides = array<i32>} : memref<8192xi32, #tpu.memory_space<vmem>>, vector<16xi32>,
    %swap3A_191 = arith.constant 864 : index
    %swap3A_192 = tpu.vector_load %arg8[%swap3A_191] {strides = array<i32>} : memref<8192xi32, #tpu.memory_space<vmem>>, vector<16xi32>,
    tpu.vector_store %arg8[%swap3A_191], %broadcast_in_dim3A_83 {strides = array<i32>} : memref<8192xi32, #tpu.memory_space<vmem>>, vector<16xi32>,
    %swap3A_193 = arith.constant 880 : index
    %swap3A_194 = tpu.vector_load %arg8[%swap3A_193] {strides = array<i32>} : memref<8192xi32, #tpu.memory_space<vmem>>, vector<16xi32>,
    tpu.vector_store %arg8[%swap3A_193], %broadcast_in_dim3A_83 {strides = array<i32>} : memref<8192xi32, #tpu.memory_space<vmem>>, vector<16xi32>,
    %swap3A_195 = arith.constant 896 : index
    %swap3A_196 = tpu.vector_load %arg8[%swap3A_195] {strides = array<i32>} : memref<8192xi32, #tpu.memory_space<vmem>>, vector<16xi32>,
    tpu.vector_store %arg8[%swap3A_195], %broadcast_in_dim3A_83 {strides = array<i32>} : memref<8192xi32, #tpu.memory_space<vmem>>, vector<16xi32>,
    %swap3A_197 = arith.constant 912 : index
    %swap3A_198 = tpu.vector_load %arg8[%swap3A_197] {strides = array<i32>} : memref<8192xi32, #tpu.memory_space<vmem>>, vector<16xi32>,
    tpu.vector_store %arg8[%swap3A_197], %broadcast_in_dim3A_83 {strides = array<i32>} : memref<8192xi32, #tpu.memory_space<vmem>>, vector<16xi32>,
    %swap3A_199 = arith.constant 928 : index
    %swap3A_200 = tpu.vector_load %arg8[%swap3A_199] {strides = array<i32>} : memref<8192xi32, #tpu.memory_space<vmem>>, vector<16xi32>,
    tpu.vector_store %arg8[%swap3A_199], %broadcast_in_dim3A_83 {strides = array<i32>} : memref<8192xi32, #tpu.memory_space<vmem>>, vector<16xi32>,
    %swap3A_201 = arith.constant 944 : index
    %swap3A_202 = tpu.vector_load %arg8[%swap3A_201] {strides = array<i32>} : memref<8192xi32, #tpu.memory_space<vmem>>, vector<16xi32>,
    tpu.vector_store %arg8[%swap3A_201], %broadcast_in_dim3A_83 {strides = array<i32>} : memref<8192xi32, #tpu.memory_space<vmem>>, vector<16xi32>,
    %swap3A_203 = arith.constant 960 : index
    %swap3A_204 = tpu.vector_load %arg8[%swap3A_203] {strides = array<i32>} : memref<8192xi32, #tpu.memory_space<vmem>>, vector<16xi32>,
    tpu.vector_store %arg8[%swap3A_203], %broadcast_in_dim3A_83 {strides = array<i32>} : memref<8192xi32, #tpu.memory_space<vmem>>, vector<16xi32>,
    %swap3A_205 = arith.constant 976 : index
    %swap3A_206 = tpu.vector_load %arg8[%swap3A_205] {strides = array<i32>} : memref<8192xi32, #tpu.memory_space<vmem>>, vector<16xi32>,
    tpu.vector_store %arg8[%swap3A_205], %broadcast_in_dim3A_83 {strides = array<i32>} : memref<8192xi32, #tpu.memory_space<vmem>>, vector<16xi32>,
    %swap3A_207 = arith.constant 992 : index
    %swap3A_208 = tpu.vector_load %arg8[%swap3A_207] {strides = array<i32>} : memref<8192xi32, #tpu.memory_space<vmem>>, vector<16xi32>,
    tpu.vector_store %arg8[%swap3A_207], %broadcast_in_dim3A_83 {strides = array<i32>} : memref<8192xi32, #tpu.memory_space<vmem>>, vector<16xi32>,
    %swap3A_209 = arith.constant 1008 : index
    %swap3A_210 = tpu.vector_load %arg8[%swap3A_209] {strides = array<i32>} : memref<8192xi32, #tpu.memory_space<vmem>>, vector<16xi32>,
    tpu.vector_store %arg8[%swap3A_209], %broadcast_in_dim3A_83 {strides = array<i32>} : memref<8192xi32, #tpu.memory_space<vmem>>, vector<16xi32>,
    %swap3A_211 = arith.constant 1024 : index
    %swap3A_212 = tpu.vector_load %arg8[%swap3A_211] {strides = array<i32>} : memref<8192xi32, #tpu.memory_space<vmem>>, vector<16xi32>,
    tpu.vector_store %arg8[%swap3A_211], %broadcast_in_dim3A_83 {strides = array<i32>} : memref<8192xi32, #tpu.memory_space<vmem>>, vector<16xi32>,
    %swap3A_213 = arith.constant 1040 : index
    %swap3A_214 = tpu.vector_load %arg8[%swap3A_213] {strides = array<i32>} : memref<8192xi32, #tpu.memory_space<vmem>>, vector<16xi32>,
    tpu.vector_store %arg8[%swap3A_213], %broadcast_in_dim3A_83 {strides = array<i32>} : memref<8192xi32, #tpu.memory_space<vmem>>, vector<16xi32>,
    %swap3A_215 = arith.constant 1056 : index
    %swap3A_216 = tpu.vector_load %arg8[%swap3A_215] {strides = array<i32>} : memref<8192xi32, #tpu.memory_space<vmem>>, vector<16xi32>,
    tpu.vector_store %arg8[%swap3A_215], %broadcast_in_dim3A_83 {strides = array<i32>} : memref<8192xi32, #tpu.memory_space<vmem>>, vector<16xi32>,
    %swap3A_217 = arith.constant 1072 : index
    %swap3A_218 = tpu.vector_load %arg8[%swap3A_217] {strides = array<i32>} : memref<8192xi32, #tpu.memory_space<vmem>>, vector<16xi32>,
    tpu.vector_store %arg8[%swap3A_217], %broadcast_in_dim3A_83 {strides = array<i32>} : memref<8192xi32, #tpu.memory_space<vmem>>, vector<16xi32>,
    %swap3A_219 = arith.constant 1088 : index
    %swap3A_220 = tpu.vector_load %arg8[%swap3A_219] {strides = array<i32>} : memref<8192xi32, #tpu.memory_space<vmem>>, vector<16xi32>,
    tpu.vector_store %arg8[%swap3A_219], %broadcast_in_dim3A_83 {strides = array<i32>} : memref<8192xi32, #tpu.memory_space<vmem>>, vector<16xi32>,
    %swap3A_221 = arith.constant 1104 : index
    %swap3A_222 = tpu.vector_load %arg8[%swap3A_221] {strides = array<i32>} : memref<8192xi32, #tpu.memory_space<vmem>>, vector<16xi32>,
    tpu.vector_store %arg8[%swap3A_221], %broadcast_in_dim3A_83 {strides = array<i32>} : memref<8192xi32, #tpu.memory_space<vmem>>, vector<16xi32>,
    %swap3A_223 = arith.constant 1120 : index
    %swap3A_224 = tpu.vector_load %arg8[%swap3A_223] {strides = array<i32>} : memref<8192xi32, #tpu.memory_space<vmem>>, vector<16xi32>,
    tpu.vector_store %arg8[%swap3A_223], %broadcast_in_dim3A_83 {strides = array<i32>} : memref<8192xi32, #tpu.memory_space<vmem>>, vector<16xi32>,
    %swap3A_225 = arith.constant 1136 : index
    %swap3A_226 = tpu.vector_load %arg8[%swap3A_225] {strides = array<i32>} : memref<8192xi32, #tpu.memory_space<vmem>>, vector<16xi32>,
    tpu.vector_store %arg8[%swap3A_225], %broadcast_in_dim3A_83 {strides = array<i32>} : memref<8192xi32, #tpu.memory_space<vmem>>, vector<16xi32>,
    %swap3A_227 = arith.constant 1152 : index
    %swap3A_228 = tpu.vector_load %arg8[%swap3A_227] {strides = array<i32>} : memref<8192xi32, #tpu.memory_space<vmem>>, vector<16xi32>,
    tpu.vector_store %arg8[%swap3A_227], %broadcast_in_dim3A_83 {strides = array<i32>} : memref<8192xi32, #tpu.memory_space<vmem>>, vector<16xi32>,
    %swap3A_229 = arith.constant 1168 : index
    %swap3A_230 = tpu.vector_load %arg8[%swap3A_229] {strides = array<i32>} : memref<8192xi32, #tpu.memory_space<vmem>>, vector<16xi32>,
    tpu.vector_store %arg8[%swap3A_229], %broadcast_in_dim3A_83 {strides = array<i32>} : memref<8192xi32, #tpu.memory_space<vmem>>, vector<16xi32>,
    %swap3A_231 = arith.constant 1184 : index
    %swap3A_232 = tpu.vector_load %arg8[%swap3A_231] {strides = array<i32>} : memref<8192xi32, #tpu.memory_space<vmem>>, vector<16xi32>,
    tpu.vector_store %arg8[%swap3A_231], %broadcast_in_dim3A_83 {strides = array<i32>} : memref<8192xi32, #tpu.memory_space<vmem>>, vector<16xi32>,
    %swap3A_233 = arith.constant 1200 : index
    %swap3A_234 = tpu.vector_load %arg8[%swap3A_233] {strides = array<i32>} : memref<8192xi32, #tpu.memory_space<vmem>>, vector<16xi32>,
    tpu.vector_store %arg8[%swap3A_233], %broadcast_in_dim3A_83 {strides = array<i32>} : memref<8192xi32, #tpu.memory_space<vmem>>, vector<16xi32>,
    %swap3A_235 = arith.constant 1216 : index
    %swap3A_236 = tpu.vector_load %arg8[%swap3A_235] {strides = array<i32>} : memref<8192xi32, #tpu.memory_space<vmem>>, vector<16xi32>,
    tpu.vector_store %arg8[%swap3A_235], %broadcast_in_dim3A_83 {strides = array<i32>} : memref<8192xi32, #tpu.memory_space<vmem>>, vector<16xi32>,
    %swap3A_237 = arith.constant 1232 : index
    %swap3A_238 = tpu.vector_load %arg8[%swap3A_237] {strides = array<i32>} : memref<8192xi32, #tpu.memory_space<vmem>>, vector<16xi32>,
    tpu.vector_store %arg8[%swap3A_237], %broadcast_in_dim3A_83 {strides = array<i32>} : memref<8192xi32, #tpu.memory_space<vmem>>, vector<16xi32>,
    %swap3A_239 = arith.constant 1248 : index
    %swap3A_240 = tpu.vector_load %arg8[%swap3A_239] {strides = array<i32>} : memref<8192xi32, #tpu.memory_space<vmem>>, vector<16xi32>,
    tpu.vector_store %arg8[%swap3A_239], %broadcast_in_dim3A_83 {strides = array<i32>} : memref<8192xi32, #tpu.memory_space<vmem>>, vector<16xi32>,
    %swap3A_241 = arith.constant 1264 : index
    %swap3A_242 = tpu.vector_load %arg8[%swap3A_241] {strides = array<i32>} : memref<8192xi32, #tpu.memory_space<vmem>>, vector<16xi32>,
    tpu.vector_store %arg8[%swap3A_241], %broadcast_in_dim3A_83 {strides = array<i32>} : memref<8192xi32, #tpu.memory_space<vmem>>, vector<16xi32>,
    %swap3A_243 = arith.constant 1280 : index
    %swap3A_244 = tpu.vector_load %arg8[%swap3A_243] {strides = array<i32>} : memref<8192xi32, #tpu.memory_space<vmem>>, vector<16xi32>,
    tpu.vector_store %arg8[%swap3A_243], %broadcast_in_dim3A_83 {strides = array<i32>} : memref<8192xi32, #tpu.memory_space<vmem>>, vector<16xi32>,
    %swap3A_245 = arith.constant 1296 : index
    %swap3A_246 = tpu.vector_load %arg8[%swap3A_245] {strides = array<i32>} : memref<8192xi32, #tpu.memory_space<vmem>>, vector<16xi32>,
    tpu.vector_store %arg8[%swap3A_245], %broadcast_in_dim3A_83 {strides = array<i32>} : memref<8192xi32, #tpu.memory_space<vmem>>, vector<16xi32>,
    %swap3A_247 = arith.constant 1312 : index
    %swap3A_248 = tpu.vector_load %arg8[%swap3A_247] {strides = array<i32>} : memref<8192xi32, #tpu.memory_space<vmem>>, vector<16xi32>,
    tpu.vector_store %arg8[%swap3A_247], %broadcast_in_dim3A_83 {strides = array<i32>} : memref<8192xi32, #tpu.memory_space<vmem>>, vector<16xi32>,
    %swap3A_249 = arith.constant 1328 : index
    %swap3A_250 = tpu.vector_load %arg8[%swap3A_249] {strides = array<i32>} : memref<8192xi32, #tpu.memory_space<vmem>>, vector<16xi32>,
    tpu.vector_store %arg8[%swap3A_249], %broadcast_in_dim3A_83 {strides = array<i32>} : memref<8192xi32, #tpu.memory_space<vmem>>, vector<16xi32>,
    %swap3A_251 = arith.constant 1344 : index
    %swap3A_252 = tpu.vector_load %arg8[%swap3A_251] {strides = array<i32>} : memref<8192xi32, #tpu.memory_space<vmem>>, vector<16xi32>,
    tpu.vector_store %arg8[%swap3A_251], %broadcast_in_dim3A_83 {strides = array<i32>} : memref<8192xi32, #tpu.memory_space<vmem>>, vector<16xi32>,
    %swap3A_253 = arith.constant 1360 : index
    %swap3A_254 = tpu.vector_load %arg8[%swap3A_253] {strides = array<i32>} : memref<8192xi32, #tpu.memory_space<vmem>>, vector<16xi32>,
    tpu.vector_store %arg8[%swap3A_253], %broadcast_in_dim3A_83 {strides = array<i32>} : memref<8192xi32, #tpu.memory_space<vmem>>, vector<16xi32>,
    %swap3A_255 = arith.constant 1376 : index
    %swap3A_256 = tpu.vector_load %arg8[%swap3A_255] {strides = array<i32>} : memref<8192xi32, #tpu.memory_space<vmem>>, vector<16xi32>,
    tpu.vector_store %arg8[%swap3A_255], %broadcast_in_dim3A_83 {strides = array<i32>} : memref<8192xi32, #tpu.memory_space<vmem>>, vector<16xi32>,
    %swap3A_257 = arith.constant 1392 : index
    %swap3A_258 = tpu.vector_load %arg8[%swap3A_257] {strides = array<i32>} : memref<8192xi32, #tpu.memory_space<vmem>>, vector<16xi32>,
    tpu.vector_store %arg8[%swap3A_257], %broadcast_in_dim3A_83 {strides = array<i32>} : memref<8192xi32, #tpu.memory_space<vmem>>, vector<16xi32>,
    %swap3A_259 = arith.constant 1408 : index
    %swap3A_260 = tpu.vector_load %arg8[%swap3A_259] {strides = array<i32>} : memref<8192xi32, #tpu.memory_space<vmem>>, vector<16xi32>,
    tpu.vector_store %arg8[%swap3A_259], %broadcast_in_dim3A_83 {strides = array<i32>} : memref<8192xi32, #tpu.memory_space<vmem>>, vector<16xi32>,
    %swap3A_261 = arith.constant 1424 : index
    %swap3A_262 = tpu.vector_load %arg8[%swap3A_261] {strides = array<i32>} : memref<8192xi32, #tpu.memory_space<vmem>>, vector<16xi32>,
    tpu.vector_store %arg8[%swap3A_261], %broadcast_in_dim3A_83 {strides = array<i32>} : memref<8192xi32, #tpu.memory_space<vmem>>, vector<16xi32>,
    %swap3A_263 = arith.constant 1440 : index
    %swap3A_264 = tpu.vector_load %arg8[%swap3A_263] {strides = array<i32>} : memref<8192xi32, #tpu.memory_space<vmem>>, vector<16xi32>,
    tpu.vector_store %arg8[%swap3A_263], %broadcast_in_dim3A_83 {strides = array<i32>} : memref<8192xi32, #tpu.memory_space<vmem>>, vector<16xi32>,
    %swap3A_265 = arith.constant 1456 : index
    %swap3A_266 = tpu.vector_load %arg8[%swap3A_265] {strides = array<i32>} : memref<8192xi32, #tpu.memory_space<vmem>>, vector<16xi32>,
    tpu.vector_store %arg8[%swap3A_265], %broadcast_in_dim3A_83 {strides = array<i32>} : memref<8192xi32, #tpu.memory_space<vmem>>, vector<16xi32>,
    %swap3A_267 = arith.constant 1472 : index
    %swap3A_268 = tpu.vector_load %arg8[%swap3A_267] {strides = array<i32>} : memref<8192xi32, #tpu.memory_space<vmem>>, vector<16xi32>,
    tpu.vector_store %arg8[%swap3A_267], %broadcast_in_dim3A_83 {strides = array<i32>} : memref<8192xi32, #tpu.memory_space<vmem>>, vector<16xi32>,
    %swap3A_269 = arith.constant 1488 : index
    %swap3A_270 = tpu.vector_load %arg8[%swap3A_269] {strides = array<i32>} : memref<8192xi32, #tpu.memory_space<vmem>>, vector<16xi32>,
    tpu.vector_store %arg8[%swap3A_269], %broadcast_in_dim3A_83 {strides = array<i32>} : memref<8192xi32, #tpu.memory_space<vmem>>, vector<16xi32>,
    %swap3A_271 = arith.constant 1504 : index
    %swap3A_272 = tpu.vector_load %arg8[%swap3A_271] {strides = array<i32>} : memref<8192xi32, #tpu.memory_space<vmem>>, vector<16xi32>,
    tpu.vector_store %arg8[%swap3A_271], %broadcast_in_dim3A_83 {strides = array<i32>} : memref<8192xi32, #tpu.memory_space<vmem>>, vector<16xi32>,
    %swap3A_273 = arith.constant 1520 : index
    %swap3A_274 = tpu.vector_load %arg8[%swap3A_273] {strides = array<i32>} : memref<8192xi32, #tpu.memory_space<vmem>>, vector<16xi32>,
    tpu.vector_store %arg8[%swap3A_273], %broadcast_in_dim3A_83 {strides = array<i32>} : memref<8192xi32, #tpu.memory_space<vmem>>, vector<16xi32>,
    %swap3A_275 = arith.constant 1536 : index
    %swap3A_276 = tpu.vector_load %arg8[%swap3A_275] {strides = array<i32>} : memref<8192xi32, #tpu.memory_space<vmem>>, vector<16xi32>,
    tpu.vector_store %arg8[%swap3A_275], %broadcast_in_dim3A_83 {strides = array<i32>} : memref<8192xi32, #tpu.memory_space<vmem>>, vector<16xi32>,
    %swap3A_277 = arith.constant 1552 : index
    %swap3A_278 = tpu.vector_load %arg8[%swap3A_277] {strides = array<i32>} : memref<8192xi32, #tpu.memory_space<vmem>>, vector<16xi32>,
    tpu.vector_store %arg8[%swap3A_277], %broadcast_in_dim3A_83 {strides = array<i32>} : memref<8192xi32, #tpu.memory_space<vmem>>, vector<16xi32>,
    %swap3A_279 = arith.constant 1568 : index
    %swap3A_280 = tpu.vector_load %arg8[%swap3A_279] {strides = array<i32>} : memref<8192xi32, #tpu.memory_space<vmem>>, vector<16xi32>,
    tpu.vector_store %arg8[%swap3A_279], %broadcast_in_dim3A_83 {strides = array<i32>} : memref<8192xi32, #tpu.memory_space<vmem>>, vector<16xi32>,
    %swap3A_281 = arith.constant 1584 : index
    %swap3A_282 = tpu.vector_load %arg8[%swap3A_281] {strides = array<i32>} : memref<8192xi32, #tpu.memory_space<vmem>>, vector<16xi32>,
    tpu.vector_store %arg8[%swap3A_281], %broadcast_in_dim3A_83 {strides = array<i32>} : memref<8192xi32, #tpu.memory_space<vmem>>, vector<16xi32>,
    %swap3A_283 = arith.constant 1600 : index
    %swap3A_284 = tpu.vector_load %arg8[%swap3A_283] {strides = array<i32>} : memref<8192xi32, #tpu.memory_space<vmem>>, vector<16xi32>,
    tpu.vector_store %arg8[%swap3A_283], %broadcast_in_dim3A_83 {strides = array<i32>} : memref<8192xi32, #tpu.memory_space<vmem>>, vector<16xi32>,
    %swap3A_285 = arith.constant 1616 : index
    %swap3A_286 = tpu.vector_load %arg8[%swap3A_285] {strides = array<i32>} : memref<8192xi32, #tpu.memory_space<vmem>>, vector<16xi32>,
    tpu.vector_store %arg8[%swap3A_285], %broadcast_in_dim3A_83 {strides = array<i32>} : memref<8192xi32, #tpu.memory_space<vmem>>, vector<16xi32>,
    %swap3A_287 = arith.constant 1632 : index
    %swap3A_288 = tpu.vector_load %arg8[%swap3A_287] {strides = array<i32>} : memref<8192xi32, #tpu.memory_space<vmem>>, vector<16xi32>,
    tpu.vector_store %arg8[%swap3A_287], %broadcast_in_dim3A_83 {strides = array<i32>} : memref<8192xi32, #tpu.memory_space<vmem>>, vector<16xi32>,
    %swap3A_289 = arith.constant 1648 : index
    %swap3A_290 = tpu.vector_load %arg8[%swap3A_289] {strides = array<i32>} : memref<8192xi32, #tpu.memory_space<vmem>>, vector<16xi32>,
    tpu.vector_store %arg8[%swap3A_289], %broadcast_in_dim3A_83 {strides = array<i32>} : memref<8192xi32, #tpu.memory_space<vmem>>, vector<16xi32>,
    %swap3A_291 = arith.constant 1664 : index
    %swap3A_292 = tpu.vector_load %arg8[%swap3A_291] {strides = array<i32>} : memref<8192xi32, #tpu.memory_space<vmem>>, vector<16xi32>,
    tpu.vector_store %arg8[%swap3A_291], %broadcast_in_dim3A_83 {strides = array<i32>} : memref<8192xi32, #tpu.memory_space<vmem>>, vector<16xi32>,
    %swap3A_293 = arith.constant 1680 : index
    %swap3A_294 = tpu.vector_load %arg8[%swap3A_293] {strides = array<i32>} : memref<8192xi32, #tpu.memory_space<vmem>>, vector<16xi32>,
    tpu.vector_store %arg8[%swap3A_293], %broadcast_in_dim3A_83 {strides = array<i32>} : memref<8192xi32, #tpu.memory_space<vmem>>, vector<16xi32>,
    %swap3A_295 = arith.constant 1696 : index
    %swap3A_296 = tpu.vector_load %arg8[%swap3A_295] {strides = array<i32>} : memref<8192xi32, #tpu.memory_space<vmem>>, vector<16xi32>,
    tpu.vector_store %arg8[%swap3A_295], %broadcast_in_dim3A_83 {strides = array<i32>} : memref<8192xi32, #tpu.memory_space<vmem>>, vector<16xi32>,
    %swap3A_297 = arith.constant 1712 : index
    %swap3A_298 = tpu.vector_load %arg8[%swap3A_297] {strides = array<i32>} : memref<8192xi32, #tpu.memory_space<vmem>>, vector<16xi32>,
    tpu.vector_store %arg8[%swap3A_297], %broadcast_in_dim3A_83 {strides = array<i32>} : memref<8192xi32, #tpu.memory_space<vmem>>, vector<16xi32>,
    %swap3A_299 = arith.constant 1728 : index
    %swap3A_300 = tpu.vector_load %arg8[%swap3A_299] {strides = array<i32>} : memref<8192xi32, #tpu.memory_space<vmem>>, vector<16xi32>,
    tpu.vector_store %arg8[%swap3A_299], %broadcast_in_dim3A_83 {strides = array<i32>} : memref<8192xi32, #tpu.memory_space<vmem>>, vector<16xi32>,
    %swap3A_301 = arith.constant 1744 : index
    %swap3A_302 = tpu.vector_load %arg8[%swap3A_301] {strides = array<i32>} : memref<8192xi32, #tpu.memory_space<vmem>>, vector<16xi32>,
    tpu.vector_store %arg8[%swap3A_301], %broadcast_in_dim3A_83 {strides = array<i32>} : memref<8192xi32, #tpu.memory_space<vmem>>, vector<16xi32>,
    %swap3A_303 = arith.constant 1760 : index
    %swap3A_304 = tpu.vector_load %arg8[%swap3A_303] {strides = array<i32>} : memref<8192xi32, #tpu.memory_space<vmem>>, vector<16xi32>,
    tpu.vector_store %arg8[%swap3A_303], %broadcast_in_dim3A_83 {strides = array<i32>} : memref<8192xi32, #tpu.memory_space<vmem>>, vector<16xi32>,
    %swap3A_305 = arith.constant 1776 : index
    %swap3A_306 = tpu.vector_load %arg8[%swap3A_305] {strides = array<i32>} : memref<8192xi32, #tpu.memory_space<vmem>>, vector<16xi32>,
    tpu.vector_store %arg8[%swap3A_305], %broadcast_in_dim3A_83 {strides = array<i32>} : memref<8192xi32, #tpu.memory_space<vmem>>, vector<16xi32>,
    %swap3A_307 = arith.constant 1792 : index
    %swap3A_308 = tpu.vector_load %arg8[%swap3A_307] {strides = array<i32>} : memref<8192xi32, #tpu.memory_space<vmem>>, vector<16xi32>,
    tpu.vector_store %arg8[%swap3A_307], %broadcast_in_dim3A_83 {strides = array<i32>} : memref<8192xi32, #tpu.memory_space<vmem>>, vector<16xi32>,
    %swap3A_309 = arith.constant 1808 : index
    %swap3A_310 = tpu.vector_load %arg8[%swap3A_309] {strides = array<i32>} : memref<8192xi32, #tpu.memory_space<vmem>>, vector<16xi32>,
    tpu.vector_store %arg8[%swap3A_309], %broadcast_in_dim3A_83 {strides = array<i32>} : memref<8192xi32, #tpu.memory_space<vmem>>, vector<16xi32>,
    %swap3A_311 = arith.constant 1824 : index
    %swap3A_312 = tpu.vector_load %arg8[%swap3A_311] {strides = array<i32>} : memref<8192xi32, #tpu.memory_space<vmem>>, vector<16xi32>,
    tpu.vector_store %arg8[%swap3A_311], %broadcast_in_dim3A_83 {strides = array<i32>} : memref<8192xi32, #tpu.memory_space<vmem>>, vector<16xi32>,
    %swap3A_313 = arith.constant 1840 : index
    %swap3A_314 = tpu.vector_load %arg8[%swap3A_313] {strides = array<i32>} : memref<8192xi32, #tpu.memory_space<vmem>>, vector<16xi32>,
    tpu.vector_store %arg8[%swap3A_313], %broadcast_in_dim3A_83 {strides = array<i32>} : memref<8192xi32, #tpu.memory_space<vmem>>, vector<16xi32>,
    %swap3A_315 = arith.constant 1856 : index
    %swap3A_316 = tpu.vector_load %arg8[%swap3A_315] {strides = array<i32>} : memref<8192xi32, #tpu.memory_space<vmem>>, vector<16xi32>,
    tpu.vector_store %arg8[%swap3A_315], %broadcast_in_dim3A_83 {strides = array<i32>} : memref<8192xi32, #tpu.memory_space<vmem>>, vector<16xi32>,
    %swap3A_317 = arith.constant 1872 : index
    %swap3A_318 = tpu.vector_load %arg8[%swap3A_317] {strides = array<i32>} : memref<8192xi32, #tpu.memory_space<vmem>>, vector<16xi32>,
    tpu.vector_store %arg8[%swap3A_317], %broadcast_in_dim3A_83 {strides = array<i32>} : memref<8192xi32, #tpu.memory_space<vmem>>, vector<16xi32>,
    %swap3A_319 = arith.constant 1888 : index
    %swap3A_320 = tpu.vector_load %arg8[%swap3A_319] {strides = array<i32>} : memref<8192xi32, #tpu.memory_space<vmem>>, vector<16xi32>,
    tpu.vector_store %arg8[%swap3A_319], %broadcast_in_dim3A_83 {strides = array<i32>} : memref<8192xi32, #tpu.memory_space<vmem>>, vector<16xi32>,
    %swap3A_321 = arith.constant 1904 : index
    %swap3A_322 = tpu.vector_load %arg8[%swap3A_321] {strides = array<i32>} : memref<8192xi32, #tpu.memory_space<vmem>>, vector<16xi32>,
    tpu.vector_store %arg8[%swap3A_321], %broadcast_in_dim3A_83 {strides = array<i32>} : memref<8192xi32, #tpu.memory_space<vmem>>, vector<16xi32>,
    %swap3A_323 = arith.constant 1920 : index
    %swap3A_324 = tpu.vector_load %arg8[%swap3A_323] {strides = array<i32>} : memref<8192xi32, #tpu.memory_space<vmem>>, vector<16xi32>,
    tpu.vector_store %arg8[%swap3A_323], %broadcast_in_dim3A_83 {strides = array<i32>} : memref<8192xi32, #tpu.memory_space<vmem>>, vector<16xi32>,
    %swap3A_325 = arith.constant 1936 : index
    %swap3A_326 = tpu.vector_load %arg8[%swap3A_325] {strides = array<i32>} : memref<8192xi32, #tpu.memory_space<vmem>>, vector<16xi32>,
    tpu.vector_store %arg8[%swap3A_325], %broadcast_in_dim3A_83 {strides = array<i32>} : memref<8192xi32, #tpu.memory_space<vmem>>, vector<16xi32>,
    %swap3A_327 = arith.constant 1952 : index
    %swap3A_328 = tpu.vector_load %arg8[%swap3A_327] {strides = array<i32>} : memref<8192xi32, #tpu.memory_space<vmem>>, vector<16xi32>,
    tpu.vector_store %arg8[%swap3A_327], %broadcast_in_dim3A_83 {strides = array<i32>} : memref<8192xi32, #tpu.memory_space<vmem>>, vector<16xi32>,
    %swap3A_329 = arith.constant 1968 : index
    %swap3A_330 = tpu.vector_load %arg8[%swap3A_329] {strides = array<i32>} : memref<8192xi32, #tpu.memory_space<vmem>>, vector<16xi32>,
    tpu.vector_store %arg8[%swap3A_329], %broadcast_in_dim3A_83 {strides = array<i32>} : memref<8192xi32, #tpu.memory_space<vmem>>, vector<16xi32>,
    %swap3A_331 = arith.constant 1984 : index
    %swap3A_332 = tpu.vector_load %arg8[%swap3A_331] {strides = array<i32>} : memref<8192xi32, #tpu.memory_space<vmem>>, vector<16xi32>,
    tpu.vector_store %arg8[%swap3A_331], %broadcast_in_dim3A_83 {strides = array<i32>} : memref<8192xi32, #tpu.memory_space<vmem>>, vector<16xi32>,
    %swap3A_333 = arith.constant 2000 : index
    %swap3A_334 = tpu.vector_load %arg8[%swap3A_333] {strides = array<i32>} : memref<8192xi32, #tpu.memory_space<vmem>>, vector<16xi32>,
    tpu.vector_store %arg8[%swap3A_333], %broadcast_in_dim3A_83 {strides = array<i32>} : memref<8192xi32, #tpu.memory_space<vmem>>, vector<16xi32>,
    %swap3A_335 = arith.constant 2016 : index
    %swap3A_336 = tpu.vector_load %arg8[%swap3A_335] {strides = array<i32>} : memref<8192xi32, #tpu.memory_space<vmem>>, vector<16xi32>,
    tpu.vector_store %arg8[%swap3A_335], %broadcast_in_dim3A_83 {strides = array<i32>} : memref<8192xi32, #tpu.memory_space<vmem>>, vector<16xi32>,
    %swap3A_337 = arith.constant 2032 : index
    %swap3A_338 = tpu.vector_load %arg8[%swap3A_337] {strides = array<i32>} : memref<8192xi32, #tpu.memory_space<vmem>>, vector<16xi32>,
    tpu.vector_store %arg8[%swap3A_337], %broadcast_in_dim3A_83 {strides = array<i32>} : memref<8192xi32, #tpu.memory_space<vmem>>, vector<16xi32>,
    %swap3A_339 = arith.constant 2048 : index
    %swap3A_340 = tpu.vector_load %arg8[%swap3A_339] {strides = array<i32>} : memref<8192xi32, #tpu.memory_space<vmem>>, vector<16xi32>,
    tpu.vector_store %arg8[%swap3A_339], %broadcast_in_dim3A_83 {strides = array<i32>} : memref<8192xi32, #tpu.memory_space<vmem>>, vector<16xi32>,
    %swap3A_341 = arith.constant 2064 : index
    %swap3A_342 = tpu.vector_load %arg8[%swap3A_341] {strides = array<i32>} : memref<8192xi32, #tpu.memory_space<vmem>>, vector<16xi32>,
    tpu.vector_store %arg8[%swap3A_341], %broadcast_in_dim3A_83 {strides = array<i32>} : memref<8192xi32, #tpu.memory_space<vmem>>, vector<16xi32>,
    %swap3A_343 = arith.constant 2080 : index
    %swap3A_344 = tpu.vector_load %arg8[%swap3A_343] {strides = array<i32>} : memref<8192xi32, #tpu.memory_space<vmem>>, vector<16xi32>,
    tpu.vector_store %arg8[%swap3A_343], %broadcast_in_dim3A_83 {strides = array<i32>} : memref<8192xi32, #tpu.memory_space<vmem>>, vector<16xi32>,
    %swap3A_345 = arith.constant 2096 : index
    %swap3A_346 = tpu.vector_load %arg8[%swap3A_345] {strides = array<i32>} : memref<8192xi32, #tpu.memory_space<vmem>>, vector<16xi32>,
    tpu.vector_store %arg8[%swap3A_345], %broadcast_in_dim3A_83 {strides = array<i32>} : memref<8192xi32, #tpu.memory_space<vmem>>, vector<16xi32>,
    %swap3A_347 = arith.constant 2112 : index
    %swap3A_348 = tpu.vector_load %arg8[%swap3A_347] {strides = array<i32>} : memref<8192xi32, #tpu.memory_space<vmem>>, vector<16xi32>,
    tpu.vector_store %arg8[%swap3A_347], %broadcast_in_dim3A_83 {strides = array<i32>} : memref<8192xi32, #tpu.memory_space<vmem>>, vector<16xi32>,
    %swap3A_349 = arith.constant 2128 : index
    %swap3A_350 = tpu.vector_load %arg8[%swap3A_349] {strides = array<i32>} : memref<8192xi32, #tpu.memory_space<vmem>>, vector<16xi32>,
    tpu.vector_store %arg8[%swap3A_349], %broadcast_in_dim3A_83 {strides = array<i32>} : memref<8192xi32, #tpu.memory_space<vmem>>, vector<16xi32>,
    %swap3A_351 = arith.constant 2144 : index
    %swap3A_352 = tpu.vector_load %arg8[%swap3A_351] {strides = array<i32>} : memref<8192xi32, #tpu.memory_space<vmem>>, vector<16xi32>,
    tpu.vector_store %arg8[%swap3A_351], %broadcast_in_dim3A_83 {strides = array<i32>} : memref<8192xi32, #tpu.memory_space<vmem>>, vector<16xi32>,
    %swap3A_353 = arith.constant 2160 : index
    %swap3A_354 = tpu.vector_load %arg8[%swap3A_353] {strides = array<i32>} : memref<8192xi32, #tpu.memory_space<vmem>>, vector<16xi32>,
    tpu.vector_store %arg8[%swap3A_353], %broadcast_in_dim3A_83 {strides = array<i32>} : memref<8192xi32, #tpu.memory_space<vmem>>, vector<16xi32>,
    %swap3A_355 = arith.constant 2176 : index
    %swap3A_356 = tpu.vector_load %arg8[%swap3A_355] {strides = array<i32>} : memref<8192xi32, #tpu.memory_space<vmem>>, vector<16xi32>,
    tpu.vector_store %arg8[%swap3A_355], %broadcast_in_dim3A_83 {strides = array<i32>} : memref<8192xi32, #tpu.memory_space<vmem>>, vector<16xi32>,
    %swap3A_357 = arith.constant 2192 : index
    %swap3A_358 = tpu.vector_load %arg8[%swap3A_357] {strides = array<i32>} : memref<8192xi32, #tpu.memory_space<vmem>>, vector<16xi32>,
    tpu.vector_store %arg8[%swap3A_357], %broadcast_in_dim3A_83 {strides = array<i32>} : memref<8192xi32, #tpu.memory_space<vmem>>, vector<16xi32>,
    %swap3A_359 = arith.constant 2208 : index
    %swap3A_360 = tpu.vector_load %arg8[%swap3A_359] {strides = array<i32>} : memref<8192xi32, #tpu.memory_space<vmem>>, vector<16xi32>,
    tpu.vector_store %arg8[%swap3A_359], %broadcast_in_dim3A_83 {strides = array<i32>} : memref<8192xi32, #tpu.memory_space<vmem>>, vector<16xi32>,
    %swap3A_361 = arith.constant 2224 : index
    %swap3A_362 = tpu.vector_load %arg8[%swap3A_361] {strides = array<i32>} : memref<8192xi32, #tpu.memory_space<vmem>>, vector<16xi32>,
    tpu.vector_store %arg8[%swap3A_361], %broadcast_in_dim3A_83 {strides = array<i32>} : memref<8192xi32, #tpu.memory_space<vmem>>, vector<16xi32>,
    %swap3A_363 = arith.constant 2240 : index
    %swap3A_364 = tpu.vector_load %arg8[%swap3A_363] {strides = array<i32>} : memref<8192xi32, #tpu.memory_space<vmem>>, vector<16xi32>,
    tpu.vector_store %arg8[%swap3A_363], %broadcast_in_dim3A_83 {strides = array<i32>} : memref<8192xi32, #tpu.memory_space<vmem>>, vector<16xi32>,
    %swap3A_365 = arith.constant 2256 : index
    %swap3A_366 = tpu.vector_load %arg8[%swap3A_365] {strides = array<i32>} : memref<8192xi32, #tpu.memory_space<vmem>>, vector<16xi32>,
    tpu.vector_store %arg8[%swap3A_365], %broadcast_in_dim3A_83 {strides = array<i32>} : memref<8192xi32, #tpu.memory_space<vmem>>, vector<16xi32>,
    %swap3A_367 = arith.constant 2272 : index
    %swap3A_368 = tpu.vector_load %arg8[%swap3A_367] {strides = array<i32>} : memref<8192xi32, #tpu.memory_space<vmem>>, vector<16xi32>,
    tpu.vector_store %arg8[%swap3A_367], %broadcast_in_dim3A_83 {strides = array<i32>} : memref<8192xi32, #tpu.memory_space<vmem>>, vector<16xi32>,
    %swap3A_369 = arith.constant 2288 : index
    %swap3A_370 = tpu.vector_load %arg8[%swap3A_369] {strides = array<i32>} : memref<8192xi32, #tpu.memory_space<vmem>>, vector<16xi32>,
    tpu.vector_store %arg8[%swap3A_369], %broadcast_in_dim3A_83 {strides = array<i32>} : memref<8192xi32, #tpu.memory_space<vmem>>, vector<16xi32>,
    %swap3A_371 = arith.constant 2304 : index
    %swap3A_372 = tpu.vector_load %arg8[%swap3A_371] {strides = array<i32>} : memref<8192xi32, #tpu.memory_space<vmem>>, vector<16xi32>,
    tpu.vector_store %arg8[%swap3A_371], %broadcast_in_dim3A_83 {strides = array<i32>} : memref<8192xi32, #tpu.memory_space<vmem>>, vector<16xi32>,
    %swap3A_373 = arith.constant 2320 : index
    %swap3A_374 = tpu.vector_load %arg8[%swap3A_373] {strides = array<i32>} : memref<8192xi32, #tpu.memory_space<vmem>>, vector<16xi32>,
    tpu.vector_store %arg8[%swap3A_373], %broadcast_in_dim3A_83 {strides = array<i32>} : memref<8192xi32, #tpu.memory_space<vmem>>, vector<16xi32>,
    %swap3A_375 = arith.constant 2336 : index
    %swap3A_376 = tpu.vector_load %arg8[%swap3A_375] {strides = array<i32>} : memref<8192xi32, #tpu.memory_space<vmem>>, vector<16xi32>,
    tpu.vector_store %arg8[%swap3A_375], %broadcast_in_dim3A_83 {strides = array<i32>} : memref<8192xi32, #tpu.memory_space<vmem>>, vector<16xi32>,
    %swap3A_377 = arith.constant 2352 : index
    %swap3A_378 = tpu.vector_load %arg8[%swap3A_377] {strides = array<i32>} : memref<8192xi32, #tpu.memory_space<vmem>>, vector<16xi32>,
    tpu.vector_store %arg8[%swap3A_377], %broadcast_in_dim3A_83 {strides = array<i32>} : memref<8192xi32, #tpu.memory_space<vmem>>, vector<16xi32>,
    %swap3A_379 = arith.constant 2368 : index
    %swap3A_380 = tpu.vector_load %arg8[%swap3A_379] {strides = array<i32>} : memref<8192xi32, #tpu.memory_space<vmem>>, vector<16xi32>,
    tpu.vector_store %arg8[%swap3A_379], %broadcast_in_dim3A_83 {strides = array<i32>} : memref<8192xi32, #tpu.memory_space<vmem>>, vector<16xi32>,
    %swap3A_381 = arith.constant 2384 : index
    %swap3A_382 = tpu.vector_load %arg8[%swap3A_381] {strides = array<i32>} : memref<8192xi32, #tpu.memory_space<vmem>>, vector<16xi32>,
    tpu.vector_store %arg8[%swap3A_381], %broadcast_in_dim3A_83 {strides = array<i32>} : memref<8192xi32, #tpu.memory_space<vmem>>, vector<16xi32>,
    %swap3A_383 = arith.constant 2400 : index
    %swap3A_384 = tpu.vector_load %arg8[%swap3A_383] {strides = array<i32>} : memref<8192xi32, #tpu.memory_space<vmem>>, vector<16xi32>,
    tpu.vector_store %arg8[%swap3A_383], %broadcast_in_dim3A_83 {strides = array<i32>} : memref<8192xi32, #tpu.memory_space<vmem>>, vector<16xi32>,
    %swap3A_385 = arith.constant 2416 : index
    %swap3A_386 = tpu.vector_load %arg8[%swap3A_385] {strides = array<i32>} : memref<8192xi32, #tpu.memory_space<vmem>>, vector<16xi32>,
    tpu.vector_store %arg8[%swap3A_385], %broadcast_in_dim3A_83 {strides = array<i32>} : memref<8192xi32, #tpu.memory_space<vmem>>, vector<16xi32>,
    %swap3A_387 = arith.constant 2432 : index
    %swap3A_388 = tpu.vector_load %arg8[%swap3A_387] {strides = array<i32>} : memref<8192xi32, #tpu.memory_space<vmem>>, vector<16xi32>,
    tpu.vector_store %arg8[%swap3A_387], %broadcast_in_dim3A_83 {strides = array<i32>} : memref<8192xi32, #tpu.memory_space<vmem>>, vector<16xi32>,
    %swap3A_389 = arith.constant 2448 : index
    %swap3A_390 = tpu.vector_load %arg8[%swap3A_389] {strides = array<i32>} : memref<8192xi32, #tpu.memory_space<vmem>>, vector<16xi32>,
    tpu.vector_store %arg8[%swap3A_389], %broadcast_in_dim3A_83 {strides = array<i32>} : memref<8192xi32, #tpu.memory_space<vmem>>, vector<16xi32>,
    %swap3A_391 = arith.constant 2464 : index
    %swap3A_392 = tpu.vector_load %arg8[%swap3A_391] {strides = array<i32>} : memref<8192xi32, #tpu.memory_space<vmem>>, vector<16xi32>,
    tpu.vector_store %arg8[%swap3A_391], %broadcast_in_dim3A_83 {strides = array<i32>} : memref<8192xi32, #tpu.memory_space<vmem>>, vector<16xi32>,
    %swap3A_393 = arith.constant 2480 : index
    %swap3A_394 = tpu.vector_load %arg8[%swap3A_393] {strides = array<i32>} : memref<8192xi32, #tpu.memory_space<vmem>>, vector<16xi32>,
    tpu.vector_store %arg8[%swap3A_393], %broadcast_in_dim3A_83 {strides = array<i32>} : memref<8192xi32, #tpu.memory_space<vmem>>, vector<16xi32>,
    %swap3A_395 = arith.constant 2496 : index
    %swap3A_396 = tpu.vector_load %arg8[%swap3A_395] {strides = array<i32>} : memref<8192xi32, #tpu.memory_space<vmem>>, vector<16xi32>,
    tpu.vector_store %arg8[%swap3A_395], %broadcast_in_dim3A_83 {strides = array<i32>} : memref<8192xi32, #tpu.memory_space<vmem>>, vector<16xi32>,
    %swap3A_397 = arith.constant 2512 : index
    %swap3A_398 = tpu.vector_load %arg8[%swap3A_397] {strides = array<i32>} : memref<8192xi32, #tpu.memory_space<vmem>>, vector<16xi32>,
    tpu.vector_store %arg8[%swap3A_397], %broadcast_in_dim3A_83 {strides = array<i32>} : memref<8192xi32, #tpu.memory_space<vmem>>, vector<16xi32>,
    %swap3A_399 = arith.constant 2528 : index
    %swap3A_400 = tpu.vector_load %arg8[%swap3A_399] {strides = array<i32>} : memref<8192xi32, #tpu.memory_space<vmem>>, vector<16xi32>,
    tpu.vector_store %arg8[%swap3A_399], %broadcast_in_dim3A_83 {strides = array<i32>} : memref<8192xi32, #tpu.memory_space<vmem>>, vector<16xi32>,
    %swap3A_401 = arith.constant 2544 : index
    %swap3A_402 = tpu.vector_load %arg8[%swap3A_401] {strides = array<i32>} : memref<8192xi32, #tpu.memory_space<vmem>>, vector<16xi32>,
    tpu.vector_store %arg8[%swap3A_401], %broadcast_in_dim3A_83 {strides = array<i32>} : memref<8192xi32, #tpu.memory_space<vmem>>, vector<16xi32>,
    %swap3A_403 = arith.constant 2560 : index
    %swap3A_404 = tpu.vector_load %arg8[%swap3A_403] {strides = array<i32>} : memref<8192xi32, #tpu.memory_space<vmem>>, vector<16xi32>,
    tpu.vector_store %arg8[%swap3A_403], %broadcast_in_dim3A_83 {strides = array<i32>} : memref<8192xi32, #tpu.memory_space<vmem>>, vector<16xi32>,
    %swap3A_405 = arith.constant 2576 : index
    %swap3A_406 = tpu.vector_load %arg8[%swap3A_405] {strides = array<i32>} : memref<8192xi32, #tpu.memory_space<vmem>>, vector<16xi32>,
    tpu.vector_store %arg8[%swap3A_405], %broadcast_in_dim3A_83 {strides = array<i32>} : memref<8192xi32, #tpu.memory_space<vmem>>, vector<16xi32>,
    %swap3A_407 = arith.constant 2592 : index
    %swap3A_408 = tpu.vector_load %arg8[%swap3A_407] {strides = array<i32>} : memref<8192xi32, #tpu.memory_space<vmem>>, vector<16xi32>,
    tpu.vector_store %arg8[%swap3A_407], %broadcast_in_dim3A_83 {strides = array<i32>} : memref<8192xi32, #tpu.memory_space<vmem>>, vector<16xi32>,
    %swap3A_409 = arith.constant 2608 : index
    %swap3A_410 = tpu.vector_load %arg8[%swap3A_409] {strides = array<i32>} : memref<8192xi32, #tpu.memory_space<vmem>>, vector<16xi32>,
    tpu.vector_store %arg8[%swap3A_409], %broadcast_in_dim3A_83 {strides = array<i32>} : memref<8192xi32, #tpu.memory_space<vmem>>, vector<16xi32>,
    %swap3A_411 = arith.constant 2624 : index
    %swap3A_412 = tpu.vector_load %arg8[%swap3A_411] {strides = array<i32>} : memref<8192xi32, #tpu.memory_space<vmem>>, vector<16xi32>,
    tpu.vector_store %arg8[%swap3A_411], %broadcast_in_dim3A_83 {strides = array<i32>} : memref<8192xi32, #tpu.memory_space<vmem>>, vector<16xi32>,
    %swap3A_413 = arith.constant 2640 : index
    %swap3A_414 = tpu.vector_load %arg8[%swap3A_413] {strides = array<i32>} : memref<8192xi32, #tpu.memory_space<vmem>>, vector<16xi32>,
    tpu.vector_store %arg8[%swap3A_413], %broadcast_in_dim3A_83 {strides = array<i32>} : memref<8192xi32, #tpu.memory_space<vmem>>, vector<16xi32>,
    %swap3A_415 = arith.constant 2656 : index
    %swap3A_416 = tpu.vector_load %arg8[%swap3A_415] {strides = array<i32>} : memref<8192xi32, #tpu.memory_space<vmem>>, vector<16xi32>,
    tpu.vector_store %arg8[%swap3A_415], %broadcast_in_dim3A_83 {strides = array<i32>} : memref<8192xi32, #tpu.memory_space<vmem>>, vector<16xi32>,
    %swap3A_417 = arith.constant 2672 : index
    %swap3A_418 = tpu.vector_load %arg8[%swap3A_417] {strides = array<i32>} : memref<8192xi32, #tpu.memory_space<vmem>>, vector<16xi32>,
    tpu.vector_store %arg8[%swap3A_417], %broadcast_in_dim3A_83 {strides = array<i32>} : memref<8192xi32, #tpu.memory_space<vmem>>, vector<16xi32>,
    %swap3A_419 = arith.constant 2688 : index
    %swap3A_420 = tpu.vector_load %arg8[%swap3A_419] {strides = array<i32>} : memref<8192xi32, #tpu.memory_space<vmem>>, vector<16xi32>,
    tpu.vector_store %arg8[%swap3A_419], %broadcast_in_dim3A_83 {strides = array<i32>} : memref<8192xi32, #tpu.memory_space<vmem>>, vector<16xi32>,
    %swap3A_421 = arith.constant 2704 : index
    %swap3A_422 = tpu.vector_load %arg8[%swap3A_421] {strides = array<i32>} : memref<8192xi32, #tpu.memory_space<vmem>>, vector<16xi32>,
    tpu.vector_store %arg8[%swap3A_421], %broadcast_in_dim3A_83 {strides = array<i32>} : memref<8192xi32, #tpu.memory_space<vmem>>, vector<16xi32>,
    %swap3A_423 = arith.constant 2720 : index
    %swap3A_424 = tpu.vector_load %arg8[%swap3A_423] {strides = array<i32>} : memref<8192xi32, #tpu.memory_space<vmem>>, vector<16xi32>,
    tpu.vector_store %arg8[%swap3A_423], %broadcast_in_dim3A_83 {strides = array<i32>} : memref<8192xi32, #tpu.memory_space<vmem>>, vector<16xi32>,
    %swap3A_425 = arith.constant 2736 : index
    %swap3A_426 = tpu.vector_load %arg8[%swap3A_425] {strides = array<i32>} : memref<8192xi32, #tpu.memory_space<vmem>>, vector<16xi32>,
    tpu.vector_store %arg8[%swap3A_425], %broadcast_in_dim3A_83 {strides = array<i32>} : memref<8192xi32, #tpu.memory_space<vmem>>, vector<16xi32>,
    %swap3A_427 = arith.constant 2752 : index
    %swap3A_428 = tpu.vector_load %arg8[%swap3A_427] {strides = array<i32>} : memref<8192xi32, #tpu.memory_space<vmem>>, vector<16xi32>,
    tpu.vector_store %arg8[%swap3A_427], %broadcast_in_dim3A_83 {strides = array<i32>} : memref<8192xi32, #tpu.memory_space<vmem>>, vector<16xi32>,
    %swap3A_429 = arith.constant 2768 : index
    %swap3A_430 = tpu.vector_load %arg8[%swap3A_429] {strides = array<i32>} : memref<8192xi32, #tpu.memory_space<vmem>>, vector<16xi32>,
    tpu.vector_store %arg8[%swap3A_429], %broadcast_in_dim3A_83 {strides = array<i32>} : memref<8192xi32, #tpu.memory_space<vmem>>, vector<16xi32>,
    %swap3A_431 = arith.constant 2784 : index
    %swap3A_432 = tpu.vector_load %arg8[%swap3A_431] {strides = array<i32>} : memref<8192xi32, #tpu.memory_space<vmem>>, vector<16xi32>,
    tpu.vector_store %arg8[%swap3A_431], %broadcast_in_dim3A_83 {strides = array<i32>} : memref<8192xi32, #tpu.memory_space<vmem>>, vector<16xi32>,
    %swap3A_433 = arith.constant 2800 : index
    %swap3A_434 = tpu.vector_load %arg8[%swap3A_433] {strides = array<i32>} : memref<8192xi32, #tpu.memory_space<vmem>>, vector<16xi32>,
    tpu.vector_store %arg8[%swap3A_433], %broadcast_in_dim3A_83 {strides = array<i32>} : memref<8192xi32, #tpu.memory_space<vmem>>, vector<16xi32>,
    %swap3A_435 = arith.constant 2816 : index
    %swap3A_436 = tpu.vector_load %arg8[%swap3A_435] {strides = array<i32>} : memref<8192xi32, #tpu.memory_space<vmem>>, vector<16xi32>,
    tpu.vector_store %arg8[%swap3A_435], %broadcast_in_dim3A_83 {strides = array<i32>} : memref<8192xi32, #tpu.memory_space<vmem>>, vector<16xi32>,
    %swap3A_437 = arith.constant 2832 : index
    %swap3A_438 = tpu.vector_load %arg8[%swap3A_437] {strides = array<i32>} : memref<8192xi32, #tpu.memory_space<vmem>>, vector<16xi32>,
    tpu.vector_store %arg8[%swap3A_437], %broadcast_in_dim3A_83 {strides = array<i32>} : memref<8192xi32, #tpu.memory_space<vmem>>, vector<16xi32>,
    %swap3A_439 = arith.constant 2848 : index
    %swap3A_440 = tpu.vector_load %arg8[%swap3A_439] {strides = array<i32>} : memref<8192xi32, #tpu.memory_space<vmem>>, vector<16xi32>,
    tpu.vector_store %arg8[%swap3A_439], %broadcast_in_dim3A_83 {strides = array<i32>} : memref<8192xi32, #tpu.memory_space<vmem>>, vector<16xi32>,
    %swap3A_441 = arith.constant 2864 : index
    %swap3A_442 = tpu.vector_load %arg8[%swap3A_441] {strides = array<i32>} : memref<8192xi32, #tpu.memory_space<vmem>>, vector<16xi32>,
    tpu.vector_store %arg8[%swap3A_441], %broadcast_in_dim3A_83 {strides = array<i32>} : memref<8192xi32, #tpu.memory_space<vmem>>, vector<16xi32>,
    %swap3A_443 = arith.constant 2880 : index
    %swap3A_444 = tpu.vector_load %arg8[%swap3A_443] {strides = array<i32>} : memref<8192xi32, #tpu.memory_space<vmem>>, vector<16xi32>,
    tpu.vector_store %arg8[%swap3A_443], %broadcast_in_dim3A_83 {strides = array<i32>} : memref<8192xi32, #tpu.memory_space<vmem>>, vector<16xi32>,
    %swap3A_445 = arith.constant 2896 : index
    %swap3A_446 = tpu.vector_load %arg8[%swap3A_445] {strides = array<i32>} : memref<8192xi32, #tpu.memory_space<vmem>>, vector<16xi32>,
    tpu.vector_store %arg8[%swap3A_445], %broadcast_in_dim3A_83 {strides = array<i32>} : memref<8192xi32, #tpu.memory_space<vmem>>, vector<16xi32>,
    %swap3A_447 = arith.constant 2912 : index
    %swap3A_448 = tpu.vector_load %arg8[%swap3A_447] {strides = array<i32>} : memref<8192xi32, #tpu.memory_space<vmem>>, vector<16xi32>,
    tpu.vector_store %arg8[%swap3A_447], %broadcast_in_dim3A_83 {strides = array<i32>} : memref<8192xi32, #tpu.memory_space<vmem>>, vector<16xi32>,
    %swap3A_449 = arith.constant 2928 : index
    %swap3A_450 = tpu.vector_load %arg8[%swap3A_449] {strides = array<i32>} : memref<8192xi32, #tpu.memory_space<vmem>>, vector<16xi32>,
    tpu.vector_store %arg8[%swap3A_449], %broadcast_in_dim3A_83 {strides = array<i32>} : memref<8192xi32, #tpu.memory_space<vmem>>, vector<16xi32>,
    %swap3A_451 = arith.constant 2944 : index
    %swap3A_452 = tpu.vector_load %arg8[%swap3A_451] {strides = array<i32>} : memref<8192xi32, #tpu.memory_space<vmem>>, vector<16xi32>,
    tpu.vector_store %arg8[%swap3A_451], %broadcast_in_dim3A_83 {strides = array<i32>} : memref<8192xi32, #tpu.memory_space<vmem>>, vector<16xi32>,
    %swap3A_453 = arith.constant 2960 : index
    %swap3A_454 = tpu.vector_load %arg8[%swap3A_453] {strides = array<i32>} : memref<8192xi32, #tpu.memory_space<vmem>>, vector<16xi32>,
    tpu.vector_store %arg8[%swap3A_453], %broadcast_in_dim3A_83 {strides = array<i32>} : memref<8192xi32, #tpu.memory_space<vmem>>, vector<16xi32>,
    %swap3A_455 = arith.constant 2976 : index
    %swap3A_456 = tpu.vector_load %arg8[%swap3A_455] {strides = array<i32>} : memref<8192xi32, #tpu.memory_space<vmem>>, vector<16xi32>,
    tpu.vector_store %arg8[%swap3A_455], %broadcast_in_dim3A_83 {strides = array<i32>} : memref<8192xi32, #tpu.memory_space<vmem>>, vector<16xi32>,
    %swap3A_457 = arith.constant 2992 : index
    %swap3A_458 = tpu.vector_load %arg8[%swap3A_457] {strides = array<i32>} : memref<8192xi32, #tpu.memory_space<vmem>>, vector<16xi32>,
    tpu.vector_store %arg8[%swap3A_457], %broadcast_in_dim3A_83 {strides = array<i32>} : memref<8192xi32, #tpu.memory_space<vmem>>, vector<16xi32>,
    %swap3A_459 = arith.constant 3008 : index
    %swap3A_460 = tpu.vector_load %arg8[%swap3A_459] {strides = array<i32>} : memref<8192xi32, #tpu.memory_space<vmem>>, vector<16xi32>,
    tpu.vector_store %arg8[%swap3A_459], %broadcast_in_dim3A_83 {strides = array<i32>} : memref<8192xi32, #tpu.memory_space<vmem>>, vector<16xi32>,
    %swap3A_461 = arith.constant 3024 : index
    %swap3A_462 = tpu.vector_load %arg8[%swap3A_461] {strides = array<i32>} : memref<8192xi32, #tpu.memory_space<vmem>>, vector<16xi32>,
    tpu.vector_store %arg8[%swap3A_461], %broadcast_in_dim3A_83 {strides = array<i32>} : memref<8192xi32, #tpu.memory_space<vmem>>, vector<16xi32>,
    %swap3A_463 = arith.constant 3040 : index
    %swap3A_464 = tpu.vector_load %arg8[%swap3A_463] {strides = array<i32>} : memref<8192xi32, #tpu.memory_space<vmem>>, vector<16xi32>,
    tpu.vector_store %arg8[%swap3A_463], %broadcast_in_dim3A_83 {strides = array<i32>} : memref<8192xi32, #tpu.memory_space<vmem>>, vector<16xi32>,
    %swap3A_465 = arith.constant 3056 : index
    %swap3A_466 = tpu.vector_load %arg8[%swap3A_465] {strides = array<i32>} : memref<8192xi32, #tpu.memory_space<vmem>>, vector<16xi32>,
    tpu.vector_store %arg8[%swap3A_465], %broadcast_in_dim3A_83 {strides = array<i32>} : memref<8192xi32, #tpu.memory_space<vmem>>, vector<16xi32>,
    %swap3A_467 = arith.constant 3072 : index
    %swap3A_468 = tpu.vector_load %arg8[%swap3A_467] {strides = array<i32>} : memref<8192xi32, #tpu.memory_space<vmem>>, vector<16xi32>,
    tpu.vector_store %arg8[%swap3A_467], %broadcast_in_dim3A_83 {strides = array<i32>} : memref<8192xi32, #tpu.memory_space<vmem>>, vector<16xi32>,
    %swap3A_469 = arith.constant 3088 : index
    %swap3A_470 = tpu.vector_load %arg8[%swap3A_469] {strides = array<i32>} : memref<8192xi32, #tpu.memory_space<vmem>>, vector<16xi32>,
    tpu.vector_store %arg8[%swap3A_469], %broadcast_in_dim3A_83 {strides = array<i32>} : memref<8192xi32, #tpu.memory_space<vmem>>, vector<16xi32>,
    %swap3A_471 = arith.constant 3104 : index
    %swap3A_472 = tpu.vector_load %arg8[%swap3A_471] {strides = array<i32>} : memref<8192xi32, #tpu.memory_space<vmem>>, vector<16xi32>,
    tpu.vector_store %arg8[%swap3A_471], %broadcast_in_dim3A_83 {strides = array<i32>} : memref<8192xi32, #tpu.memory_space<vmem>>, vector<16xi32>,
    %swap3A_473 = arith.constant 3120 : index
    %swap3A_474 = tpu.vector_load %arg8[%swap3A_473] {strides = array<i32>} : memref<8192xi32, #tpu.memory_space<vmem>>, vector<16xi32>,
    tpu.vector_store %arg8[%swap3A_473], %broadcast_in_dim3A_83 {strides = array<i32>} : memref<8192xi32, #tpu.memory_space<vmem>>, vector<16xi32>,
    %swap3A_475 = arith.constant 3136 : index
    %swap3A_476 = tpu.vector_load %arg8[%swap3A_475] {strides = array<i32>} : memref<8192xi32, #tpu.memory_space<vmem>>, vector<16xi32>,
    tpu.vector_store %arg8[%swap3A_475], %broadcast_in_dim3A_83 {strides = array<i32>} : memref<8192xi32, #tpu.memory_space<vmem>>, vector<16xi32>,
    %swap3A_477 = arith.constant 3152 : index
    %swap3A_478 = tpu.vector_load %arg8[%swap3A_477] {strides = array<i32>} : memref<8192xi32, #tpu.memory_space<vmem>>, vector<16xi32>,
    tpu.vector_store %arg8[%swap3A_477], %broadcast_in_dim3A_83 {strides = array<i32>} : memref<8192xi32, #tpu.memory_space<vmem>>, vector<16xi32>,
    %swap3A_479 = arith.constant 3168 : index
    %swap3A_480 = tpu.vector_load %arg8[%swap3A_479] {strides = array<i32>} : memref<8192xi32, #tpu.memory_space<vmem>>, vector<16xi32>,
    tpu.vector_store %arg8[%swap3A_479], %broadcast_in_dim3A_83 {strides = array<i32>} : memref<8192xi32, #tpu.memory_space<vmem>>, vector<16xi32>,
    %swap3A_481 = arith.constant 3184 : index
    %swap3A_482 = tpu.vector_load %arg8[%swap3A_481] {strides = array<i32>} : memref<8192xi32, #tpu.memory_space<vmem>>, vector<16xi32>,
    tpu.vector_store %arg8[%swap3A_481], %broadcast_in_dim3A_83 {strides = array<i32>} : memref<8192xi32, #tpu.memory_space<vmem>>, vector<16xi32>,
    %swap3A_483 = arith.constant 3200 : index
    %swap3A_484 = tpu.vector_load %arg8[%swap3A_483] {strides = array<i32>} : memref<8192xi32, #tpu.memory_space<vmem>>, vector<16xi32>,
    tpu.vector_store %arg8[%swap3A_483], %broadcast_in_dim3A_83 {strides = array<i32>} : memref<8192xi32, #tpu.memory_space<vmem>>, vector<16xi32>,
    %swap3A_485 = arith.constant 3216 : index
    %swap3A_486 = tpu.vector_load %arg8[%swap3A_485] {strides = array<i32>} : memref<8192xi32, #tpu.memory_space<vmem>>, vector<16xi32>,
    tpu.vector_store %arg8[%swap3A_485], %broadcast_in_dim3A_83 {strides = array<i32>} : memref<8192xi32, #tpu.memory_space<vmem>>, vector<16xi32>,
    %swap3A_487 = arith.constant 3232 : index
    %swap3A_488 = tpu.vector_load %arg8[%swap3A_487] {strides = array<i32>} : memref<8192xi32, #tpu.memory_space<vmem>>, vector<16xi32>,
    tpu.vector_store %arg8[%swap3A_487], %broadcast_in_dim3A_83 {strides = array<i32>} : memref<8192xi32, #tpu.memory_space<vmem>>, vector<16xi32>,
    %swap3A_489 = arith.constant 3248 : index
    %swap3A_490 = tpu.vector_load %arg8[%swap3A_489] {strides = array<i32>} : memref<8192xi32, #tpu.memory_space<vmem>>, vector<16xi32>,
    tpu.vector_store %arg8[%swap3A_489], %broadcast_in_dim3A_83 {strides = array<i32>} : memref<8192xi32, #tpu.memory_space<vmem>>, vector<16xi32>,
    %swap3A_491 = arith.constant 3264 : index
    %swap3A_492 = tpu.vector_load %arg8[%swap3A_491] {strides = array<i32>} : memref<8192xi32, #tpu.memory_space<vmem>>, vector<16xi32>,
    tpu.vector_store %arg8[%swap3A_491], %broadcast_in_dim3A_83 {strides = array<i32>} : memref<8192xi32, #tpu.memory_space<vmem>>, vector<16xi32>,
    %swap3A_493 = arith.constant 3280 : index
    %swap3A_494 = tpu.vector_load %arg8[%swap3A_493] {strides = array<i32>} : memref<8192xi32, #tpu.memory_space<vmem>>, vector<16xi32>,
    tpu.vector_store %arg8[%swap3A_493], %broadcast_in_dim3A_83 {strides = array<i32>} : memref<8192xi32, #tpu.memory_space<vmem>>, vector<16xi32>,
    %swap3A_495 = arith.constant 3296 : index
    %swap3A_496 = tpu.vector_load %arg8[%swap3A_495] {strides = array<i32>} : memref<8192xi32, #tpu.memory_space<vmem>>, vector<16xi32>,
    tpu.vector_store %arg8[%swap3A_495], %broadcast_in_dim3A_83 {strides = array<i32>} : memref<8192xi32, #tpu.memory_space<vmem>>, vector<16xi32>,
    %swap3A_497 = arith.constant 3312 : index
    %swap3A_498 = tpu.vector_load %arg8[%swap3A_497] {strides = array<i32>} : memref<8192xi32, #tpu.memory_space<vmem>>, vector<16xi32>,
    tpu.vector_store %arg8[%swap3A_497], %broadcast_in_dim3A_83 {strides = array<i32>} : memref<8192xi32, #tpu.memory_space<vmem>>, vector<16xi32>,
    %swap3A_499 = arith.constant 3328 : index
    %swap3A_500 = tpu.vector_load %arg8[%swap3A_499] {strides = array<i32>} : memref<8192xi32, #tpu.memory_space<vmem>>, vector<16xi32>,
    tpu.vector_store %arg8[%swap3A_499], %broadcast_in_dim3A_83 {strides = array<i32>} : memref<8192xi32, #tpu.memory_space<vmem>>, vector<16xi32>,
    %swap3A_501 = arith.constant 3344 : index
    %swap3A_502 = tpu.vector_load %arg8[%swap3A_501] {strides = array<i32>} : memref<8192xi32, #tpu.memory_space<vmem>>, vector<16xi32>,
    tpu.vector_store %arg8[%swap3A_501], %broadcast_in_dim3A_83 {strides = array<i32>} : memref<8192xi32, #tpu.memory_space<vmem>>, vector<16xi32>,
    %swap3A_503 = arith.constant 3360 : index
    %swap3A_504 = tpu.vector_load %arg8[%swap3A_503] {strides = array<i32>} : memref<8192xi32, #tpu.memory_space<vmem>>, vector<16xi32>,
    tpu.vector_store %arg8[%swap3A_503], %broadcast_in_dim3A_83 {strides = array<i32>} : memref<8192xi32, #tpu.memory_space<vmem>>, vector<16xi32>,
    %swap3A_505 = arith.constant 3376 : index
    %swap3A_506 = tpu.vector_load %arg8[%swap3A_505] {strides = array<i32>} : memref<8192xi32, #tpu.memory_space<vmem>>, vector<16xi32>,
    tpu.vector_store %arg8[%swap3A_505], %broadcast_in_dim3A_83 {strides = array<i32>} : memref<8192xi32, #tpu.memory_space<vmem>>, vector<16xi32>,
    %swap3A_507 = arith.constant 3392 : index
    %swap3A_508 = tpu.vector_load %arg8[%swap3A_507] {strides = array<i32>} : memref<8192xi32, #tpu.memory_space<vmem>>, vector<16xi32>,
    tpu.vector_store %arg8[%swap3A_507], %broadcast_in_dim3A_83 {strides = array<i32>} : memref<8192xi32, #tpu.memory_space<vmem>>, vector<16xi32>,
    %swap3A_509 = arith.constant 3408 : index
    %swap3A_510 = tpu.vector_load %arg8[%swap3A_509] {strides = array<i32>} : memref<8192xi32, #tpu.memory_space<vmem>>, vector<16xi32>,
    tpu.vector_store %arg8[%swap3A_509], %broadcast_in_dim3A_83 {strides = array<i32>} : memref<8192xi32, #tpu.memory_space<vmem>>, vector<16xi32>,
    %swap3A_511 = arith.constant 3424 : index
    %swap3A_512 = tpu.vector_load %arg8[%swap3A_511] {strides = array<i32>} : memref<8192xi32, #tpu.memory_space<vmem>>, vector<16xi32>,
    tpu.vector_store %arg8[%swap3A_511], %broadcast_in_dim3A_83 {strides = array<i32>} : memref<8192xi32, #tpu.memory_space<vmem>>, vector<16xi32>,
    %swap3A_513 = arith.constant 3440 : index
    %swap3A_514 = tpu.vector_load %arg8[%swap3A_513] {strides = array<i32>} : memref<8192xi32, #tpu.memory_space<vmem>>, vector<16xi32>,
    tpu.vector_store %arg8[%swap3A_513], %broadcast_in_dim3A_83 {strides = array<i32>} : memref<8192xi32, #tpu.memory_space<vmem>>, vector<16xi32>,
    %swap3A_515 = arith.constant 3456 : index
    %swap3A_516 = tpu.vector_load %arg8[%swap3A_515] {strides = array<i32>} : memref<8192xi32, #tpu.memory_space<vmem>>, vector<16xi32>,
    tpu.vector_store %arg8[%swap3A_515], %broadcast_in_dim3A_83 {strides = array<i32>} : memref<8192xi32, #tpu.memory_space<vmem>>, vector<16xi32>,
    %swap3A_517 = arith.constant 3472 : index
    %swap3A_518 = tpu.vector_load %arg8[%swap3A_517] {strides = array<i32>} : memref<8192xi32, #tpu.memory_space<vmem>>, vector<16xi32>,
    tpu.vector_store %arg8[%swap3A_517], %broadcast_in_dim3A_83 {strides = array<i32>} : memref<8192xi32, #tpu.memory_space<vmem>>, vector<16xi32>,
    %swap3A_519 = arith.constant 3488 : index
    %swap3A_520 = tpu.vector_load %arg8[%swap3A_519] {strides = array<i32>} : memref<8192xi32, #tpu.memory_space<vmem>>, vector<16xi32>,
    tpu.vector_store %arg8[%swap3A_519], %broadcast_in_dim3A_83 {strides = array<i32>} : memref<8192xi32, #tpu.memory_space<vmem>>, vector<16xi32>,
    %swap3A_521 = arith.constant 3504 : index
    %swap3A_522 = tpu.vector_load %arg8[%swap3A_521] {strides = array<i32>} : memref<8192xi32, #tpu.memory_space<vmem>>, vector<16xi32>,
    tpu.vector_store %arg8[%swap3A_521], %broadcast_in_dim3A_83 {strides = array<i32>} : memref<8192xi32, #tpu.memory_space<vmem>>, vector<16xi32>,
    %swap3A_523 = arith.constant 3520 : index
    %swap3A_524 = tpu.vector_load %arg8[%swap3A_523] {strides = array<i32>} : memref<8192xi32, #tpu.memory_space<vmem>>, vector<16xi32>,
    tpu.vector_store %arg8[%swap3A_523], %broadcast_in_dim3A_83 {strides = array<i32>} : memref<8192xi32, #tpu.memory_space<vmem>>, vector<16xi32>,
    %swap3A_525 = arith.constant 3536 : index
    %swap3A_526 = tpu.vector_load %arg8[%swap3A_525] {strides = array<i32>} : memref<8192xi32, #tpu.memory_space<vmem>>, vector<16xi32>,
    tpu.vector_store %arg8[%swap3A_525], %broadcast_in_dim3A_83 {strides = array<i32>} : memref<8192xi32, #tpu.memory_space<vmem>>, vector<16xi32>,
    %swap3A_527 = arith.constant 3552 : index
    %swap3A_528 = tpu.vector_load %arg8[%swap3A_527] {strides = array<i32>} : memref<8192xi32, #tpu.memory_space<vmem>>, vector<16xi32>,
    tpu.vector_store %arg8[%swap3A_527], %broadcast_in_dim3A_83 {strides = array<i32>} : memref<8192xi32, #tpu.memory_space<vmem>>, vector<16xi32>,
    %swap3A_529 = arith.constant 3568 : index
    %swap3A_530 = tpu.vector_load %arg8[%swap3A_529] {strides = array<i32>} : memref<8192xi32, #tpu.memory_space<vmem>>, vector<16xi32>,
    tpu.vector_store %arg8[%swap3A_529], %broadcast_in_dim3A_83 {strides = array<i32>} : memref<8192xi32, #tpu.memory_space<vmem>>, vector<16xi32>,
    %swap3A_531 = arith.constant 3584 : index
    %swap3A_532 = tpu.vector_load %arg8[%swap3A_531] {strides = array<i32>} : memref<8192xi32, #tpu.memory_space<vmem>>, vector<16xi32>,
    tpu.vector_store %arg8[%swap3A_531], %broadcast_in_dim3A_83 {strides = array<i32>} : memref<8192xi32, #tpu.memory_space<vmem>>, vector<16xi32>,
    %swap3A_533 = arith.constant 3600 : index
    %swap3A_534 = tpu.vector_load %arg8[%swap3A_533] {strides = array<i32>} : memref<8192xi32, #tpu.memory_space<vmem>>, vector<16xi32>,
    tpu.vector_store %arg8[%swap3A_533], %broadcast_in_dim3A_83 {strides = array<i32>} : memref<8192xi32, #tpu.memory_space<vmem>>, vector<16xi32>,
    %swap3A_535 = arith.constant 3616 : index
    %swap3A_536 = tpu.vector_load %arg8[%swap3A_535] {strides = array<i32>} : memref<8192xi32, #tpu.memory_space<vmem>>, vector<16xi32>,
    tpu.vector_store %arg8[%swap3A_535], %broadcast_in_dim3A_83 {strides = array<i32>} : memref<8192xi32, #tpu.memory_space<vmem>>, vector<16xi32>,
    %swap3A_537 = arith.constant 3632 : index
    %swap3A_538 = tpu.vector_load %arg8[%swap3A_537] {strides = array<i32>} : memref<8192xi32, #tpu.memory_space<vmem>>, vector<16xi32>,
    tpu.vector_store %arg8[%swap3A_537], %broadcast_in_dim3A_83 {strides = array<i32>} : memref<8192xi32, #tpu.memory_space<vmem>>, vector<16xi32>,
    %swap3A_539 = arith.constant 3648 : index
    %swap3A_540 = tpu.vector_load %arg8[%swap3A_539] {strides = array<i32>} : memref<8192xi32, #tpu.memory_space<vmem>>, vector<16xi32>,
    tpu.vector_store %arg8[%swap3A_539], %broadcast_in_dim3A_83 {strides = array<i32>} : memref<8192xi32, #tpu.memory_space<vmem>>, vector<16xi32>,
    %swap3A_541 = arith.constant 3664 : index
    %swap3A_542 = tpu.vector_load %arg8[%swap3A_541] {strides = array<i32>} : memref<8192xi32, #tpu.memory_space<vmem>>, vector<16xi32>,
    tpu.vector_store %arg8[%swap3A_541], %broadcast_in_dim3A_83 {strides = array<i32>} : memref<8192xi32, #tpu.memory_space<vmem>>, vector<16xi32>,
    %swap3A_543 = arith.constant 3680 : index
    %swap3A_544 = tpu.vector_load %arg8[%swap3A_543] {strides = array<i32>} : memref<8192xi32, #tpu.memory_space<vmem>>, vector<16xi32>,
    tpu.vector_store %arg8[%swap3A_543], %broadcast_in_dim3A_83 {strides = array<i32>} : memref<8192xi32, #tpu.memory_space<vmem>>, vector<16xi32>,
    %swap3A_545 = arith.constant 3696 : index
    %swap3A_546 = tpu.vector_load %arg8[%swap3A_545] {strides = array<i32>} : memref<8192xi32, #tpu.memory_space<vmem>>, vector<16xi32>,
    tpu.vector_store %arg8[%swap3A_545], %broadcast_in_dim3A_83 {strides = array<i32>} : memref<8192xi32, #tpu.memory_space<vmem>>, vector<16xi32>,
    %swap3A_547 = arith.constant 3712 : index
    %swap3A_548 = tpu.vector_load %arg8[%swap3A_547] {strides = array<i32>} : memref<8192xi32, #tpu.memory_space<vmem>>, vector<16xi32>,
    tpu.vector_store %arg8[%swap3A_547], %broadcast_in_dim3A_83 {strides = array<i32>} : memref<8192xi32, #tpu.memory_space<vmem>>, vector<16xi32>,
    %swap3A_549 = arith.constant 3728 : index
    %swap3A_550 = tpu.vector_load %arg8[%swap3A_549] {strides = array<i32>} : memref<8192xi32, #tpu.memory_space<vmem>>, vector<16xi32>,
    tpu.vector_store %arg8[%swap3A_549], %broadcast_in_dim3A_83 {strides = array<i32>} : memref<8192xi32, #tpu.memory_space<vmem>>, vector<16xi32>,
    %swap3A_551 = arith.constant 3744 : index
    %swap3A_552 = tpu.vector_load %arg8[%swap3A_551] {strides = array<i32>} : memref<8192xi32, #tpu.memory_space<vmem>>, vector<16xi32>,
    tpu.vector_store %arg8[%swap3A_551], %broadcast_in_dim3A_83 {strides = array<i32>} : memref<8192xi32, #tpu.memory_space<vmem>>, vector<16xi32>,
    %swap3A_553 = arith.constant 3760 : index
    %swap3A_554 = tpu.vector_load %arg8[%swap3A_553] {strides = array<i32>} : memref<8192xi32, #tpu.memory_space<vmem>>, vector<16xi32>,
    tpu.vector_store %arg8[%swap3A_553], %broadcast_in_dim3A_83 {strides = array<i32>} : memref<8192xi32, #tpu.memory_space<vmem>>, vector<16xi32>,
    %swap3A_555 = arith.constant 3776 : index
    %swap3A_556 = tpu.vector_load %arg8[%swap3A_555] {strides = array<i32>} : memref<8192xi32, #tpu.memory_space<vmem>>, vector<16xi32>,
    tpu.vector_store %arg8[%swap3A_555], %broadcast_in_dim3A_83 {strides = array<i32>} : memref<8192xi32, #tpu.memory_space<vmem>>, vector<16xi32>,
    %swap3A_557 = arith.constant 3792 : index
    %swap3A_558 = tpu.vector_load %arg8[%swap3A_557] {strides = array<i32>} : memref<8192xi32, #tpu.memory_space<vmem>>, vector<16xi32>,
    tpu.vector_store %arg8[%swap3A_557], %broadcast_in_dim3A_83 {strides = array<i32>} : memref<8192xi32, #tpu.memory_space<vmem>>, vector<16xi32>,
    %swap3A_559 = arith.constant 3808 : index
    %swap3A_560 = tpu.vector_load %arg8[%swap3A_559] {strides = array<i32>} : memref<8192xi32, #tpu.memory_space<vmem>>, vector<16xi32>,
    tpu.vector_store %arg8[%swap3A_559], %broadcast_in_dim3A_83 {strides = array<i32>} : memref<8192xi32, #tpu.memory_space<vmem>>, vector<16xi32>,
    %swap3A_561 = arith.constant 3824 : index
    %swap3A_562 = tpu.vector_load %arg8[%swap3A_561] {strides = array<i32>} : memref<8192xi32, #tpu.memory_space<vmem>>, vector<16xi32>,
    tpu.vector_store %arg8[%swap3A_561], %broadcast_in_dim3A_83 {strides = array<i32>} : memref<8192xi32, #tpu.memory_space<vmem>>, vector<16xi32>,
    %swap3A_563 = arith.constant 3840 : index
    %swap3A_564 = tpu.vector_load %arg8[%swap3A_563] {strides = array<i32>} : memref<8192xi32, #tpu.memory_space<vmem>>, vector<16xi32>,
    tpu.vector_store %arg8[%swap3A_563], %broadcast_in_dim3A_83 {strides = array<i32>} : memref<8192xi32, #tpu.memory_space<vmem>>, vector<16xi32>,
    %swap3A_565 = arith.constant 3856 : index
    %swap3A_566 = tpu.vector_load %arg8[%swap3A_565] {strides = array<i32>} : memref<8192xi32, #tpu.memory_space<vmem>>, vector<16xi32>,
    tpu.vector_store %arg8[%swap3A_565], %broadcast_in_dim3A_83 {strides = array<i32>} : memref<8192xi32, #tpu.memory_space<vmem>>, vector<16xi32>,
    %swap3A_567 = arith.constant 3872 : index
    %swap3A_568 = tpu.vector_load %arg8[%swap3A_567] {strides = array<i32>} : memref<8192xi32, #tpu.memory_space<vmem>>, vector<16xi32>,
    tpu.vector_store %arg8[%swap3A_567], %broadcast_in_dim3A_83 {strides = array<i32>} : memref<8192xi32, #tpu.memory_space<vmem>>, vector<16xi32>,
    %swap3A_569 = arith.constant 3888 : index
    %swap3A_570 = tpu.vector_load %arg8[%swap3A_569] {strides = array<i32>} : memref<8192xi32, #tpu.memory_space<vmem>>, vector<16xi32>,
    tpu.vector_store %arg8[%swap3A_569], %broadcast_in_dim3A_83 {strides = array<i32>} : memref<8192xi32, #tpu.memory_space<vmem>>, vector<16xi32>,
    %swap3A_571 = arith.constant 3904 : index
    %swap3A_572 = tpu.vector_load %arg8[%swap3A_571] {strides = array<i32>} : memref<8192xi32, #tpu.memory_space<vmem>>, vector<16xi32>,
    tpu.vector_store %arg8[%swap3A_571], %broadcast_in_dim3A_83 {strides = array<i32>} : memref<8192xi32, #tpu.memory_space<vmem>>, vector<16xi32>,
    %swap3A_573 = arith.constant 3920 : index
    %swap3A_574 = tpu.vector_load %arg8[%swap3A_573] {strides = array<i32>} : memref<8192xi32, #tpu.memory_space<vmem>>, vector<16xi32>,
    tpu.vector_store %arg8[%swap3A_573], %broadcast_in_dim3A_83 {strides = array<i32>} : memref<8192xi32, #tpu.memory_space<vmem>>, vector<16xi32>,
    %swap3A_575 = arith.constant 3936 : index
    %swap3A_576 = tpu.vector_load %arg8[%swap3A_575] {strides = array<i32>} : memref<8192xi32, #tpu.memory_space<vmem>>, vector<16xi32>,
    tpu.vector_store %arg8[%swap3A_575], %broadcast_in_dim3A_83 {strides = array<i32>} : memref<8192xi32, #tpu.memory_space<vmem>>, vector<16xi32>,
    %swap3A_577 = arith.constant 3952 : index
    %swap3A_578 = tpu.vector_load %arg8[%swap3A_577] {strides = array<i32>} : memref<8192xi32, #tpu.memory_space<vmem>>, vector<16xi32>,
    tpu.vector_store %arg8[%swap3A_577], %broadcast_in_dim3A_83 {strides = array<i32>} : memref<8192xi32, #tpu.memory_space<vmem>>, vector<16xi32>,
    %swap3A_579 = arith.constant 3968 : index
    %swap3A_580 = tpu.vector_load %arg8[%swap3A_579] {strides = array<i32>} : memref<8192xi32, #tpu.memory_space<vmem>>, vector<16xi32>,
    tpu.vector_store %arg8[%swap3A_579], %broadcast_in_dim3A_83 {strides = array<i32>} : memref<8192xi32, #tpu.memory_space<vmem>>, vector<16xi32>,
    %swap3A_581 = arith.constant 3984 : index
    %swap3A_582 = tpu.vector_load %arg8[%swap3A_581] {strides = array<i32>} : memref<8192xi32, #tpu.memory_space<vmem>>, vector<16xi32>,
    tpu.vector_store %arg8[%swap3A_581], %broadcast_in_dim3A_83 {strides = array<i32>} : memref<8192xi32, #tpu.memory_space<vmem>>, vector<16xi32>,
    %swap3A_583 = arith.constant 4000 : index
    %swap3A_584 = tpu.vector_load %arg8[%swap3A_583] {strides = array<i32>} : memref<8192xi32, #tpu.memory_space<vmem>>, vector<16xi32>,
    tpu.vector_store %arg8[%swap3A_583], %broadcast_in_dim3A_83 {strides = array<i32>} : memref<8192xi32, #tpu.memory_space<vmem>>, vector<16xi32>,
    %swap3A_585 = arith.constant 4016 : index
    %swap3A_586 = tpu.vector_load %arg8[%swap3A_585] {strides = array<i32>} : memref<8192xi32, #tpu.memory_space<vmem>>, vector<16xi32>,
    tpu.vector_store %arg8[%swap3A_585], %broadcast_in_dim3A_83 {strides = array<i32>} : memref<8192xi32, #tpu.memory_space<vmem>>, vector<16xi32>,
    %swap3A_587 = arith.constant 4032 : index
    %swap3A_588 = tpu.vector_load %arg8[%swap3A_587] {strides = array<i32>} : memref<8192xi32, #tpu.memory_space<vmem>>, vector<16xi32>,
    tpu.vector_store %arg8[%swap3A_587], %broadcast_in_dim3A_83 {strides = array<i32>} : memref<8192xi32, #tpu.memory_space<vmem>>, vector<16xi32>,
    %swap3A_589 = arith.constant 4048 : index
    %swap3A_590 = tpu.vector_load %arg8[%swap3A_589] {strides = array<i32>} : memref<8192xi32, #tpu.memory_space<vmem>>, vector<16xi32>,
    tpu.vector_store %arg8[%swap3A_589], %broadcast_in_dim3A_83 {strides = array<i32>} : memref<8192xi32, #tpu.memory_space<vmem>>, vector<16xi32>,
    %swap3A_591 = arith.constant 4064 : index
    %swap3A_592 = tpu.vector_load %arg8[%swap3A_591] {strides = array<i32>} : memref<8192xi32, #tpu.memory_space<vmem>>, vector<16xi32>,
    tpu.vector_store %arg8[%swap3A_591], %broadcast_in_dim3A_83 {strides = array<i32>} : memref<8192xi32, #tpu.memory_space<vmem>>, vector<16xi32>,
    %swap3A_593 = arith.constant 4080 : index
    %swap3A_594 = tpu.vector_load %arg8[%swap3A_593] {strides = array<i32>} : memref<8192xi32, #tpu.memory_space<vmem>>, vector<16xi32>,
    tpu.vector_store %arg8[%swap3A_593], %broadcast_in_dim3A_83 {strides = array<i32>} : memref<8192xi32, #tpu.memory_space<vmem>>, vector<16xi32>,
    %swap3A_595 = arith.constant 4096 : index
    %swap3A_596 = tpu.vector_load %arg8[%swap3A_595] {strides = array<i32>} : memref<8192xi32, #tpu.memory_space<vmem>>, vector<16xi32>,
    tpu.vector_store %arg8[%swap3A_595], %broadcast_in_dim3A_83 {strides = array<i32>} : memref<8192xi32, #tpu.memory_space<vmem>>, vector<16xi32>,
    %swap3A_597 = arith.constant 4112 : index
    %swap3A_598 = tpu.vector_load %arg8[%swap3A_597] {strides = array<i32>} : memref<8192xi32, #tpu.memory_space<vmem>>, vector<16xi32>,
    tpu.vector_store %arg8[%swap3A_597], %broadcast_in_dim3A_83 {strides = array<i32>} : memref<8192xi32, #tpu.memory_space<vmem>>, vector<16xi32>,
    %swap3A_599 = arith.constant 4128 : index
    %swap3A_600 = tpu.vector_load %arg8[%swap3A_599] {strides = array<i32>} : memref<8192xi32, #tpu.memory_space<vmem>>, vector<16xi32>,
    tpu.vector_store %arg8[%swap3A_599], %broadcast_in_dim3A_83 {strides = array<i32>} : memref<8192xi32, #tpu.memory_space<vmem>>, vector<16xi32>,
    %swap3A_601 = arith.constant 4144 : index
    %swap3A_602 = tpu.vector_load %arg8[%swap3A_601] {strides = array<i32>} : memref<8192xi32, #tpu.memory_space<vmem>>, vector<16xi32>,
    tpu.vector_store %arg8[%swap3A_601], %broadcast_in_dim3A_83 {strides = array<i32>} : memref<8192xi32, #tpu.memory_space<vmem>>, vector<16xi32>,
    %swap3A_603 = arith.constant 4160 : index
    %swap3A_604 = tpu.vector_load %arg8[%swap3A_603] {strides = array<i32>} : memref<8192xi32, #tpu.memory_space<vmem>>, vector<16xi32>,
    tpu.vector_store %arg8[%swap3A_603], %broadcast_in_dim3A_83 {strides = array<i32>} : memref<8192xi32, #tpu.memory_space<vmem>>, vector<16xi32>,
    %swap3A_605 = arith.constant 4176 : index
    %swap3A_606 = tpu.vector_load %arg8[%swap3A_605] {strides = array<i32>} : memref<8192xi32, #tpu.memory_space<vmem>>, vector<16xi32>,
    tpu.vector_store %arg8[%swap3A_605], %broadcast_in_dim3A_83 {strides = array<i32>} : memref<8192xi32, #tpu.memory_space<vmem>>, vector<16xi32>,
    %swap3A_607 = arith.constant 4192 : index
    %swap3A_608 = tpu.vector_load %arg8[%swap3A_607] {strides = array<i32>} : memref<8192xi32, #tpu.memory_space<vmem>>, vector<16xi32>,
    tpu.vector_store %arg8[%swap3A_607], %broadcast_in_dim3A_83 {strides = array<i32>} : memref<8192xi32, #tpu.memory_space<vmem>>, vector<16xi32>,
    %swap3A_609 = arith.constant 4208 : index
    %swap3A_610 = tpu.vector_load %arg8[%swap3A_609] {strides = array<i32>} : memref<8192xi32, #tpu.memory_space<vmem>>, vector<16xi32>,
    tpu.vector_store %arg8[%swap3A_609], %broadcast_in_dim3A_83 {strides = array<i32>} : memref<8192xi32, #tpu.memory_space<vmem>>, vector<16xi32>,
    %swap3A_611 = arith.constant 4224 : index
    %swap3A_612 = tpu.vector_load %arg8[%swap3A_611] {strides = array<i32>} : memref<8192xi32, #tpu.memory_space<vmem>>, vector<16xi32>,
    tpu.vector_store %arg8[%swap3A_611], %broadcast_in_dim3A_83 {strides = array<i32>} : memref<8192xi32, #tpu.memory_space<vmem>>, vector<16xi32>,
    %swap3A_613 = arith.constant 4240 : index
    %swap3A_614 = tpu.vector_load %arg8[%swap3A_613] {strides = array<i32>} : memref<8192xi32, #tpu.memory_space<vmem>>, vector<16xi32>,
    tpu.vector_store %arg8[%swap3A_613], %broadcast_in_dim3A_83 {strides = array<i32>} : memref<8192xi32, #tpu.memory_space<vmem>>, vector<16xi32>,
    %swap3A_615 = arith.constant 4256 : index
    %swap3A_616 = tpu.vector_load %arg8[%swap3A_615] {strides = array<i32>} : memref<8192xi32, #tpu.memory_space<vmem>>, vector<16xi32>,
    tpu.vector_store %arg8[%swap3A_615], %broadcast_in_dim3A_83 {strides = array<i32>} : memref<8192xi32, #tpu.memory_space<vmem>>, vector<16xi32>,
    %swap3A_617 = arith.constant 4272 : index
    %swap3A_618 = tpu.vector_load %arg8[%swap3A_617] {strides = array<i32>} : memref<8192xi32, #tpu.memory_space<vmem>>, vector<16xi32>,
    tpu.vector_store %arg8[%swap3A_617], %broadcast_in_dim3A_83 {strides = array<i32>} : memref<8192xi32, #tpu.memory_space<vmem>>, vector<16xi32>,
    %swap3A_619 = arith.constant 4288 : index
    %swap3A_620 = tpu.vector_load %arg8[%swap3A_619] {strides = array<i32>} : memref<8192xi32, #tpu.memory_space<vmem>>, vector<16xi32>,
    tpu.vector_store %arg8[%swap3A_619], %broadcast_in_dim3A_83 {strides = array<i32>} : memref<8192xi32, #tpu.memory_space<vmem>>, vector<16xi32>,
    %swap3A_621 = arith.constant 4304 : index
    %swap3A_622 = tpu.vector_load %arg8[%swap3A_621] {strides = array<i32>} : memref<8192xi32, #tpu.memory_space<vmem>>, vector<16xi32>,
    tpu.vector_store %arg8[%swap3A_621], %broadcast_in_dim3A_83 {strides = array<i32>} : memref<8192xi32, #tpu.memory_space<vmem>>, vector<16xi32>,
    %swap3A_623 = arith.constant 4320 : index
    %swap3A_624 = tpu.vector_load %arg8[%swap3A_623] {strides = array<i32>} : memref<8192xi32, #tpu.memory_space<vmem>>, vector<16xi32>,
    tpu.vector_store %arg8[%swap3A_623], %broadcast_in_dim3A_83 {strides = array<i32>} : memref<8192xi32, #tpu.memory_space<vmem>>, vector<16xi32>,
    %swap3A_625 = arith.constant 4336 : index
    %swap3A_626 = tpu.vector_load %arg8[%swap3A_625] {strides = array<i32>} : memref<8192xi32, #tpu.memory_space<vmem>>, vector<16xi32>,
    tpu.vector_store %arg8[%swap3A_625], %broadcast_in_dim3A_83 {strides = array<i32>} : memref<8192xi32, #tpu.memory_space<vmem>>, vector<16xi32>,
    %swap3A_627 = arith.constant 4352 : index
    %swap3A_628 = tpu.vector_load %arg8[%swap3A_627] {strides = array<i32>} : memref<8192xi32, #tpu.memory_space<vmem>>, vector<16xi32>,
    tpu.vector_store %arg8[%swap3A_627], %broadcast_in_dim3A_83 {strides = array<i32>} : memref<8192xi32, #tpu.memory_space<vmem>>, vector<16xi32>,
    %swap3A_629 = arith.constant 4368 : index
    %swap3A_630 = tpu.vector_load %arg8[%swap3A_629] {strides = array<i32>} : memref<8192xi32, #tpu.memory_space<vmem>>, vector<16xi32>,
    tpu.vector_store %arg8[%swap3A_629], %broadcast_in_dim3A_83 {strides = array<i32>} : memref<8192xi32, #tpu.memory_space<vmem>>, vector<16xi32>,
    %swap3A_631 = arith.constant 4384 : index
    %swap3A_632 = tpu.vector_load %arg8[%swap3A_631] {strides = array<i32>} : memref<8192xi32, #tpu.memory_space<vmem>>, vector<16xi32>,
    tpu.vector_store %arg8[%swap3A_631], %broadcast_in_dim3A_83 {strides = array<i32>} : memref<8192xi32, #tpu.memory_space<vmem>>, vector<16xi32>,
    %swap3A_633 = arith.constant 4400 : index
    %swap3A_634 = tpu.vector_load %arg8[%swap3A_633] {strides = array<i32>} : memref<8192xi32, #tpu.memory_space<vmem>>, vector<16xi32>,
    tpu.vector_store %arg8[%swap3A_633], %broadcast_in_dim3A_83 {strides = array<i32>} : memref<8192xi32, #tpu.memory_space<vmem>>, vector<16xi32>,
    %swap3A_635 = arith.constant 4416 : index
    %swap3A_636 = tpu.vector_load %arg8[%swap3A_635] {strides = array<i32>} : memref<8192xi32, #tpu.memory_space<vmem>>, vector<16xi32>,
    tpu.vector_store %arg8[%swap3A_635], %broadcast_in_dim3A_83 {strides = array<i32>} : memref<8192xi32, #tpu.memory_space<vmem>>, vector<16xi32>,
    %swap3A_637 = arith.constant 4432 : index
    %swap3A_638 = tpu.vector_load %arg8[%swap3A_637] {strides = array<i32>} : memref<8192xi32, #tpu.memory_space<vmem>>, vector<16xi32>,
    tpu.vector_store %arg8[%swap3A_637], %broadcast_in_dim3A_83 {strides = array<i32>} : memref<8192xi32, #tpu.memory_space<vmem>>, vector<16xi32>,
    %swap3A_639 = arith.constant 4448 : index
    %swap3A_640 = tpu.vector_load %arg8[%swap3A_639] {strides = array<i32>} : memref<8192xi32, #tpu.memory_space<vmem>>, vector<16xi32>,
    tpu.vector_store %arg8[%swap3A_639], %broadcast_in_dim3A_83 {strides = array<i32>} : memref<8192xi32, #tpu.memory_space<vmem>>, vector<16xi32>,
    %swap3A_641 = arith.constant 4464 : index
    %swap3A_642 = tpu.vector_load %arg8[%swap3A_641] {strides = array<i32>} : memref<8192xi32, #tpu.memory_space<vmem>>, vector<16xi32>,
    tpu.vector_store %arg8[%swap3A_641], %broadcast_in_dim3A_83 {strides = array<i32>} : memref<8192xi32, #tpu.memory_space<vmem>>, vector<16xi32>,
    %swap3A_643 = arith.constant 4480 : index
    %swap3A_644 = tpu.vector_load %arg8[%swap3A_643] {strides = array<i32>} : memref<8192xi32, #tpu.memory_space<vmem>>, vector<16xi32>,
    tpu.vector_store %arg8[%swap3A_643], %broadcast_in_dim3A_83 {strides = array<i32>} : memref<8192xi32, #tpu.memory_space<vmem>>, vector<16xi32>,
    %swap3A_645 = arith.constant 4496 : index
    %swap3A_646 = tpu.vector_load %arg8[%swap3A_645] {strides = array<i32>} : memref<8192xi32, #tpu.memory_space<vmem>>, vector<16xi32>,
    tpu.vector_store %arg8[%swap3A_645], %broadcast_in_dim3A_83 {strides = array<i32>} : memref<8192xi32, #tpu.memory_space<vmem>>, vector<16xi32>,
    %swap3A_647 = arith.constant 4512 : index
    %swap3A_648 = tpu.vector_load %arg8[%swap3A_647] {strides = array<i32>} : memref<8192xi32, #tpu.memory_space<vmem>>, vector<16xi32>,
    tpu.vector_store %arg8[%swap3A_647], %broadcast_in_dim3A_83 {strides = array<i32>} : memref<8192xi32, #tpu.memory_space<vmem>>, vector<16xi32>,
    %swap3A_649 = arith.constant 4528 : index
    %swap3A_650 = tpu.vector_load %arg8[%swap3A_649] {strides = array<i32>} : memref<8192xi32, #tpu.memory_space<vmem>>, vector<16xi32>,
    tpu.vector_store %arg8[%swap3A_649], %broadcast_in_dim3A_83 {strides = array<i32>} : memref<8192xi32, #tpu.memory_space<vmem>>, vector<16xi32>,
    %swap3A_651 = arith.constant 4544 : index
    %swap3A_652 = tpu.vector_load %arg8[%swap3A_651] {strides = array<i32>} : memref<8192xi32, #tpu.memory_space<vmem>>, vector<16xi32>,
    tpu.vector_store %arg8[%swap3A_651], %broadcast_in_dim3A_83 {strides = array<i32>} : memref<8192xi32, #tpu.memory_space<vmem>>, vector<16xi32>,
    %swap3A_653 = arith.constant 4560 : index
    %swap3A_654 = tpu.vector_load %arg8[%swap3A_653] {strides = array<i32>} : memref<8192xi32, #tpu.memory_space<vmem>>, vector<16xi32>,
    tpu.vector_store %arg8[%swap3A_653], %broadcast_in_dim3A_83 {strides = array<i32>} : memref<8192xi32, #tpu.memory_space<vmem>>, vector<16xi32>,
    %swap3A_655 = arith.constant 4576 : index
    %swap3A_656 = tpu.vector_load %arg8[%swap3A_655] {strides = array<i32>} : memref<8192xi32, #tpu.memory_space<vmem>>, vector<16xi32>,
    tpu.vector_store %arg8[%swap3A_655], %broadcast_in_dim3A_83 {strides = array<i32>} : memref<8192xi32, #tpu.memory_space<vmem>>, vector<16xi32>,
    %swap3A_657 = arith.constant 4592 : index
    %swap3A_658 = tpu.vector_load %arg8[%swap3A_657] {strides = array<i32>} : memref<8192xi32, #tpu.memory_space<vmem>>, vector<16xi32>,
    tpu.vector_store %arg8[%swap3A_657], %broadcast_in_dim3A_83 {strides = array<i32>} : memref<8192xi32, #tpu.memory_space<vmem>>, vector<16xi32>,
    %swap3A_659 = arith.constant 4608 : index
    %swap3A_660 = tpu.vector_load %arg8[%swap3A_659] {strides = array<i32>} : memref<8192xi32, #tpu.memory_space<vmem>>, vector<16xi32>,
    tpu.vector_store %arg8[%swap3A_659], %broadcast_in_dim3A_83 {strides = array<i32>} : memref<8192xi32, #tpu.memory_space<vmem>>, vector<16xi32>,
    %swap3A_661 = arith.constant 4624 : index
    %swap3A_662 = tpu.vector_load %arg8[%swap3A_661] {strides = array<i32>} : memref<8192xi32, #tpu.memory_space<vmem>>, vector<16xi32>,
    tpu.vector_store %arg8[%swap3A_661], %broadcast_in_dim3A_83 {strides = array<i32>} : memref<8192xi32, #tpu.memory_space<vmem>>, vector<16xi32>,
    %swap3A_663 = arith.constant 4640 : index
    %swap3A_664 = tpu.vector_load %arg8[%swap3A_663] {strides = array<i32>} : memref<8192xi32, #tpu.memory_space<vmem>>, vector<16xi32>,
    tpu.vector_store %arg8[%swap3A_663], %broadcast_in_dim3A_83 {strides = array<i32>} : memref<8192xi32, #tpu.memory_space<vmem>>, vector<16xi32>,
    %swap3A_665 = arith.constant 4656 : index
    %swap3A_666 = tpu.vector_load %arg8[%swap3A_665] {strides = array<i32>} : memref<8192xi32, #tpu.memory_space<vmem>>, vector<16xi32>,
    tpu.vector_store %arg8[%swap3A_665], %broadcast_in_dim3A_83 {strides = array<i32>} : memref<8192xi32, #tpu.memory_space<vmem>>, vector<16xi32>,
    %swap3A_667 = arith.constant 4672 : index
    %swap3A_668 = tpu.vector_load %arg8[%swap3A_667] {strides = array<i32>} : memref<8192xi32, #tpu.memory_space<vmem>>, vector<16xi32>,
    tpu.vector_store %arg8[%swap3A_667], %broadcast_in_dim3A_83 {strides = array<i32>} : memref<8192xi32, #tpu.memory_space<vmem>>, vector<16xi32>,
    %swap3A_669 = arith.constant 4688 : index
    %swap3A_670 = tpu.vector_load %arg8[%swap3A_669] {strides = array<i32>} : memref<8192xi32, #tpu.memory_space<vmem>>, vector<16xi32>,
    tpu.vector_store %arg8[%swap3A_669], %broadcast_in_dim3A_83 {strides = array<i32>} : memref<8192xi32, #tpu.memory_space<vmem>>, vector<16xi32>,
    %swap3A_671 = arith.constant 4704 : index
    %swap3A_672 = tpu.vector_load %arg8[%swap3A_671] {strides = array<i32>} : memref<8192xi32, #tpu.memory_space<vmem>>, vector<16xi32>,
    tpu.vector_store %arg8[%swap3A_671], %broadcast_in_dim3A_83 {strides = array<i32>} : memref<8192xi32, #tpu.memory_space<vmem>>, vector<16xi32>,
    %swap3A_673 = arith.constant 4720 : index
    %swap3A_674 = tpu.vector_load %arg8[%swap3A_673] {strides = array<i32>} : memref<8192xi32, #tpu.memory_space<vmem>>, vector<16xi32>,
    tpu.vector_store %arg8[%swap3A_673], %broadcast_in_dim3A_83 {strides = array<i32>} : memref<8192xi32, #tpu.memory_space<vmem>>, vector<16xi32>,
    %swap3A_675 = arith.constant 4736 : index
    %swap3A_676 = tpu.vector_load %arg8[%swap3A_675] {strides = array<i32>} : memref<8192xi32, #tpu.memory_space<vmem>>, vector<16xi32>,
    tpu.vector_store %arg8[%swap3A_675], %broadcast_in_dim3A_83 {strides = array<i32>} : memref<8192xi32, #tpu.memory_space<vmem>>, vector<16xi32>,
    %swap3A_677 = arith.constant 4752 : index
    %swap3A_678 = tpu.vector_load %arg8[%swap3A_677] {strides = array<i32>} : memref<8192xi32, #tpu.memory_space<vmem>>, vector<16xi32>,
    tpu.vector_store %arg8[%swap3A_677], %broadcast_in_dim3A_83 {strides = array<i32>} : memref<8192xi32, #tpu.memory_space<vmem>>, vector<16xi32>,
    %swap3A_679 = arith.constant 4768 : index
    %swap3A_680 = tpu.vector_load %arg8[%swap3A_679] {strides = array<i32>} : memref<8192xi32, #tpu.memory_space<vmem>>, vector<16xi32>,
    tpu.vector_store %arg8[%swap3A_679], %broadcast_in_dim3A_83 {strides = array<i32>} : memref<8192xi32, #tpu.memory_space<vmem>>, vector<16xi32>,
    %swap3A_681 = arith.constant 4784 : index
    %swap3A_682 = tpu.vector_load %arg8[%swap3A_681] {strides = array<i32>} : memref<8192xi32, #tpu.memory_space<vmem>>, vector<16xi32>,
    tpu.vector_store %arg8[%swap3A_681], %broadcast_in_dim3A_83 {strides = array<i32>} : memref<8192xi32, #tpu.memory_space<vmem>>, vector<16xi32>,
    %swap3A_683 = arith.constant 4800 : index
    %swap3A_684 = tpu.vector_load %arg8[%swap3A_683] {strides = array<i32>} : memref<8192xi32, #tpu.memory_space<vmem>>, vector<16xi32>,
    tpu.vector_store %arg8[%swap3A_683], %broadcast_in_dim3A_83 {strides = array<i32>} : memref<8192xi32, #tpu.memory_space<vmem>>, vector<16xi32>,
    %swap3A_685 = arith.constant 4816 : index
    %swap3A_686 = tpu.vector_load %arg8[%swap3A_685] {strides = array<i32>} : memref<8192xi32, #tpu.memory_space<vmem>>, vector<16xi32>,
    tpu.vector_store %arg8[%swap3A_685], %broadcast_in_dim3A_83 {strides = array<i32>} : memref<8192xi32, #tpu.memory_space<vmem>>, vector<16xi32>,
    %swap3A_687 = arith.constant 4832 : index
    %swap3A_688 = tpu.vector_load %arg8[%swap3A_687] {strides = array<i32>} : memref<8192xi32, #tpu.memory_space<vmem>>, vector<16xi32>,
    tpu.vector_store %arg8[%swap3A_687], %broadcast_in_dim3A_83 {strides = array<i32>} : memref<8192xi32, #tpu.memory_space<vmem>>, vector<16xi32>,
    %swap3A_689 = arith.constant 4848 : index
    %swap3A_690 = tpu.vector_load %arg8[%swap3A_689] {strides = array<i32>} : memref<8192xi32, #tpu.memory_space<vmem>>, vector<16xi32>,
    tpu.vector_store %arg8[%swap3A_689], %broadcast_in_dim3A_83 {strides = array<i32>} : memref<8192xi32, #tpu.memory_space<vmem>>, vector<16xi32>,
    %swap3A_691 = arith.constant 4864 : index
    %swap3A_692 = tpu.vector_load %arg8[%swap3A_691] {strides = array<i32>} : memref<8192xi32, #tpu.memory_space<vmem>>, vector<16xi32>,
    tpu.vector_store %arg8[%swap3A_691], %broadcast_in_dim3A_83 {strides = array<i32>} : memref<8192xi32, #tpu.memory_space<vmem>>, vector<16xi32>,
    %swap3A_693 = arith.constant 4880 : index
    %swap3A_694 = tpu.vector_load %arg8[%swap3A_693] {strides = array<i32>} : memref<8192xi32, #tpu.memory_space<vmem>>, vector<16xi32>,
    tpu.vector_store %arg8[%swap3A_693], %broadcast_in_dim3A_83 {strides = array<i32>} : memref<8192xi32, #tpu.memory_space<vmem>>, vector<16xi32>,
    %swap3A_695 = arith.constant 4896 : index
    %swap3A_696 = tpu.vector_load %arg8[%swap3A_695] {strides = array<i32>} : memref<8192xi32, #tpu.memory_space<vmem>>, vector<16xi32>,
    tpu.vector_store %arg8[%swap3A_695], %broadcast_in_dim3A_83 {strides = array<i32>} : memref<8192xi32, #tpu.memory_space<vmem>>, vector<16xi32>,
    %swap3A_697 = arith.constant 4912 : index
    %swap3A_698 = tpu.vector_load %arg8[%swap3A_697] {strides = array<i32>} : memref<8192xi32, #tpu.memory_space<vmem>>, vector<16xi32>,
    tpu.vector_store %arg8[%swap3A_697], %broadcast_in_dim3A_83 {strides = array<i32>} : memref<8192xi32, #tpu.memory_space<vmem>>, vector<16xi32>,
    %swap3A_699 = arith.constant 4928 : index
    %swap3A_700 = tpu.vector_load %arg8[%swap3A_699] {strides = array<i32>} : memref<8192xi32, #tpu.memory_space<vmem>>, vector<16xi32>,
    tpu.vector_store %arg8[%swap3A_699], %broadcast_in_dim3A_83 {strides = array<i32>} : memref<8192xi32, #tpu.memory_space<vmem>>, vector<16xi32>,
    %swap3A_701 = arith.constant 4944 : index
    %swap3A_702 = tpu.vector_load %arg8[%swap3A_701] {strides = array<i32>} : memref<8192xi32, #tpu.memory_space<vmem>>, vector<16xi32>,
    tpu.vector_store %arg8[%swap3A_701], %broadcast_in_dim3A_83 {strides = array<i32>} : memref<8192xi32, #tpu.memory_space<vmem>>, vector<16xi32>,
    %swap3A_703 = arith.constant 4960 : index
    %swap3A_704 = tpu.vector_load %arg8[%swap3A_703] {strides = array<i32>} : memref<8192xi32, #tpu.memory_space<vmem>>, vector<16xi32>,
    tpu.vector_store %arg8[%swap3A_703], %broadcast_in_dim3A_83 {strides = array<i32>} : memref<8192xi32, #tpu.memory_space<vmem>>, vector<16xi32>,
    %swap3A_705 = arith.constant 4976 : index
    %swap3A_706 = tpu.vector_load %arg8[%swap3A_705] {strides = array<i32>} : memref<8192xi32, #tpu.memory_space<vmem>>, vector<16xi32>,
    tpu.vector_store %arg8[%swap3A_705], %broadcast_in_dim3A_83 {strides = array<i32>} : memref<8192xi32, #tpu.memory_space<vmem>>, vector<16xi32>,
    %swap3A_707 = arith.constant 4992 : index
    %swap3A_708 = tpu.vector_load %arg8[%swap3A_707] {strides = array<i32>} : memref<8192xi32, #tpu.memory_space<vmem>>, vector<16xi32>,
    tpu.vector_store %arg8[%swap3A_707], %broadcast_in_dim3A_83 {strides = array<i32>} : memref<8192xi32, #tpu.memory_space<vmem>>, vector<16xi32>,
    %swap3A_709 = arith.constant 5008 : index
    %swap3A_710 = tpu.vector_load %arg8[%swap3A_709] {strides = array<i32>} : memref<8192xi32, #tpu.memory_space<vmem>>, vector<16xi32>,
    tpu.vector_store %arg8[%swap3A_709], %broadcast_in_dim3A_83 {strides = array<i32>} : memref<8192xi32, #tpu.memory_space<vmem>>, vector<16xi32>,
    %swap3A_711 = arith.constant 5024 : index
    %swap3A_712 = tpu.vector_load %arg8[%swap3A_711] {strides = array<i32>} : memref<8192xi32, #tpu.memory_space<vmem>>, vector<16xi32>,
    tpu.vector_store %arg8[%swap3A_711], %broadcast_in_dim3A_83 {strides = array<i32>} : memref<8192xi32, #tpu.memory_space<vmem>>, vector<16xi32>,
    %swap3A_713 = arith.constant 5040 : index
    %swap3A_714 = tpu.vector_load %arg8[%swap3A_713] {strides = array<i32>} : memref<8192xi32, #tpu.memory_space<vmem>>, vector<16xi32>,
    tpu.vector_store %arg8[%swap3A_713], %broadcast_in_dim3A_83 {strides = array<i32>} : memref<8192xi32, #tpu.memory_space<vmem>>, vector<16xi32>,
    %swap3A_715 = arith.constant 5056 : index
    %swap3A_716 = tpu.vector_load %arg8[%swap3A_715] {strides = array<i32>} : memref<8192xi32, #tpu.memory_space<vmem>>, vector<16xi32>,
    tpu.vector_store %arg8[%swap3A_715], %broadcast_in_dim3A_83 {strides = array<i32>} : memref<8192xi32, #tpu.memory_space<vmem>>, vector<16xi32>,
    %swap3A_717 = arith.constant 5072 : index
    %swap3A_718 = tpu.vector_load %arg8[%swap3A_717] {strides = array<i32>} : memref<8192xi32, #tpu.memory_space<vmem>>, vector<16xi32>,
    tpu.vector_store %arg8[%swap3A_717], %broadcast_in_dim3A_83 {strides = array<i32>} : memref<8192xi32, #tpu.memory_space<vmem>>, vector<16xi32>,
    %swap3A_719 = arith.constant 5088 : index
    %swap3A_720 = tpu.vector_load %arg8[%swap3A_719] {strides = array<i32>} : memref<8192xi32, #tpu.memory_space<vmem>>, vector<16xi32>,
    tpu.vector_store %arg8[%swap3A_719], %broadcast_in_dim3A_83 {strides = array<i32>} : memref<8192xi32, #tpu.memory_space<vmem>>, vector<16xi32>,
    %swap3A_721 = arith.constant 5104 : index
    %swap3A_722 = tpu.vector_load %arg8[%swap3A_721] {strides = array<i32>} : memref<8192xi32, #tpu.memory_space<vmem>>, vector<16xi32>,
    tpu.vector_store %arg8[%swap3A_721], %broadcast_in_dim3A_83 {strides = array<i32>} : memref<8192xi32, #tpu.memory_space<vmem>>, vector<16xi32>,
    %swap3A_723 = arith.constant 5120 : index
    %swap3A_724 = tpu.vector_load %arg8[%swap3A_723] {strides = array<i32>} : memref<8192xi32, #tpu.memory_space<vmem>>, vector<16xi32>,
    tpu.vector_store %arg8[%swap3A_723], %broadcast_in_dim3A_83 {strides = array<i32>} : memref<8192xi32, #tpu.memory_space<vmem>>, vector<16xi32>,
    %swap3A_725 = arith.constant 5136 : index
    %swap3A_726 = tpu.vector_load %arg8[%swap3A_725] {strides = array<i32>} : memref<8192xi32, #tpu.memory_space<vmem>>, vector<16xi32>,
    tpu.vector_store %arg8[%swap3A_725], %broadcast_in_dim3A_83 {strides = array<i32>} : memref<8192xi32, #tpu.memory_space<vmem>>, vector<16xi32>,
    %swap3A_727 = arith.constant 5152 : index
    %swap3A_728 = tpu.vector_load %arg8[%swap3A_727] {strides = array<i32>} : memref<8192xi32, #tpu.memory_space<vmem>>, vector<16xi32>,
    tpu.vector_store %arg8[%swap3A_727], %broadcast_in_dim3A_83 {strides = array<i32>} : memref<8192xi32, #tpu.memory_space<vmem>>, vector<16xi32>,
    %swap3A_729 = arith.constant 5168 : index
    %swap3A_730 = tpu.vector_load %arg8[%swap3A_729] {strides = array<i32>} : memref<8192xi32, #tpu.memory_space<vmem>>, vector<16xi32>,
    tpu.vector_store %arg8[%swap3A_729], %broadcast_in_dim3A_83 {strides = array<i32>} : memref<8192xi32, #tpu.memory_space<vmem>>, vector<16xi32>,
    %swap3A_731 = arith.constant 5184 : index
    %swap3A_732 = tpu.vector_load %arg8[%swap3A_731] {strides = array<i32>} : memref<8192xi32, #tpu.memory_space<vmem>>, vector<16xi32>,
    tpu.vector_store %arg8[%swap3A_731], %broadcast_in_dim3A_83 {strides = array<i32>} : memref<8192xi32, #tpu.memory_space<vmem>>, vector<16xi32>,
    %swap3A_733 = arith.constant 5200 : index
    %swap3A_734 = tpu.vector_load %arg8[%swap3A_733] {strides = array<i32>} : memref<8192xi32, #tpu.memory_space<vmem>>, vector<16xi32>,
    tpu.vector_store %arg8[%swap3A_733], %broadcast_in_dim3A_83 {strides = array<i32>} : memref<8192xi32, #tpu.memory_space<vmem>>, vector<16xi32>,
    %swap3A_735 = arith.constant 5216 : index
    %swap3A_736 = tpu.vector_load %arg8[%swap3A_735] {strides = array<i32>} : memref<8192xi32, #tpu.memory_space<vmem>>, vector<16xi32>,
    tpu.vector_store %arg8[%swap3A_735], %broadcast_in_dim3A_83 {strides = array<i32>} : memref<8192xi32, #tpu.memory_space<vmem>>, vector<16xi32>,
    %swap3A_737 = arith.constant 5232 : index
    %swap3A_738 = tpu.vector_load %arg8[%swap3A_737] {strides = array<i32>} : memref<8192xi32, #tpu.memory_space<vmem>>, vector<16xi32>,
    tpu.vector_store %arg8[%swap3A_737], %broadcast_in_dim3A_83 {strides = array<i32>} : memref<8192xi32, #tpu.memory_space<vmem>>, vector<16xi32>,
    %swap3A_739 = arith.constant 5248 : index
    %swap3A_740 = tpu.vector_load %arg8[%swap3A_739] {strides = array<i32>} : memref<8192xi32, #tpu.memory_space<vmem>>, vector<16xi32>,
    tpu.vector_store %arg8[%swap3A_739], %broadcast_in_dim3A_83 {strides = array<i32>} : memref<8192xi32, #tpu.memory_space<vmem>>, vector<16xi32>,
    %swap3A_741 = arith.constant 5264 : index
    %swap3A_742 = tpu.vector_load %arg8[%swap3A_741] {strides = array<i32>} : memref<8192xi32, #tpu.memory_space<vmem>>, vector<16xi32>,
    tpu.vector_store %arg8[%swap3A_741], %broadcast_in_dim3A_83 {strides = array<i32>} : memref<8192xi32, #tpu.memory_space<vmem>>, vector<16xi32>,
    %swap3A_743 = arith.constant 5280 : index
    %swap3A_744 = tpu.vector_load %arg8[%swap3A_743] {strides = array<i32>} : memref<8192xi32, #tpu.memory_space<vmem>>, vector<16xi32>,
    tpu.vector_store %arg8[%swap3A_743], %broadcast_in_dim3A_83 {strides = array<i32>} : memref<8192xi32, #tpu.memory_space<vmem>>, vector<16xi32>,
    %swap3A_745 = arith.constant 5296 : index
    %swap3A_746 = tpu.vector_load %arg8[%swap3A_745] {strides = array<i32>} : memref<8192xi32, #tpu.memory_space<vmem>>, vector<16xi32>,
    tpu.vector_store %arg8[%swap3A_745], %broadcast_in_dim3A_83 {strides = array<i32>} : memref<8192xi32, #tpu.memory_space<vmem>>, vector<16xi32>,
    %swap3A_747 = arith.constant 5312 : index
    %swap3A_748 = tpu.vector_load %arg8[%swap3A_747] {strides = array<i32>} : memref<8192xi32, #tpu.memory_space<vmem>>, vector<16xi32>,
    tpu.vector_store %arg8[%swap3A_747], %broadcast_in_dim3A_83 {strides = array<i32>} : memref<8192xi32, #tpu.memory_space<vmem>>, vector<16xi32>,
    %swap3A_749 = arith.constant 5328 : index
    %swap3A_750 = tpu.vector_load %arg8[%swap3A_749] {strides = array<i32>} : memref<8192xi32, #tpu.memory_space<vmem>>, vector<16xi32>,
    tpu.vector_store %arg8[%swap3A_749], %broadcast_in_dim3A_83 {strides = array<i32>} : memref<8192xi32, #tpu.memory_space<vmem>>, vector<16xi32>,
    %swap3A_751 = arith.constant 5344 : index
    %swap3A_752 = tpu.vector_load %arg8[%swap3A_751] {strides = array<i32>} : memref<8192xi32, #tpu.memory_space<vmem>>, vector<16xi32>,
    tpu.vector_store %arg8[%swap3A_751], %broadcast_in_dim3A_83 {strides = array<i32>} : memref<8192xi32, #tpu.memory_space<vmem>>, vector<16xi32>,
    %swap3A_753 = arith.constant 5360 : index
    %swap3A_754 = tpu.vector_load %arg8[%swap3A_753] {strides = array<i32>} : memref<8192xi32, #tpu.memory_space<vmem>>, vector<16xi32>,
    tpu.vector_store %arg8[%swap3A_753], %broadcast_in_dim3A_83 {strides = array<i32>} : memref<8192xi32, #tpu.memory_space<vmem>>, vector<16xi32>,
    %swap3A_755 = arith.constant 5376 : index
    %swap3A_756 = tpu.vector_load %arg8[%swap3A_755] {strides = array<i32>} : memref<8192xi32, #tpu.memory_space<vmem>>, vector<16xi32>,
    tpu.vector_store %arg8[%swap3A_755], %broadcast_in_dim3A_83 {strides = array<i32>} : memref<8192xi32, #tpu.memory_space<vmem>>, vector<16xi32>,
    %swap3A_757 = arith.constant 5392 : index
    %swap3A_758 = tpu.vector_load %arg8[%swap3A_757] {strides = array<i32>} : memref<8192xi32, #tpu.memory_space<vmem>>, vector<16xi32>,
    tpu.vector_store %arg8[%swap3A_757], %broadcast_in_dim3A_83 {strides = array<i32>} : memref<8192xi32, #tpu.memory_space<vmem>>, vector<16xi32>,
    %swap3A_759 = arith.constant 5408 : index
    %swap3A_760 = tpu.vector_load %arg8[%swap3A_759] {strides = array<i32>} : memref<8192xi32, #tpu.memory_space<vmem>>, vector<16xi32>,
    tpu.vector_store %arg8[%swap3A_759], %broadcast_in_dim3A_83 {strides = array<i32>} : memref<8192xi32, #tpu.memory_space<vmem>>, vector<16xi32>,
    %swap3A_761 = arith.constant 5424 : index
    %swap3A_762 = tpu.vector_load %arg8[%swap3A_761] {strides = array<i32>} : memref<8192xi32, #tpu.memory_space<vmem>>, vector<16xi32>,
    tpu.vector_store %arg8[%swap3A_761], %broadcast_in_dim3A_83 {strides = array<i32>} : memref<8192xi32, #tpu.memory_space<vmem>>, vector<16xi32>,
    %swap3A_763 = arith.constant 5440 : index
    %swap3A_764 = tpu.vector_load %arg8[%swap3A_763] {strides = array<i32>} : memref<8192xi32, #tpu.memory_space<vmem>>, vector<16xi32>,
    tpu.vector_store %arg8[%swap3A_763], %broadcast_in_dim3A_83 {strides = array<i32>} : memref<8192xi32, #tpu.memory_space<vmem>>, vector<16xi32>,
    %swap3A_765 = arith.constant 5456 : index
    %swap3A_766 = tpu.vector_load %arg8[%swap3A_765] {strides = array<i32>} : memref<8192xi32, #tpu.memory_space<vmem>>, vector<16xi32>,
    tpu.vector_store %arg8[%swap3A_765], %broadcast_in_dim3A_83 {strides = array<i32>} : memref<8192xi32, #tpu.memory_space<vmem>>, vector<16xi32>,
    %swap3A_767 = arith.constant 5472 : index
    %swap3A_768 = tpu.vector_load %arg8[%swap3A_767] {strides = array<i32>} : memref<8192xi32, #tpu.memory_space<vmem>>, vector<16xi32>,
    tpu.vector_store %arg8[%swap3A_767], %broadcast_in_dim3A_83 {strides = array<i32>} : memref<8192xi32, #tpu.memory_space<vmem>>, vector<16xi32>,
    %swap3A_769 = arith.constant 5488 : index
    %swap3A_770 = tpu.vector_load %arg8[%swap3A_769] {strides = array<i32>} : memref<8192xi32, #tpu.memory_space<vmem>>, vector<16xi32>,
    tpu.vector_store %arg8[%swap3A_769], %broadcast_in_dim3A_83 {strides = array<i32>} : memref<8192xi32, #tpu.memory_space<vmem>>, vector<16xi32>,
    %swap3A_771 = arith.constant 5504 : index
    %swap3A_772 = tpu.vector_load %arg8[%swap3A_771] {strides = array<i32>} : memref<8192xi32, #tpu.memory_space<vmem>>, vector<16xi32>,
    tpu.vector_store %arg8[%swap3A_771], %broadcast_in_dim3A_83 {strides = array<i32>} : memref<8192xi32, #tpu.memory_space<vmem>>, vector<16xi32>,
    %swap3A_773 = arith.constant 5520 : index
    %swap3A_774 = tpu.vector_load %arg8[%swap3A_773] {strides = array<i32>} : memref<8192xi32, #tpu.memory_space<vmem>>, vector<16xi32>,
    tpu.vector_store %arg8[%swap3A_773], %broadcast_in_dim3A_83 {strides = array<i32>} : memref<8192xi32, #tpu.memory_space<vmem>>, vector<16xi32>,
    %swap3A_775 = arith.constant 5536 : index
    %swap3A_776 = tpu.vector_load %arg8[%swap3A_775] {strides = array<i32>} : memref<8192xi32, #tpu.memory_space<vmem>>, vector<16xi32>,
    tpu.vector_store %arg8[%swap3A_775], %broadcast_in_dim3A_83 {strides = array<i32>} : memref<8192xi32, #tpu.memory_space<vmem>>, vector<16xi32>,
    %swap3A_777 = arith.constant 5552 : index
    %swap3A_778 = tpu.vector_load %arg8[%swap3A_777] {strides = array<i32>} : memref<8192xi32, #tpu.memory_space<vmem>>, vector<16xi32>,
    tpu.vector_store %arg8[%swap3A_777], %broadcast_in_dim3A_83 {strides = array<i32>} : memref<8192xi32, #tpu.memory_space<vmem>>, vector<16xi32>,
    %swap3A_779 = arith.constant 5568 : index
    %swap3A_780 = tpu.vector_load %arg8[%swap3A_779] {strides = array<i32>} : memref<8192xi32, #tpu.memory_space<vmem>>, vector<16xi32>,
    tpu.vector_store %arg8[%swap3A_779], %broadcast_in_dim3A_83 {strides = array<i32>} : memref<8192xi32, #tpu.memory_space<vmem>>, vector<16xi32>,
    %swap3A_781 = arith.constant 5584 : index
    %swap3A_782 = tpu.vector_load %arg8[%swap3A_781] {strides = array<i32>} : memref<8192xi32, #tpu.memory_space<vmem>>, vector<16xi32>,
    tpu.vector_store %arg8[%swap3A_781], %broadcast_in_dim3A_83 {strides = array<i32>} : memref<8192xi32, #tpu.memory_space<vmem>>, vector<16xi32>,
    %swap3A_783 = arith.constant 5600 : index
    %swap3A_784 = tpu.vector_load %arg8[%swap3A_783] {strides = array<i32>} : memref<8192xi32, #tpu.memory_space<vmem>>, vector<16xi32>,
    tpu.vector_store %arg8[%swap3A_783], %broadcast_in_dim3A_83 {strides = array<i32>} : memref<8192xi32, #tpu.memory_space<vmem>>, vector<16xi32>,
    %swap3A_785 = arith.constant 5616 : index
    %swap3A_786 = tpu.vector_load %arg8[%swap3A_785] {strides = array<i32>} : memref<8192xi32, #tpu.memory_space<vmem>>, vector<16xi32>,
    tpu.vector_store %arg8[%swap3A_785], %broadcast_in_dim3A_83 {strides = array<i32>} : memref<8192xi32, #tpu.memory_space<vmem>>, vector<16xi32>,
    %swap3A_787 = arith.constant 5632 : index
    %swap3A_788 = tpu.vector_load %arg8[%swap3A_787] {strides = array<i32>} : memref<8192xi32, #tpu.memory_space<vmem>>, vector<16xi32>,
    tpu.vector_store %arg8[%swap3A_787], %broadcast_in_dim3A_83 {strides = array<i32>} : memref<8192xi32, #tpu.memory_space<vmem>>, vector<16xi32>,
    %swap3A_789 = arith.constant 5648 : index
    %swap3A_790 = tpu.vector_load %arg8[%swap3A_789] {strides = array<i32>} : memref<8192xi32, #tpu.memory_space<vmem>>, vector<16xi32>,
    tpu.vector_store %arg8[%swap3A_789], %broadcast_in_dim3A_83 {strides = array<i32>} : memref<8192xi32, #tpu.memory_space<vmem>>, vector<16xi32>,
    %swap3A_791 = arith.constant 5664 : index
    %swap3A_792 = tpu.vector_load %arg8[%swap3A_791] {strides = array<i32>} : memref<8192xi32, #tpu.memory_space<vmem>>, vector<16xi32>,
    tpu.vector_store %arg8[%swap3A_791], %broadcast_in_dim3A_83 {strides = array<i32>} : memref<8192xi32, #tpu.memory_space<vmem>>, vector<16xi32>,
    %swap3A_793 = arith.constant 5680 : index
    %swap3A_794 = tpu.vector_load %arg8[%swap3A_793] {strides = array<i32>} : memref<8192xi32, #tpu.memory_space<vmem>>, vector<16xi32>,
    tpu.vector_store %arg8[%swap3A_793], %broadcast_in_dim3A_83 {strides = array<i32>} : memref<8192xi32, #tpu.memory_space<vmem>>, vector<16xi32>,
    %swap3A_795 = arith.constant 5696 : index
    %swap3A_796 = tpu.vector_load %arg8[%swap3A_795] {strides = array<i32>} : memref<8192xi32, #tpu.memory_space<vmem>>, vector<16xi32>,
    tpu.vector_store %arg8[%swap3A_795], %broadcast_in_dim3A_83 {strides = array<i32>} : memref<8192xi32, #tpu.memory_space<vmem>>, vector<16xi32>,
    %swap3A_797 = arith.constant 5712 : index
    %swap3A_798 = tpu.vector_load %arg8[%swap3A_797] {strides = array<i32>} : memref<8192xi32, #tpu.memory_space<vmem>>, vector<16xi32>,
    tpu.vector_store %arg8[%swap3A_797], %broadcast_in_dim3A_83 {strides = array<i32>} : memref<8192xi32, #tpu.memory_space<vmem>>, vector<16xi32>,
    %swap3A_799 = arith.constant 5728 : index
    %swap3A_800 = tpu.vector_load %arg8[%swap3A_799] {strides = array<i32>} : memref<8192xi32, #tpu.memory_space<vmem>>, vector<16xi32>,
    tpu.vector_store %arg8[%swap3A_799], %broadcast_in_dim3A_83 {strides = array<i32>} : memref<8192xi32, #tpu.memory_space<vmem>>, vector<16xi32>,
    %swap3A_801 = arith.constant 5744 : index
    %swap3A_802 = tpu.vector_load %arg8[%swap3A_801] {strides = array<i32>} : memref<8192xi32, #tpu.memory_space<vmem>>, vector<16xi32>,
    tpu.vector_store %arg8[%swap3A_801], %broadcast_in_dim3A_83 {strides = array<i32>} : memref<8192xi32, #tpu.memory_space<vmem>>, vector<16xi32>,
    %swap3A_803 = arith.constant 5760 : index
    %swap3A_804 = tpu.vector_load %arg8[%swap3A_803] {strides = array<i32>} : memref<8192xi32, #tpu.memory_space<vmem>>, vector<16xi32>,
    tpu.vector_store %arg8[%swap3A_803], %broadcast_in_dim3A_83 {strides = array<i32>} : memref<8192xi32, #tpu.memory_space<vmem>>, vector<16xi32>,
    %swap3A_805 = arith.constant 5776 : index
    %swap3A_806 = tpu.vector_load %arg8[%swap3A_805] {strides = array<i32>} : memref<8192xi32, #tpu.memory_space<vmem>>, vector<16xi32>,
    tpu.vector_store %arg8[%swap3A_805], %broadcast_in_dim3A_83 {strides = array<i32>} : memref<8192xi32, #tpu.memory_space<vmem>>, vector<16xi32>,
    %swap3A_807 = arith.constant 5792 : index
    %swap3A_808 = tpu.vector_load %arg8[%swap3A_807] {strides = array<i32>} : memref<8192xi32, #tpu.memory_space<vmem>>, vector<16xi32>,
    tpu.vector_store %arg8[%swap3A_807], %broadcast_in_dim3A_83 {strides = array<i32>} : memref<8192xi32, #tpu.memory_space<vmem>>, vector<16xi32>,
    %swap3A_809 = arith.constant 5808 : index
    %swap3A_810 = tpu.vector_load %arg8[%swap3A_809] {strides = array<i32>} : memref<8192xi32, #tpu.memory_space<vmem>>, vector<16xi32>,
    tpu.vector_store %arg8[%swap3A_809], %broadcast_in_dim3A_83 {strides = array<i32>} : memref<8192xi32, #tpu.memory_space<vmem>>, vector<16xi32>,
    %swap3A_811 = arith.constant 5824 : index
    %swap3A_812 = tpu.vector_load %arg8[%swap3A_811] {strides = array<i32>} : memref<8192xi32, #tpu.memory_space<vmem>>, vector<16xi32>,
    tpu.vector_store %arg8[%swap3A_811], %broadcast_in_dim3A_83 {strides = array<i32>} : memref<8192xi32, #tpu.memory_space<vmem>>, vector<16xi32>,
    %swap3A_813 = arith.constant 5840 : index
    %swap3A_814 = tpu.vector_load %arg8[%swap3A_813] {strides = array<i32>} : memref<8192xi32, #tpu.memory_space<vmem>>, vector<16xi32>,
    tpu.vector_store %arg8[%swap3A_813], %broadcast_in_dim3A_83 {strides = array<i32>} : memref<8192xi32, #tpu.memory_space<vmem>>, vector<16xi32>,
    %swap3A_815 = arith.constant 5856 : index
    %swap3A_816 = tpu.vector_load %arg8[%swap3A_815] {strides = array<i32>} : memref<8192xi32, #tpu.memory_space<vmem>>, vector<16xi32>,
    tpu.vector_store %arg8[%swap3A_815], %broadcast_in_dim3A_83 {strides = array<i32>} : memref<8192xi32, #tpu.memory_space<vmem>>, vector<16xi32>,
    %swap3A_817 = arith.constant 5872 : index
    %swap3A_818 = tpu.vector_load %arg8[%swap3A_817] {strides = array<i32>} : memref<8192xi32, #tpu.memory_space<vmem>>, vector<16xi32>,
    tpu.vector_store %arg8[%swap3A_817], %broadcast_in_dim3A_83 {strides = array<i32>} : memref<8192xi32, #tpu.memory_space<vmem>>, vector<16xi32>,
    %swap3A_819 = arith.constant 5888 : index
    %swap3A_820 = tpu.vector_load %arg8[%swap3A_819] {strides = array<i32>} : memref<8192xi32, #tpu.memory_space<vmem>>, vector<16xi32>,
    tpu.vector_store %arg8[%swap3A_819], %broadcast_in_dim3A_83 {strides = array<i32>} : memref<8192xi32, #tpu.memory_space<vmem>>, vector<16xi32>,
    %swap3A_821 = arith.constant 5904 : index
    %swap3A_822 = tpu.vector_load %arg8[%swap3A_821] {strides = array<i32>} : memref<8192xi32, #tpu.memory_space<vmem>>, vector<16xi32>,
    tpu.vector_store %arg8[%swap3A_821], %broadcast_in_dim3A_83 {strides = array<i32>} : memref<8192xi32, #tpu.memory_space<vmem>>, vector<16xi32>,
    %swap3A_823 = arith.constant 5920 : index
    %swap3A_824 = tpu.vector_load %arg8[%swap3A_823] {strides = array<i32>} : memref<8192xi32, #tpu.memory_space<vmem>>, vector<16xi32>,
    tpu.vector_store %arg8[%swap3A_823], %broadcast_in_dim3A_83 {strides = array<i32>} : memref<8192xi32, #tpu.memory_space<vmem>>, vector<16xi32>,
    %swap3A_825 = arith.constant 5936 : index
    %swap3A_826 = tpu.vector_load %arg8[%swap3A_825] {strides = array<i32>} : memref<8192xi32, #tpu.memory_space<vmem>>, vector<16xi32>,
    tpu.vector_store %arg8[%swap3A_825], %broadcast_in_dim3A_83 {strides = array<i32>} : memref<8192xi32, #tpu.memory_space<vmem>>, vector<16xi32>,
    %swap3A_827 = arith.constant 5952 : index
    %swap3A_828 = tpu.vector_load %arg8[%swap3A_827] {strides = array<i32>} : memref<8192xi32, #tpu.memory_space<vmem>>, vector<16xi32>,
    tpu.vector_store %arg8[%swap3A_827], %broadcast_in_dim3A_83 {strides = array<i32>} : memref<8192xi32, #tpu.memory_space<vmem>>, vector<16xi32>,
    %swap3A_829 = arith.constant 5968 : index
    %swap3A_830 = tpu.vector_load %arg8[%swap3A_829] {strides = array<i32>} : memref<8192xi32, #tpu.memory_space<vmem>>, vector<16xi32>,
    tpu.vector_store %arg8[%swap3A_829], %broadcast_in_dim3A_83 {strides = array<i32>} : memref<8192xi32, #tpu.memory_space<vmem>>, vector<16xi32>,
    %swap3A_831 = arith.constant 5984 : index
    %swap3A_832 = tpu.vector_load %arg8[%swap3A_831] {strides = array<i32>} : memref<8192xi32, #tpu.memory_space<vmem>>, vector<16xi32>,
    tpu.vector_store %arg8[%swap3A_831], %broadcast_in_dim3A_83 {strides = array<i32>} : memref<8192xi32, #tpu.memory_space<vmem>>, vector<16xi32>,
    %swap3A_833 = arith.constant 6000 : index
    %swap3A_834 = tpu.vector_load %arg8[%swap3A_833] {strides = array<i32>} : memref<8192xi32, #tpu.memory_space<vmem>>, vector<16xi32>,
    tpu.vector_store %arg8[%swap3A_833], %broadcast_in_dim3A_83 {strides = array<i32>} : memref<8192xi32, #tpu.memory_space<vmem>>, vector<16xi32>,
    %swap3A_835 = arith.constant 6016 : index
    %swap3A_836 = tpu.vector_load %arg8[%swap3A_835] {strides = array<i32>} : memref<8192xi32, #tpu.memory_space<vmem>>, vector<16xi32>,
    tpu.vector_store %arg8[%swap3A_835], %broadcast_in_dim3A_83 {strides = array<i32>} : memref<8192xi32, #tpu.memory_space<vmem>>, vector<16xi32>,
    %swap3A_837 = arith.constant 6032 : index
    %swap3A_838 = tpu.vector_load %arg8[%swap3A_837] {strides = array<i32>} : memref<8192xi32, #tpu.memory_space<vmem>>, vector<16xi32>,
    tpu.vector_store %arg8[%swap3A_837], %broadcast_in_dim3A_83 {strides = array<i32>} : memref<8192xi32, #tpu.memory_space<vmem>>, vector<16xi32>,
    %swap3A_839 = arith.constant 6048 : index
    %swap3A_840 = tpu.vector_load %arg8[%swap3A_839] {strides = array<i32>} : memref<8192xi32, #tpu.memory_space<vmem>>, vector<16xi32>,
    tpu.vector_store %arg8[%swap3A_839], %broadcast_in_dim3A_83 {strides = array<i32>} : memref<8192xi32, #tpu.memory_space<vmem>>, vector<16xi32>,
    %swap3A_841 = arith.constant 6064 : index
    %swap3A_842 = tpu.vector_load %arg8[%swap3A_841] {strides = array<i32>} : memref<8192xi32, #tpu.memory_space<vmem>>, vector<16xi32>,
    tpu.vector_store %arg8[%swap3A_841], %broadcast_in_dim3A_83 {strides = array<i32>} : memref<8192xi32, #tpu.memory_space<vmem>>, vector<16xi32>,
    %swap3A_843 = arith.constant 6080 : index
    %swap3A_844 = tpu.vector_load %arg8[%swap3A_843] {strides = array<i32>} : memref<8192xi32, #tpu.memory_space<vmem>>, vector<16xi32>,
    tpu.vector_store %arg8[%swap3A_843], %broadcast_in_dim3A_83 {strides = array<i32>} : memref<8192xi32, #tpu.memory_space<vmem>>, vector<16xi32>,
    %swap3A_845 = arith.constant 6096 : index
    %swap3A_846 = tpu.vector_load %arg8[%swap3A_845] {strides = array<i32>} : memref<8192xi32, #tpu.memory_space<vmem>>, vector<16xi32>,
    tpu.vector_store %arg8[%swap3A_845], %broadcast_in_dim3A_83 {strides = array<i32>} : memref<8192xi32, #tpu.memory_space<vmem>>, vector<16xi32>,
    %swap3A_847 = arith.constant 6112 : index
    %swap3A_848 = tpu.vector_load %arg8[%swap3A_847] {strides = array<i32>} : memref<8192xi32, #tpu.memory_space<vmem>>, vector<16xi32>,
    tpu.vector_store %arg8[%swap3A_847], %broadcast_in_dim3A_83 {strides = array<i32>} : memref<8192xi32, #tpu.memory_space<vmem>>, vector<16xi32>,
    %swap3A_849 = arith.constant 6128 : index
    %swap3A_850 = tpu.vector_load %arg8[%swap3A_849] {strides = array<i32>} : memref<8192xi32, #tpu.memory_space<vmem>>, vector<16xi32>,
    tpu.vector_store %arg8[%swap3A_849], %broadcast_in_dim3A_83 {strides = array<i32>} : memref<8192xi32, #tpu.memory_space<vmem>>, vector<16xi32>,
    %swap3A_851 = arith.constant 6144 : index
    %swap3A_852 = tpu.vector_load %arg8[%swap3A_851] {strides = array<i32>} : memref<8192xi32, #tpu.memory_space<vmem>>, vector<16xi32>,
    tpu.vector_store %arg8[%swap3A_851], %broadcast_in_dim3A_83 {strides = array<i32>} : memref<8192xi32, #tpu.memory_space<vmem>>, vector<16xi32>,
    %swap3A_853 = arith.constant 6160 : index
    %swap3A_854 = tpu.vector_load %arg8[%swap3A_853] {strides = array<i32>} : memref<8192xi32, #tpu.memory_space<vmem>>, vector<16xi32>,
    tpu.vector_store %arg8[%swap3A_853], %broadcast_in_dim3A_83 {strides = array<i32>} : memref<8192xi32, #tpu.memory_space<vmem>>, vector<16xi32>,
    %swap3A_855 = arith.constant 6176 : index
    %swap3A_856 = tpu.vector_load %arg8[%swap3A_855] {strides = array<i32>} : memref<8192xi32, #tpu.memory_space<vmem>>, vector<16xi32>,
    tpu.vector_store %arg8[%swap3A_855], %broadcast_in_dim3A_83 {strides = array<i32>} : memref<8192xi32, #tpu.memory_space<vmem>>, vector<16xi32>,
    %swap3A_857 = arith.constant 6192 : index
    %swap3A_858 = tpu.vector_load %arg8[%swap3A_857] {strides = array<i32>} : memref<8192xi32, #tpu.memory_space<vmem>>, vector<16xi32>,
    tpu.vector_store %arg8[%swap3A_857], %broadcast_in_dim3A_83 {strides = array<i32>} : memref<8192xi32, #tpu.memory_space<vmem>>, vector<16xi32>,
    %swap3A_859 = arith.constant 6208 : index
    %swap3A_860 = tpu.vector_load %arg8[%swap3A_859] {strides = array<i32>} : memref<8192xi32, #tpu.memory_space<vmem>>, vector<16xi32>,
    tpu.vector_store %arg8[%swap3A_859], %broadcast_in_dim3A_83 {strides = array<i32>} : memref<8192xi32, #tpu.memory_space<vmem>>, vector<16xi32>,
    %swap3A_861 = arith.constant 6224 : index
    %swap3A_862 = tpu.vector_load %arg8[%swap3A_861] {strides = array<i32>} : memref<8192xi32, #tpu.memory_space<vmem>>, vector<16xi32>,
    tpu.vector_store %arg8[%swap3A_861], %broadcast_in_dim3A_83 {strides = array<i32>} : memref<8192xi32, #tpu.memory_space<vmem>>, vector<16xi32>,
    %swap3A_863 = arith.constant 6240 : index
    %swap3A_864 = tpu.vector_load %arg8[%swap3A_863] {strides = array<i32>} : memref<8192xi32, #tpu.memory_space<vmem>>, vector<16xi32>,
    tpu.vector_store %arg8[%swap3A_863], %broadcast_in_dim3A_83 {strides = array<i32>} : memref<8192xi32, #tpu.memory_space<vmem>>, vector<16xi32>,
    %swap3A_865 = arith.constant 6256 : index
    %swap3A_866 = tpu.vector_load %arg8[%swap3A_865] {strides = array<i32>} : memref<8192xi32, #tpu.memory_space<vmem>>, vector<16xi32>,
    tpu.vector_store %arg8[%swap3A_865], %broadcast_in_dim3A_83 {strides = array<i32>} : memref<8192xi32, #tpu.memory_space<vmem>>, vector<16xi32>,
    %swap3A_867 = arith.constant 6272 : index
    %swap3A_868 = tpu.vector_load %arg8[%swap3A_867] {strides = array<i32>} : memref<8192xi32, #tpu.memory_space<vmem>>, vector<16xi32>,
    tpu.vector_store %arg8[%swap3A_867], %broadcast_in_dim3A_83 {strides = array<i32>} : memref<8192xi32, #tpu.memory_space<vmem>>, vector<16xi32>,
    %swap3A_869 = arith.constant 6288 : index
    %swap3A_870 = tpu.vector_load %arg8[%swap3A_869] {strides = array<i32>} : memref<8192xi32, #tpu.memory_space<vmem>>, vector<16xi32>,
    tpu.vector_store %arg8[%swap3A_869], %broadcast_in_dim3A_83 {strides = array<i32>} : memref<8192xi32, #tpu.memory_space<vmem>>, vector<16xi32>,
    %swap3A_871 = arith.constant 6304 : index
    %swap3A_872 = tpu.vector_load %arg8[%swap3A_871] {strides = array<i32>} : memref<8192xi32, #tpu.memory_space<vmem>>, vector<16xi32>,
    tpu.vector_store %arg8[%swap3A_871], %broadcast_in_dim3A_83 {strides = array<i32>} : memref<8192xi32, #tpu.memory_space<vmem>>, vector<16xi32>,
    %swap3A_873 = arith.constant 6320 : index
    %swap3A_874 = tpu.vector_load %arg8[%swap3A_873] {strides = array<i32>} : memref<8192xi32, #tpu.memory_space<vmem>>, vector<16xi32>,
    tpu.vector_store %arg8[%swap3A_873], %broadcast_in_dim3A_83 {strides = array<i32>} : memref<8192xi32, #tpu.memory_space<vmem>>, vector<16xi32>,
    %swap3A_875 = arith.constant 6336 : index
    %swap3A_876 = tpu.vector_load %arg8[%swap3A_875] {strides = array<i32>} : memref<8192xi32, #tpu.memory_space<vmem>>, vector<16xi32>,
    tpu.vector_store %arg8[%swap3A_875], %broadcast_in_dim3A_83 {strides = array<i32>} : memref<8192xi32, #tpu.memory_space<vmem>>, vector<16xi32>,
    %swap3A_877 = arith.constant 6352 : index
    %swap3A_878 = tpu.vector_load %arg8[%swap3A_877] {strides = array<i32>} : memref<8192xi32, #tpu.memory_space<vmem>>, vector<16xi32>,
    tpu.vector_store %arg8[%swap3A_877], %broadcast_in_dim3A_83 {strides = array<i32>} : memref<8192xi32, #tpu.memory_space<vmem>>, vector<16xi32>,
    %swap3A_879 = arith.constant 6368 : index
    %swap3A_880 = tpu.vector_load %arg8[%swap3A_879] {strides = array<i32>} : memref<8192xi32, #tpu.memory_space<vmem>>, vector<16xi32>,
    tpu.vector_store %arg8[%swap3A_879], %broadcast_in_dim3A_83 {strides = array<i32>} : memref<8192xi32, #tpu.memory_space<vmem>>, vector<16xi32>,
    %swap3A_881 = arith.constant 6384 : index
    %swap3A_882 = tpu.vector_load %arg8[%swap3A_881] {strides = array<i32>} : memref<8192xi32, #tpu.memory_space<vmem>>, vector<16xi32>,
    tpu.vector_store %arg8[%swap3A_881], %broadcast_in_dim3A_83 {strides = array<i32>} : memref<8192xi32, #tpu.memory_space<vmem>>, vector<16xi32>,
    %swap3A_883 = arith.constant 6400 : index
    %swap3A_884 = tpu.vector_load %arg8[%swap3A_883] {strides = array<i32>} : memref<8192xi32, #tpu.memory_space<vmem>>, vector<16xi32>,
    tpu.vector_store %arg8[%swap3A_883], %broadcast_in_dim3A_83 {strides = array<i32>} : memref<8192xi32, #tpu.memory_space<vmem>>, vector<16xi32>,
    %swap3A_885 = arith.constant 6416 : index
    %swap3A_886 = tpu.vector_load %arg8[%swap3A_885] {strides = array<i32>} : memref<8192xi32, #tpu.memory_space<vmem>>, vector<16xi32>,
    tpu.vector_store %arg8[%swap3A_885], %broadcast_in_dim3A_83 {strides = array<i32>} : memref<8192xi32, #tpu.memory_space<vmem>>, vector<16xi32>,
    %swap3A_887 = arith.constant 6432 : index
    %swap3A_888 = tpu.vector_load %arg8[%swap3A_887] {strides = array<i32>} : memref<8192xi32, #tpu.memory_space<vmem>>, vector<16xi32>,
    tpu.vector_store %arg8[%swap3A_887], %broadcast_in_dim3A_83 {strides = array<i32>} : memref<8192xi32, #tpu.memory_space<vmem>>, vector<16xi32>,
    %swap3A_889 = arith.constant 6448 : index
    %swap3A_890 = tpu.vector_load %arg8[%swap3A_889] {strides = array<i32>} : memref<8192xi32, #tpu.memory_space<vmem>>, vector<16xi32>,
    tpu.vector_store %arg8[%swap3A_889], %broadcast_in_dim3A_83 {strides = array<i32>} : memref<8192xi32, #tpu.memory_space<vmem>>, vector<16xi32>,
    %swap3A_891 = arith.constant 6464 : index
    %swap3A_892 = tpu.vector_load %arg8[%swap3A_891] {strides = array<i32>} : memref<8192xi32, #tpu.memory_space<vmem>>, vector<16xi32>,
    tpu.vector_store %arg8[%swap3A_891], %broadcast_in_dim3A_83 {strides = array<i32>} : memref<8192xi32, #tpu.memory_space<vmem>>, vector<16xi32>,
    %swap3A_893 = arith.constant 6480 : index
    %swap3A_894 = tpu.vector_load %arg8[%swap3A_893] {strides = array<i32>} : memref<8192xi32, #tpu.memory_space<vmem>>, vector<16xi32>,
    tpu.vector_store %arg8[%swap3A_893], %broadcast_in_dim3A_83 {strides = array<i32>} : memref<8192xi32, #tpu.memory_space<vmem>>, vector<16xi32>,
    %swap3A_895 = arith.constant 6496 : index
    %swap3A_896 = tpu.vector_load %arg8[%swap3A_895] {strides = array<i32>} : memref<8192xi32, #tpu.memory_space<vmem>>, vector<16xi32>,
    tpu.vector_store %arg8[%swap3A_895], %broadcast_in_dim3A_83 {strides = array<i32>} : memref<8192xi32, #tpu.memory_space<vmem>>, vector<16xi32>,
    %swap3A_897 = arith.constant 6512 : index
    %swap3A_898 = tpu.vector_load %arg8[%swap3A_897] {strides = array<i32>} : memref<8192xi32, #tpu.memory_space<vmem>>, vector<16xi32>,
    tpu.vector_store %arg8[%swap3A_897], %broadcast_in_dim3A_83 {strides = array<i32>} : memref<8192xi32, #tpu.memory_space<vmem>>, vector<16xi32>,
    %swap3A_899 = arith.constant 6528 : index
    %swap3A_900 = tpu.vector_load %arg8[%swap3A_899] {strides = array<i32>} : memref<8192xi32, #tpu.memory_space<vmem>>, vector<16xi32>,
    tpu.vector_store %arg8[%swap3A_899], %broadcast_in_dim3A_83 {strides = array<i32>} : memref<8192xi32, #tpu.memory_space<vmem>>, vector<16xi32>,
    %swap3A_901 = arith.constant 6544 : index
    %swap3A_902 = tpu.vector_load %arg8[%swap3A_901] {strides = array<i32>} : memref<8192xi32, #tpu.memory_space<vmem>>, vector<16xi32>,
    tpu.vector_store %arg8[%swap3A_901], %broadcast_in_dim3A_83 {strides = array<i32>} : memref<8192xi32, #tpu.memory_space<vmem>>, vector<16xi32>,
    %swap3A_903 = arith.constant 6560 : index
    %swap3A_904 = tpu.vector_load %arg8[%swap3A_903] {strides = array<i32>} : memref<8192xi32, #tpu.memory_space<vmem>>, vector<16xi32>,
    tpu.vector_store %arg8[%swap3A_903], %broadcast_in_dim3A_83 {strides = array<i32>} : memref<8192xi32, #tpu.memory_space<vmem>>, vector<16xi32>,
    %swap3A_905 = arith.constant 6576 : index
    %swap3A_906 = tpu.vector_load %arg8[%swap3A_905] {strides = array<i32>} : memref<8192xi32, #tpu.memory_space<vmem>>, vector<16xi32>,
    tpu.vector_store %arg8[%swap3A_905], %broadcast_in_dim3A_83 {strides = array<i32>} : memref<8192xi32, #tpu.memory_space<vmem>>, vector<16xi32>,
    %swap3A_907 = arith.constant 6592 : index
    %swap3A_908 = tpu.vector_load %arg8[%swap3A_907] {strides = array<i32>} : memref<8192xi32, #tpu.memory_space<vmem>>, vector<16xi32>,
    tpu.vector_store %arg8[%swap3A_907], %broadcast_in_dim3A_83 {strides = array<i32>} : memref<8192xi32, #tpu.memory_space<vmem>>, vector<16xi32>,
    %swap3A_909 = arith.constant 6608 : index
    %swap3A_910 = tpu.vector_load %arg8[%swap3A_909] {strides = array<i32>} : memref<8192xi32, #tpu.memory_space<vmem>>, vector<16xi32>,
    tpu.vector_store %arg8[%swap3A_909], %broadcast_in_dim3A_83 {strides = array<i32>} : memref<8192xi32, #tpu.memory_space<vmem>>, vector<16xi32>,
    %swap3A_911 = arith.constant 6624 : index
    %swap3A_912 = tpu.vector_load %arg8[%swap3A_911] {strides = array<i32>} : memref<8192xi32, #tpu.memory_space<vmem>>, vector<16xi32>,
    tpu.vector_store %arg8[%swap3A_911], %broadcast_in_dim3A_83 {strides = array<i32>} : memref<8192xi32, #tpu.memory_space<vmem>>, vector<16xi32>,
    %swap3A_913 = arith.constant 6640 : index
    %swap3A_914 = tpu.vector_load %arg8[%swap3A_913] {strides = array<i32>} : memref<8192xi32, #tpu.memory_space<vmem>>, vector<16xi32>,
    tpu.vector_store %arg8[%swap3A_913], %broadcast_in_dim3A_83 {strides = array<i32>} : memref<8192xi32, #tpu.memory_space<vmem>>, vector<16xi32>,
    %swap3A_915 = arith.constant 6656 : index
    %swap3A_916 = tpu.vector_load %arg8[%swap3A_915] {strides = array<i32>} : memref<8192xi32, #tpu.memory_space<vmem>>, vector<16xi32>,
    tpu.vector_store %arg8[%swap3A_915], %broadcast_in_dim3A_83 {strides = array<i32>} : memref<8192xi32, #tpu.memory_space<vmem>>, vector<16xi32>,
    %swap3A_917 = arith.constant 6672 : index
    %swap3A_918 = tpu.vector_load %arg8[%swap3A_917] {strides = array<i32>} : memref<8192xi32, #tpu.memory_space<vmem>>, vector<16xi32>,
    tpu.vector_store %arg8[%swap3A_917], %broadcast_in_dim3A_83 {strides = array<i32>} : memref<8192xi32, #tpu.memory_space<vmem>>, vector<16xi32>,
    %swap3A_919 = arith.constant 6688 : index
    %swap3A_920 = tpu.vector_load %arg8[%swap3A_919] {strides = array<i32>} : memref<8192xi32, #tpu.memory_space<vmem>>, vector<16xi32>,
    tpu.vector_store %arg8[%swap3A_919], %broadcast_in_dim3A_83 {strides = array<i32>} : memref<8192xi32, #tpu.memory_space<vmem>>, vector<16xi32>,
    %swap3A_921 = arith.constant 6704 : index
    %swap3A_922 = tpu.vector_load %arg8[%swap3A_921] {strides = array<i32>} : memref<8192xi32, #tpu.memory_space<vmem>>, vector<16xi32>,
    tpu.vector_store %arg8[%swap3A_921], %broadcast_in_dim3A_83 {strides = array<i32>} : memref<8192xi32, #tpu.memory_space<vmem>>, vector<16xi32>,
    %swap3A_923 = arith.constant 6720 : index
    %swap3A_924 = tpu.vector_load %arg8[%swap3A_923] {strides = array<i32>} : memref<8192xi32, #tpu.memory_space<vmem>>, vector<16xi32>,
    tpu.vector_store %arg8[%swap3A_923], %broadcast_in_dim3A_83 {strides = array<i32>} : memref<8192xi32, #tpu.memory_space<vmem>>, vector<16xi32>,
    %swap3A_925 = arith.constant 6736 : index
    %swap3A_926 = tpu.vector_load %arg8[%swap3A_925] {strides = array<i32>} : memref<8192xi32, #tpu.memory_space<vmem>>, vector<16xi32>,
    tpu.vector_store %arg8[%swap3A_925], %broadcast_in_dim3A_83 {strides = array<i32>} : memref<8192xi32, #tpu.memory_space<vmem>>, vector<16xi32>,
    %swap3A_927 = arith.constant 6752 : index
    %swap3A_928 = tpu.vector_load %arg8[%swap3A_927] {strides = array<i32>} : memref<8192xi32, #tpu.memory_space<vmem>>, vector<16xi32>,
    tpu.vector_store %arg8[%swap3A_927], %broadcast_in_dim3A_83 {strides = array<i32>} : memref<8192xi32, #tpu.memory_space<vmem>>, vector<16xi32>,
    %swap3A_929 = arith.constant 6768 : index
    %swap3A_930 = tpu.vector_load %arg8[%swap3A_929] {strides = array<i32>} : memref<8192xi32, #tpu.memory_space<vmem>>, vector<16xi32>,
    tpu.vector_store %arg8[%swap3A_929], %broadcast_in_dim3A_83 {strides = array<i32>} : memref<8192xi32, #tpu.memory_space<vmem>>, vector<16xi32>,
    %swap3A_931 = arith.constant 6784 : index
    %swap3A_932 = tpu.vector_load %arg8[%swap3A_931] {strides = array<i32>} : memref<8192xi32, #tpu.memory_space<vmem>>, vector<16xi32>,
    tpu.vector_store %arg8[%swap3A_931], %broadcast_in_dim3A_83 {strides = array<i32>} : memref<8192xi32, #tpu.memory_space<vmem>>, vector<16xi32>,
    %swap3A_933 = arith.constant 6800 : index
    %swap3A_934 = tpu.vector_load %arg8[%swap3A_933] {strides = array<i32>} : memref<8192xi32, #tpu.memory_space<vmem>>, vector<16xi32>,
    tpu.vector_store %arg8[%swap3A_933], %broadcast_in_dim3A_83 {strides = array<i32>} : memref<8192xi32, #tpu.memory_space<vmem>>, vector<16xi32>,
    %swap3A_935 = arith.constant 6816 : index
    %swap3A_936 = tpu.vector_load %arg8[%swap3A_935] {strides = array<i32>} : memref<8192xi32, #tpu.memory_space<vmem>>, vector<16xi32>,
    tpu.vector_store %arg8[%swap3A_935], %broadcast_in_dim3A_83 {strides = array<i32>} : memref<8192xi32, #tpu.memory_space<vmem>>, vector<16xi32>,
    %swap3A_937 = arith.constant 6832 : index
    %swap3A_938 = tpu.vector_load %arg8[%swap3A_937] {strides = array<i32>} : memref<8192xi32, #tpu.memory_space<vmem>>, vector<16xi32>,
    tpu.vector_store %arg8[%swap3A_937], %broadcast_in_dim3A_83 {strides = array<i32>} : memref<8192xi32, #tpu.memory_space<vmem>>, vector<16xi32>,
    %swap3A_939 = arith.constant 6848 : index
    %swap3A_940 = tpu.vector_load %arg8[%swap3A_939] {strides = array<i32>} : memref<8192xi32, #tpu.memory_space<vmem>>, vector<16xi32>,
    tpu.vector_store %arg8[%swap3A_939], %broadcast_in_dim3A_83 {strides = array<i32>} : memref<8192xi32, #tpu.memory_space<vmem>>, vector<16xi32>,
    %swap3A_941 = arith.constant 6864 : index
    %swap3A_942 = tpu.vector_load %arg8[%swap3A_941] {strides = array<i32>} : memref<8192xi32, #tpu.memory_space<vmem>>, vector<16xi32>,
    tpu.vector_store %arg8[%swap3A_941], %broadcast_in_dim3A_83 {strides = array<i32>} : memref<8192xi32, #tpu.memory_space<vmem>>, vector<16xi32>,
    %swap3A_943 = arith.constant 6880 : index
    %swap3A_944 = tpu.vector_load %arg8[%swap3A_943] {strides = array<i32>} : memref<8192xi32, #tpu.memory_space<vmem>>, vector<16xi32>,
    tpu.vector_store %arg8[%swap3A_943], %broadcast_in_dim3A_83 {strides = array<i32>} : memref<8192xi32, #tpu.memory_space<vmem>>, vector<16xi32>,
    %swap3A_945 = arith.constant 6896 : index
    %swap3A_946 = tpu.vector_load %arg8[%swap3A_945] {strides = array<i32>} : memref<8192xi32, #tpu.memory_space<vmem>>, vector<16xi32>,
    tpu.vector_store %arg8[%swap3A_945], %broadcast_in_dim3A_83 {strides = array<i32>} : memref<8192xi32, #tpu.memory_space<vmem>>, vector<16xi32>,
    %swap3A_947 = arith.constant 6912 : index
    %swap3A_948 = tpu.vector_load %arg8[%swap3A_947] {strides = array<i32>} : memref<8192xi32, #tpu.memory_space<vmem>>, vector<16xi32>,
    tpu.vector_store %arg8[%swap3A_947], %broadcast_in_dim3A_83 {strides = array<i32>} : memref<8192xi32, #tpu.memory_space<vmem>>, vector<16xi32>,
    %swap3A_949 = arith.constant 6928 : index
    %swap3A_950 = tpu.vector_load %arg8[%swap3A_949] {strides = array<i32>} : memref<8192xi32, #tpu.memory_space<vmem>>, vector<16xi32>,
    tpu.vector_store %arg8[%swap3A_949], %broadcast_in_dim3A_83 {strides = array<i32>} : memref<8192xi32, #tpu.memory_space<vmem>>, vector<16xi32>,
    %swap3A_951 = arith.constant 6944 : index
    %swap3A_952 = tpu.vector_load %arg8[%swap3A_951] {strides = array<i32>} : memref<8192xi32, #tpu.memory_space<vmem>>, vector<16xi32>,
    tpu.vector_store %arg8[%swap3A_951], %broadcast_in_dim3A_83 {strides = array<i32>} : memref<8192xi32, #tpu.memory_space<vmem>>, vector<16xi32>,
    %swap3A_953 = arith.constant 6960 : index
    %swap3A_954 = tpu.vector_load %arg8[%swap3A_953] {strides = array<i32>} : memref<8192xi32, #tpu.memory_space<vmem>>, vector<16xi32>,
    tpu.vector_store %arg8[%swap3A_953], %broadcast_in_dim3A_83 {strides = array<i32>} : memref<8192xi32, #tpu.memory_space<vmem>>, vector<16xi32>,
    %swap3A_955 = arith.constant 6976 : index
    %swap3A_956 = tpu.vector_load %arg8[%swap3A_955] {strides = array<i32>} : memref<8192xi32, #tpu.memory_space<vmem>>, vector<16xi32>,
    tpu.vector_store %arg8[%swap3A_955], %broadcast_in_dim3A_83 {strides = array<i32>} : memref<8192xi32, #tpu.memory_space<vmem>>, vector<16xi32>,
    %swap3A_957 = arith.constant 6992 : index
    %swap3A_958 = tpu.vector_load %arg8[%swap3A_957] {strides = array<i32>} : memref<8192xi32, #tpu.memory_space<vmem>>, vector<16xi32>,
    tpu.vector_store %arg8[%swap3A_957], %broadcast_in_dim3A_83 {strides = array<i32>} : memref<8192xi32, #tpu.memory_space<vmem>>, vector<16xi32>,
    %swap3A_959 = arith.constant 7008 : index
    %swap3A_960 = tpu.vector_load %arg8[%swap3A_959] {strides = array<i32>} : memref<8192xi32, #tpu.memory_space<vmem>>, vector<16xi32>,
    tpu.vector_store %arg8[%swap3A_959], %broadcast_in_dim3A_83 {strides = array<i32>} : memref<8192xi32, #tpu.memory_space<vmem>>, vector<16xi32>,
    %swap3A_961 = arith.constant 7024 : index
    %swap3A_962 = tpu.vector_load %arg8[%swap3A_961] {strides = array<i32>} : memref<8192xi32, #tpu.memory_space<vmem>>, vector<16xi32>,
    tpu.vector_store %arg8[%swap3A_961], %broadcast_in_dim3A_83 {strides = array<i32>} : memref<8192xi32, #tpu.memory_space<vmem>>, vector<16xi32>,
    %swap3A_963 = arith.constant 7040 : index
    %swap3A_964 = tpu.vector_load %arg8[%swap3A_963] {strides = array<i32>} : memref<8192xi32, #tpu.memory_space<vmem>>, vector<16xi32>,
    tpu.vector_store %arg8[%swap3A_963], %broadcast_in_dim3A_83 {strides = array<i32>} : memref<8192xi32, #tpu.memory_space<vmem>>, vector<16xi32>,
    %swap3A_965 = arith.constant 7056 : index
    %swap3A_966 = tpu.vector_load %arg8[%swap3A_965] {strides = array<i32>} : memref<8192xi32, #tpu.memory_space<vmem>>, vector<16xi32>,
    tpu.vector_store %arg8[%swap3A_965], %broadcast_in_dim3A_83 {strides = array<i32>} : memref<8192xi32, #tpu.memory_space<vmem>>, vector<16xi32>,
    %swap3A_967 = arith.constant 7072 : index
    %swap3A_968 = tpu.vector_load %arg8[%swap3A_967] {strides = array<i32>} : memref<8192xi32, #tpu.memory_space<vmem>>, vector<16xi32>,
    tpu.vector_store %arg8[%swap3A_967], %broadcast_in_dim3A_83 {strides = array<i32>} : memref<8192xi32, #tpu.memory_space<vmem>>, vector<16xi32>,
    %swap3A_969 = arith.constant 7088 : index
    %swap3A_970 = tpu.vector_load %arg8[%swap3A_969] {strides = array<i32>} : memref<8192xi32, #tpu.memory_space<vmem>>, vector<16xi32>,
    tpu.vector_store %arg8[%swap3A_969], %broadcast_in_dim3A_83 {strides = array<i32>} : memref<8192xi32, #tpu.memory_space<vmem>>, vector<16xi32>,
    %swap3A_971 = arith.constant 7104 : index
    %swap3A_972 = tpu.vector_load %arg8[%swap3A_971] {strides = array<i32>} : memref<8192xi32, #tpu.memory_space<vmem>>, vector<16xi32>,
    tpu.vector_store %arg8[%swap3A_971], %broadcast_in_dim3A_83 {strides = array<i32>} : memref<8192xi32, #tpu.memory_space<vmem>>, vector<16xi32>,
    %swap3A_973 = arith.constant 7120 : index
    %swap3A_974 = tpu.vector_load %arg8[%swap3A_973] {strides = array<i32>} : memref<8192xi32, #tpu.memory_space<vmem>>, vector<16xi32>,
    tpu.vector_store %arg8[%swap3A_973], %broadcast_in_dim3A_83 {strides = array<i32>} : memref<8192xi32, #tpu.memory_space<vmem>>, vector<16xi32>,
    %swap3A_975 = arith.constant 7136 : index
    %swap3A_976 = tpu.vector_load %arg8[%swap3A_975] {strides = array<i32>} : memref<8192xi32, #tpu.memory_space<vmem>>, vector<16xi32>,
    tpu.vector_store %arg8[%swap3A_975], %broadcast_in_dim3A_83 {strides = array<i32>} : memref<8192xi32, #tpu.memory_space<vmem>>, vector<16xi32>,
    %swap3A_977 = arith.constant 7152 : index
    %swap3A_978 = tpu.vector_load %arg8[%swap3A_977] {strides = array<i32>} : memref<8192xi32, #tpu.memory_space<vmem>>, vector<16xi32>,
    tpu.vector_store %arg8[%swap3A_977], %broadcast_in_dim3A_83 {strides = array<i32>} : memref<8192xi32, #tpu.memory_space<vmem>>, vector<16xi32>,
    %swap3A_979 = arith.constant 7168 : index
    %swap3A_980 = tpu.vector_load %arg8[%swap3A_979] {strides = array<i32>} : memref<8192xi32, #tpu.memory_space<vmem>>, vector<16xi32>,
    tpu.vector_store %arg8[%swap3A_979], %broadcast_in_dim3A_83 {strides = array<i32>} : memref<8192xi32, #tpu.memory_space<vmem>>, vector<16xi32>,
    %swap3A_981 = arith.constant 7184 : index
    %swap3A_982 = tpu.vector_load %arg8[%swap3A_981] {strides = array<i32>} : memref<8192xi32, #tpu.memory_space<vmem>>, vector<16xi32>,
    tpu.vector_store %arg8[%swap3A_981], %broadcast_in_dim3A_83 {strides = array<i32>} : memref<8192xi32, #tpu.memory_space<vmem>>, vector<16xi32>,
    %swap3A_983 = arith.constant 7200 : index
    %swap3A_984 = tpu.vector_load %arg8[%swap3A_983] {strides = array<i32>} : memref<8192xi32, #tpu.memory_space<vmem>>, vector<16xi32>,
    tpu.vector_store %arg8[%swap3A_983], %broadcast_in_dim3A_83 {strides = array<i32>} : memref<8192xi32, #tpu.memory_space<vmem>>, vector<16xi32>,
    %swap3A_985 = arith.constant 7216 : index
    %swap3A_986 = tpu.vector_load %arg8[%swap3A_985] {strides = array<i32>} : memref<8192xi32, #tpu.memory_space<vmem>>, vector<16xi32>,
    tpu.vector_store %arg8[%swap3A_985], %broadcast_in_dim3A_83 {strides = array<i32>} : memref<8192xi32, #tpu.memory_space<vmem>>, vector<16xi32>,
    %swap3A_987 = arith.constant 7232 : index
    %swap3A_988 = tpu.vector_load %arg8[%swap3A_987] {strides = array<i32>} : memref<8192xi32, #tpu.memory_space<vmem>>, vector<16xi32>,
    tpu.vector_store %arg8[%swap3A_987], %broadcast_in_dim3A_83 {strides = array<i32>} : memref<8192xi32, #tpu.memory_space<vmem>>, vector<16xi32>,
    %swap3A_989 = arith.constant 7248 : index
    %swap3A_990 = tpu.vector_load %arg8[%swap3A_989] {strides = array<i32>} : memref<8192xi32, #tpu.memory_space<vmem>>, vector<16xi32>,
    tpu.vector_store %arg8[%swap3A_989], %broadcast_in_dim3A_83 {strides = array<i32>} : memref<8192xi32, #tpu.memory_space<vmem>>, vector<16xi32>,
    %swap3A_991 = arith.constant 7264 : index
    %swap3A_992 = tpu.vector_load %arg8[%swap3A_991] {strides = array<i32>} : memref<8192xi32, #tpu.memory_space<vmem>>, vector<16xi32>,
    tpu.vector_store %arg8[%swap3A_991], %broadcast_in_dim3A_83 {strides = array<i32>} : memref<8192xi32, #tpu.memory_space<vmem>>, vector<16xi32>,
    %swap3A_993 = arith.constant 7280 : index
    %swap3A_994 = tpu.vector_load %arg8[%swap3A_993] {strides = array<i32>} : memref<8192xi32, #tpu.memory_space<vmem>>, vector<16xi32>,
    tpu.vector_store %arg8[%swap3A_993], %broadcast_in_dim3A_83 {strides = array<i32>} : memref<8192xi32, #tpu.memory_space<vmem>>, vector<16xi32>,
    %swap3A_995 = arith.constant 7296 : index
    %swap3A_996 = tpu.vector_load %arg8[%swap3A_995] {strides = array<i32>} : memref<8192xi32, #tpu.memory_space<vmem>>, vector<16xi32>,
    tpu.vector_store %arg8[%swap3A_995], %broadcast_in_dim3A_83 {strides = array<i32>} : memref<8192xi32, #tpu.memory_space<vmem>>, vector<16xi32>,
    %swap3A_997 = arith.constant 7312 : index
    %swap3A_998 = tpu.vector_load %arg8[%swap3A_997] {strides = array<i32>} : memref<8192xi32, #tpu.memory_space<vmem>>, vector<16xi32>,
    tpu.vector_store %arg8[%swap3A_997], %broadcast_in_dim3A_83 {strides = array<i32>} : memref<8192xi32, #tpu.memory_space<vmem>>, vector<16xi32>,
    %swap3A_999 = arith.constant 7328 : index
    %swap3A_1000 = tpu.vector_load %arg8[%swap3A_999] {strides = array<i32>} : memref<8192xi32, #tpu.memory_space<vmem>>, vector<16xi32>,
    tpu.vector_store %arg8[%swap3A_999], %broadcast_in_dim3A_83 {strides = array<i32>} : memref<8192xi32, #tpu.memory_space<vmem>>, vector<16xi32>,
    %swap3A_1001 = arith.constant 7344 : index
    %swap3A_1002 = tpu.vector_load %arg8[%swap3A_1001] {strides = array<i32>} : memref<8192xi32, #tpu.memory_space<vmem>>, vector<16xi32>,
    tpu.vector_store %arg8[%swap3A_1001], %broadcast_in_dim3A_83 {strides = array<i32>} : memref<8192xi32, #tpu.memory_space<vmem>>, vector<16xi32>,
    %swap3A_1003 = arith.constant 7360 : index
    %swap3A_1004 = tpu.vector_load %arg8[%swap3A_1003] {strides = array<i32>} : memref<8192xi32, #tpu.memory_space<vmem>>, vector<16xi32>,
    tpu.vector_store %arg8[%swap3A_1003], %broadcast_in_dim3A_83 {strides = array<i32>} : memref<8192xi32, #tpu.memory_space<vmem>>, vector<16xi32>,
    %swap3A_1005 = arith.constant 7376 : index
    %swap3A_1006 = tpu.vector_load %arg8[%swap3A_1005] {strides = array<i32>} : memref<8192xi32, #tpu.memory_space<vmem>>, vector<16xi32>,
    tpu.vector_store %arg8[%swap3A_1005], %broadcast_in_dim3A_83 {strides = array<i32>} : memref<8192xi32, #tpu.memory_space<vmem>>, vector<16xi32>,
    %swap3A_1007 = arith.constant 7392 : index
    %swap3A_1008 = tpu.vector_load %arg8[%swap3A_1007] {strides = array<i32>} : memref<8192xi32, #tpu.memory_space<vmem>>, vector<16xi32>,
    tpu.vector_store %arg8[%swap3A_1007], %broadcast_in_dim3A_83 {strides = array<i32>} : memref<8192xi32, #tpu.memory_space<vmem>>, vector<16xi32>,
    %swap3A_1009 = arith.constant 7408 : index
    %swap3A_1010 = tpu.vector_load %arg8[%swap3A_1009] {strides = array<i32>} : memref<8192xi32, #tpu.memory_space<vmem>>, vector<16xi32>,
    tpu.vector_store %arg8[%swap3A_1009], %broadcast_in_dim3A_83 {strides = array<i32>} : memref<8192xi32, #tpu.memory_space<vmem>>, vector<16xi32>,
    %swap3A_1011 = arith.constant 7424 : index
    %swap3A_1012 = tpu.vector_load %arg8[%swap3A_1011] {strides = array<i32>} : memref<8192xi32, #tpu.memory_space<vmem>>, vector<16xi32>,
    tpu.vector_store %arg8[%swap3A_1011], %broadcast_in_dim3A_83 {strides = array<i32>} : memref<8192xi32, #tpu.memory_space<vmem>>, vector<16xi32>,
    %swap3A_1013 = arith.constant 7440 : index
    %swap3A_1014 = tpu.vector_load %arg8[%swap3A_1013] {strides = array<i32>} : memref<8192xi32, #tpu.memory_space<vmem>>, vector<16xi32>,
    tpu.vector_store %arg8[%swap3A_1013], %broadcast_in_dim3A_83 {strides = array<i32>} : memref<8192xi32, #tpu.memory_space<vmem>>, vector<16xi32>,
    %swap3A_1015 = arith.constant 7456 : index
    %swap3A_1016 = tpu.vector_load %arg8[%swap3A_1015] {strides = array<i32>} : memref<8192xi32, #tpu.memory_space<vmem>>, vector<16xi32>,
    tpu.vector_store %arg8[%swap3A_1015], %broadcast_in_dim3A_83 {strides = array<i32>} : memref<8192xi32, #tpu.memory_space<vmem>>, vector<16xi32>,
    %swap3A_1017 = arith.constant 7472 : index
    %swap3A_1018 = tpu.vector_load %arg8[%swap3A_1017] {strides = array<i32>} : memref<8192xi32, #tpu.memory_space<vmem>>, vector<16xi32>,
    tpu.vector_store %arg8[%swap3A_1017], %broadcast_in_dim3A_83 {strides = array<i32>} : memref<8192xi32, #tpu.memory_space<vmem>>, vector<16xi32>,
    %swap3A_1019 = arith.constant 7488 : index
    %swap3A_1020 = tpu.vector_load %arg8[%swap3A_1019] {strides = array<i32>} : memref<8192xi32, #tpu.memory_space<vmem>>, vector<16xi32>,
    tpu.vector_store %arg8[%swap3A_1019], %broadcast_in_dim3A_83 {strides = array<i32>} : memref<8192xi32, #tpu.memory_space<vmem>>, vector<16xi32>,
    %swap3A_1021 = arith.constant 7504 : index
    %swap3A_1022 = tpu.vector_load %arg8[%swap3A_1021] {strides = array<i32>} : memref<8192xi32, #tpu.memory_space<vmem>>, vector<16xi32>,
    tpu.vector_store %arg8[%swap3A_1021], %broadcast_in_dim3A_83 {strides = array<i32>} : memref<8192xi32, #tpu.memory_space<vmem>>, vector<16xi32>,
    %swap3A_1023 = arith.constant 7520 : index
    %swap3A_1024 = tpu.vector_load %arg8[%swap3A_1023] {strides = array<i32>} : memref<8192xi32, #tpu.memory_space<vmem>>, vector<16xi32>,
    tpu.vector_store %arg8[%swap3A_1023], %broadcast_in_dim3A_83 {strides = array<i32>} : memref<8192xi32, #tpu.memory_space<vmem>>, vector<16xi32>,
    %swap3A_1025 = arith.constant 7536 : index
    %swap3A_1026 = tpu.vector_load %arg8[%swap3A_1025] {strides = array<i32>} : memref<8192xi32, #tpu.memory_space<vmem>>, vector<16xi32>,
    tpu.vector_store %arg8[%swap3A_1025], %broadcast_in_dim3A_83 {strides = array<i32>} : memref<8192xi32, #tpu.memory_space<vmem>>, vector<16xi32>,
    %swap3A_1027 = arith.constant 7552 : index
    %swap3A_1028 = tpu.vector_load %arg8[%swap3A_1027] {strides = array<i32>} : memref<8192xi32, #tpu.memory_space<vmem>>, vector<16xi32>,
    tpu.vector_store %arg8[%swap3A_1027], %broadcast_in_dim3A_83 {strides = array<i32>} : memref<8192xi32, #tpu.memory_space<vmem>>, vector<16xi32>,
    %swap3A_1029 = arith.constant 7568 : index
    %swap3A_1030 = tpu.vector_load %arg8[%swap3A_1029] {strides = array<i32>} : memref<8192xi32, #tpu.memory_space<vmem>>, vector<16xi32>,
    tpu.vector_store %arg8[%swap3A_1029], %broadcast_in_dim3A_83 {strides = array<i32>} : memref<8192xi32, #tpu.memory_space<vmem>>, vector<16xi32>,
    %swap3A_1031 = arith.constant 7584 : index
    %swap3A_1032 = tpu.vector_load %arg8[%swap3A_1031] {strides = array<i32>} : memref<8192xi32, #tpu.memory_space<vmem>>, vector<16xi32>,
    tpu.vector_store %arg8[%swap3A_1031], %broadcast_in_dim3A_83 {strides = array<i32>} : memref<8192xi32, #tpu.memory_space<vmem>>, vector<16xi32>,
    %swap3A_1033 = arith.constant 7600 : index
    %swap3A_1034 = tpu.vector_load %arg8[%swap3A_1033] {strides = array<i32>} : memref<8192xi32, #tpu.memory_space<vmem>>, vector<16xi32>,
    tpu.vector_store %arg8[%swap3A_1033], %broadcast_in_dim3A_83 {strides = array<i32>} : memref<8192xi32, #tpu.memory_space<vmem>>, vector<16xi32>,
    %swap3A_1035 = arith.constant 7616 : index
    %swap3A_1036 = tpu.vector_load %arg8[%swap3A_1035] {strides = array<i32>} : memref<8192xi32, #tpu.memory_space<vmem>>, vector<16xi32>,
    tpu.vector_store %arg8[%swap3A_1035], %broadcast_in_dim3A_83 {strides = array<i32>} : memref<8192xi32, #tpu.memory_space<vmem>>, vector<16xi32>,
    %swap3A_1037 = arith.constant 7632 : index
    %swap3A_1038 = tpu.vector_load %arg8[%swap3A_1037] {strides = array<i32>} : memref<8192xi32, #tpu.memory_space<vmem>>, vector<16xi32>,
    tpu.vector_store %arg8[%swap3A_1037], %broadcast_in_dim3A_83 {strides = array<i32>} : memref<8192xi32, #tpu.memory_space<vmem>>, vector<16xi32>,
    %swap3A_1039 = arith.constant 7648 : index
    %swap3A_1040 = tpu.vector_load %arg8[%swap3A_1039] {strides = array<i32>} : memref<8192xi32, #tpu.memory_space<vmem>>, vector<16xi32>,
    tpu.vector_store %arg8[%swap3A_1039], %broadcast_in_dim3A_83 {strides = array<i32>} : memref<8192xi32, #tpu.memory_space<vmem>>, vector<16xi32>,
    %swap3A_1041 = arith.constant 7664 : index
    %swap3A_1042 = tpu.vector_load %arg8[%swap3A_1041] {strides = array<i32>} : memref<8192xi32, #tpu.memory_space<vmem>>, vector<16xi32>,
    tpu.vector_store %arg8[%swap3A_1041], %broadcast_in_dim3A_83 {strides = array<i32>} : memref<8192xi32, #tpu.memory_space<vmem>>, vector<16xi32>,
    %swap3A_1043 = arith.constant 7680 : index
    %swap3A_1044 = tpu.vector_load %arg8[%swap3A_1043] {strides = array<i32>} : memref<8192xi32, #tpu.memory_space<vmem>>, vector<16xi32>,
    tpu.vector_store %arg8[%swap3A_1043], %broadcast_in_dim3A_83 {strides = array<i32>} : memref<8192xi32, #tpu.memory_space<vmem>>, vector<16xi32>,
    %swap3A_1045 = arith.constant 7696 : index
    %swap3A_1046 = tpu.vector_load %arg8[%swap3A_1045] {strides = array<i32>} : memref<8192xi32, #tpu.memory_space<vmem>>, vector<16xi32>,
    tpu.vector_store %arg8[%swap3A_1045], %broadcast_in_dim3A_83 {strides = array<i32>} : memref<8192xi32, #tpu.memory_space<vmem>>, vector<16xi32>,
    %swap3A_1047 = arith.constant 7712 : index
    %swap3A_1048 = tpu.vector_load %arg8[%swap3A_1047] {strides = array<i32>} : memref<8192xi32, #tpu.memory_space<vmem>>, vector<16xi32>,
    tpu.vector_store %arg8[%swap3A_1047], %broadcast_in_dim3A_83 {strides = array<i32>} : memref<8192xi32, #tpu.memory_space<vmem>>, vector<16xi32>,
    %swap3A_1049 = arith.constant 7728 : index
    %swap3A_1050 = tpu.vector_load %arg8[%swap3A_1049] {strides = array<i32>} : memref<8192xi32, #tpu.memory_space<vmem>>, vector<16xi32>,
    tpu.vector_store %arg8[%swap3A_1049], %broadcast_in_dim3A_83 {strides = array<i32>} : memref<8192xi32, #tpu.memory_space<vmem>>, vector<16xi32>,
    %swap3A_1051 = arith.constant 7744 : index
    %swap3A_1052 = tpu.vector_load %arg8[%swap3A_1051] {strides = array<i32>} : memref<8192xi32, #tpu.memory_space<vmem>>, vector<16xi32>,
    tpu.vector_store %arg8[%swap3A_1051], %broadcast_in_dim3A_83 {strides = array<i32>} : memref<8192xi32, #tpu.memory_space<vmem>>, vector<16xi32>,
    %swap3A_1053 = arith.constant 7760 : index
    %swap3A_1054 = tpu.vector_load %arg8[%swap3A_1053] {strides = array<i32>} : memref<8192xi32, #tpu.memory_space<vmem>>, vector<16xi32>,
    tpu.vector_store %arg8[%swap3A_1053], %broadcast_in_dim3A_83 {strides = array<i32>} : memref<8192xi32, #tpu.memory_space<vmem>>, vector<16xi32>,
    %swap3A_1055 = arith.constant 7776 : index
    %swap3A_1056 = tpu.vector_load %arg8[%swap3A_1055] {strides = array<i32>} : memref<8192xi32, #tpu.memory_space<vmem>>, vector<16xi32>,
    tpu.vector_store %arg8[%swap3A_1055], %broadcast_in_dim3A_83 {strides = array<i32>} : memref<8192xi32, #tpu.memory_space<vmem>>, vector<16xi32>,
    %swap3A_1057 = arith.constant 7792 : index
    %swap3A_1058 = tpu.vector_load %arg8[%swap3A_1057] {strides = array<i32>} : memref<8192xi32, #tpu.memory_space<vmem>>, vector<16xi32>,
    tpu.vector_store %arg8[%swap3A_1057], %broadcast_in_dim3A_83 {strides = array<i32>} : memref<8192xi32, #tpu.memory_space<vmem>>, vector<16xi32>,
    %swap3A_1059 = arith.constant 7808 : index
    %swap3A_1060 = tpu.vector_load %arg8[%swap3A_1059] {strides = array<i32>} : memref<8192xi32, #tpu.memory_space<vmem>>, vector<16xi32>,
    tpu.vector_store %arg8[%swap3A_1059], %broadcast_in_dim3A_83 {strides = array<i32>} : memref<8192xi32, #tpu.memory_space<vmem>>, vector<16xi32>,
    %swap3A_1061 = arith.constant 7824 : index
    %swap3A_1062 = tpu.vector_load %arg8[%swap3A_1061] {strides = array<i32>} : memref<8192xi32, #tpu.memory_space<vmem>>, vector<16xi32>,
    tpu.vector_store %arg8[%swap3A_1061], %broadcast_in_dim3A_83 {strides = array<i32>} : memref<8192xi32, #tpu.memory_space<vmem>>, vector<16xi32>,
    %swap3A_1063 = arith.constant 7840 : index
    %swap3A_1064 = tpu.vector_load %arg8[%swap3A_1063] {strides = array<i32>} : memref<8192xi32, #tpu.memory_space<vmem>>, vector<16xi32>,
    tpu.vector_store %arg8[%swap3A_1063], %broadcast_in_dim3A_83 {strides = array<i32>} : memref<8192xi32, #tpu.memory_space<vmem>>, vector<16xi32>,
    %swap3A_1065 = arith.constant 7856 : index
    %swap3A_1066 = tpu.vector_load %arg8[%swap3A_1065] {strides = array<i32>} : memref<8192xi32, #tpu.memory_space<vmem>>, vector<16xi32>,
    tpu.vector_store %arg8[%swap3A_1065], %broadcast_in_dim3A_83 {strides = array<i32>} : memref<8192xi32, #tpu.memory_space<vmem>>, vector<16xi32>,
    %swap3A_1067 = arith.constant 7872 : index
    %swap3A_1068 = tpu.vector_load %arg8[%swap3A_1067] {strides = array<i32>} : memref<8192xi32, #tpu.memory_space<vmem>>, vector<16xi32>,
    tpu.vector_store %arg8[%swap3A_1067], %broadcast_in_dim3A_83 {strides = array<i32>} : memref<8192xi32, #tpu.memory_space<vmem>>, vector<16xi32>,
    %swap3A_1069 = arith.constant 7888 : index
    %swap3A_1070 = tpu.vector_load %arg8[%swap3A_1069] {strides = array<i32>} : memref<8192xi32, #tpu.memory_space<vmem>>, vector<16xi32>,
    tpu.vector_store %arg8[%swap3A_1069], %broadcast_in_dim3A_83 {strides = array<i32>} : memref<8192xi32, #tpu.memory_space<vmem>>, vector<16xi32>,
    %swap3A_1071 = arith.constant 7904 : index
    %swap3A_1072 = tpu.vector_load %arg8[%swap3A_1071] {strides = array<i32>} : memref<8192xi32, #tpu.memory_space<vmem>>, vector<16xi32>,
    tpu.vector_store %arg8[%swap3A_1071], %broadcast_in_dim3A_83 {strides = array<i32>} : memref<8192xi32, #tpu.memory_space<vmem>>, vector<16xi32>,
    %swap3A_1073 = arith.constant 7920 : index
    %swap3A_1074 = tpu.vector_load %arg8[%swap3A_1073] {strides = array<i32>} : memref<8192xi32, #tpu.memory_space<vmem>>, vector<16xi32>,
    tpu.vector_store %arg8[%swap3A_1073], %broadcast_in_dim3A_83 {strides = array<i32>} : memref<8192xi32, #tpu.memory_space<vmem>>, vector<16xi32>,
    %swap3A_1075 = arith.constant 7936 : index
    %swap3A_1076 = tpu.vector_load %arg8[%swap3A_1075] {strides = array<i32>} : memref<8192xi32, #tpu.memory_space<vmem>>, vector<16xi32>,
    tpu.vector_store %arg8[%swap3A_1075], %broadcast_in_dim3A_83 {strides = array<i32>} : memref<8192xi32, #tpu.memory_space<vmem>>, vector<16xi32>,
    %swap3A_1077 = arith.constant 7952 : index
    %swap3A_1078 = tpu.vector_load %arg8[%swap3A_1077] {strides = array<i32>} : memref<8192xi32, #tpu.memory_space<vmem>>, vector<16xi32>,
    tpu.vector_store %arg8[%swap3A_1077], %broadcast_in_dim3A_83 {strides = array<i32>} : memref<8192xi32, #tpu.memory_space<vmem>>, vector<16xi32>,
    %swap3A_1079 = arith.constant 7968 : index
    %swap3A_1080 = tpu.vector_load %arg8[%swap3A_1079] {strides = array<i32>} : memref<8192xi32, #tpu.memory_space<vmem>>, vector<16xi32>,
    tpu.vector_store %arg8[%swap3A_1079], %broadcast_in_dim3A_83 {strides = array<i32>} : memref<8192xi32, #tpu.memory_space<vmem>>, vector<16xi32>,
    %swap3A_1081 = arith.constant 7984 : index
    %swap3A_1082 = tpu.vector_load %arg8[%swap3A_1081] {strides = array<i32>} : memref<8192xi32, #tpu.memory_space<vmem>>, vector<16xi32>,
    tpu.vector_store %arg8[%swap3A_1081], %broadcast_in_dim3A_83 {strides = array<i32>} : memref<8192xi32, #tpu.memory_space<vmem>>, vector<16xi32>,
    %swap3A_1083 = arith.constant 8000 : index
    %swap3A_1084 = tpu.vector_load %arg8[%swap3A_1083] {strides = array<i32>} : memref<8192xi32, #tpu.memory_space<vmem>>, vector<16xi32>,
    tpu.vector_store %arg8[%swap3A_1083], %broadcast_in_dim3A_83 {strides = array<i32>} : memref<8192xi32, #tpu.memory_space<vmem>>, vector<16xi32>,
    %swap3A_1085 = arith.constant 8016 : index
    %swap3A_1086 = tpu.vector_load %arg8[%swap3A_1085] {strides = array<i32>} : memref<8192xi32, #tpu.memory_space<vmem>>, vector<16xi32>,
    tpu.vector_store %arg8[%swap3A_1085], %broadcast_in_dim3A_83 {strides = array<i32>} : memref<8192xi32, #tpu.memory_space<vmem>>, vector<16xi32>,
    %swap3A_1087 = arith.constant 8032 : index
    %swap3A_1088 = tpu.vector_load %arg8[%swap3A_1087] {strides = array<i32>} : memref<8192xi32, #tpu.memory_space<vmem>>, vector<16xi32>,
    tpu.vector_store %arg8[%swap3A_1087], %broadcast_in_dim3A_83 {strides = array<i32>} : memref<8192xi32, #tpu.memory_space<vmem>>, vector<16xi32>,
    %swap3A_1089 = arith.constant 8048 : index
    %swap3A_1090 = tpu.vector_load %arg8[%swap3A_1089] {strides = array<i32>} : memref<8192xi32, #tpu.memory_space<vmem>>, vector<16xi32>,
    tpu.vector_store %arg8[%swap3A_1089], %broadcast_in_dim3A_83 {strides = array<i32>} : memref<8192xi32, #tpu.memory_space<vmem>>, vector<16xi32>,
    %swap3A_1091 = arith.constant 8064 : index
    %swap3A_1092 = tpu.vector_load %arg8[%swap3A_1091] {strides = array<i32>} : memref<8192xi32, #tpu.memory_space<vmem>>, vector<16xi32>,
    tpu.vector_store %arg8[%swap3A_1091], %broadcast_in_dim3A_83 {strides = array<i32>} : memref<8192xi32, #tpu.memory_space<vmem>>, vector<16xi32>,
    %swap3A_1093 = arith.constant 8080 : index
    %swap3A_1094 = tpu.vector_load %arg8[%swap3A_1093] {strides = array<i32>} : memref<8192xi32, #tpu.memory_space<vmem>>, vector<16xi32>,
    tpu.vector_store %arg8[%swap3A_1093], %broadcast_in_dim3A_83 {strides = array<i32>} : memref<8192xi32, #tpu.memory_space<vmem>>, vector<16xi32>,
    %swap3A_1095 = arith.constant 8096 : index
    %swap3A_1096 = tpu.vector_load %arg8[%swap3A_1095] {strides = array<i32>} : memref<8192xi32, #tpu.memory_space<vmem>>, vector<16xi32>,
    tpu.vector_store %arg8[%swap3A_1095], %broadcast_in_dim3A_83 {strides = array<i32>} : memref<8192xi32, #tpu.memory_space<vmem>>, vector<16xi32>,
    %swap3A_1097 = arith.constant 8112 : index
    %swap3A_1098 = tpu.vector_load %arg8[%swap3A_1097] {strides = array<i32>} : memref<8192xi32, #tpu.memory_space<vmem>>, vector<16xi32>,
    tpu.vector_store %arg8[%swap3A_1097], %broadcast_in_dim3A_83 {strides = array<i32>} : memref<8192xi32, #tpu.memory_space<vmem>>, vector<16xi32>,
    %swap3A_1099 = arith.constant 8128 : index
    %swap3A_1100 = tpu.vector_load %arg8[%swap3A_1099] {strides = array<i32>} : memref<8192xi32, #tpu.memory_space<vmem>>, vector<16xi32>,
    tpu.vector_store %arg8[%swap3A_1099], %broadcast_in_dim3A_83 {strides = array<i32>} : memref<8192xi32, #tpu.memory_space<vmem>>, vector<16xi32>,
    %swap3A_1101 = arith.constant 8144 : index
    %swap3A_1102 = tpu.vector_load %arg8[%swap3A_1101] {strides = array<i32>} : memref<8192xi32, #tpu.memory_space<vmem>>, vector<16xi32>,
    tpu.vector_store %arg8[%swap3A_1101], %broadcast_in_dim3A_83 {strides = array<i32>} : memref<8192xi32, #tpu.memory_space<vmem>>, vector<16xi32>,
    %swap3A_1103 = arith.constant 8160 : index
    %swap3A_1104 = tpu.vector_load %arg8[%swap3A_1103] {strides = array<i32>} : memref<8192xi32, #tpu.memory_space<vmem>>, vector<16xi32>,
    tpu.vector_store %arg8[%swap3A_1103], %broadcast_in_dim3A_83 {strides = array<i32>} : memref<8192xi32, #tpu.memory_space<vmem>>, vector<16xi32>,
    %swap3A_1105 = arith.constant 8176 : index
    %swap3A_1106 = tpu.vector_load %arg8[%swap3A_1105] {strides = array<i32>} : memref<8192xi32, #tpu.memory_space<vmem>>, vector<16xi32>,
    tpu.vector_store %arg8[%swap3A_1105], %broadcast_in_dim3A_83 {strides = array<i32>} : memref<8192xi32, #tpu.memory_space<vmem>>, vector<16xi32>,
    %iota3A = tpu.iota {dimensions = array<i32: 0>} : vector<16xi32>
    %broadcast_in_dim3A_1107 = arith.constant 1 : i32
    %broadcast_in_dim3A_1108 = vector.broadcast %broadcast_in_dim3A_1107 : i32 to vector<16xi32>
    %get3A = arith.constant 0 : i32
    %get3A_1109 = arith.index_cast %get3A : i32 to index
    %get3A_1110 = arith.constant 0 : index
    %get3A_1111 = tpu.vector_load %arg6[%get3A_1109, %get3A_1110] {strides = array<i32>} : memref<4x128xi32, #tpu.memory_space<vmem>>, vector<16xi32>,
    %eq3A = arith.constant 0 : i32
    %eq3A_1112 = vector.broadcast %eq3A : i32 to vector<16xi32>
    %eq3A_1113 = arith.cmpi eq, %iota3A, %eq3A_1112 : vector<16xi32>
    tpu.vector_store_idx %arg8[%get3A_1111], %broadcast_in_dim3A_1108 masked %eq3A_1113 {add = true} : memref<8192xi32, #tpu.memory_space<vmem>>[vector<16xi32>], vector<16xi32>, vector<16xi1>
    %eq3A_1114 = arith.constant 1 : i32
    %eq3A_1115 = vector.broadcast %eq3A_1114 : i32 to vector<16xi32>
    %eq3A_1116 = arith.cmpi eq, %iota3A, %eq3A_1115 : vector<16xi32>
    tpu.vector_store_idx %arg8[%get3A_1111], %broadcast_in_dim3A_1108 masked %eq3A_1116 {add = true} : memref<8192xi32, #tpu.memory_space<vmem>>[vector<16xi32>], vector<16xi32>, vector<16xi1>
    %eq3A_1117 = arith.constant 2 : i32
    %eq3A_1118 = vector.broadcast %eq3A_1117 : i32 to vector<16xi32>
    %eq3A_1119 = arith.cmpi eq, %iota3A, %eq3A_1118 : vector<16xi32>
    tpu.vector_store_idx %arg8[%get3A_1111], %broadcast_in_dim3A_1108 masked %eq3A_1119 {add = true} : memref<8192xi32, #tpu.memory_space<vmem>>[vector<16xi32>], vector<16xi32>, vector<16xi1>
    %eq3A_1120 = arith.constant 3 : i32
    %eq3A_1121 = vector.broadcast %eq3A_1120 : i32 to vector<16xi32>
    %eq3A_1122 = arith.cmpi eq, %iota3A, %eq3A_1121 : vector<16xi32>
    tpu.vector_store_idx %arg8[%get3A_1111], %broadcast_in_dim3A_1108 masked %eq3A_1122 {add = true} : memref<8192xi32, #tpu.memory_space<vmem>>[vector<16xi32>], vector<16xi32>, vector<16xi1>
    %eq3A_1123 = arith.constant 4 : i32
    %eq3A_1124 = vector.broadcast %eq3A_1123 : i32 to vector<16xi32>
    %eq3A_1125 = arith.cmpi eq, %iota3A, %eq3A_1124 : vector<16xi32>
    tpu.vector_store_idx %arg8[%get3A_1111], %broadcast_in_dim3A_1108 masked %eq3A_1125 {add = true} : memref<8192xi32, #tpu.memory_space<vmem>>[vector<16xi32>], vector<16xi32>, vector<16xi1>
    %eq3A_1126 = arith.constant 5 : i32
    %eq3A_1127 = vector.broadcast %eq3A_1126 : i32 to vector<16xi32>
    %eq3A_1128 = arith.cmpi eq, %iota3A, %eq3A_1127 : vector<16xi32>
    tpu.vector_store_idx %arg8[%get3A_1111], %broadcast_in_dim3A_1108 masked %eq3A_1128 {add = true} : memref<8192xi32, #tpu.memory_space<vmem>>[vector<16xi32>], vector<16xi32>, vector<16xi1>
    %eq3A_1129 = arith.constant 6 : i32
    %eq3A_1130 = vector.broadcast %eq3A_1129 : i32 to vector<16xi32>
    %eq3A_1131 = arith.cmpi eq, %iota3A, %eq3A_1130 : vector<16xi32>
    tpu.vector_store_idx %arg8[%get3A_1111], %broadcast_in_dim3A_1108 masked %eq3A_1131 {add = true} : memref<8192xi32, #tpu.memory_space<vmem>>[vector<16xi32>], vector<16xi32>, vector<16xi1>
    %eq3A_1132 = arith.constant 7 : i32
    %eq3A_1133 = vector.broadcast %eq3A_1132 : i32 to vector<16xi32>
    %eq3A_1134 = arith.cmpi eq, %iota3A, %eq3A_1133 : vector<16xi32>
    tpu.vector_store_idx %arg8[%get3A_1111], %broadcast_in_dim3A_1108 masked %eq3A_1134 {add = true} : memref<8192xi32, #tpu.memory_space<vmem>>[vector<16xi32>], vector<16xi32>, vector<16xi1>
    %eq3A_1135 = arith.constant 8 : i32
    %eq3A_1136 = vector.broadcast %eq3A_1135 : i32 to vector<16xi32>
    %eq3A_1137 = arith.cmpi eq, %iota3A, %eq3A_1136 : vector<16xi32>
    tpu.vector_store_idx %arg8[%get3A_1111], %broadcast_in_dim3A_1108 masked %eq3A_1137 {add = true} : memref<8192xi32, #tpu.memory_space<vmem>>[vector<16xi32>], vector<16xi32>, vector<16xi1>
    %eq3A_1138 = arith.constant 9 : i32
    %eq3A_1139 = vector.broadcast %eq3A_1138 : i32 to vector<16xi32>
    %eq3A_1140 = arith.cmpi eq, %iota3A, %eq3A_1139 : vector<16xi32>
    tpu.vector_store_idx %arg8[%get3A_1111], %broadcast_in_dim3A_1108 masked %eq3A_1140 {add = true} : memref<8192xi32, #tpu.memory_space<vmem>>[vector<16xi32>], vector<16xi32>, vector<16xi1>
    %eq3A_1141 = arith.constant 10 : i32
    %eq3A_1142 = vector.broadcast %eq3A_1141 : i32 to vector<16xi32>
    %eq3A_1143 = arith.cmpi eq, %iota3A, %eq3A_1142 : vector<16xi32>
    tpu.vector_store_idx %arg8[%get3A_1111], %broadcast_in_dim3A_1108 masked %eq3A_1143 {add = true} : memref<8192xi32, #tpu.memory_space<vmem>>[vector<16xi32>], vector<16xi32>, vector<16xi1>
    %eq3A_1144 = arith.constant 11 : i32
    %eq3A_1145 = vector.broadcast %eq3A_1144 : i32 to vector<16xi32>
    %eq3A_1146 = arith.cmpi eq, %iota3A, %eq3A_1145 : vector<16xi32>
    tpu.vector_store_idx %arg8[%get3A_1111], %broadcast_in_dim3A_1108 masked %eq3A_1146 {add = true} : memref<8192xi32, #tpu.memory_space<vmem>>[vector<16xi32>], vector<16xi32>, vector<16xi1>
    %eq3A_1147 = arith.constant 12 : i32
    %eq3A_1148 = vector.broadcast %eq3A_1147 : i32 to vector<16xi32>
    %eq3A_1149 = arith.cmpi eq, %iota3A, %eq3A_1148 : vector<16xi32>
    tpu.vector_store_idx %arg8[%get3A_1111], %broadcast_in_dim3A_1108 masked %eq3A_1149 {add = true} : memref<8192xi32, #tpu.memory_space<vmem>>[vector<16xi32>], vector<16xi32>, vector<16xi1>
    %eq3A_1150 = arith.constant 13 : i32
    %eq3A_1151 = vector.broadcast %eq3A_1150 : i32 to vector<16xi32>
    %eq3A_1152 = arith.cmpi eq, %iota3A, %eq3A_1151 : vector<16xi32>
    tpu.vector_store_idx %arg8[%get3A_1111], %broadcast_in_dim3A_1108 masked %eq3A_1152 {add = true} : memref<8192xi32, #tpu.memory_space<vmem>>[vector<16xi32>], vector<16xi32>, vector<16xi1>
    %eq3A_1153 = arith.constant 14 : i32
    %eq3A_1154 = vector.broadcast %eq3A_1153 : i32 to vector<16xi32>
    %eq3A_1155 = arith.cmpi eq, %iota3A, %eq3A_1154 : vector<16xi32>
    tpu.vector_store_idx %arg8[%get3A_1111], %broadcast_in_dim3A_1108 masked %eq3A_1155 {add = true} : memref<8192xi32, #tpu.memory_space<vmem>>[vector<16xi32>], vector<16xi32>, vector<16xi1>
    %eq3A_1156 = arith.constant 15 : i32
    %eq3A_1157 = vector.broadcast %eq3A_1156 : i32 to vector<16xi32>
    %eq3A_1158 = arith.cmpi eq, %iota3A, %eq3A_1157 : vector<16xi32>
    tpu.vector_store_idx %arg8[%get3A_1111], %broadcast_in_dim3A_1108 masked %eq3A_1158 {add = true} : memref<8192xi32, #tpu.memory_space<vmem>>[vector<16xi32>], vector<16xi32>, vector<16xi1>
    %get3A_1159 = arith.constant 0 : i32
    %get3A_1160 = arith.index_cast %get3A_1159 : i32 to index
    %get3A_1161 = arith.constant 16 : index
    %get3A_1162 = tpu.vector_load %arg6[%get3A_1160, %get3A_1161] {strides = array<i32>} : memref<4x128xi32, #tpu.memory_space<vmem>>, vector<16xi32>,
    %eq3A_1163 = arith.constant 0 : i32
    %eq3A_1164 = vector.broadcast %eq3A_1163 : i32 to vector<16xi32>
    %eq3A_1165 = arith.cmpi eq, %iota3A, %eq3A_1164 : vector<16xi32>
    tpu.vector_store_idx %arg8[%get3A_1162], %broadcast_in_dim3A_1108 masked %eq3A_1165 {add = true} : memref<8192xi32, #tpu.memory_space<vmem>>[vector<16xi32>], vector<16xi32>, vector<16xi1>
    %eq3A_1166 = arith.constant 1 : i32
    %eq3A_1167 = vector.broadcast %eq3A_1166 : i32 to vector<16xi32>
    %eq3A_1168 = arith.cmpi eq, %iota3A, %eq3A_1167 : vector<16xi32>
    tpu.vector_store_idx %arg8[%get3A_1162], %broadcast_in_dim3A_1108 masked %eq3A_1168 {add = true} : memref<8192xi32, #tpu.memory_space<vmem>>[vector<16xi32>], vector<16xi32>, vector<16xi1>
    %eq3A_1169 = arith.constant 2 : i32
    %eq3A_1170 = vector.broadcast %eq3A_1169 : i32 to vector<16xi32>
    %eq3A_1171 = arith.cmpi eq, %iota3A, %eq3A_1170 : vector<16xi32>
    tpu.vector_store_idx %arg8[%get3A_1162], %broadcast_in_dim3A_1108 masked %eq3A_1171 {add = true} : memref<8192xi32, #tpu.memory_space<vmem>>[vector<16xi32>], vector<16xi32>, vector<16xi1>
    %eq3A_1172 = arith.constant 3 : i32
    %eq3A_1173 = vector.broadcast %eq3A_1172 : i32 to vector<16xi32>
    %eq3A_1174 = arith.cmpi eq, %iota3A, %eq3A_1173 : vector<16xi32>
    tpu.vector_store_idx %arg8[%get3A_1162], %broadcast_in_dim3A_1108 masked %eq3A_1174 {add = true} : memref<8192xi32, #tpu.memory_space<vmem>>[vector<16xi32>], vector<16xi32>, vector<16xi1>
    %eq3A_1175 = arith.constant 4 : i32
    %eq3A_1176 = vector.broadcast %eq3A_1175 : i32 to vector<16xi32>
    %eq3A_1177 = arith.cmpi eq, %iota3A, %eq3A_1176 : vector<16xi32>
    tpu.vector_store_idx %arg8[%get3A_1162], %broadcast_in_dim3A_1108 masked %eq3A_1177 {add = true} : memref<8192xi32, #tpu.memory_space<vmem>>[vector<16xi32>], vector<16xi32>, vector<16xi1>
    %eq3A_1178 = arith.constant 5 : i32
    %eq3A_1179 = vector.broadcast %eq3A_1178 : i32 to vector<16xi32>
    %eq3A_1180 = arith.cmpi eq, %iota3A, %eq3A_1179 : vector<16xi32>
    tpu.vector_store_idx %arg8[%get3A_1162], %broadcast_in_dim3A_1108 masked %eq3A_1180 {add = true} : memref<8192xi32, #tpu.memory_space<vmem>>[vector<16xi32>], vector<16xi32>, vector<16xi1>
    %eq3A_1181 = arith.constant 6 : i32
    %eq3A_1182 = vector.broadcast %eq3A_1181 : i32 to vector<16xi32>
    %eq3A_1183 = arith.cmpi eq, %iota3A, %eq3A_1182 : vector<16xi32>
    tpu.vector_store_idx %arg8[%get3A_1162], %broadcast_in_dim3A_1108 masked %eq3A_1183 {add = true} : memref<8192xi32, #tpu.memory_space<vmem>>[vector<16xi32>], vector<16xi32>, vector<16xi1>
    %eq3A_1184 = arith.constant 7 : i32
    %eq3A_1185 = vector.broadcast %eq3A_1184 : i32 to vector<16xi32>
    %eq3A_1186 = arith.cmpi eq, %iota3A, %eq3A_1185 : vector<16xi32>
    tpu.vector_store_idx %arg8[%get3A_1162], %broadcast_in_dim3A_1108 masked %eq3A_1186 {add = true} : memref<8192xi32, #tpu.memory_space<vmem>>[vector<16xi32>], vector<16xi32>, vector<16xi1>
    %eq3A_1187 = arith.constant 8 : i32
    %eq3A_1188 = vector.broadcast %eq3A_1187 : i32 to vector<16xi32>
    %eq3A_1189 = arith.cmpi eq, %iota3A, %eq3A_1188 : vector<16xi32>
    tpu.vector_store_idx %arg8[%get3A_1162], %broadcast_in_dim3A_1108 masked %eq3A_1189 {add = true} : memref<8192xi32, #tpu.memory_space<vmem>>[vector<16xi32>], vector<16xi32>, vector<16xi1>
    %eq3A_1190 = arith.constant 9 : i32
    %eq3A_1191 = vector.broadcast %eq3A_1190 : i32 to vector<16xi32>
    %eq3A_1192 = arith.cmpi eq, %iota3A, %eq3A_1191 : vector<16xi32>
    tpu.vector_store_idx %arg8[%get3A_1162], %broadcast_in_dim3A_1108 masked %eq3A_1192 {add = true} : memref<8192xi32, #tpu.memory_space<vmem>>[vector<16xi32>], vector<16xi32>, vector<16xi1>
    %eq3A_1193 = arith.constant 10 : i32
    %eq3A_1194 = vector.broadcast %eq3A_1193 : i32 to vector<16xi32>
    %eq3A_1195 = arith.cmpi eq, %iota3A, %eq3A_1194 : vector<16xi32>
    tpu.vector_store_idx %arg8[%get3A_1162], %broadcast_in_dim3A_1108 masked %eq3A_1195 {add = true} : memref<8192xi32, #tpu.memory_space<vmem>>[vector<16xi32>], vector<16xi32>, vector<16xi1>
    %eq3A_1196 = arith.constant 11 : i32
    %eq3A_1197 = vector.broadcast %eq3A_1196 : i32 to vector<16xi32>
    %eq3A_1198 = arith.cmpi eq, %iota3A, %eq3A_1197 : vector<16xi32>
    tpu.vector_store_idx %arg8[%get3A_1162], %broadcast_in_dim3A_1108 masked %eq3A_1198 {add = true} : memref<8192xi32, #tpu.memory_space<vmem>>[vector<16xi32>], vector<16xi32>, vector<16xi1>
    %eq3A_1199 = arith.constant 12 : i32
    %eq3A_1200 = vector.broadcast %eq3A_1199 : i32 to vector<16xi32>
    %eq3A_1201 = arith.cmpi eq, %iota3A, %eq3A_1200 : vector<16xi32>
    tpu.vector_store_idx %arg8[%get3A_1162], %broadcast_in_dim3A_1108 masked %eq3A_1201 {add = true} : memref<8192xi32, #tpu.memory_space<vmem>>[vector<16xi32>], vector<16xi32>, vector<16xi1>
    %eq3A_1202 = arith.constant 13 : i32
    %eq3A_1203 = vector.broadcast %eq3A_1202 : i32 to vector<16xi32>
    %eq3A_1204 = arith.cmpi eq, %iota3A, %eq3A_1203 : vector<16xi32>
    tpu.vector_store_idx %arg8[%get3A_1162], %broadcast_in_dim3A_1108 masked %eq3A_1204 {add = true} : memref<8192xi32, #tpu.memory_space<vmem>>[vector<16xi32>], vector<16xi32>, vector<16xi1>
    %eq3A_1205 = arith.constant 14 : i32
    %eq3A_1206 = vector.broadcast %eq3A_1205 : i32 to vector<16xi32>
    %eq3A_1207 = arith.cmpi eq, %iota3A, %eq3A_1206 : vector<16xi32>
    tpu.vector_store_idx %arg8[%get3A_1162], %broadcast_in_dim3A_1108 masked %eq3A_1207 {add = true} : memref<8192xi32, #tpu.memory_space<vmem>>[vector<16xi32>], vector<16xi32>, vector<16xi1>
    %eq3A_1208 = arith.constant 15 : i32
    %eq3A_1209 = vector.broadcast %eq3A_1208 : i32 to vector<16xi32>
    %eq3A_1210 = arith.cmpi eq, %iota3A, %eq3A_1209 : vector<16xi32>
    tpu.vector_store_idx %arg8[%get3A_1162], %broadcast_in_dim3A_1108 masked %eq3A_1210 {add = true} : memref<8192xi32, #tpu.memory_space<vmem>>[vector<16xi32>], vector<16xi32>, vector<16xi1>
    %get3A_1211 = arith.constant 0 : i32
    %get3A_1212 = arith.index_cast %get3A_1211 : i32 to index
    %get3A_1213 = arith.constant 32 : index
    %get3A_1214 = tpu.vector_load %arg6[%get3A_1212, %get3A_1213] {strides = array<i32>} : memref<4x128xi32, #tpu.memory_space<vmem>>, vector<16xi32>,
    %eq3A_1215 = arith.constant 0 : i32
    %eq3A_1216 = vector.broadcast %eq3A_1215 : i32 to vector<16xi32>
    %eq3A_1217 = arith.cmpi eq, %iota3A, %eq3A_1216 : vector<16xi32>
    tpu.vector_store_idx %arg8[%get3A_1214], %broadcast_in_dim3A_1108 masked %eq3A_1217 {add = true} : memref<8192xi32, #tpu.memory_space<vmem>>[vector<16xi32>], vector<16xi32>, vector<16xi1>
    %eq3A_1218 = arith.constant 1 : i32
    %eq3A_1219 = vector.broadcast %eq3A_1218 : i32 to vector<16xi32>
    %eq3A_1220 = arith.cmpi eq, %iota3A, %eq3A_1219 : vector<16xi32>
    tpu.vector_store_idx %arg8[%get3A_1214], %broadcast_in_dim3A_1108 masked %eq3A_1220 {add = true} : memref<8192xi32, #tpu.memory_space<vmem>>[vector<16xi32>], vector<16xi32>, vector<16xi1>
    %eq3A_1221 = arith.constant 2 : i32
    %eq3A_1222 = vector.broadcast %eq3A_1221 : i32 to vector<16xi32>
    %eq3A_1223 = arith.cmpi eq, %iota3A, %eq3A_1222 : vector<16xi32>
    tpu.vector_store_idx %arg8[%get3A_1214], %broadcast_in_dim3A_1108 masked %eq3A_1223 {add = true} : memref<8192xi32, #tpu.memory_space<vmem>>[vector<16xi32>], vector<16xi32>, vector<16xi1>
    %eq3A_1224 = arith.constant 3 : i32
    %eq3A_1225 = vector.broadcast %eq3A_1224 : i32 to vector<16xi32>
    %eq3A_1226 = arith.cmpi eq, %iota3A, %eq3A_1225 : vector<16xi32>
    tpu.vector_store_idx %arg8[%get3A_1214], %broadcast_in_dim3A_1108 masked %eq3A_1226 {add = true} : memref<8192xi32, #tpu.memory_space<vmem>>[vector<16xi32>], vector<16xi32>, vector<16xi1>
    %eq3A_1227 = arith.constant 4 : i32
    %eq3A_1228 = vector.broadcast %eq3A_1227 : i32 to vector<16xi32>
    %eq3A_1229 = arith.cmpi eq, %iota3A, %eq3A_1228 : vector<16xi32>
    tpu.vector_store_idx %arg8[%get3A_1214], %broadcast_in_dim3A_1108 masked %eq3A_1229 {add = true} : memref<8192xi32, #tpu.memory_space<vmem>>[vector<16xi32>], vector<16xi32>, vector<16xi1>
    %eq3A_1230 = arith.constant 5 : i32
    %eq3A_1231 = vector.broadcast %eq3A_1230 : i32 to vector<16xi32>
    %eq3A_1232 = arith.cmpi eq, %iota3A, %eq3A_1231 : vector<16xi32>
    tpu.vector_store_idx %arg8[%get3A_1214], %broadcast_in_dim3A_1108 masked %eq3A_1232 {add = true} : memref<8192xi32, #tpu.memory_space<vmem>>[vector<16xi32>], vector<16xi32>, vector<16xi1>
    %eq3A_1233 = arith.constant 6 : i32
    %eq3A_1234 = vector.broadcast %eq3A_1233 : i32 to vector<16xi32>
    %eq3A_1235 = arith.cmpi eq, %iota3A, %eq3A_1234 : vector<16xi32>
    tpu.vector_store_idx %arg8[%get3A_1214], %broadcast_in_dim3A_1108 masked %eq3A_1235 {add = true} : memref<8192xi32, #tpu.memory_space<vmem>>[vector<16xi32>], vector<16xi32>, vector<16xi1>
    %eq3A_1236 = arith.constant 7 : i32
    %eq3A_1237 = vector.broadcast %eq3A_1236 : i32 to vector<16xi32>
    %eq3A_1238 = arith.cmpi eq, %iota3A, %eq3A_1237 : vector<16xi32>
    tpu.vector_store_idx %arg8[%get3A_1214], %broadcast_in_dim3A_1108 masked %eq3A_1238 {add = true} : memref<8192xi32, #tpu.memory_space<vmem>>[vector<16xi32>], vector<16xi32>, vector<16xi1>
    %eq3A_1239 = arith.constant 8 : i32
    %eq3A_1240 = vector.broadcast %eq3A_1239 : i32 to vector<16xi32>
    %eq3A_1241 = arith.cmpi eq, %iota3A, %eq3A_1240 : vector<16xi32>
    tpu.vector_store_idx %arg8[%get3A_1214], %broadcast_in_dim3A_1108 masked %eq3A_1241 {add = true} : memref<8192xi32, #tpu.memory_space<vmem>>[vector<16xi32>], vector<16xi32>, vector<16xi1>
    %eq3A_1242 = arith.constant 9 : i32
    %eq3A_1243 = vector.broadcast %eq3A_1242 : i32 to vector<16xi32>
    %eq3A_1244 = arith.cmpi eq, %iota3A, %eq3A_1243 : vector<16xi32>
    tpu.vector_store_idx %arg8[%get3A_1214], %broadcast_in_dim3A_1108 masked %eq3A_1244 {add = true} : memref<8192xi32, #tpu.memory_space<vmem>>[vector<16xi32>], vector<16xi32>, vector<16xi1>
    %eq3A_1245 = arith.constant 10 : i32
    %eq3A_1246 = vector.broadcast %eq3A_1245 : i32 to vector<16xi32>
    %eq3A_1247 = arith.cmpi eq, %iota3A, %eq3A_1246 : vector<16xi32>
    tpu.vector_store_idx %arg8[%get3A_1214], %broadcast_in_dim3A_1108 masked %eq3A_1247 {add = true} : memref<8192xi32, #tpu.memory_space<vmem>>[vector<16xi32>], vector<16xi32>, vector<16xi1>
    %eq3A_1248 = arith.constant 11 : i32
    %eq3A_1249 = vector.broadcast %eq3A_1248 : i32 to vector<16xi32>
    %eq3A_1250 = arith.cmpi eq, %iota3A, %eq3A_1249 : vector<16xi32>
    tpu.vector_store_idx %arg8[%get3A_1214], %broadcast_in_dim3A_1108 masked %eq3A_1250 {add = true} : memref<8192xi32, #tpu.memory_space<vmem>>[vector<16xi32>], vector<16xi32>, vector<16xi1>
    %eq3A_1251 = arith.constant 12 : i32
    %eq3A_1252 = vector.broadcast %eq3A_1251 : i32 to vector<16xi32>
    %eq3A_1253 = arith.cmpi eq, %iota3A, %eq3A_1252 : vector<16xi32>
    tpu.vector_store_idx %arg8[%get3A_1214], %broadcast_in_dim3A_1108 masked %eq3A_1253 {add = true} : memref<8192xi32, #tpu.memory_space<vmem>>[vector<16xi32>], vector<16xi32>, vector<16xi1>
    %eq3A_1254 = arith.constant 13 : i32
    %eq3A_1255 = vector.broadcast %eq3A_1254 : i32 to vector<16xi32>
    %eq3A_1256 = arith.cmpi eq, %iota3A, %eq3A_1255 : vector<16xi32>
    tpu.vector_store_idx %arg8[%get3A_1214], %broadcast_in_dim3A_1108 masked %eq3A_1256 {add = true} : memref<8192xi32, #tpu.memory_space<vmem>>[vector<16xi32>], vector<16xi32>, vector<16xi1>
    %eq3A_1257 = arith.constant 14 : i32
    %eq3A_1258 = vector.broadcast %eq3A_1257 : i32 to vector<16xi32>
    %eq3A_1259 = arith.cmpi eq, %iota3A, %eq3A_1258 : vector<16xi32>
    tpu.vector_store_idx %arg8[%get3A_1214], %broadcast_in_dim3A_1108 masked %eq3A_1259 {add = true} : memref<8192xi32, #tpu.memory_space<vmem>>[vector<16xi32>], vector<16xi32>, vector<16xi1>
    %eq3A_1260 = arith.constant 15 : i32
    %eq3A_1261 = vector.broadcast %eq3A_1260 : i32 to vector<16xi32>
    %eq3A_1262 = arith.cmpi eq, %iota3A, %eq3A_1261 : vector<16xi32>
    tpu.vector_store_idx %arg8[%get3A_1214], %broadcast_in_dim3A_1108 masked %eq3A_1262 {add = true} : memref<8192xi32, #tpu.memory_space<vmem>>[vector<16xi32>], vector<16xi32>, vector<16xi1>
    %get3A_1263 = arith.constant 0 : i32
    %get3A_1264 = arith.index_cast %get3A_1263 : i32 to index
    %get3A_1265 = arith.constant 48 : index
    %get3A_1266 = tpu.vector_load %arg6[%get3A_1264, %get3A_1265] {strides = array<i32>} : memref<4x128xi32, #tpu.memory_space<vmem>>, vector<16xi32>,
    %eq3A_1267 = arith.constant 0 : i32
    %eq3A_1268 = vector.broadcast %eq3A_1267 : i32 to vector<16xi32>
    %eq3A_1269 = arith.cmpi eq, %iota3A, %eq3A_1268 : vector<16xi32>
    tpu.vector_store_idx %arg8[%get3A_1266], %broadcast_in_dim3A_1108 masked %eq3A_1269 {add = true} : memref<8192xi32, #tpu.memory_space<vmem>>[vector<16xi32>], vector<16xi32>, vector<16xi1>
    %eq3A_1270 = arith.constant 1 : i32
    %eq3A_1271 = vector.broadcast %eq3A_1270 : i32 to vector<16xi32>
    %eq3A_1272 = arith.cmpi eq, %iota3A, %eq3A_1271 : vector<16xi32>
    tpu.vector_store_idx %arg8[%get3A_1266], %broadcast_in_dim3A_1108 masked %eq3A_1272 {add = true} : memref<8192xi32, #tpu.memory_space<vmem>>[vector<16xi32>], vector<16xi32>, vector<16xi1>
    %eq3A_1273 = arith.constant 2 : i32
    %eq3A_1274 = vector.broadcast %eq3A_1273 : i32 to vector<16xi32>
    %eq3A_1275 = arith.cmpi eq, %iota3A, %eq3A_1274 : vector<16xi32>
    tpu.vector_store_idx %arg8[%get3A_1266], %broadcast_in_dim3A_1108 masked %eq3A_1275 {add = true} : memref<8192xi32, #tpu.memory_space<vmem>>[vector<16xi32>], vector<16xi32>, vector<16xi1>
    %eq3A_1276 = arith.constant 3 : i32
    %eq3A_1277 = vector.broadcast %eq3A_1276 : i32 to vector<16xi32>
    %eq3A_1278 = arith.cmpi eq, %iota3A, %eq3A_1277 : vector<16xi32>
    tpu.vector_store_idx %arg8[%get3A_1266], %broadcast_in_dim3A_1108 masked %eq3A_1278 {add = true} : memref<8192xi32, #tpu.memory_space<vmem>>[vector<16xi32>], vector<16xi32>, vector<16xi1>
    %eq3A_1279 = arith.constant 4 : i32
    %eq3A_1280 = vector.broadcast %eq3A_1279 : i32 to vector<16xi32>
    %eq3A_1281 = arith.cmpi eq, %iota3A, %eq3A_1280 : vector<16xi32>
    tpu.vector_store_idx %arg8[%get3A_1266], %broadcast_in_dim3A_1108 masked %eq3A_1281 {add = true} : memref<8192xi32, #tpu.memory_space<vmem>>[vector<16xi32>], vector<16xi32>, vector<16xi1>
    %eq3A_1282 = arith.constant 5 : i32
    %eq3A_1283 = vector.broadcast %eq3A_1282 : i32 to vector<16xi32>
    %eq3A_1284 = arith.cmpi eq, %iota3A, %eq3A_1283 : vector<16xi32>
    tpu.vector_store_idx %arg8[%get3A_1266], %broadcast_in_dim3A_1108 masked %eq3A_1284 {add = true} : memref<8192xi32, #tpu.memory_space<vmem>>[vector<16xi32>], vector<16xi32>, vector<16xi1>
    %eq3A_1285 = arith.constant 6 : i32
    %eq3A_1286 = vector.broadcast %eq3A_1285 : i32 to vector<16xi32>
    %eq3A_1287 = arith.cmpi eq, %iota3A, %eq3A_1286 : vector<16xi32>
    tpu.vector_store_idx %arg8[%get3A_1266], %broadcast_in_dim3A_1108 masked %eq3A_1287 {add = true} : memref<8192xi32, #tpu.memory_space<vmem>>[vector<16xi32>], vector<16xi32>, vector<16xi1>
    %eq3A_1288 = arith.constant 7 : i32
    %eq3A_1289 = vector.broadcast %eq3A_1288 : i32 to vector<16xi32>
    %eq3A_1290 = arith.cmpi eq, %iota3A, %eq3A_1289 : vector<16xi32>
    tpu.vector_store_idx %arg8[%get3A_1266], %broadcast_in_dim3A_1108 masked %eq3A_1290 {add = true} : memref<8192xi32, #tpu.memory_space<vmem>>[vector<16xi32>], vector<16xi32>, vector<16xi1>
    %eq3A_1291 = arith.constant 8 : i32
    %eq3A_1292 = vector.broadcast %eq3A_1291 : i32 to vector<16xi32>
    %eq3A_1293 = arith.cmpi eq, %iota3A, %eq3A_1292 : vector<16xi32>
    tpu.vector_store_idx %arg8[%get3A_1266], %broadcast_in_dim3A_1108 masked %eq3A_1293 {add = true} : memref<8192xi32, #tpu.memory_space<vmem>>[vector<16xi32>], vector<16xi32>, vector<16xi1>
    %eq3A_1294 = arith.constant 9 : i32
    %eq3A_1295 = vector.broadcast %eq3A_1294 : i32 to vector<16xi32>
    %eq3A_1296 = arith.cmpi eq, %iota3A, %eq3A_1295 : vector<16xi32>
    tpu.vector_store_idx %arg8[%get3A_1266], %broadcast_in_dim3A_1108 masked %eq3A_1296 {add = true} : memref<8192xi32, #tpu.memory_space<vmem>>[vector<16xi32>], vector<16xi32>, vector<16xi1>
    %eq3A_1297 = arith.constant 10 : i32
    %eq3A_1298 = vector.broadcast %eq3A_1297 : i32 to vector<16xi32>
    %eq3A_1299 = arith.cmpi eq, %iota3A, %eq3A_1298 : vector<16xi32>
    tpu.vector_store_idx %arg8[%get3A_1266], %broadcast_in_dim3A_1108 masked %eq3A_1299 {add = true} : memref<8192xi32, #tpu.memory_space<vmem>>[vector<16xi32>], vector<16xi32>, vector<16xi1>
    %eq3A_1300 = arith.constant 11 : i32
    %eq3A_1301 = vector.broadcast %eq3A_1300 : i32 to vector<16xi32>
    %eq3A_1302 = arith.cmpi eq, %iota3A, %eq3A_1301 : vector<16xi32>
    tpu.vector_store_idx %arg8[%get3A_1266], %broadcast_in_dim3A_1108 masked %eq3A_1302 {add = true} : memref<8192xi32, #tpu.memory_space<vmem>>[vector<16xi32>], vector<16xi32>, vector<16xi1>
    %eq3A_1303 = arith.constant 12 : i32
    %eq3A_1304 = vector.broadcast %eq3A_1303 : i32 to vector<16xi32>
    %eq3A_1305 = arith.cmpi eq, %iota3A, %eq3A_1304 : vector<16xi32>
    tpu.vector_store_idx %arg8[%get3A_1266], %broadcast_in_dim3A_1108 masked %eq3A_1305 {add = true} : memref<8192xi32, #tpu.memory_space<vmem>>[vector<16xi32>], vector<16xi32>, vector<16xi1>
    %eq3A_1306 = arith.constant 13 : i32
    %eq3A_1307 = vector.broadcast %eq3A_1306 : i32 to vector<16xi32>
    %eq3A_1308 = arith.cmpi eq, %iota3A, %eq3A_1307 : vector<16xi32>
    tpu.vector_store_idx %arg8[%get3A_1266], %broadcast_in_dim3A_1108 masked %eq3A_1308 {add = true} : memref<8192xi32, #tpu.memory_space<vmem>>[vector<16xi32>], vector<16xi32>, vector<16xi1>
    %eq3A_1309 = arith.constant 14 : i32
    %eq3A_1310 = vector.broadcast %eq3A_1309 : i32 to vector<16xi32>
    %eq3A_1311 = arith.cmpi eq, %iota3A, %eq3A_1310 : vector<16xi32>
    tpu.vector_store_idx %arg8[%get3A_1266], %broadcast_in_dim3A_1108 masked %eq3A_1311 {add = true} : memref<8192xi32, #tpu.memory_space<vmem>>[vector<16xi32>], vector<16xi32>, vector<16xi1>
    %eq3A_1312 = arith.constant 15 : i32
    %eq3A_1313 = vector.broadcast %eq3A_1312 : i32 to vector<16xi32>
    %eq3A_1314 = arith.cmpi eq, %iota3A, %eq3A_1313 : vector<16xi32>
    tpu.vector_store_idx %arg8[%get3A_1266], %broadcast_in_dim3A_1108 masked %eq3A_1314 {add = true} : memref<8192xi32, #tpu.memory_space<vmem>>[vector<16xi32>], vector<16xi32>, vector<16xi1>
    %get3A_1315 = arith.constant 0 : i32
    %get3A_1316 = arith.index_cast %get3A_1315 : i32 to index
    %get3A_1317 = arith.constant 64 : index
    %get3A_1318 = tpu.vector_load %arg6[%get3A_1316, %get3A_1317] {strides = array<i32>} : memref<4x128xi32, #tpu.memory_space<vmem>>, vector<16xi32>,
    %eq3A_1319 = arith.constant 0 : i32
    %eq3A_1320 = vector.broadcast %eq3A_1319 : i32 to vector<16xi32>
    %eq3A_1321 = arith.cmpi eq, %iota3A, %eq3A_1320 : vector<16xi32>
    tpu.vector_store_idx %arg8[%get3A_1318], %broadcast_in_dim3A_1108 masked %eq3A_1321 {add = true} : memref<8192xi32, #tpu.memory_space<vmem>>[vector<16xi32>], vector<16xi32>, vector<16xi1>
    %eq3A_1322 = arith.constant 1 : i32
    %eq3A_1323 = vector.broadcast %eq3A_1322 : i32 to vector<16xi32>
    %eq3A_1324 = arith.cmpi eq, %iota3A, %eq3A_1323 : vector<16xi32>
    tpu.vector_store_idx %arg8[%get3A_1318], %broadcast_in_dim3A_1108 masked %eq3A_1324 {add = true} : memref<8192xi32, #tpu.memory_space<vmem>>[vector<16xi32>], vector<16xi32>, vector<16xi1>
    %eq3A_1325 = arith.constant 2 : i32
    %eq3A_1326 = vector.broadcast %eq3A_1325 : i32 to vector<16xi32>
    %eq3A_1327 = arith.cmpi eq, %iota3A, %eq3A_1326 : vector<16xi32>
    tpu.vector_store_idx %arg8[%get3A_1318], %broadcast_in_dim3A_1108 masked %eq3A_1327 {add = true} : memref<8192xi32, #tpu.memory_space<vmem>>[vector<16xi32>], vector<16xi32>, vector<16xi1>
    %eq3A_1328 = arith.constant 3 : i32
    %eq3A_1329 = vector.broadcast %eq3A_1328 : i32 to vector<16xi32>
    %eq3A_1330 = arith.cmpi eq, %iota3A, %eq3A_1329 : vector<16xi32>
    tpu.vector_store_idx %arg8[%get3A_1318], %broadcast_in_dim3A_1108 masked %eq3A_1330 {add = true} : memref<8192xi32, #tpu.memory_space<vmem>>[vector<16xi32>], vector<16xi32>, vector<16xi1>
    %eq3A_1331 = arith.constant 4 : i32
    %eq3A_1332 = vector.broadcast %eq3A_1331 : i32 to vector<16xi32>
    %eq3A_1333 = arith.cmpi eq, %iota3A, %eq3A_1332 : vector<16xi32>
    tpu.vector_store_idx %arg8[%get3A_1318], %broadcast_in_dim3A_1108 masked %eq3A_1333 {add = true} : memref<8192xi32, #tpu.memory_space<vmem>>[vector<16xi32>], vector<16xi32>, vector<16xi1>
    %eq3A_1334 = arith.constant 5 : i32
    %eq3A_1335 = vector.broadcast %eq3A_1334 : i32 to vector<16xi32>
    %eq3A_1336 = arith.cmpi eq, %iota3A, %eq3A_1335 : vector<16xi32>
    tpu.vector_store_idx %arg8[%get3A_1318], %broadcast_in_dim3A_1108 masked %eq3A_1336 {add = true} : memref<8192xi32, #tpu.memory_space<vmem>>[vector<16xi32>], vector<16xi32>, vector<16xi1>
    %eq3A_1337 = arith.constant 6 : i32
    %eq3A_1338 = vector.broadcast %eq3A_1337 : i32 to vector<16xi32>
    %eq3A_1339 = arith.cmpi eq, %iota3A, %eq3A_1338 : vector<16xi32>
    tpu.vector_store_idx %arg8[%get3A_1318], %broadcast_in_dim3A_1108 masked %eq3A_1339 {add = true} : memref<8192xi32, #tpu.memory_space<vmem>>[vector<16xi32>], vector<16xi32>, vector<16xi1>
    %eq3A_1340 = arith.constant 7 : i32
    %eq3A_1341 = vector.broadcast %eq3A_1340 : i32 to vector<16xi32>
    %eq3A_1342 = arith.cmpi eq, %iota3A, %eq3A_1341 : vector<16xi32>
    tpu.vector_store_idx %arg8[%get3A_1318], %broadcast_in_dim3A_1108 masked %eq3A_1342 {add = true} : memref<8192xi32, #tpu.memory_space<vmem>>[vector<16xi32>], vector<16xi32>, vector<16xi1>
    %eq3A_1343 = arith.constant 8 : i32
    %eq3A_1344 = vector.broadcast %eq3A_1343 : i32 to vector<16xi32>
    %eq3A_1345 = arith.cmpi eq, %iota3A, %eq3A_1344 : vector<16xi32>
    tpu.vector_store_idx %arg8[%get3A_1318], %broadcast_in_dim3A_1108 masked %eq3A_1345 {add = true} : memref<8192xi32, #tpu.memory_space<vmem>>[vector<16xi32>], vector<16xi32>, vector<16xi1>
    %eq3A_1346 = arith.constant 9 : i32
    %eq3A_1347 = vector.broadcast %eq3A_1346 : i32 to vector<16xi32>
    %eq3A_1348 = arith.cmpi eq, %iota3A, %eq3A_1347 : vector<16xi32>
    tpu.vector_store_idx %arg8[%get3A_1318], %broadcast_in_dim3A_1108 masked %eq3A_1348 {add = true} : memref<8192xi32, #tpu.memory_space<vmem>>[vector<16xi32>], vector<16xi32>, vector<16xi1>
    %eq3A_1349 = arith.constant 10 : i32
    %eq3A_1350 = vector.broadcast %eq3A_1349 : i32 to vector<16xi32>
    %eq3A_1351 = arith.cmpi eq, %iota3A, %eq3A_1350 : vector<16xi32>
    tpu.vector_store_idx %arg8[%get3A_1318], %broadcast_in_dim3A_1108 masked %eq3A_1351 {add = true} : memref<8192xi32, #tpu.memory_space<vmem>>[vector<16xi32>], vector<16xi32>, vector<16xi1>
    %eq3A_1352 = arith.constant 11 : i32
    %eq3A_1353 = vector.broadcast %eq3A_1352 : i32 to vector<16xi32>
    %eq3A_1354 = arith.cmpi eq, %iota3A, %eq3A_1353 : vector<16xi32>
    tpu.vector_store_idx %arg8[%get3A_1318], %broadcast_in_dim3A_1108 masked %eq3A_1354 {add = true} : memref<8192xi32, #tpu.memory_space<vmem>>[vector<16xi32>], vector<16xi32>, vector<16xi1>
    %eq3A_1355 = arith.constant 12 : i32
    %eq3A_1356 = vector.broadcast %eq3A_1355 : i32 to vector<16xi32>
    %eq3A_1357 = arith.cmpi eq, %iota3A, %eq3A_1356 : vector<16xi32>
    tpu.vector_store_idx %arg8[%get3A_1318], %broadcast_in_dim3A_1108 masked %eq3A_1357 {add = true} : memref<8192xi32, #tpu.memory_space<vmem>>[vector<16xi32>], vector<16xi32>, vector<16xi1>
    %eq3A_1358 = arith.constant 13 : i32
    %eq3A_1359 = vector.broadcast %eq3A_1358 : i32 to vector<16xi32>
    %eq3A_1360 = arith.cmpi eq, %iota3A, %eq3A_1359 : vector<16xi32>
    tpu.vector_store_idx %arg8[%get3A_1318], %broadcast_in_dim3A_1108 masked %eq3A_1360 {add = true} : memref<8192xi32, #tpu.memory_space<vmem>>[vector<16xi32>], vector<16xi32>, vector<16xi1>
    %eq3A_1361 = arith.constant 14 : i32
    %eq3A_1362 = vector.broadcast %eq3A_1361 : i32 to vector<16xi32>
    %eq3A_1363 = arith.cmpi eq, %iota3A, %eq3A_1362 : vector<16xi32>
    tpu.vector_store_idx %arg8[%get3A_1318], %broadcast_in_dim3A_1108 masked %eq3A_1363 {add = true} : memref<8192xi32, #tpu.memory_space<vmem>>[vector<16xi32>], vector<16xi32>, vector<16xi1>
    %eq3A_1364 = arith.constant 15 : i32
    %eq3A_1365 = vector.broadcast %eq3A_1364 : i32 to vector<16xi32>
    %eq3A_1366 = arith.cmpi eq, %iota3A, %eq3A_1365 : vector<16xi32>
    tpu.vector_store_idx %arg8[%get3A_1318], %broadcast_in_dim3A_1108 masked %eq3A_1366 {add = true} : memref<8192xi32, #tpu.memory_space<vmem>>[vector<16xi32>], vector<16xi32>, vector<16xi1>
    %get3A_1367 = arith.constant 0 : i32
    %get3A_1368 = arith.index_cast %get3A_1367 : i32 to index
    %get3A_1369 = arith.constant 80 : index
    %get3A_1370 = tpu.vector_load %arg6[%get3A_1368, %get3A_1369] {strides = array<i32>} : memref<4x128xi32, #tpu.memory_space<vmem>>, vector<16xi32>,
    %eq3A_1371 = arith.constant 0 : i32
    %eq3A_1372 = vector.broadcast %eq3A_1371 : i32 to vector<16xi32>
    %eq3A_1373 = arith.cmpi eq, %iota3A, %eq3A_1372 : vector<16xi32>
    tpu.vector_store_idx %arg8[%get3A_1370], %broadcast_in_dim3A_1108 masked %eq3A_1373 {add = true} : memref<8192xi32, #tpu.memory_space<vmem>>[vector<16xi32>], vector<16xi32>, vector<16xi1>
    %eq3A_1374 = arith.constant 1 : i32
    %eq3A_1375 = vector.broadcast %eq3A_1374 : i32 to vector<16xi32>
    %eq3A_1376 = arith.cmpi eq, %iota3A, %eq3A_1375 : vector<16xi32>
    tpu.vector_store_idx %arg8[%get3A_1370], %broadcast_in_dim3A_1108 masked %eq3A_1376 {add = true} : memref<8192xi32, #tpu.memory_space<vmem>>[vector<16xi32>], vector<16xi32>, vector<16xi1>
    %eq3A_1377 = arith.constant 2 : i32
    %eq3A_1378 = vector.broadcast %eq3A_1377 : i32 to vector<16xi32>
    %eq3A_1379 = arith.cmpi eq, %iota3A, %eq3A_1378 : vector<16xi32>
    tpu.vector_store_idx %arg8[%get3A_1370], %broadcast_in_dim3A_1108 masked %eq3A_1379 {add = true} : memref<8192xi32, #tpu.memory_space<vmem>>[vector<16xi32>], vector<16xi32>, vector<16xi1>
    %eq3A_1380 = arith.constant 3 : i32
    %eq3A_1381 = vector.broadcast %eq3A_1380 : i32 to vector<16xi32>
    %eq3A_1382 = arith.cmpi eq, %iota3A, %eq3A_1381 : vector<16xi32>
    tpu.vector_store_idx %arg8[%get3A_1370], %broadcast_in_dim3A_1108 masked %eq3A_1382 {add = true} : memref<8192xi32, #tpu.memory_space<vmem>>[vector<16xi32>], vector<16xi32>, vector<16xi1>
    %eq3A_1383 = arith.constant 4 : i32
    %eq3A_1384 = vector.broadcast %eq3A_1383 : i32 to vector<16xi32>
    %eq3A_1385 = arith.cmpi eq, %iota3A, %eq3A_1384 : vector<16xi32>
    tpu.vector_store_idx %arg8[%get3A_1370], %broadcast_in_dim3A_1108 masked %eq3A_1385 {add = true} : memref<8192xi32, #tpu.memory_space<vmem>>[vector<16xi32>], vector<16xi32>, vector<16xi1>
    %eq3A_1386 = arith.constant 5 : i32
    %eq3A_1387 = vector.broadcast %eq3A_1386 : i32 to vector<16xi32>
    %eq3A_1388 = arith.cmpi eq, %iota3A, %eq3A_1387 : vector<16xi32>
    tpu.vector_store_idx %arg8[%get3A_1370], %broadcast_in_dim3A_1108 masked %eq3A_1388 {add = true} : memref<8192xi32, #tpu.memory_space<vmem>>[vector<16xi32>], vector<16xi32>, vector<16xi1>
    %eq3A_1389 = arith.constant 6 : i32
    %eq3A_1390 = vector.broadcast %eq3A_1389 : i32 to vector<16xi32>
    %eq3A_1391 = arith.cmpi eq, %iota3A, %eq3A_1390 : vector<16xi32>
    tpu.vector_store_idx %arg8[%get3A_1370], %broadcast_in_dim3A_1108 masked %eq3A_1391 {add = true} : memref<8192xi32, #tpu.memory_space<vmem>>[vector<16xi32>], vector<16xi32>, vector<16xi1>
    %eq3A_1392 = arith.constant 7 : i32
    %eq3A_1393 = vector.broadcast %eq3A_1392 : i32 to vector<16xi32>
    %eq3A_1394 = arith.cmpi eq, %iota3A, %eq3A_1393 : vector<16xi32>
    tpu.vector_store_idx %arg8[%get3A_1370], %broadcast_in_dim3A_1108 masked %eq3A_1394 {add = true} : memref<8192xi32, #tpu.memory_space<vmem>>[vector<16xi32>], vector<16xi32>, vector<16xi1>
    %eq3A_1395 = arith.constant 8 : i32
    %eq3A_1396 = vector.broadcast %eq3A_1395 : i32 to vector<16xi32>
    %eq3A_1397 = arith.cmpi eq, %iota3A, %eq3A_1396 : vector<16xi32>
    tpu.vector_store_idx %arg8[%get3A_1370], %broadcast_in_dim3A_1108 masked %eq3A_1397 {add = true} : memref<8192xi32, #tpu.memory_space<vmem>>[vector<16xi32>], vector<16xi32>, vector<16xi1>
    %eq3A_1398 = arith.constant 9 : i32
    %eq3A_1399 = vector.broadcast %eq3A_1398 : i32 to vector<16xi32>
    %eq3A_1400 = arith.cmpi eq, %iota3A, %eq3A_1399 : vector<16xi32>
    tpu.vector_store_idx %arg8[%get3A_1370], %broadcast_in_dim3A_1108 masked %eq3A_1400 {add = true} : memref<8192xi32, #tpu.memory_space<vmem>>[vector<16xi32>], vector<16xi32>, vector<16xi1>
    %eq3A_1401 = arith.constant 10 : i32
    %eq3A_1402 = vector.broadcast %eq3A_1401 : i32 to vector<16xi32>
    %eq3A_1403 = arith.cmpi eq, %iota3A, %eq3A_1402 : vector<16xi32>
    tpu.vector_store_idx %arg8[%get3A_1370], %broadcast_in_dim3A_1108 masked %eq3A_1403 {add = true} : memref<8192xi32, #tpu.memory_space<vmem>>[vector<16xi32>], vector<16xi32>, vector<16xi1>
    %eq3A_1404 = arith.constant 11 : i32
    %eq3A_1405 = vector.broadcast %eq3A_1404 : i32 to vector<16xi32>
    %eq3A_1406 = arith.cmpi eq, %iota3A, %eq3A_1405 : vector<16xi32>
    tpu.vector_store_idx %arg8[%get3A_1370], %broadcast_in_dim3A_1108 masked %eq3A_1406 {add = true} : memref<8192xi32, #tpu.memory_space<vmem>>[vector<16xi32>], vector<16xi32>, vector<16xi1>
    %eq3A_1407 = arith.constant 12 : i32
    %eq3A_1408 = vector.broadcast %eq3A_1407 : i32 to vector<16xi32>
    %eq3A_1409 = arith.cmpi eq, %iota3A, %eq3A_1408 : vector<16xi32>
    tpu.vector_store_idx %arg8[%get3A_1370], %broadcast_in_dim3A_1108 masked %eq3A_1409 {add = true} : memref<8192xi32, #tpu.memory_space<vmem>>[vector<16xi32>], vector<16xi32>, vector<16xi1>
    %eq3A_1410 = arith.constant 13 : i32
    %eq3A_1411 = vector.broadcast %eq3A_1410 : i32 to vector<16xi32>
    %eq3A_1412 = arith.cmpi eq, %iota3A, %eq3A_1411 : vector<16xi32>
    tpu.vector_store_idx %arg8[%get3A_1370], %broadcast_in_dim3A_1108 masked %eq3A_1412 {add = true} : memref<8192xi32, #tpu.memory_space<vmem>>[vector<16xi32>], vector<16xi32>, vector<16xi1>
    %eq3A_1413 = arith.constant 14 : i32
    %eq3A_1414 = vector.broadcast %eq3A_1413 : i32 to vector<16xi32>
    %eq3A_1415 = arith.cmpi eq, %iota3A, %eq3A_1414 : vector<16xi32>
    tpu.vector_store_idx %arg8[%get3A_1370], %broadcast_in_dim3A_1108 masked %eq3A_1415 {add = true} : memref<8192xi32, #tpu.memory_space<vmem>>[vector<16xi32>], vector<16xi32>, vector<16xi1>
    %eq3A_1416 = arith.constant 15 : i32
    %eq3A_1417 = vector.broadcast %eq3A_1416 : i32 to vector<16xi32>
    %eq3A_1418 = arith.cmpi eq, %iota3A, %eq3A_1417 : vector<16xi32>
    tpu.vector_store_idx %arg8[%get3A_1370], %broadcast_in_dim3A_1108 masked %eq3A_1418 {add = true} : memref<8192xi32, #tpu.memory_space<vmem>>[vector<16xi32>], vector<16xi32>, vector<16xi1>
    %get3A_1419 = arith.constant 0 : i32
    %get3A_1420 = arith.index_cast %get3A_1419 : i32 to index
    %get3A_1421 = arith.constant 96 : index
    %get3A_1422 = tpu.vector_load %arg6[%get3A_1420, %get3A_1421] {strides = array<i32>} : memref<4x128xi32, #tpu.memory_space<vmem>>, vector<16xi32>,
    %eq3A_1423 = arith.constant 0 : i32
    %eq3A_1424 = vector.broadcast %eq3A_1423 : i32 to vector<16xi32>
    %eq3A_1425 = arith.cmpi eq, %iota3A, %eq3A_1424 : vector<16xi32>
    tpu.vector_store_idx %arg8[%get3A_1422], %broadcast_in_dim3A_1108 masked %eq3A_1425 {add = true} : memref<8192xi32, #tpu.memory_space<vmem>>[vector<16xi32>], vector<16xi32>, vector<16xi1>
    %eq3A_1426 = arith.constant 1 : i32
    %eq3A_1427 = vector.broadcast %eq3A_1426 : i32 to vector<16xi32>
    %eq3A_1428 = arith.cmpi eq, %iota3A, %eq3A_1427 : vector<16xi32>
    tpu.vector_store_idx %arg8[%get3A_1422], %broadcast_in_dim3A_1108 masked %eq3A_1428 {add = true} : memref<8192xi32, #tpu.memory_space<vmem>>[vector<16xi32>], vector<16xi32>, vector<16xi1>
    %eq3A_1429 = arith.constant 2 : i32
    %eq3A_1430 = vector.broadcast %eq3A_1429 : i32 to vector<16xi32>
    %eq3A_1431 = arith.cmpi eq, %iota3A, %eq3A_1430 : vector<16xi32>
    tpu.vector_store_idx %arg8[%get3A_1422], %broadcast_in_dim3A_1108 masked %eq3A_1431 {add = true} : memref<8192xi32, #tpu.memory_space<vmem>>[vector<16xi32>], vector<16xi32>, vector<16xi1>
    %eq3A_1432 = arith.constant 3 : i32
    %eq3A_1433 = vector.broadcast %eq3A_1432 : i32 to vector<16xi32>
    %eq3A_1434 = arith.cmpi eq, %iota3A, %eq3A_1433 : vector<16xi32>
    tpu.vector_store_idx %arg8[%get3A_1422], %broadcast_in_dim3A_1108 masked %eq3A_1434 {add = true} : memref<8192xi32, #tpu.memory_space<vmem>>[vector<16xi32>], vector<16xi32>, vector<16xi1>
    %eq3A_1435 = arith.constant 4 : i32
    %eq3A_1436 = vector.broadcast %eq3A_1435 : i32 to vector<16xi32>
    %eq3A_1437 = arith.cmpi eq, %iota3A, %eq3A_1436 : vector<16xi32>
    tpu.vector_store_idx %arg8[%get3A_1422], %broadcast_in_dim3A_1108 masked %eq3A_1437 {add = true} : memref<8192xi32, #tpu.memory_space<vmem>>[vector<16xi32>], vector<16xi32>, vector<16xi1>
    %eq3A_1438 = arith.constant 5 : i32
    %eq3A_1439 = vector.broadcast %eq3A_1438 : i32 to vector<16xi32>
    %eq3A_1440 = arith.cmpi eq, %iota3A, %eq3A_1439 : vector<16xi32>
    tpu.vector_store_idx %arg8[%get3A_1422], %broadcast_in_dim3A_1108 masked %eq3A_1440 {add = true} : memref<8192xi32, #tpu.memory_space<vmem>>[vector<16xi32>], vector<16xi32>, vector<16xi1>
    %eq3A_1441 = arith.constant 6 : i32
    %eq3A_1442 = vector.broadcast %eq3A_1441 : i32 to vector<16xi32>
    %eq3A_1443 = arith.cmpi eq, %iota3A, %eq3A_1442 : vector<16xi32>
    tpu.vector_store_idx %arg8[%get3A_1422], %broadcast_in_dim3A_1108 masked %eq3A_1443 {add = true} : memref<8192xi32, #tpu.memory_space<vmem>>[vector<16xi32>], vector<16xi32>, vector<16xi1>
    %eq3A_1444 = arith.constant 7 : i32
    %eq3A_1445 = vector.broadcast %eq3A_1444 : i32 to vector<16xi32>
    %eq3A_1446 = arith.cmpi eq, %iota3A, %eq3A_1445 : vector<16xi32>
    tpu.vector_store_idx %arg8[%get3A_1422], %broadcast_in_dim3A_1108 masked %eq3A_1446 {add = true} : memref<8192xi32, #tpu.memory_space<vmem>>[vector<16xi32>], vector<16xi32>, vector<16xi1>
    %eq3A_1447 = arith.constant 8 : i32
    %eq3A_1448 = vector.broadcast %eq3A_1447 : i32 to vector<16xi32>
    %eq3A_1449 = arith.cmpi eq, %iota3A, %eq3A_1448 : vector<16xi32>
    tpu.vector_store_idx %arg8[%get3A_1422], %broadcast_in_dim3A_1108 masked %eq3A_1449 {add = true} : memref<8192xi32, #tpu.memory_space<vmem>>[vector<16xi32>], vector<16xi32>, vector<16xi1>
    %eq3A_1450 = arith.constant 9 : i32
    %eq3A_1451 = vector.broadcast %eq3A_1450 : i32 to vector<16xi32>
    %eq3A_1452 = arith.cmpi eq, %iota3A, %eq3A_1451 : vector<16xi32>
    tpu.vector_store_idx %arg8[%get3A_1422], %broadcast_in_dim3A_1108 masked %eq3A_1452 {add = true} : memref<8192xi32, #tpu.memory_space<vmem>>[vector<16xi32>], vector<16xi32>, vector<16xi1>
    %eq3A_1453 = arith.constant 10 : i32
    %eq3A_1454 = vector.broadcast %eq3A_1453 : i32 to vector<16xi32>
    %eq3A_1455 = arith.cmpi eq, %iota3A, %eq3A_1454 : vector<16xi32>
    tpu.vector_store_idx %arg8[%get3A_1422], %broadcast_in_dim3A_1108 masked %eq3A_1455 {add = true} : memref<8192xi32, #tpu.memory_space<vmem>>[vector<16xi32>], vector<16xi32>, vector<16xi1>
    %eq3A_1456 = arith.constant 11 : i32
    %eq3A_1457 = vector.broadcast %eq3A_1456 : i32 to vector<16xi32>
    %eq3A_1458 = arith.cmpi eq, %iota3A, %eq3A_1457 : vector<16xi32>
    tpu.vector_store_idx %arg8[%get3A_1422], %broadcast_in_dim3A_1108 masked %eq3A_1458 {add = true} : memref<8192xi32, #tpu.memory_space<vmem>>[vector<16xi32>], vector<16xi32>, vector<16xi1>
    %eq3A_1459 = arith.constant 12 : i32
    %eq3A_1460 = vector.broadcast %eq3A_1459 : i32 to vector<16xi32>
    %eq3A_1461 = arith.cmpi eq, %iota3A, %eq3A_1460 : vector<16xi32>
    tpu.vector_store_idx %arg8[%get3A_1422], %broadcast_in_dim3A_1108 masked %eq3A_1461 {add = true} : memref<8192xi32, #tpu.memory_space<vmem>>[vector<16xi32>], vector<16xi32>, vector<16xi1>
    %eq3A_1462 = arith.constant 13 : i32
    %eq3A_1463 = vector.broadcast %eq3A_1462 : i32 to vector<16xi32>
    %eq3A_1464 = arith.cmpi eq, %iota3A, %eq3A_1463 : vector<16xi32>
    tpu.vector_store_idx %arg8[%get3A_1422], %broadcast_in_dim3A_1108 masked %eq3A_1464 {add = true} : memref<8192xi32, #tpu.memory_space<vmem>>[vector<16xi32>], vector<16xi32>, vector<16xi1>
    %eq3A_1465 = arith.constant 14 : i32
    %eq3A_1466 = vector.broadcast %eq3A_1465 : i32 to vector<16xi32>
    %eq3A_1467 = arith.cmpi eq, %iota3A, %eq3A_1466 : vector<16xi32>
    tpu.vector_store_idx %arg8[%get3A_1422], %broadcast_in_dim3A_1108 masked %eq3A_1467 {add = true} : memref<8192xi32, #tpu.memory_space<vmem>>[vector<16xi32>], vector<16xi32>, vector<16xi1>
    %eq3A_1468 = arith.constant 15 : i32
    %eq3A_1469 = vector.broadcast %eq3A_1468 : i32 to vector<16xi32>
    %eq3A_1470 = arith.cmpi eq, %iota3A, %eq3A_1469 : vector<16xi32>
    tpu.vector_store_idx %arg8[%get3A_1422], %broadcast_in_dim3A_1108 masked %eq3A_1470 {add = true} : memref<8192xi32, #tpu.memory_space<vmem>>[vector<16xi32>], vector<16xi32>, vector<16xi1>
    %get3A_1471 = arith.constant 0 : i32
    %get3A_1472 = arith.index_cast %get3A_1471 : i32 to index
    %get3A_1473 = arith.constant 112 : index
    %get3A_1474 = tpu.vector_load %arg6[%get3A_1472, %get3A_1473] {strides = array<i32>} : memref<4x128xi32, #tpu.memory_space<vmem>>, vector<16xi32>,
    %eq3A_1475 = arith.constant 0 : i32
    %eq3A_1476 = vector.broadcast %eq3A_1475 : i32 to vector<16xi32>
    %eq3A_1477 = arith.cmpi eq, %iota3A, %eq3A_1476 : vector<16xi32>
    tpu.vector_store_idx %arg8[%get3A_1474], %broadcast_in_dim3A_1108 masked %eq3A_1477 {add = true} : memref<8192xi32, #tpu.memory_space<vmem>>[vector<16xi32>], vector<16xi32>, vector<16xi1>
    %eq3A_1478 = arith.constant 1 : i32
    %eq3A_1479 = vector.broadcast %eq3A_1478 : i32 to vector<16xi32>
    %eq3A_1480 = arith.cmpi eq, %iota3A, %eq3A_1479 : vector<16xi32>
    tpu.vector_store_idx %arg8[%get3A_1474], %broadcast_in_dim3A_1108 masked %eq3A_1480 {add = true} : memref<8192xi32, #tpu.memory_space<vmem>>[vector<16xi32>], vector<16xi32>, vector<16xi1>
    %eq3A_1481 = arith.constant 2 : i32
    %eq3A_1482 = vector.broadcast %eq3A_1481 : i32 to vector<16xi32>
    %eq3A_1483 = arith.cmpi eq, %iota3A, %eq3A_1482 : vector<16xi32>
    tpu.vector_store_idx %arg8[%get3A_1474], %broadcast_in_dim3A_1108 masked %eq3A_1483 {add = true} : memref<8192xi32, #tpu.memory_space<vmem>>[vector<16xi32>], vector<16xi32>, vector<16xi1>
    %eq3A_1484 = arith.constant 3 : i32
    %eq3A_1485 = vector.broadcast %eq3A_1484 : i32 to vector<16xi32>
    %eq3A_1486 = arith.cmpi eq, %iota3A, %eq3A_1485 : vector<16xi32>
    tpu.vector_store_idx %arg8[%get3A_1474], %broadcast_in_dim3A_1108 masked %eq3A_1486 {add = true} : memref<8192xi32, #tpu.memory_space<vmem>>[vector<16xi32>], vector<16xi32>, vector<16xi1>
    %eq3A_1487 = arith.constant 4 : i32
    %eq3A_1488 = vector.broadcast %eq3A_1487 : i32 to vector<16xi32>
    %eq3A_1489 = arith.cmpi eq, %iota3A, %eq3A_1488 : vector<16xi32>
    tpu.vector_store_idx %arg8[%get3A_1474], %broadcast_in_dim3A_1108 masked %eq3A_1489 {add = true} : memref<8192xi32, #tpu.memory_space<vmem>>[vector<16xi32>], vector<16xi32>, vector<16xi1>
    %eq3A_1490 = arith.constant 5 : i32
    %eq3A_1491 = vector.broadcast %eq3A_1490 : i32 to vector<16xi32>
    %eq3A_1492 = arith.cmpi eq, %iota3A, %eq3A_1491 : vector<16xi32>
    tpu.vector_store_idx %arg8[%get3A_1474], %broadcast_in_dim3A_1108 masked %eq3A_1492 {add = true} : memref<8192xi32, #tpu.memory_space<vmem>>[vector<16xi32>], vector<16xi32>, vector<16xi1>
    %eq3A_1493 = arith.constant 6 : i32
    %eq3A_1494 = vector.broadcast %eq3A_1493 : i32 to vector<16xi32>
    %eq3A_1495 = arith.cmpi eq, %iota3A, %eq3A_1494 : vector<16xi32>
    tpu.vector_store_idx %arg8[%get3A_1474], %broadcast_in_dim3A_1108 masked %eq3A_1495 {add = true} : memref<8192xi32, #tpu.memory_space<vmem>>[vector<16xi32>], vector<16xi32>, vector<16xi1>
    %eq3A_1496 = arith.constant 7 : i32
    %eq3A_1497 = vector.broadcast %eq3A_1496 : i32 to vector<16xi32>
    %eq3A_1498 = arith.cmpi eq, %iota3A, %eq3A_1497 : vector<16xi32>
    tpu.vector_store_idx %arg8[%get3A_1474], %broadcast_in_dim3A_1108 masked %eq3A_1498 {add = true} : memref<8192xi32, #tpu.memory_space<vmem>>[vector<16xi32>], vector<16xi32>, vector<16xi1>
    %eq3A_1499 = arith.constant 8 : i32
    %eq3A_1500 = vector.broadcast %eq3A_1499 : i32 to vector<16xi32>
    %eq3A_1501 = arith.cmpi eq, %iota3A, %eq3A_1500 : vector<16xi32>
    tpu.vector_store_idx %arg8[%get3A_1474], %broadcast_in_dim3A_1108 masked %eq3A_1501 {add = true} : memref<8192xi32, #tpu.memory_space<vmem>>[vector<16xi32>], vector<16xi32>, vector<16xi1>
    %eq3A_1502 = arith.constant 9 : i32
    %eq3A_1503 = vector.broadcast %eq3A_1502 : i32 to vector<16xi32>
    %eq3A_1504 = arith.cmpi eq, %iota3A, %eq3A_1503 : vector<16xi32>
    tpu.vector_store_idx %arg8[%get3A_1474], %broadcast_in_dim3A_1108 masked %eq3A_1504 {add = true} : memref<8192xi32, #tpu.memory_space<vmem>>[vector<16xi32>], vector<16xi32>, vector<16xi1>
    %eq3A_1505 = arith.constant 10 : i32
    %eq3A_1506 = vector.broadcast %eq3A_1505 : i32 to vector<16xi32>
    %eq3A_1507 = arith.cmpi eq, %iota3A, %eq3A_1506 : vector<16xi32>
    tpu.vector_store_idx %arg8[%get3A_1474], %broadcast_in_dim3A_1108 masked %eq3A_1507 {add = true} : memref<8192xi32, #tpu.memory_space<vmem>>[vector<16xi32>], vector<16xi32>, vector<16xi1>
    %eq3A_1508 = arith.constant 11 : i32
    %eq3A_1509 = vector.broadcast %eq3A_1508 : i32 to vector<16xi32>
    %eq3A_1510 = arith.cmpi eq, %iota3A, %eq3A_1509 : vector<16xi32>
    tpu.vector_store_idx %arg8[%get3A_1474], %broadcast_in_dim3A_1108 masked %eq3A_1510 {add = true} : memref<8192xi32, #tpu.memory_space<vmem>>[vector<16xi32>], vector<16xi32>, vector<16xi1>
    %eq3A_1511 = arith.constant 12 : i32
    %eq3A_1512 = vector.broadcast %eq3A_1511 : i32 to vector<16xi32>
    %eq3A_1513 = arith.cmpi eq, %iota3A, %eq3A_1512 : vector<16xi32>
    tpu.vector_store_idx %arg8[%get3A_1474], %broadcast_in_dim3A_1108 masked %eq3A_1513 {add = true} : memref<8192xi32, #tpu.memory_space<vmem>>[vector<16xi32>], vector<16xi32>, vector<16xi1>
    %eq3A_1514 = arith.constant 13 : i32
    %eq3A_1515 = vector.broadcast %eq3A_1514 : i32 to vector<16xi32>
    %eq3A_1516 = arith.cmpi eq, %iota3A, %eq3A_1515 : vector<16xi32>
    tpu.vector_store_idx %arg8[%get3A_1474], %broadcast_in_dim3A_1108 masked %eq3A_1516 {add = true} : memref<8192xi32, #tpu.memory_space<vmem>>[vector<16xi32>], vector<16xi32>, vector<16xi1>
    %eq3A_1517 = arith.constant 14 : i32
    %eq3A_1518 = vector.broadcast %eq3A_1517 : i32 to vector<16xi32>
    %eq3A_1519 = arith.cmpi eq, %iota3A, %eq3A_1518 : vector<16xi32>
    tpu.vector_store_idx %arg8[%get3A_1474], %broadcast_in_dim3A_1108 masked %eq3A_1519 {add = true} : memref<8192xi32, #tpu.memory_space<vmem>>[vector<16xi32>], vector<16xi32>, vector<16xi1>
    %eq3A_1520 = arith.constant 15 : i32
    %eq3A_1521 = vector.broadcast %eq3A_1520 : i32 to vector<16xi32>
    %eq3A_1522 = arith.cmpi eq, %iota3A, %eq3A_1521 : vector<16xi32>
    tpu.vector_store_idx %arg8[%get3A_1474], %broadcast_in_dim3A_1108 masked %eq3A_1522 {add = true} : memref<8192xi32, #tpu.memory_space<vmem>>[vector<16xi32>], vector<16xi32>, vector<16xi1>
    %get3A_1523 = arith.constant 1 : i32
    %get3A_1524 = arith.index_cast %get3A_1523 : i32 to index
    %get3A_1525 = arith.constant 0 : index
    %get3A_1526 = tpu.vector_load %arg6[%get3A_1524, %get3A_1525] {strides = array<i32>} : memref<4x128xi32, #tpu.memory_space<vmem>>, vector<16xi32>,
    %eq3A_1527 = arith.constant 0 : i32
    %eq3A_1528 = vector.broadcast %eq3A_1527 : i32 to vector<16xi32>
    %eq3A_1529 = arith.cmpi eq, %iota3A, %eq3A_1528 : vector<16xi32>
    tpu.vector_store_idx %arg8[%get3A_1526], %broadcast_in_dim3A_1108 masked %eq3A_1529 {add = true} : memref<8192xi32, #tpu.memory_space<vmem>>[vector<16xi32>], vector<16xi32>, vector<16xi1>
    %eq3A_1530 = arith.constant 1 : i32
    %eq3A_1531 = vector.broadcast %eq3A_1530 : i32 to vector<16xi32>
    %eq3A_1532 = arith.cmpi eq, %iota3A, %eq3A_1531 : vector<16xi32>
    tpu.vector_store_idx %arg8[%get3A_1526], %broadcast_in_dim3A_1108 masked %eq3A_1532 {add = true} : memref<8192xi32, #tpu.memory_space<vmem>>[vector<16xi32>], vector<16xi32>, vector<16xi1>
    %eq3A_1533 = arith.constant 2 : i32
    %eq3A_1534 = vector.broadcast %eq3A_1533 : i32 to vector<16xi32>
    %eq3A_1535 = arith.cmpi eq, %iota3A, %eq3A_1534 : vector<16xi32>
    tpu.vector_store_idx %arg8[%get3A_1526], %broadcast_in_dim3A_1108 masked %eq3A_1535 {add = true} : memref<8192xi32, #tpu.memory_space<vmem>>[vector<16xi32>], vector<16xi32>, vector<16xi1>
    %eq3A_1536 = arith.constant 3 : i32
    %eq3A_1537 = vector.broadcast %eq3A_1536 : i32 to vector<16xi32>
    %eq3A_1538 = arith.cmpi eq, %iota3A, %eq3A_1537 : vector<16xi32>
    tpu.vector_store_idx %arg8[%get3A_1526], %broadcast_in_dim3A_1108 masked %eq3A_1538 {add = true} : memref<8192xi32, #tpu.memory_space<vmem>>[vector<16xi32>], vector<16xi32>, vector<16xi1>
    %eq3A_1539 = arith.constant 4 : i32
    %eq3A_1540 = vector.broadcast %eq3A_1539 : i32 to vector<16xi32>
    %eq3A_1541 = arith.cmpi eq, %iota3A, %eq3A_1540 : vector<16xi32>
    tpu.vector_store_idx %arg8[%get3A_1526], %broadcast_in_dim3A_1108 masked %eq3A_1541 {add = true} : memref<8192xi32, #tpu.memory_space<vmem>>[vector<16xi32>], vector<16xi32>, vector<16xi1>
    %eq3A_1542 = arith.constant 5 : i32
    %eq3A_1543 = vector.broadcast %eq3A_1542 : i32 to vector<16xi32>
    %eq3A_1544 = arith.cmpi eq, %iota3A, %eq3A_1543 : vector<16xi32>
    tpu.vector_store_idx %arg8[%get3A_1526], %broadcast_in_dim3A_1108 masked %eq3A_1544 {add = true} : memref<8192xi32, #tpu.memory_space<vmem>>[vector<16xi32>], vector<16xi32>, vector<16xi1>
    %eq3A_1545 = arith.constant 6 : i32
    %eq3A_1546 = vector.broadcast %eq3A_1545 : i32 to vector<16xi32>
    %eq3A_1547 = arith.cmpi eq, %iota3A, %eq3A_1546 : vector<16xi32>
    tpu.vector_store_idx %arg8[%get3A_1526], %broadcast_in_dim3A_1108 masked %eq3A_1547 {add = true} : memref<8192xi32, #tpu.memory_space<vmem>>[vector<16xi32>], vector<16xi32>, vector<16xi1>
    %eq3A_1548 = arith.constant 7 : i32
    %eq3A_1549 = vector.broadcast %eq3A_1548 : i32 to vector<16xi32>
    %eq3A_1550 = arith.cmpi eq, %iota3A, %eq3A_1549 : vector<16xi32>
    tpu.vector_store_idx %arg8[%get3A_1526], %broadcast_in_dim3A_1108 masked %eq3A_1550 {add = true} : memref<8192xi32, #tpu.memory_space<vmem>>[vector<16xi32>], vector<16xi32>, vector<16xi1>
    %eq3A_1551 = arith.constant 8 : i32
    %eq3A_1552 = vector.broadcast %eq3A_1551 : i32 to vector<16xi32>
    %eq3A_1553 = arith.cmpi eq, %iota3A, %eq3A_1552 : vector<16xi32>
    tpu.vector_store_idx %arg8[%get3A_1526], %broadcast_in_dim3A_1108 masked %eq3A_1553 {add = true} : memref<8192xi32, #tpu.memory_space<vmem>>[vector<16xi32>], vector<16xi32>, vector<16xi1>
    %eq3A_1554 = arith.constant 9 : i32
    %eq3A_1555 = vector.broadcast %eq3A_1554 : i32 to vector<16xi32>
    %eq3A_1556 = arith.cmpi eq, %iota3A, %eq3A_1555 : vector<16xi32>
    tpu.vector_store_idx %arg8[%get3A_1526], %broadcast_in_dim3A_1108 masked %eq3A_1556 {add = true} : memref<8192xi32, #tpu.memory_space<vmem>>[vector<16xi32>], vector<16xi32>, vector<16xi1>
    %eq3A_1557 = arith.constant 10 : i32
    %eq3A_1558 = vector.broadcast %eq3A_1557 : i32 to vector<16xi32>
    %eq3A_1559 = arith.cmpi eq, %iota3A, %eq3A_1558 : vector<16xi32>
    tpu.vector_store_idx %arg8[%get3A_1526], %broadcast_in_dim3A_1108 masked %eq3A_1559 {add = true} : memref<8192xi32, #tpu.memory_space<vmem>>[vector<16xi32>], vector<16xi32>, vector<16xi1>
    %eq3A_1560 = arith.constant 11 : i32
    %eq3A_1561 = vector.broadcast %eq3A_1560 : i32 to vector<16xi32>
    %eq3A_1562 = arith.cmpi eq, %iota3A, %eq3A_1561 : vector<16xi32>
    tpu.vector_store_idx %arg8[%get3A_1526], %broadcast_in_dim3A_1108 masked %eq3A_1562 {add = true} : memref<8192xi32, #tpu.memory_space<vmem>>[vector<16xi32>], vector<16xi32>, vector<16xi1>
    %eq3A_1563 = arith.constant 12 : i32
    %eq3A_1564 = vector.broadcast %eq3A_1563 : i32 to vector<16xi32>
    %eq3A_1565 = arith.cmpi eq, %iota3A, %eq3A_1564 : vector<16xi32>
    tpu.vector_store_idx %arg8[%get3A_1526], %broadcast_in_dim3A_1108 masked %eq3A_1565 {add = true} : memref<8192xi32, #tpu.memory_space<vmem>>[vector<16xi32>], vector<16xi32>, vector<16xi1>
    %eq3A_1566 = arith.constant 13 : i32
    %eq3A_1567 = vector.broadcast %eq3A_1566 : i32 to vector<16xi32>
    %eq3A_1568 = arith.cmpi eq, %iota3A, %eq3A_1567 : vector<16xi32>
    tpu.vector_store_idx %arg8[%get3A_1526], %broadcast_in_dim3A_1108 masked %eq3A_1568 {add = true} : memref<8192xi32, #tpu.memory_space<vmem>>[vector<16xi32>], vector<16xi32>, vector<16xi1>
    %eq3A_1569 = arith.constant 14 : i32
    %eq3A_1570 = vector.broadcast %eq3A_1569 : i32 to vector<16xi32>
    %eq3A_1571 = arith.cmpi eq, %iota3A, %eq3A_1570 : vector<16xi32>
    tpu.vector_store_idx %arg8[%get3A_1526], %broadcast_in_dim3A_1108 masked %eq3A_1571 {add = true} : memref<8192xi32, #tpu.memory_space<vmem>>[vector<16xi32>], vector<16xi32>, vector<16xi1>
    %eq3A_1572 = arith.constant 15 : i32
    %eq3A_1573 = vector.broadcast %eq3A_1572 : i32 to vector<16xi32>
    %eq3A_1574 = arith.cmpi eq, %iota3A, %eq3A_1573 : vector<16xi32>
    tpu.vector_store_idx %arg8[%get3A_1526], %broadcast_in_dim3A_1108 masked %eq3A_1574 {add = true} : memref<8192xi32, #tpu.memory_space<vmem>>[vector<16xi32>], vector<16xi32>, vector<16xi1>
    %get3A_1575 = arith.constant 1 : i32
    %get3A_1576 = arith.index_cast %get3A_1575 : i32 to index
    %get3A_1577 = arith.constant 16 : index
    %get3A_1578 = tpu.vector_load %arg6[%get3A_1576, %get3A_1577] {strides = array<i32>} : memref<4x128xi32, #tpu.memory_space<vmem>>, vector<16xi32>,
    %eq3A_1579 = arith.constant 0 : i32
    %eq3A_1580 = vector.broadcast %eq3A_1579 : i32 to vector<16xi32>
    %eq3A_1581 = arith.cmpi eq, %iota3A, %eq3A_1580 : vector<16xi32>
    tpu.vector_store_idx %arg8[%get3A_1578], %broadcast_in_dim3A_1108 masked %eq3A_1581 {add = true} : memref<8192xi32, #tpu.memory_space<vmem>>[vector<16xi32>], vector<16xi32>, vector<16xi1>
    %eq3A_1582 = arith.constant 1 : i32
    %eq3A_1583 = vector.broadcast %eq3A_1582 : i32 to vector<16xi32>
    %eq3A_1584 = arith.cmpi eq, %iota3A, %eq3A_1583 : vector<16xi32>
    tpu.vector_store_idx %arg8[%get3A_1578], %broadcast_in_dim3A_1108 masked %eq3A_1584 {add = true} : memref<8192xi32, #tpu.memory_space<vmem>>[vector<16xi32>], vector<16xi32>, vector<16xi1>
    %eq3A_1585 = arith.constant 2 : i32
    %eq3A_1586 = vector.broadcast %eq3A_1585 : i32 to vector<16xi32>
    %eq3A_1587 = arith.cmpi eq, %iota3A, %eq3A_1586 : vector<16xi32>
    tpu.vector_store_idx %arg8[%get3A_1578], %broadcast_in_dim3A_1108 masked %eq3A_1587 {add = true} : memref<8192xi32, #tpu.memory_space<vmem>>[vector<16xi32>], vector<16xi32>, vector<16xi1>
    %eq3A_1588 = arith.constant 3 : i32
    %eq3A_1589 = vector.broadcast %eq3A_1588 : i32 to vector<16xi32>
    %eq3A_1590 = arith.cmpi eq, %iota3A, %eq3A_1589 : vector<16xi32>
    tpu.vector_store_idx %arg8[%get3A_1578], %broadcast_in_dim3A_1108 masked %eq3A_1590 {add = true} : memref<8192xi32, #tpu.memory_space<vmem>>[vector<16xi32>], vector<16xi32>, vector<16xi1>
    %eq3A_1591 = arith.constant 4 : i32
    %eq3A_1592 = vector.broadcast %eq3A_1591 : i32 to vector<16xi32>
    %eq3A_1593 = arith.cmpi eq, %iota3A, %eq3A_1592 : vector<16xi32>
    tpu.vector_store_idx %arg8[%get3A_1578], %broadcast_in_dim3A_1108 masked %eq3A_1593 {add = true} : memref<8192xi32, #tpu.memory_space<vmem>>[vector<16xi32>], vector<16xi32>, vector<16xi1>
    %eq3A_1594 = arith.constant 5 : i32
    %eq3A_1595 = vector.broadcast %eq3A_1594 : i32 to vector<16xi32>
    %eq3A_1596 = arith.cmpi eq, %iota3A, %eq3A_1595 : vector<16xi32>
    tpu.vector_store_idx %arg8[%get3A_1578], %broadcast_in_dim3A_1108 masked %eq3A_1596 {add = true} : memref<8192xi32, #tpu.memory_space<vmem>>[vector<16xi32>], vector<16xi32>, vector<16xi1>
    %eq3A_1597 = arith.constant 6 : i32
    %eq3A_1598 = vector.broadcast %eq3A_1597 : i32 to vector<16xi32>
    %eq3A_1599 = arith.cmpi eq, %iota3A, %eq3A_1598 : vector<16xi32>
    tpu.vector_store_idx %arg8[%get3A_1578], %broadcast_in_dim3A_1108 masked %eq3A_1599 {add = true} : memref<8192xi32, #tpu.memory_space<vmem>>[vector<16xi32>], vector<16xi32>, vector<16xi1>
    %eq3A_1600 = arith.constant 7 : i32
    %eq3A_1601 = vector.broadcast %eq3A_1600 : i32 to vector<16xi32>
    %eq3A_1602 = arith.cmpi eq, %iota3A, %eq3A_1601 : vector<16xi32>
    tpu.vector_store_idx %arg8[%get3A_1578], %broadcast_in_dim3A_1108 masked %eq3A_1602 {add = true} : memref<8192xi32, #tpu.memory_space<vmem>>[vector<16xi32>], vector<16xi32>, vector<16xi1>
    %eq3A_1603 = arith.constant 8 : i32
    %eq3A_1604 = vector.broadcast %eq3A_1603 : i32 to vector<16xi32>
    %eq3A_1605 = arith.cmpi eq, %iota3A, %eq3A_1604 : vector<16xi32>
    tpu.vector_store_idx %arg8[%get3A_1578], %broadcast_in_dim3A_1108 masked %eq3A_1605 {add = true} : memref<8192xi32, #tpu.memory_space<vmem>>[vector<16xi32>], vector<16xi32>, vector<16xi1>
    %eq3A_1606 = arith.constant 9 : i32
    %eq3A_1607 = vector.broadcast %eq3A_1606 : i32 to vector<16xi32>
    %eq3A_1608 = arith.cmpi eq, %iota3A, %eq3A_1607 : vector<16xi32>
    tpu.vector_store_idx %arg8[%get3A_1578], %broadcast_in_dim3A_1108 masked %eq3A_1608 {add = true} : memref<8192xi32, #tpu.memory_space<vmem>>[vector<16xi32>], vector<16xi32>, vector<16xi1>
    %eq3A_1609 = arith.constant 10 : i32
    %eq3A_1610 = vector.broadcast %eq3A_1609 : i32 to vector<16xi32>
    %eq3A_1611 = arith.cmpi eq, %iota3A, %eq3A_1610 : vector<16xi32>
    tpu.vector_store_idx %arg8[%get3A_1578], %broadcast_in_dim3A_1108 masked %eq3A_1611 {add = true} : memref<8192xi32, #tpu.memory_space<vmem>>[vector<16xi32>], vector<16xi32>, vector<16xi1>
    %eq3A_1612 = arith.constant 11 : i32
    %eq3A_1613 = vector.broadcast %eq3A_1612 : i32 to vector<16xi32>
    %eq3A_1614 = arith.cmpi eq, %iota3A, %eq3A_1613 : vector<16xi32>
    tpu.vector_store_idx %arg8[%get3A_1578], %broadcast_in_dim3A_1108 masked %eq3A_1614 {add = true} : memref<8192xi32, #tpu.memory_space<vmem>>[vector<16xi32>], vector<16xi32>, vector<16xi1>
    %eq3A_1615 = arith.constant 12 : i32
    %eq3A_1616 = vector.broadcast %eq3A_1615 : i32 to vector<16xi32>
    %eq3A_1617 = arith.cmpi eq, %iota3A, %eq3A_1616 : vector<16xi32>
    tpu.vector_store_idx %arg8[%get3A_1578], %broadcast_in_dim3A_1108 masked %eq3A_1617 {add = true} : memref<8192xi32, #tpu.memory_space<vmem>>[vector<16xi32>], vector<16xi32>, vector<16xi1>
    %eq3A_1618 = arith.constant 13 : i32
    %eq3A_1619 = vector.broadcast %eq3A_1618 : i32 to vector<16xi32>
    %eq3A_1620 = arith.cmpi eq, %iota3A, %eq3A_1619 : vector<16xi32>
    tpu.vector_store_idx %arg8[%get3A_1578], %broadcast_in_dim3A_1108 masked %eq3A_1620 {add = true} : memref<8192xi32, #tpu.memory_space<vmem>>[vector<16xi32>], vector<16xi32>, vector<16xi1>
    %eq3A_1621 = arith.constant 14 : i32
    %eq3A_1622 = vector.broadcast %eq3A_1621 : i32 to vector<16xi32>
    %eq3A_1623 = arith.cmpi eq, %iota3A, %eq3A_1622 : vector<16xi32>
    tpu.vector_store_idx %arg8[%get3A_1578], %broadcast_in_dim3A_1108 masked %eq3A_1623 {add = true} : memref<8192xi32, #tpu.memory_space<vmem>>[vector<16xi32>], vector<16xi32>, vector<16xi1>
    %eq3A_1624 = arith.constant 15 : i32
    %eq3A_1625 = vector.broadcast %eq3A_1624 : i32 to vector<16xi32>
    %eq3A_1626 = arith.cmpi eq, %iota3A, %eq3A_1625 : vector<16xi32>
    tpu.vector_store_idx %arg8[%get3A_1578], %broadcast_in_dim3A_1108 masked %eq3A_1626 {add = true} : memref<8192xi32, #tpu.memory_space<vmem>>[vector<16xi32>], vector<16xi32>, vector<16xi1>
    %get3A_1627 = arith.constant 1 : i32
    %get3A_1628 = arith.index_cast %get3A_1627 : i32 to index
    %get3A_1629 = arith.constant 32 : index
    %get3A_1630 = tpu.vector_load %arg6[%get3A_1628, %get3A_1629] {strides = array<i32>} : memref<4x128xi32, #tpu.memory_space<vmem>>, vector<16xi32>,
    %eq3A_1631 = arith.constant 0 : i32
    %eq3A_1632 = vector.broadcast %eq3A_1631 : i32 to vector<16xi32>
    %eq3A_1633 = arith.cmpi eq, %iota3A, %eq3A_1632 : vector<16xi32>
    tpu.vector_store_idx %arg8[%get3A_1630], %broadcast_in_dim3A_1108 masked %eq3A_1633 {add = true} : memref<8192xi32, #tpu.memory_space<vmem>>[vector<16xi32>], vector<16xi32>, vector<16xi1>
    %eq3A_1634 = arith.constant 1 : i32
    %eq3A_1635 = vector.broadcast %eq3A_1634 : i32 to vector<16xi32>
    %eq3A_1636 = arith.cmpi eq, %iota3A, %eq3A_1635 : vector<16xi32>
    tpu.vector_store_idx %arg8[%get3A_1630], %broadcast_in_dim3A_1108 masked %eq3A_1636 {add = true} : memref<8192xi32, #tpu.memory_space<vmem>>[vector<16xi32>], vector<16xi32>, vector<16xi1>
    %eq3A_1637 = arith.constant 2 : i32
    %eq3A_1638 = vector.broadcast %eq3A_1637 : i32 to vector<16xi32>
    %eq3A_1639 = arith.cmpi eq, %iota3A, %eq3A_1638 : vector<16xi32>
    tpu.vector_store_idx %arg8[%get3A_1630], %broadcast_in_dim3A_1108 masked %eq3A_1639 {add = true} : memref<8192xi32, #tpu.memory_space<vmem>>[vector<16xi32>], vector<16xi32>, vector<16xi1>
    %eq3A_1640 = arith.constant 3 : i32
    %eq3A_1641 = vector.broadcast %eq3A_1640 : i32 to vector<16xi32>
    %eq3A_1642 = arith.cmpi eq, %iota3A, %eq3A_1641 : vector<16xi32>
    tpu.vector_store_idx %arg8[%get3A_1630], %broadcast_in_dim3A_1108 masked %eq3A_1642 {add = true} : memref<8192xi32, #tpu.memory_space<vmem>>[vector<16xi32>], vector<16xi32>, vector<16xi1>
    %eq3A_1643 = arith.constant 4 : i32
    %eq3A_1644 = vector.broadcast %eq3A_1643 : i32 to vector<16xi32>
    %eq3A_1645 = arith.cmpi eq, %iota3A, %eq3A_1644 : vector<16xi32>
    tpu.vector_store_idx %arg8[%get3A_1630], %broadcast_in_dim3A_1108 masked %eq3A_1645 {add = true} : memref<8192xi32, #tpu.memory_space<vmem>>[vector<16xi32>], vector<16xi32>, vector<16xi1>
    %eq3A_1646 = arith.constant 5 : i32
    %eq3A_1647 = vector.broadcast %eq3A_1646 : i32 to vector<16xi32>
    %eq3A_1648 = arith.cmpi eq, %iota3A, %eq3A_1647 : vector<16xi32>
    tpu.vector_store_idx %arg8[%get3A_1630], %broadcast_in_dim3A_1108 masked %eq3A_1648 {add = true} : memref<8192xi32, #tpu.memory_space<vmem>>[vector<16xi32>], vector<16xi32>, vector<16xi1>
    %eq3A_1649 = arith.constant 6 : i32
    %eq3A_1650 = vector.broadcast %eq3A_1649 : i32 to vector<16xi32>
    %eq3A_1651 = arith.cmpi eq, %iota3A, %eq3A_1650 : vector<16xi32>
    tpu.vector_store_idx %arg8[%get3A_1630], %broadcast_in_dim3A_1108 masked %eq3A_1651 {add = true} : memref<8192xi32, #tpu.memory_space<vmem>>[vector<16xi32>], vector<16xi32>, vector<16xi1>
    %eq3A_1652 = arith.constant 7 : i32
    %eq3A_1653 = vector.broadcast %eq3A_1652 : i32 to vector<16xi32>
    %eq3A_1654 = arith.cmpi eq, %iota3A, %eq3A_1653 : vector<16xi32>
    tpu.vector_store_idx %arg8[%get3A_1630], %broadcast_in_dim3A_1108 masked %eq3A_1654 {add = true} : memref<8192xi32, #tpu.memory_space<vmem>>[vector<16xi32>], vector<16xi32>, vector<16xi1>
    %eq3A_1655 = arith.constant 8 : i32
    %eq3A_1656 = vector.broadcast %eq3A_1655 : i32 to vector<16xi32>
    %eq3A_1657 = arith.cmpi eq, %iota3A, %eq3A_1656 : vector<16xi32>
    tpu.vector_store_idx %arg8[%get3A_1630], %broadcast_in_dim3A_1108 masked %eq3A_1657 {add = true} : memref<8192xi32, #tpu.memory_space<vmem>>[vector<16xi32>], vector<16xi32>, vector<16xi1>
    %eq3A_1658 = arith.constant 9 : i32
    %eq3A_1659 = vector.broadcast %eq3A_1658 : i32 to vector<16xi32>
    %eq3A_1660 = arith.cmpi eq, %iota3A, %eq3A_1659 : vector<16xi32>
    tpu.vector_store_idx %arg8[%get3A_1630], %broadcast_in_dim3A_1108 masked %eq3A_1660 {add = true} : memref<8192xi32, #tpu.memory_space<vmem>>[vector<16xi32>], vector<16xi32>, vector<16xi1>
    %eq3A_1661 = arith.constant 10 : i32
    %eq3A_1662 = vector.broadcast %eq3A_1661 : i32 to vector<16xi32>
    %eq3A_1663 = arith.cmpi eq, %iota3A, %eq3A_1662 : vector<16xi32>
    tpu.vector_store_idx %arg8[%get3A_1630], %broadcast_in_dim3A_1108 masked %eq3A_1663 {add = true} : memref<8192xi32, #tpu.memory_space<vmem>>[vector<16xi32>], vector<16xi32>, vector<16xi1>
    %eq3A_1664 = arith.constant 11 : i32
    %eq3A_1665 = vector.broadcast %eq3A_1664 : i32 to vector<16xi32>
    %eq3A_1666 = arith.cmpi eq, %iota3A, %eq3A_1665 : vector<16xi32>
    tpu.vector_store_idx %arg8[%get3A_1630], %broadcast_in_dim3A_1108 masked %eq3A_1666 {add = true} : memref<8192xi32, #tpu.memory_space<vmem>>[vector<16xi32>], vector<16xi32>, vector<16xi1>
    %eq3A_1667 = arith.constant 12 : i32
    %eq3A_1668 = vector.broadcast %eq3A_1667 : i32 to vector<16xi32>
    %eq3A_1669 = arith.cmpi eq, %iota3A, %eq3A_1668 : vector<16xi32>
    tpu.vector_store_idx %arg8[%get3A_1630], %broadcast_in_dim3A_1108 masked %eq3A_1669 {add = true} : memref<8192xi32, #tpu.memory_space<vmem>>[vector<16xi32>], vector<16xi32>, vector<16xi1>
    %eq3A_1670 = arith.constant 13 : i32
    %eq3A_1671 = vector.broadcast %eq3A_1670 : i32 to vector<16xi32>
    %eq3A_1672 = arith.cmpi eq, %iota3A, %eq3A_1671 : vector<16xi32>
    tpu.vector_store_idx %arg8[%get3A_1630], %broadcast_in_dim3A_1108 masked %eq3A_1672 {add = true} : memref<8192xi32, #tpu.memory_space<vmem>>[vector<16xi32>], vector<16xi32>, vector<16xi1>
    %eq3A_1673 = arith.constant 14 : i32
    %eq3A_1674 = vector.broadcast %eq3A_1673 : i32 to vector<16xi32>
    %eq3A_1675 = arith.cmpi eq, %iota3A, %eq3A_1674 : vector<16xi32>
    tpu.vector_store_idx %arg8[%get3A_1630], %broadcast_in_dim3A_1108 masked %eq3A_1675 {add = true} : memref<8192xi32, #tpu.memory_space<vmem>>[vector<16xi32>], vector<16xi32>, vector<16xi1>
    %eq3A_1676 = arith.constant 15 : i32
    %eq3A_1677 = vector.broadcast %eq3A_1676 : i32 to vector<16xi32>
    %eq3A_1678 = arith.cmpi eq, %iota3A, %eq3A_1677 : vector<16xi32>
    tpu.vector_store_idx %arg8[%get3A_1630], %broadcast_in_dim3A_1108 masked %eq3A_1678 {add = true} : memref<8192xi32, #tpu.memory_space<vmem>>[vector<16xi32>], vector<16xi32>, vector<16xi1>
    %get3A_1679 = arith.constant 1 : i32
    %get3A_1680 = arith.index_cast %get3A_1679 : i32 to index
    %get3A_1681 = arith.constant 48 : index
    %get3A_1682 = tpu.vector_load %arg6[%get3A_1680, %get3A_1681] {strides = array<i32>} : memref<4x128xi32, #tpu.memory_space<vmem>>, vector<16xi32>,
    %eq3A_1683 = arith.constant 0 : i32
    %eq3A_1684 = vector.broadcast %eq3A_1683 : i32 to vector<16xi32>
    %eq3A_1685 = arith.cmpi eq, %iota3A, %eq3A_1684 : vector<16xi32>
    tpu.vector_store_idx %arg8[%get3A_1682], %broadcast_in_dim3A_1108 masked %eq3A_1685 {add = true} : memref<8192xi32, #tpu.memory_space<vmem>>[vector<16xi32>], vector<16xi32>, vector<16xi1>
    %eq3A_1686 = arith.constant 1 : i32
    %eq3A_1687 = vector.broadcast %eq3A_1686 : i32 to vector<16xi32>
    %eq3A_1688 = arith.cmpi eq, %iota3A, %eq3A_1687 : vector<16xi32>
    tpu.vector_store_idx %arg8[%get3A_1682], %broadcast_in_dim3A_1108 masked %eq3A_1688 {add = true} : memref<8192xi32, #tpu.memory_space<vmem>>[vector<16xi32>], vector<16xi32>, vector<16xi1>
    %eq3A_1689 = arith.constant 2 : i32
    %eq3A_1690 = vector.broadcast %eq3A_1689 : i32 to vector<16xi32>
    %eq3A_1691 = arith.cmpi eq, %iota3A, %eq3A_1690 : vector<16xi32>
    tpu.vector_store_idx %arg8[%get3A_1682], %broadcast_in_dim3A_1108 masked %eq3A_1691 {add = true} : memref<8192xi32, #tpu.memory_space<vmem>>[vector<16xi32>], vector<16xi32>, vector<16xi1>
    %eq3A_1692 = arith.constant 3 : i32
    %eq3A_1693 = vector.broadcast %eq3A_1692 : i32 to vector<16xi32>
    %eq3A_1694 = arith.cmpi eq, %iota3A, %eq3A_1693 : vector<16xi32>
    tpu.vector_store_idx %arg8[%get3A_1682], %broadcast_in_dim3A_1108 masked %eq3A_1694 {add = true} : memref<8192xi32, #tpu.memory_space<vmem>>[vector<16xi32>], vector<16xi32>, vector<16xi1>
    %eq3A_1695 = arith.constant 4 : i32
    %eq3A_1696 = vector.broadcast %eq3A_1695 : i32 to vector<16xi32>
    %eq3A_1697 = arith.cmpi eq, %iota3A, %eq3A_1696 : vector<16xi32>
    tpu.vector_store_idx %arg8[%get3A_1682], %broadcast_in_dim3A_1108 masked %eq3A_1697 {add = true} : memref<8192xi32, #tpu.memory_space<vmem>>[vector<16xi32>], vector<16xi32>, vector<16xi1>
    %eq3A_1698 = arith.constant 5 : i32
    %eq3A_1699 = vector.broadcast %eq3A_1698 : i32 to vector<16xi32>
    %eq3A_1700 = arith.cmpi eq, %iota3A, %eq3A_1699 : vector<16xi32>
    tpu.vector_store_idx %arg8[%get3A_1682], %broadcast_in_dim3A_1108 masked %eq3A_1700 {add = true} : memref<8192xi32, #tpu.memory_space<vmem>>[vector<16xi32>], vector<16xi32>, vector<16xi1>
    %eq3A_1701 = arith.constant 6 : i32
    %eq3A_1702 = vector.broadcast %eq3A_1701 : i32 to vector<16xi32>
    %eq3A_1703 = arith.cmpi eq, %iota3A, %eq3A_1702 : vector<16xi32>
    tpu.vector_store_idx %arg8[%get3A_1682], %broadcast_in_dim3A_1108 masked %eq3A_1703 {add = true} : memref<8192xi32, #tpu.memory_space<vmem>>[vector<16xi32>], vector<16xi32>, vector<16xi1>
    %eq3A_1704 = arith.constant 7 : i32
    %eq3A_1705 = vector.broadcast %eq3A_1704 : i32 to vector<16xi32>
    %eq3A_1706 = arith.cmpi eq, %iota3A, %eq3A_1705 : vector<16xi32>
    tpu.vector_store_idx %arg8[%get3A_1682], %broadcast_in_dim3A_1108 masked %eq3A_1706 {add = true} : memref<8192xi32, #tpu.memory_space<vmem>>[vector<16xi32>], vector<16xi32>, vector<16xi1>
    %eq3A_1707 = arith.constant 8 : i32
    %eq3A_1708 = vector.broadcast %eq3A_1707 : i32 to vector<16xi32>
    %eq3A_1709 = arith.cmpi eq, %iota3A, %eq3A_1708 : vector<16xi32>
    tpu.vector_store_idx %arg8[%get3A_1682], %broadcast_in_dim3A_1108 masked %eq3A_1709 {add = true} : memref<8192xi32, #tpu.memory_space<vmem>>[vector<16xi32>], vector<16xi32>, vector<16xi1>
    %eq3A_1710 = arith.constant 9 : i32
    %eq3A_1711 = vector.broadcast %eq3A_1710 : i32 to vector<16xi32>
    %eq3A_1712 = arith.cmpi eq, %iota3A, %eq3A_1711 : vector<16xi32>
    tpu.vector_store_idx %arg8[%get3A_1682], %broadcast_in_dim3A_1108 masked %eq3A_1712 {add = true} : memref<8192xi32, #tpu.memory_space<vmem>>[vector<16xi32>], vector<16xi32>, vector<16xi1>
    %eq3A_1713 = arith.constant 10 : i32
    %eq3A_1714 = vector.broadcast %eq3A_1713 : i32 to vector<16xi32>
    %eq3A_1715 = arith.cmpi eq, %iota3A, %eq3A_1714 : vector<16xi32>
    tpu.vector_store_idx %arg8[%get3A_1682], %broadcast_in_dim3A_1108 masked %eq3A_1715 {add = true} : memref<8192xi32, #tpu.memory_space<vmem>>[vector<16xi32>], vector<16xi32>, vector<16xi1>
    %eq3A_1716 = arith.constant 11 : i32
    %eq3A_1717 = vector.broadcast %eq3A_1716 : i32 to vector<16xi32>
    %eq3A_1718 = arith.cmpi eq, %iota3A, %eq3A_1717 : vector<16xi32>
    tpu.vector_store_idx %arg8[%get3A_1682], %broadcast_in_dim3A_1108 masked %eq3A_1718 {add = true} : memref<8192xi32, #tpu.memory_space<vmem>>[vector<16xi32>], vector<16xi32>, vector<16xi1>
    %eq3A_1719 = arith.constant 12 : i32
    %eq3A_1720 = vector.broadcast %eq3A_1719 : i32 to vector<16xi32>
    %eq3A_1721 = arith.cmpi eq, %iota3A, %eq3A_1720 : vector<16xi32>
    tpu.vector_store_idx %arg8[%get3A_1682], %broadcast_in_dim3A_1108 masked %eq3A_1721 {add = true} : memref<8192xi32, #tpu.memory_space<vmem>>[vector<16xi32>], vector<16xi32>, vector<16xi1>
    %eq3A_1722 = arith.constant 13 : i32
    %eq3A_1723 = vector.broadcast %eq3A_1722 : i32 to vector<16xi32>
    %eq3A_1724 = arith.cmpi eq, %iota3A, %eq3A_1723 : vector<16xi32>
    tpu.vector_store_idx %arg8[%get3A_1682], %broadcast_in_dim3A_1108 masked %eq3A_1724 {add = true} : memref<8192xi32, #tpu.memory_space<vmem>>[vector<16xi32>], vector<16xi32>, vector<16xi1>
    %eq3A_1725 = arith.constant 14 : i32
    %eq3A_1726 = vector.broadcast %eq3A_1725 : i32 to vector<16xi32>
    %eq3A_1727 = arith.cmpi eq, %iota3A, %eq3A_1726 : vector<16xi32>
    tpu.vector_store_idx %arg8[%get3A_1682], %broadcast_in_dim3A_1108 masked %eq3A_1727 {add = true} : memref<8192xi32, #tpu.memory_space<vmem>>[vector<16xi32>], vector<16xi32>, vector<16xi1>
    %eq3A_1728 = arith.constant 15 : i32
    %eq3A_1729 = vector.broadcast %eq3A_1728 : i32 to vector<16xi32>
    %eq3A_1730 = arith.cmpi eq, %iota3A, %eq3A_1729 : vector<16xi32>
    tpu.vector_store_idx %arg8[%get3A_1682], %broadcast_in_dim3A_1108 masked %eq3A_1730 {add = true} : memref<8192xi32, #tpu.memory_space<vmem>>[vector<16xi32>], vector<16xi32>, vector<16xi1>
    %get3A_1731 = arith.constant 1 : i32
    %get3A_1732 = arith.index_cast %get3A_1731 : i32 to index
    %get3A_1733 = arith.constant 64 : index
    %get3A_1734 = tpu.vector_load %arg6[%get3A_1732, %get3A_1733] {strides = array<i32>} : memref<4x128xi32, #tpu.memory_space<vmem>>, vector<16xi32>,
    %eq3A_1735 = arith.constant 0 : i32
    %eq3A_1736 = vector.broadcast %eq3A_1735 : i32 to vector<16xi32>
    %eq3A_1737 = arith.cmpi eq, %iota3A, %eq3A_1736 : vector<16xi32>
    tpu.vector_store_idx %arg8[%get3A_1734], %broadcast_in_dim3A_1108 masked %eq3A_1737 {add = true} : memref<8192xi32, #tpu.memory_space<vmem>>[vector<16xi32>], vector<16xi32>, vector<16xi1>
    %eq3A_1738 = arith.constant 1 : i32
    %eq3A_1739 = vector.broadcast %eq3A_1738 : i32 to vector<16xi32>
    %eq3A_1740 = arith.cmpi eq, %iota3A, %eq3A_1739 : vector<16xi32>
    tpu.vector_store_idx %arg8[%get3A_1734], %broadcast_in_dim3A_1108 masked %eq3A_1740 {add = true} : memref<8192xi32, #tpu.memory_space<vmem>>[vector<16xi32>], vector<16xi32>, vector<16xi1>
    %eq3A_1741 = arith.constant 2 : i32
    %eq3A_1742 = vector.broadcast %eq3A_1741 : i32 to vector<16xi32>
    %eq3A_1743 = arith.cmpi eq, %iota3A, %eq3A_1742 : vector<16xi32>
    tpu.vector_store_idx %arg8[%get3A_1734], %broadcast_in_dim3A_1108 masked %eq3A_1743 {add = true} : memref<8192xi32, #tpu.memory_space<vmem>>[vector<16xi32>], vector<16xi32>, vector<16xi1>
    %eq3A_1744 = arith.constant 3 : i32
    %eq3A_1745 = vector.broadcast %eq3A_1744 : i32 to vector<16xi32>
    %eq3A_1746 = arith.cmpi eq, %iota3A, %eq3A_1745 : vector<16xi32>
    tpu.vector_store_idx %arg8[%get3A_1734], %broadcast_in_dim3A_1108 masked %eq3A_1746 {add = true} : memref<8192xi32, #tpu.memory_space<vmem>>[vector<16xi32>], vector<16xi32>, vector<16xi1>
    %eq3A_1747 = arith.constant 4 : i32
    %eq3A_1748 = vector.broadcast %eq3A_1747 : i32 to vector<16xi32>
    %eq3A_1749 = arith.cmpi eq, %iota3A, %eq3A_1748 : vector<16xi32>
    tpu.vector_store_idx %arg8[%get3A_1734], %broadcast_in_dim3A_1108 masked %eq3A_1749 {add = true} : memref<8192xi32, #tpu.memory_space<vmem>>[vector<16xi32>], vector<16xi32>, vector<16xi1>
    %eq3A_1750 = arith.constant 5 : i32
    %eq3A_1751 = vector.broadcast %eq3A_1750 : i32 to vector<16xi32>
    %eq3A_1752 = arith.cmpi eq, %iota3A, %eq3A_1751 : vector<16xi32>
    tpu.vector_store_idx %arg8[%get3A_1734], %broadcast_in_dim3A_1108 masked %eq3A_1752 {add = true} : memref<8192xi32, #tpu.memory_space<vmem>>[vector<16xi32>], vector<16xi32>, vector<16xi1>
    %eq3A_1753 = arith.constant 6 : i32
    %eq3A_1754 = vector.broadcast %eq3A_1753 : i32 to vector<16xi32>
    %eq3A_1755 = arith.cmpi eq, %iota3A, %eq3A_1754 : vector<16xi32>
    tpu.vector_store_idx %arg8[%get3A_1734], %broadcast_in_dim3A_1108 masked %eq3A_1755 {add = true} : memref<8192xi32, #tpu.memory_space<vmem>>[vector<16xi32>], vector<16xi32>, vector<16xi1>
    %eq3A_1756 = arith.constant 7 : i32
    %eq3A_1757 = vector.broadcast %eq3A_1756 : i32 to vector<16xi32>
    %eq3A_1758 = arith.cmpi eq, %iota3A, %eq3A_1757 : vector<16xi32>
    tpu.vector_store_idx %arg8[%get3A_1734], %broadcast_in_dim3A_1108 masked %eq3A_1758 {add = true} : memref<8192xi32, #tpu.memory_space<vmem>>[vector<16xi32>], vector<16xi32>, vector<16xi1>
    %eq3A_1759 = arith.constant 8 : i32
    %eq3A_1760 = vector.broadcast %eq3A_1759 : i32 to vector<16xi32>
    %eq3A_1761 = arith.cmpi eq, %iota3A, %eq3A_1760 : vector<16xi32>
    tpu.vector_store_idx %arg8[%get3A_1734], %broadcast_in_dim3A_1108 masked %eq3A_1761 {add = true} : memref<8192xi32, #tpu.memory_space<vmem>>[vector<16xi32>], vector<16xi32>, vector<16xi1>
    %eq3A_1762 = arith.constant 9 : i32
    %eq3A_1763 = vector.broadcast %eq3A_1762 : i32 to vector<16xi32>
    %eq3A_1764 = arith.cmpi eq, %iota3A, %eq3A_1763 : vector<16xi32>
    tpu.vector_store_idx %arg8[%get3A_1734], %broadcast_in_dim3A_1108 masked %eq3A_1764 {add = true} : memref<8192xi32, #tpu.memory_space<vmem>>[vector<16xi32>], vector<16xi32>, vector<16xi1>
    %eq3A_1765 = arith.constant 10 : i32
    %eq3A_1766 = vector.broadcast %eq3A_1765 : i32 to vector<16xi32>
    %eq3A_1767 = arith.cmpi eq, %iota3A, %eq3A_1766 : vector<16xi32>
    tpu.vector_store_idx %arg8[%get3A_1734], %broadcast_in_dim3A_1108 masked %eq3A_1767 {add = true} : memref<8192xi32, #tpu.memory_space<vmem>>[vector<16xi32>], vector<16xi32>, vector<16xi1>
    %eq3A_1768 = arith.constant 11 : i32
    %eq3A_1769 = vector.broadcast %eq3A_1768 : i32 to vector<16xi32>
    %eq3A_1770 = arith.cmpi eq, %iota3A, %eq3A_1769 : vector<16xi32>
    tpu.vector_store_idx %arg8[%get3A_1734], %broadcast_in_dim3A_1108 masked %eq3A_1770 {add = true} : memref<8192xi32, #tpu.memory_space<vmem>>[vector<16xi32>], vector<16xi32>, vector<16xi1>
    %eq3A_1771 = arith.constant 12 : i32
    %eq3A_1772 = vector.broadcast %eq3A_1771 : i32 to vector<16xi32>
    %eq3A_1773 = arith.cmpi eq, %iota3A, %eq3A_1772 : vector<16xi32>
    tpu.vector_store_idx %arg8[%get3A_1734], %broadcast_in_dim3A_1108 masked %eq3A_1773 {add = true} : memref<8192xi32, #tpu.memory_space<vmem>>[vector<16xi32>], vector<16xi32>, vector<16xi1>
    %eq3A_1774 = arith.constant 13 : i32
    %eq3A_1775 = vector.broadcast %eq3A_1774 : i32 to vector<16xi32>
    %eq3A_1776 = arith.cmpi eq, %iota3A, %eq3A_1775 : vector<16xi32>
    tpu.vector_store_idx %arg8[%get3A_1734], %broadcast_in_dim3A_1108 masked %eq3A_1776 {add = true} : memref<8192xi32, #tpu.memory_space<vmem>>[vector<16xi32>], vector<16xi32>, vector<16xi1>
    %eq3A_1777 = arith.constant 14 : i32
    %eq3A_1778 = vector.broadcast %eq3A_1777 : i32 to vector<16xi32>
    %eq3A_1779 = arith.cmpi eq, %iota3A, %eq3A_1778 : vector<16xi32>
    tpu.vector_store_idx %arg8[%get3A_1734], %broadcast_in_dim3A_1108 masked %eq3A_1779 {add = true} : memref<8192xi32, #tpu.memory_space<vmem>>[vector<16xi32>], vector<16xi32>, vector<16xi1>
    %eq3A_1780 = arith.constant 15 : i32
    %eq3A_1781 = vector.broadcast %eq3A_1780 : i32 to vector<16xi32>
    %eq3A_1782 = arith.cmpi eq, %iota3A, %eq3A_1781 : vector<16xi32>
    tpu.vector_store_idx %arg8[%get3A_1734], %broadcast_in_dim3A_1108 masked %eq3A_1782 {add = true} : memref<8192xi32, #tpu.memory_space<vmem>>[vector<16xi32>], vector<16xi32>, vector<16xi1>
    %get3A_1783 = arith.constant 1 : i32
    %get3A_1784 = arith.index_cast %get3A_1783 : i32 to index
    %get3A_1785 = arith.constant 80 : index
    %get3A_1786 = tpu.vector_load %arg6[%get3A_1784, %get3A_1785] {strides = array<i32>} : memref<4x128xi32, #tpu.memory_space<vmem>>, vector<16xi32>,
    %eq3A_1787 = arith.constant 0 : i32
    %eq3A_1788 = vector.broadcast %eq3A_1787 : i32 to vector<16xi32>
    %eq3A_1789 = arith.cmpi eq, %iota3A, %eq3A_1788 : vector<16xi32>
    tpu.vector_store_idx %arg8[%get3A_1786], %broadcast_in_dim3A_1108 masked %eq3A_1789 {add = true} : memref<8192xi32, #tpu.memory_space<vmem>>[vector<16xi32>], vector<16xi32>, vector<16xi1>
    %eq3A_1790 = arith.constant 1 : i32
    %eq3A_1791 = vector.broadcast %eq3A_1790 : i32 to vector<16xi32>
    %eq3A_1792 = arith.cmpi eq, %iota3A, %eq3A_1791 : vector<16xi32>
    tpu.vector_store_idx %arg8[%get3A_1786], %broadcast_in_dim3A_1108 masked %eq3A_1792 {add = true} : memref<8192xi32, #tpu.memory_space<vmem>>[vector<16xi32>], vector<16xi32>, vector<16xi1>
    %eq3A_1793 = arith.constant 2 : i32
    %eq3A_1794 = vector.broadcast %eq3A_1793 : i32 to vector<16xi32>
    %eq3A_1795 = arith.cmpi eq, %iota3A, %eq3A_1794 : vector<16xi32>
    tpu.vector_store_idx %arg8[%get3A_1786], %broadcast_in_dim3A_1108 masked %eq3A_1795 {add = true} : memref<8192xi32, #tpu.memory_space<vmem>>[vector<16xi32>], vector<16xi32>, vector<16xi1>
    %eq3A_1796 = arith.constant 3 : i32
    %eq3A_1797 = vector.broadcast %eq3A_1796 : i32 to vector<16xi32>
    %eq3A_1798 = arith.cmpi eq, %iota3A, %eq3A_1797 : vector<16xi32>
    tpu.vector_store_idx %arg8[%get3A_1786], %broadcast_in_dim3A_1108 masked %eq3A_1798 {add = true} : memref<8192xi32, #tpu.memory_space<vmem>>[vector<16xi32>], vector<16xi32>, vector<16xi1>
    %eq3A_1799 = arith.constant 4 : i32
    %eq3A_1800 = vector.broadcast %eq3A_1799 : i32 to vector<16xi32>
    %eq3A_1801 = arith.cmpi eq, %iota3A, %eq3A_1800 : vector<16xi32>
    tpu.vector_store_idx %arg8[%get3A_1786], %broadcast_in_dim3A_1108 masked %eq3A_1801 {add = true} : memref<8192xi32, #tpu.memory_space<vmem>>[vector<16xi32>], vector<16xi32>, vector<16xi1>
    %eq3A_1802 = arith.constant 5 : i32
    %eq3A_1803 = vector.broadcast %eq3A_1802 : i32 to vector<16xi32>
    %eq3A_1804 = arith.cmpi eq, %iota3A, %eq3A_1803 : vector<16xi32>
    tpu.vector_store_idx %arg8[%get3A_1786], %broadcast_in_dim3A_1108 masked %eq3A_1804 {add = true} : memref<8192xi32, #tpu.memory_space<vmem>>[vector<16xi32>], vector<16xi32>, vector<16xi1>
    %eq3A_1805 = arith.constant 6 : i32
    %eq3A_1806 = vector.broadcast %eq3A_1805 : i32 to vector<16xi32>
    %eq3A_1807 = arith.cmpi eq, %iota3A, %eq3A_1806 : vector<16xi32>
    tpu.vector_store_idx %arg8[%get3A_1786], %broadcast_in_dim3A_1108 masked %eq3A_1807 {add = true} : memref<8192xi32, #tpu.memory_space<vmem>>[vector<16xi32>], vector<16xi32>, vector<16xi1>
    %eq3A_1808 = arith.constant 7 : i32
    %eq3A_1809 = vector.broadcast %eq3A_1808 : i32 to vector<16xi32>
    %eq3A_1810 = arith.cmpi eq, %iota3A, %eq3A_1809 : vector<16xi32>
    tpu.vector_store_idx %arg8[%get3A_1786], %broadcast_in_dim3A_1108 masked %eq3A_1810 {add = true} : memref<8192xi32, #tpu.memory_space<vmem>>[vector<16xi32>], vector<16xi32>, vector<16xi1>
    %eq3A_1811 = arith.constant 8 : i32
    %eq3A_1812 = vector.broadcast %eq3A_1811 : i32 to vector<16xi32>
    %eq3A_1813 = arith.cmpi eq, %iota3A, %eq3A_1812 : vector<16xi32>
    tpu.vector_store_idx %arg8[%get3A_1786], %broadcast_in_dim3A_1108 masked %eq3A_1813 {add = true} : memref<8192xi32, #tpu.memory_space<vmem>>[vector<16xi32>], vector<16xi32>, vector<16xi1>
    %eq3A_1814 = arith.constant 9 : i32
    %eq3A_1815 = vector.broadcast %eq3A_1814 : i32 to vector<16xi32>
    %eq3A_1816 = arith.cmpi eq, %iota3A, %eq3A_1815 : vector<16xi32>
    tpu.vector_store_idx %arg8[%get3A_1786], %broadcast_in_dim3A_1108 masked %eq3A_1816 {add = true} : memref<8192xi32, #tpu.memory_space<vmem>>[vector<16xi32>], vector<16xi32>, vector<16xi1>
    %eq3A_1817 = arith.constant 10 : i32
    %eq3A_1818 = vector.broadcast %eq3A_1817 : i32 to vector<16xi32>
    %eq3A_1819 = arith.cmpi eq, %iota3A, %eq3A_1818 : vector<16xi32>
    tpu.vector_store_idx %arg8[%get3A_1786], %broadcast_in_dim3A_1108 masked %eq3A_1819 {add = true} : memref<8192xi32, #tpu.memory_space<vmem>>[vector<16xi32>], vector<16xi32>, vector<16xi1>
    %eq3A_1820 = arith.constant 11 : i32
    %eq3A_1821 = vector.broadcast %eq3A_1820 : i32 to vector<16xi32>
    %eq3A_1822 = arith.cmpi eq, %iota3A, %eq3A_1821 : vector<16xi32>
    tpu.vector_store_idx %arg8[%get3A_1786], %broadcast_in_dim3A_1108 masked %eq3A_1822 {add = true} : memref<8192xi32, #tpu.memory_space<vmem>>[vector<16xi32>], vector<16xi32>, vector<16xi1>
    %eq3A_1823 = arith.constant 12 : i32
    %eq3A_1824 = vector.broadcast %eq3A_1823 : i32 to vector<16xi32>
    %eq3A_1825 = arith.cmpi eq, %iota3A, %eq3A_1824 : vector<16xi32>
    tpu.vector_store_idx %arg8[%get3A_1786], %broadcast_in_dim3A_1108 masked %eq3A_1825 {add = true} : memref<8192xi32, #tpu.memory_space<vmem>>[vector<16xi32>], vector<16xi32>, vector<16xi1>
    %eq3A_1826 = arith.constant 13 : i32
    %eq3A_1827 = vector.broadcast %eq3A_1826 : i32 to vector<16xi32>
    %eq3A_1828 = arith.cmpi eq, %iota3A, %eq3A_1827 : vector<16xi32>
    tpu.vector_store_idx %arg8[%get3A_1786], %broadcast_in_dim3A_1108 masked %eq3A_1828 {add = true} : memref<8192xi32, #tpu.memory_space<vmem>>[vector<16xi32>], vector<16xi32>, vector<16xi1>
    %eq3A_1829 = arith.constant 14 : i32
    %eq3A_1830 = vector.broadcast %eq3A_1829 : i32 to vector<16xi32>
    %eq3A_1831 = arith.cmpi eq, %iota3A, %eq3A_1830 : vector<16xi32>
    tpu.vector_store_idx %arg8[%get3A_1786], %broadcast_in_dim3A_1108 masked %eq3A_1831 {add = true} : memref<8192xi32, #tpu.memory_space<vmem>>[vector<16xi32>], vector<16xi32>, vector<16xi1>
    %eq3A_1832 = arith.constant 15 : i32
    %eq3A_1833 = vector.broadcast %eq3A_1832 : i32 to vector<16xi32>
    %eq3A_1834 = arith.cmpi eq, %iota3A, %eq3A_1833 : vector<16xi32>
    tpu.vector_store_idx %arg8[%get3A_1786], %broadcast_in_dim3A_1108 masked %eq3A_1834 {add = true} : memref<8192xi32, #tpu.memory_space<vmem>>[vector<16xi32>], vector<16xi32>, vector<16xi1>
    %get3A_1835 = arith.constant 1 : i32
    %get3A_1836 = arith.index_cast %get3A_1835 : i32 to index
    %get3A_1837 = arith.constant 96 : index
    %get3A_1838 = tpu.vector_load %arg6[%get3A_1836, %get3A_1837] {strides = array<i32>} : memref<4x128xi32, #tpu.memory_space<vmem>>, vector<16xi32>,
    %eq3A_1839 = arith.constant 0 : i32
    %eq3A_1840 = vector.broadcast %eq3A_1839 : i32 to vector<16xi32>
    %eq3A_1841 = arith.cmpi eq, %iota3A, %eq3A_1840 : vector<16xi32>
    tpu.vector_store_idx %arg8[%get3A_1838], %broadcast_in_dim3A_1108 masked %eq3A_1841 {add = true} : memref<8192xi32, #tpu.memory_space<vmem>>[vector<16xi32>], vector<16xi32>, vector<16xi1>
    %eq3A_1842 = arith.constant 1 : i32
    %eq3A_1843 = vector.broadcast %eq3A_1842 : i32 to vector<16xi32>
    %eq3A_1844 = arith.cmpi eq, %iota3A, %eq3A_1843 : vector<16xi32>
    tpu.vector_store_idx %arg8[%get3A_1838], %broadcast_in_dim3A_1108 masked %eq3A_1844 {add = true} : memref<8192xi32, #tpu.memory_space<vmem>>[vector<16xi32>], vector<16xi32>, vector<16xi1>
    %eq3A_1845 = arith.constant 2 : i32
    %eq3A_1846 = vector.broadcast %eq3A_1845 : i32 to vector<16xi32>
    %eq3A_1847 = arith.cmpi eq, %iota3A, %eq3A_1846 : vector<16xi32>
    tpu.vector_store_idx %arg8[%get3A_1838], %broadcast_in_dim3A_1108 masked %eq3A_1847 {add = true} : memref<8192xi32, #tpu.memory_space<vmem>>[vector<16xi32>], vector<16xi32>, vector<16xi1>
    %eq3A_1848 = arith.constant 3 : i32
    %eq3A_1849 = vector.broadcast %eq3A_1848 : i32 to vector<16xi32>
    %eq3A_1850 = arith.cmpi eq, %iota3A, %eq3A_1849 : vector<16xi32>
    tpu.vector_store_idx %arg8[%get3A_1838], %broadcast_in_dim3A_1108 masked %eq3A_1850 {add = true} : memref<8192xi32, #tpu.memory_space<vmem>>[vector<16xi32>], vector<16xi32>, vector<16xi1>
    %eq3A_1851 = arith.constant 4 : i32
    %eq3A_1852 = vector.broadcast %eq3A_1851 : i32 to vector<16xi32>
    %eq3A_1853 = arith.cmpi eq, %iota3A, %eq3A_1852 : vector<16xi32>
    tpu.vector_store_idx %arg8[%get3A_1838], %broadcast_in_dim3A_1108 masked %eq3A_1853 {add = true} : memref<8192xi32, #tpu.memory_space<vmem>>[vector<16xi32>], vector<16xi32>, vector<16xi1>
    %eq3A_1854 = arith.constant 5 : i32
    %eq3A_1855 = vector.broadcast %eq3A_1854 : i32 to vector<16xi32>
    %eq3A_1856 = arith.cmpi eq, %iota3A, %eq3A_1855 : vector<16xi32>
    tpu.vector_store_idx %arg8[%get3A_1838], %broadcast_in_dim3A_1108 masked %eq3A_1856 {add = true} : memref<8192xi32, #tpu.memory_space<vmem>>[vector<16xi32>], vector<16xi32>, vector<16xi1>
    %eq3A_1857 = arith.constant 6 : i32
    %eq3A_1858 = vector.broadcast %eq3A_1857 : i32 to vector<16xi32>
    %eq3A_1859 = arith.cmpi eq, %iota3A, %eq3A_1858 : vector<16xi32>
    tpu.vector_store_idx %arg8[%get3A_1838], %broadcast_in_dim3A_1108 masked %eq3A_1859 {add = true} : memref<8192xi32, #tpu.memory_space<vmem>>[vector<16xi32>], vector<16xi32>, vector<16xi1>
    %eq3A_1860 = arith.constant 7 : i32
    %eq3A_1861 = vector.broadcast %eq3A_1860 : i32 to vector<16xi32>
    %eq3A_1862 = arith.cmpi eq, %iota3A, %eq3A_1861 : vector<16xi32>
    tpu.vector_store_idx %arg8[%get3A_1838], %broadcast_in_dim3A_1108 masked %eq3A_1862 {add = true} : memref<8192xi32, #tpu.memory_space<vmem>>[vector<16xi32>], vector<16xi32>, vector<16xi1>
    %eq3A_1863 = arith.constant 8 : i32
    %eq3A_1864 = vector.broadcast %eq3A_1863 : i32 to vector<16xi32>
    %eq3A_1865 = arith.cmpi eq, %iota3A, %eq3A_1864 : vector<16xi32>
    tpu.vector_store_idx %arg8[%get3A_1838], %broadcast_in_dim3A_1108 masked %eq3A_1865 {add = true} : memref<8192xi32, #tpu.memory_space<vmem>>[vector<16xi32>], vector<16xi32>, vector<16xi1>
    %eq3A_1866 = arith.constant 9 : i32
    %eq3A_1867 = vector.broadcast %eq3A_1866 : i32 to vector<16xi32>
    %eq3A_1868 = arith.cmpi eq, %iota3A, %eq3A_1867 : vector<16xi32>
    tpu.vector_store_idx %arg8[%get3A_1838], %broadcast_in_dim3A_1108 masked %eq3A_1868 {add = true} : memref<8192xi32, #tpu.memory_space<vmem>>[vector<16xi32>], vector<16xi32>, vector<16xi1>
    %eq3A_1869 = arith.constant 10 : i32
    %eq3A_1870 = vector.broadcast %eq3A_1869 : i32 to vector<16xi32>
    %eq3A_1871 = arith.cmpi eq, %iota3A, %eq3A_1870 : vector<16xi32>
    tpu.vector_store_idx %arg8[%get3A_1838], %broadcast_in_dim3A_1108 masked %eq3A_1871 {add = true} : memref<8192xi32, #tpu.memory_space<vmem>>[vector<16xi32>], vector<16xi32>, vector<16xi1>
    %eq3A_1872 = arith.constant 11 : i32
    %eq3A_1873 = vector.broadcast %eq3A_1872 : i32 to vector<16xi32>
    %eq3A_1874 = arith.cmpi eq, %iota3A, %eq3A_1873 : vector<16xi32>
    tpu.vector_store_idx %arg8[%get3A_1838], %broadcast_in_dim3A_1108 masked %eq3A_1874 {add = true} : memref<8192xi32, #tpu.memory_space<vmem>>[vector<16xi32>], vector<16xi32>, vector<16xi1>
    %eq3A_1875 = arith.constant 12 : i32
    %eq3A_1876 = vector.broadcast %eq3A_1875 : i32 to vector<16xi32>
    %eq3A_1877 = arith.cmpi eq, %iota3A, %eq3A_1876 : vector<16xi32>
    tpu.vector_store_idx %arg8[%get3A_1838], %broadcast_in_dim3A_1108 masked %eq3A_1877 {add = true} : memref<8192xi32, #tpu.memory_space<vmem>>[vector<16xi32>], vector<16xi32>, vector<16xi1>
    %eq3A_1878 = arith.constant 13 : i32
    %eq3A_1879 = vector.broadcast %eq3A_1878 : i32 to vector<16xi32>
    %eq3A_1880 = arith.cmpi eq, %iota3A, %eq3A_1879 : vector<16xi32>
    tpu.vector_store_idx %arg8[%get3A_1838], %broadcast_in_dim3A_1108 masked %eq3A_1880 {add = true} : memref<8192xi32, #tpu.memory_space<vmem>>[vector<16xi32>], vector<16xi32>, vector<16xi1>
    %eq3A_1881 = arith.constant 14 : i32
    %eq3A_1882 = vector.broadcast %eq3A_1881 : i32 to vector<16xi32>
    %eq3A_1883 = arith.cmpi eq, %iota3A, %eq3A_1882 : vector<16xi32>
    tpu.vector_store_idx %arg8[%get3A_1838], %broadcast_in_dim3A_1108 masked %eq3A_1883 {add = true} : memref<8192xi32, #tpu.memory_space<vmem>>[vector<16xi32>], vector<16xi32>, vector<16xi1>
    %eq3A_1884 = arith.constant 15 : i32
    %eq3A_1885 = vector.broadcast %eq3A_1884 : i32 to vector<16xi32>
    %eq3A_1886 = arith.cmpi eq, %iota3A, %eq3A_1885 : vector<16xi32>
    tpu.vector_store_idx %arg8[%get3A_1838], %broadcast_in_dim3A_1108 masked %eq3A_1886 {add = true} : memref<8192xi32, #tpu.memory_space<vmem>>[vector<16xi32>], vector<16xi32>, vector<16xi1>
    %get3A_1887 = arith.constant 1 : i32
    %get3A_1888 = arith.index_cast %get3A_1887 : i32 to index
    %get3A_1889 = arith.constant 112 : index
    %get3A_1890 = tpu.vector_load %arg6[%get3A_1888, %get3A_1889] {strides = array<i32>} : memref<4x128xi32, #tpu.memory_space<vmem>>, vector<16xi32>,
    %eq3A_1891 = arith.constant 0 : i32
    %eq3A_1892 = vector.broadcast %eq3A_1891 : i32 to vector<16xi32>
    %eq3A_1893 = arith.cmpi eq, %iota3A, %eq3A_1892 : vector<16xi32>
    tpu.vector_store_idx %arg8[%get3A_1890], %broadcast_in_dim3A_1108 masked %eq3A_1893 {add = true} : memref<8192xi32, #tpu.memory_space<vmem>>[vector<16xi32>], vector<16xi32>, vector<16xi1>
    %eq3A_1894 = arith.constant 1 : i32
    %eq3A_1895 = vector.broadcast %eq3A_1894 : i32 to vector<16xi32>
    %eq3A_1896 = arith.cmpi eq, %iota3A, %eq3A_1895 : vector<16xi32>
    tpu.vector_store_idx %arg8[%get3A_1890], %broadcast_in_dim3A_1108 masked %eq3A_1896 {add = true} : memref<8192xi32, #tpu.memory_space<vmem>>[vector<16xi32>], vector<16xi32>, vector<16xi1>
    %eq3A_1897 = arith.constant 2 : i32
    %eq3A_1898 = vector.broadcast %eq3A_1897 : i32 to vector<16xi32>
    %eq3A_1899 = arith.cmpi eq, %iota3A, %eq3A_1898 : vector<16xi32>
    tpu.vector_store_idx %arg8[%get3A_1890], %broadcast_in_dim3A_1108 masked %eq3A_1899 {add = true} : memref<8192xi32, #tpu.memory_space<vmem>>[vector<16xi32>], vector<16xi32>, vector<16xi1>
    %eq3A_1900 = arith.constant 3 : i32
    %eq3A_1901 = vector.broadcast %eq3A_1900 : i32 to vector<16xi32>
    %eq3A_1902 = arith.cmpi eq, %iota3A, %eq3A_1901 : vector<16xi32>
    tpu.vector_store_idx %arg8[%get3A_1890], %broadcast_in_dim3A_1108 masked %eq3A_1902 {add = true} : memref<8192xi32, #tpu.memory_space<vmem>>[vector<16xi32>], vector<16xi32>, vector<16xi1>
    %eq3A_1903 = arith.constant 4 : i32
    %eq3A_1904 = vector.broadcast %eq3A_1903 : i32 to vector<16xi32>
    %eq3A_1905 = arith.cmpi eq, %iota3A, %eq3A_1904 : vector<16xi32>
    tpu.vector_store_idx %arg8[%get3A_1890], %broadcast_in_dim3A_1108 masked %eq3A_1905 {add = true} : memref<8192xi32, #tpu.memory_space<vmem>>[vector<16xi32>], vector<16xi32>, vector<16xi1>
    %eq3A_1906 = arith.constant 5 : i32
    %eq3A_1907 = vector.broadcast %eq3A_1906 : i32 to vector<16xi32>
    %eq3A_1908 = arith.cmpi eq, %iota3A, %eq3A_1907 : vector<16xi32>
    tpu.vector_store_idx %arg8[%get3A_1890], %broadcast_in_dim3A_1108 masked %eq3A_1908 {add = true} : memref<8192xi32, #tpu.memory_space<vmem>>[vector<16xi32>], vector<16xi32>, vector<16xi1>
    %eq3A_1909 = arith.constant 6 : i32
    %eq3A_1910 = vector.broadcast %eq3A_1909 : i32 to vector<16xi32>
    %eq3A_1911 = arith.cmpi eq, %iota3A, %eq3A_1910 : vector<16xi32>
    tpu.vector_store_idx %arg8[%get3A_1890], %broadcast_in_dim3A_1108 masked %eq3A_1911 {add = true} : memref<8192xi32, #tpu.memory_space<vmem>>[vector<16xi32>], vector<16xi32>, vector<16xi1>
    %eq3A_1912 = arith.constant 7 : i32
    %eq3A_1913 = vector.broadcast %eq3A_1912 : i32 to vector<16xi32>
    %eq3A_1914 = arith.cmpi eq, %iota3A, %eq3A_1913 : vector<16xi32>
    tpu.vector_store_idx %arg8[%get3A_1890], %broadcast_in_dim3A_1108 masked %eq3A_1914 {add = true} : memref<8192xi32, #tpu.memory_space<vmem>>[vector<16xi32>], vector<16xi32>, vector<16xi1>
    %eq3A_1915 = arith.constant 8 : i32
    %eq3A_1916 = vector.broadcast %eq3A_1915 : i32 to vector<16xi32>
    %eq3A_1917 = arith.cmpi eq, %iota3A, %eq3A_1916 : vector<16xi32>
    tpu.vector_store_idx %arg8[%get3A_1890], %broadcast_in_dim3A_1108 masked %eq3A_1917 {add = true} : memref<8192xi32, #tpu.memory_space<vmem>>[vector<16xi32>], vector<16xi32>, vector<16xi1>
    %eq3A_1918 = arith.constant 9 : i32
    %eq3A_1919 = vector.broadcast %eq3A_1918 : i32 to vector<16xi32>
    %eq3A_1920 = arith.cmpi eq, %iota3A, %eq3A_1919 : vector<16xi32>
    tpu.vector_store_idx %arg8[%get3A_1890], %broadcast_in_dim3A_1108 masked %eq3A_1920 {add = true} : memref<8192xi32, #tpu.memory_space<vmem>>[vector<16xi32>], vector<16xi32>, vector<16xi1>
    %eq3A_1921 = arith.constant 10 : i32
    %eq3A_1922 = vector.broadcast %eq3A_1921 : i32 to vector<16xi32>
    %eq3A_1923 = arith.cmpi eq, %iota3A, %eq3A_1922 : vector<16xi32>
    tpu.vector_store_idx %arg8[%get3A_1890], %broadcast_in_dim3A_1108 masked %eq3A_1923 {add = true} : memref<8192xi32, #tpu.memory_space<vmem>>[vector<16xi32>], vector<16xi32>, vector<16xi1>
    %eq3A_1924 = arith.constant 11 : i32
    %eq3A_1925 = vector.broadcast %eq3A_1924 : i32 to vector<16xi32>
    %eq3A_1926 = arith.cmpi eq, %iota3A, %eq3A_1925 : vector<16xi32>
    tpu.vector_store_idx %arg8[%get3A_1890], %broadcast_in_dim3A_1108 masked %eq3A_1926 {add = true} : memref<8192xi32, #tpu.memory_space<vmem>>[vector<16xi32>], vector<16xi32>, vector<16xi1>
    %eq3A_1927 = arith.constant 12 : i32
    %eq3A_1928 = vector.broadcast %eq3A_1927 : i32 to vector<16xi32>
    %eq3A_1929 = arith.cmpi eq, %iota3A, %eq3A_1928 : vector<16xi32>
    tpu.vector_store_idx %arg8[%get3A_1890], %broadcast_in_dim3A_1108 masked %eq3A_1929 {add = true} : memref<8192xi32, #tpu.memory_space<vmem>>[vector<16xi32>], vector<16xi32>, vector<16xi1>
    %eq3A_1930 = arith.constant 13 : i32
    %eq3A_1931 = vector.broadcast %eq3A_1930 : i32 to vector<16xi32>
    %eq3A_1932 = arith.cmpi eq, %iota3A, %eq3A_1931 : vector<16xi32>
    tpu.vector_store_idx %arg8[%get3A_1890], %broadcast_in_dim3A_1108 masked %eq3A_1932 {add = true} : memref<8192xi32, #tpu.memory_space<vmem>>[vector<16xi32>], vector<16xi32>, vector<16xi1>
    %eq3A_1933 = arith.constant 14 : i32
    %eq3A_1934 = vector.broadcast %eq3A_1933 : i32 to vector<16xi32>
    %eq3A_1935 = arith.cmpi eq, %iota3A, %eq3A_1934 : vector<16xi32>
    tpu.vector_store_idx %arg8[%get3A_1890], %broadcast_in_dim3A_1108 masked %eq3A_1935 {add = true} : memref<8192xi32, #tpu.memory_space<vmem>>[vector<16xi32>], vector<16xi32>, vector<16xi1>
    %eq3A_1936 = arith.constant 15 : i32
    %eq3A_1937 = vector.broadcast %eq3A_1936 : i32 to vector<16xi32>
    %eq3A_1938 = arith.cmpi eq, %iota3A, %eq3A_1937 : vector<16xi32>
    tpu.vector_store_idx %arg8[%get3A_1890], %broadcast_in_dim3A_1108 masked %eq3A_1938 {add = true} : memref<8192xi32, #tpu.memory_space<vmem>>[vector<16xi32>], vector<16xi32>, vector<16xi1>
    %get3A_1939 = arith.constant 2 : i32
    %get3A_1940 = arith.index_cast %get3A_1939 : i32 to index
    %get3A_1941 = arith.constant 0 : index
    %get3A_1942 = tpu.vector_load %arg6[%get3A_1940, %get3A_1941] {strides = array<i32>} : memref<4x128xi32, #tpu.memory_space<vmem>>, vector<16xi32>,
    %eq3A_1943 = arith.constant 0 : i32
    %eq3A_1944 = vector.broadcast %eq3A_1943 : i32 to vector<16xi32>
    %eq3A_1945 = arith.cmpi eq, %iota3A, %eq3A_1944 : vector<16xi32>
    tpu.vector_store_idx %arg8[%get3A_1942], %broadcast_in_dim3A_1108 masked %eq3A_1945 {add = true} : memref<8192xi32, #tpu.memory_space<vmem>>[vector<16xi32>], vector<16xi32>, vector<16xi1>
    %eq3A_1946 = arith.constant 1 : i32
    %eq3A_1947 = vector.broadcast %eq3A_1946 : i32 to vector<16xi32>
    %eq3A_1948 = arith.cmpi eq, %iota3A, %eq3A_1947 : vector<16xi32>
    tpu.vector_store_idx %arg8[%get3A_1942], %broadcast_in_dim3A_1108 masked %eq3A_1948 {add = true} : memref<8192xi32, #tpu.memory_space<vmem>>[vector<16xi32>], vector<16xi32>, vector<16xi1>
    %eq3A_1949 = arith.constant 2 : i32
    %eq3A_1950 = vector.broadcast %eq3A_1949 : i32 to vector<16xi32>
    %eq3A_1951 = arith.cmpi eq, %iota3A, %eq3A_1950 : vector<16xi32>
    tpu.vector_store_idx %arg8[%get3A_1942], %broadcast_in_dim3A_1108 masked %eq3A_1951 {add = true} : memref<8192xi32, #tpu.memory_space<vmem>>[vector<16xi32>], vector<16xi32>, vector<16xi1>
    %eq3A_1952 = arith.constant 3 : i32
    %eq3A_1953 = vector.broadcast %eq3A_1952 : i32 to vector<16xi32>
    %eq3A_1954 = arith.cmpi eq, %iota3A, %eq3A_1953 : vector<16xi32>
    tpu.vector_store_idx %arg8[%get3A_1942], %broadcast_in_dim3A_1108 masked %eq3A_1954 {add = true} : memref<8192xi32, #tpu.memory_space<vmem>>[vector<16xi32>], vector<16xi32>, vector<16xi1>
    %eq3A_1955 = arith.constant 4 : i32
    %eq3A_1956 = vector.broadcast %eq3A_1955 : i32 to vector<16xi32>
    %eq3A_1957 = arith.cmpi eq, %iota3A, %eq3A_1956 : vector<16xi32>
    tpu.vector_store_idx %arg8[%get3A_1942], %broadcast_in_dim3A_1108 masked %eq3A_1957 {add = true} : memref<8192xi32, #tpu.memory_space<vmem>>[vector<16xi32>], vector<16xi32>, vector<16xi1>
    %eq3A_1958 = arith.constant 5 : i32
    %eq3A_1959 = vector.broadcast %eq3A_1958 : i32 to vector<16xi32>
    %eq3A_1960 = arith.cmpi eq, %iota3A, %eq3A_1959 : vector<16xi32>
    tpu.vector_store_idx %arg8[%get3A_1942], %broadcast_in_dim3A_1108 masked %eq3A_1960 {add = true} : memref<8192xi32, #tpu.memory_space<vmem>>[vector<16xi32>], vector<16xi32>, vector<16xi1>
    %eq3A_1961 = arith.constant 6 : i32
    %eq3A_1962 = vector.broadcast %eq3A_1961 : i32 to vector<16xi32>
    %eq3A_1963 = arith.cmpi eq, %iota3A, %eq3A_1962 : vector<16xi32>
    tpu.vector_store_idx %arg8[%get3A_1942], %broadcast_in_dim3A_1108 masked %eq3A_1963 {add = true} : memref<8192xi32, #tpu.memory_space<vmem>>[vector<16xi32>], vector<16xi32>, vector<16xi1>
    %eq3A_1964 = arith.constant 7 : i32
    %eq3A_1965 = vector.broadcast %eq3A_1964 : i32 to vector<16xi32>
    %eq3A_1966 = arith.cmpi eq, %iota3A, %eq3A_1965 : vector<16xi32>
    tpu.vector_store_idx %arg8[%get3A_1942], %broadcast_in_dim3A_1108 masked %eq3A_1966 {add = true} : memref<8192xi32, #tpu.memory_space<vmem>>[vector<16xi32>], vector<16xi32>, vector<16xi1>
    %eq3A_1967 = arith.constant 8 : i32
    %eq3A_1968 = vector.broadcast %eq3A_1967 : i32 to vector<16xi32>
    %eq3A_1969 = arith.cmpi eq, %iota3A, %eq3A_1968 : vector<16xi32>
    tpu.vector_store_idx %arg8[%get3A_1942], %broadcast_in_dim3A_1108 masked %eq3A_1969 {add = true} : memref<8192xi32, #tpu.memory_space<vmem>>[vector<16xi32>], vector<16xi32>, vector<16xi1>
    %eq3A_1970 = arith.constant 9 : i32
    %eq3A_1971 = vector.broadcast %eq3A_1970 : i32 to vector<16xi32>
    %eq3A_1972 = arith.cmpi eq, %iota3A, %eq3A_1971 : vector<16xi32>
    tpu.vector_store_idx %arg8[%get3A_1942], %broadcast_in_dim3A_1108 masked %eq3A_1972 {add = true} : memref<8192xi32, #tpu.memory_space<vmem>>[vector<16xi32>], vector<16xi32>, vector<16xi1>
    %eq3A_1973 = arith.constant 10 : i32
    %eq3A_1974 = vector.broadcast %eq3A_1973 : i32 to vector<16xi32>
    %eq3A_1975 = arith.cmpi eq, %iota3A, %eq3A_1974 : vector<16xi32>
    tpu.vector_store_idx %arg8[%get3A_1942], %broadcast_in_dim3A_1108 masked %eq3A_1975 {add = true} : memref<8192xi32, #tpu.memory_space<vmem>>[vector<16xi32>], vector<16xi32>, vector<16xi1>
    %eq3A_1976 = arith.constant 11 : i32
    %eq3A_1977 = vector.broadcast %eq3A_1976 : i32 to vector<16xi32>
    %eq3A_1978 = arith.cmpi eq, %iota3A, %eq3A_1977 : vector<16xi32>
    tpu.vector_store_idx %arg8[%get3A_1942], %broadcast_in_dim3A_1108 masked %eq3A_1978 {add = true} : memref<8192xi32, #tpu.memory_space<vmem>>[vector<16xi32>], vector<16xi32>, vector<16xi1>
    %eq3A_1979 = arith.constant 12 : i32
    %eq3A_1980 = vector.broadcast %eq3A_1979 : i32 to vector<16xi32>
    %eq3A_1981 = arith.cmpi eq, %iota3A, %eq3A_1980 : vector<16xi32>
    tpu.vector_store_idx %arg8[%get3A_1942], %broadcast_in_dim3A_1108 masked %eq3A_1981 {add = true} : memref<8192xi32, #tpu.memory_space<vmem>>[vector<16xi32>], vector<16xi32>, vector<16xi1>
    %eq3A_1982 = arith.constant 13 : i32
    %eq3A_1983 = vector.broadcast %eq3A_1982 : i32 to vector<16xi32>
    %eq3A_1984 = arith.cmpi eq, %iota3A, %eq3A_1983 : vector<16xi32>
    tpu.vector_store_idx %arg8[%get3A_1942], %broadcast_in_dim3A_1108 masked %eq3A_1984 {add = true} : memref<8192xi32, #tpu.memory_space<vmem>>[vector<16xi32>], vector<16xi32>, vector<16xi1>
    %eq3A_1985 = arith.constant 14 : i32
    %eq3A_1986 = vector.broadcast %eq3A_1985 : i32 to vector<16xi32>
    %eq3A_1987 = arith.cmpi eq, %iota3A, %eq3A_1986 : vector<16xi32>
    tpu.vector_store_idx %arg8[%get3A_1942], %broadcast_in_dim3A_1108 masked %eq3A_1987 {add = true} : memref<8192xi32, #tpu.memory_space<vmem>>[vector<16xi32>], vector<16xi32>, vector<16xi1>
    %eq3A_1988 = arith.constant 15 : i32
    %eq3A_1989 = vector.broadcast %eq3A_1988 : i32 to vector<16xi32>
    %eq3A_1990 = arith.cmpi eq, %iota3A, %eq3A_1989 : vector<16xi32>
    tpu.vector_store_idx %arg8[%get3A_1942], %broadcast_in_dim3A_1108 masked %eq3A_1990 {add = true} : memref<8192xi32, #tpu.memory_space<vmem>>[vector<16xi32>], vector<16xi32>, vector<16xi1>
    %get3A_1991 = arith.constant 2 : i32
    %get3A_1992 = arith.index_cast %get3A_1991 : i32 to index
    %get3A_1993 = arith.constant 16 : index
    %get3A_1994 = tpu.vector_load %arg6[%get3A_1992, %get3A_1993] {strides = array<i32>} : memref<4x128xi32, #tpu.memory_space<vmem>>, vector<16xi32>,
    %eq3A_1995 = arith.constant 0 : i32
    %eq3A_1996 = vector.broadcast %eq3A_1995 : i32 to vector<16xi32>
    %eq3A_1997 = arith.cmpi eq, %iota3A, %eq3A_1996 : vector<16xi32>
    tpu.vector_store_idx %arg8[%get3A_1994], %broadcast_in_dim3A_1108 masked %eq3A_1997 {add = true} : memref<8192xi32, #tpu.memory_space<vmem>>[vector<16xi32>], vector<16xi32>, vector<16xi1>
    %eq3A_1998 = arith.constant 1 : i32
    %eq3A_1999 = vector.broadcast %eq3A_1998 : i32 to vector<16xi32>
    %eq3A_2000 = arith.cmpi eq, %iota3A, %eq3A_1999 : vector<16xi32>
    tpu.vector_store_idx %arg8[%get3A_1994], %broadcast_in_dim3A_1108 masked %eq3A_2000 {add = true} : memref<8192xi32, #tpu.memory_space<vmem>>[vector<16xi32>], vector<16xi32>, vector<16xi1>
    %eq3A_2001 = arith.constant 2 : i32
    %eq3A_2002 = vector.broadcast %eq3A_2001 : i32 to vector<16xi32>
    %eq3A_2003 = arith.cmpi eq, %iota3A, %eq3A_2002 : vector<16xi32>
    tpu.vector_store_idx %arg8[%get3A_1994], %broadcast_in_dim3A_1108 masked %eq3A_2003 {add = true} : memref<8192xi32, #tpu.memory_space<vmem>>[vector<16xi32>], vector<16xi32>, vector<16xi1>
    %eq3A_2004 = arith.constant 3 : i32
    %eq3A_2005 = vector.broadcast %eq3A_2004 : i32 to vector<16xi32>
    %eq3A_2006 = arith.cmpi eq, %iota3A, %eq3A_2005 : vector<16xi32>
    tpu.vector_store_idx %arg8[%get3A_1994], %broadcast_in_dim3A_1108 masked %eq3A_2006 {add = true} : memref<8192xi32, #tpu.memory_space<vmem>>[vector<16xi32>], vector<16xi32>, vector<16xi1>
    %eq3A_2007 = arith.constant 4 : i32
    %eq3A_2008 = vector.broadcast %eq3A_2007 : i32 to vector<16xi32>
    %eq3A_2009 = arith.cmpi eq, %iota3A, %eq3A_2008 : vector<16xi32>
    tpu.vector_store_idx %arg8[%get3A_1994], %broadcast_in_dim3A_1108 masked %eq3A_2009 {add = true} : memref<8192xi32, #tpu.memory_space<vmem>>[vector<16xi32>], vector<16xi32>, vector<16xi1>
    %eq3A_2010 = arith.constant 5 : i32
    %eq3A_2011 = vector.broadcast %eq3A_2010 : i32 to vector<16xi32>
    %eq3A_2012 = arith.cmpi eq, %iota3A, %eq3A_2011 : vector<16xi32>
    tpu.vector_store_idx %arg8[%get3A_1994], %broadcast_in_dim3A_1108 masked %eq3A_2012 {add = true} : memref<8192xi32, #tpu.memory_space<vmem>>[vector<16xi32>], vector<16xi32>, vector<16xi1>
    %eq3A_2013 = arith.constant 6 : i32
    %eq3A_2014 = vector.broadcast %eq3A_2013 : i32 to vector<16xi32>
    %eq3A_2015 = arith.cmpi eq, %iota3A, %eq3A_2014 : vector<16xi32>
    tpu.vector_store_idx %arg8[%get3A_1994], %broadcast_in_dim3A_1108 masked %eq3A_2015 {add = true} : memref<8192xi32, #tpu.memory_space<vmem>>[vector<16xi32>], vector<16xi32>, vector<16xi1>
    %eq3A_2016 = arith.constant 7 : i32
    %eq3A_2017 = vector.broadcast %eq3A_2016 : i32 to vector<16xi32>
    %eq3A_2018 = arith.cmpi eq, %iota3A, %eq3A_2017 : vector<16xi32>
    tpu.vector_store_idx %arg8[%get3A_1994], %broadcast_in_dim3A_1108 masked %eq3A_2018 {add = true} : memref<8192xi32, #tpu.memory_space<vmem>>[vector<16xi32>], vector<16xi32>, vector<16xi1>
    %eq3A_2019 = arith.constant 8 : i32
    %eq3A_2020 = vector.broadcast %eq3A_2019 : i32 to vector<16xi32>
    %eq3A_2021 = arith.cmpi eq, %iota3A, %eq3A_2020 : vector<16xi32>
    tpu.vector_store_idx %arg8[%get3A_1994], %broadcast_in_dim3A_1108 masked %eq3A_2021 {add = true} : memref<8192xi32, #tpu.memory_space<vmem>>[vector<16xi32>], vector<16xi32>, vector<16xi1>
    %eq3A_2022 = arith.constant 9 : i32
    %eq3A_2023 = vector.broadcast %eq3A_2022 : i32 to vector<16xi32>
    %eq3A_2024 = arith.cmpi eq, %iota3A, %eq3A_2023 : vector<16xi32>
    tpu.vector_store_idx %arg8[%get3A_1994], %broadcast_in_dim3A_1108 masked %eq3A_2024 {add = true} : memref<8192xi32, #tpu.memory_space<vmem>>[vector<16xi32>], vector<16xi32>, vector<16xi1>
    %eq3A_2025 = arith.constant 10 : i32
    %eq3A_2026 = vector.broadcast %eq3A_2025 : i32 to vector<16xi32>
    %eq3A_2027 = arith.cmpi eq, %iota3A, %eq3A_2026 : vector<16xi32>
    tpu.vector_store_idx %arg8[%get3A_1994], %broadcast_in_dim3A_1108 masked %eq3A_2027 {add = true} : memref<8192xi32, #tpu.memory_space<vmem>>[vector<16xi32>], vector<16xi32>, vector<16xi1>
    %eq3A_2028 = arith.constant 11 : i32
    %eq3A_2029 = vector.broadcast %eq3A_2028 : i32 to vector<16xi32>
    %eq3A_2030 = arith.cmpi eq, %iota3A, %eq3A_2029 : vector<16xi32>
    tpu.vector_store_idx %arg8[%get3A_1994], %broadcast_in_dim3A_1108 masked %eq3A_2030 {add = true} : memref<8192xi32, #tpu.memory_space<vmem>>[vector<16xi32>], vector<16xi32>, vector<16xi1>
    %eq3A_2031 = arith.constant 12 : i32
    %eq3A_2032 = vector.broadcast %eq3A_2031 : i32 to vector<16xi32>
    %eq3A_2033 = arith.cmpi eq, %iota3A, %eq3A_2032 : vector<16xi32>
    tpu.vector_store_idx %arg8[%get3A_1994], %broadcast_in_dim3A_1108 masked %eq3A_2033 {add = true} : memref<8192xi32, #tpu.memory_space<vmem>>[vector<16xi32>], vector<16xi32>, vector<16xi1>
    %eq3A_2034 = arith.constant 13 : i32
    %eq3A_2035 = vector.broadcast %eq3A_2034 : i32 to vector<16xi32>
    %eq3A_2036 = arith.cmpi eq, %iota3A, %eq3A_2035 : vector<16xi32>
    tpu.vector_store_idx %arg8[%get3A_1994], %broadcast_in_dim3A_1108 masked %eq3A_2036 {add = true} : memref<8192xi32, #tpu.memory_space<vmem>>[vector<16xi32>], vector<16xi32>, vector<16xi1>
    %eq3A_2037 = arith.constant 14 : i32
    %eq3A_2038 = vector.broadcast %eq3A_2037 : i32 to vector<16xi32>
    %eq3A_2039 = arith.cmpi eq, %iota3A, %eq3A_2038 : vector<16xi32>
    tpu.vector_store_idx %arg8[%get3A_1994], %broadcast_in_dim3A_1108 masked %eq3A_2039 {add = true} : memref<8192xi32, #tpu.memory_space<vmem>>[vector<16xi32>], vector<16xi32>, vector<16xi1>
    %eq3A_2040 = arith.constant 15 : i32
    %eq3A_2041 = vector.broadcast %eq3A_2040 : i32 to vector<16xi32>
    %eq3A_2042 = arith.cmpi eq, %iota3A, %eq3A_2041 : vector<16xi32>
    tpu.vector_store_idx %arg8[%get3A_1994], %broadcast_in_dim3A_1108 masked %eq3A_2042 {add = true} : memref<8192xi32, #tpu.memory_space<vmem>>[vector<16xi32>], vector<16xi32>, vector<16xi1>
    %get3A_2043 = arith.constant 2 : i32
    %get3A_2044 = arith.index_cast %get3A_2043 : i32 to index
    %get3A_2045 = arith.constant 32 : index
    %get3A_2046 = tpu.vector_load %arg6[%get3A_2044, %get3A_2045] {strides = array<i32>} : memref<4x128xi32, #tpu.memory_space<vmem>>, vector<16xi32>,
    %eq3A_2047 = arith.constant 0 : i32
    %eq3A_2048 = vector.broadcast %eq3A_2047 : i32 to vector<16xi32>
    %eq3A_2049 = arith.cmpi eq, %iota3A, %eq3A_2048 : vector<16xi32>
    tpu.vector_store_idx %arg8[%get3A_2046], %broadcast_in_dim3A_1108 masked %eq3A_2049 {add = true} : memref<8192xi32, #tpu.memory_space<vmem>>[vector<16xi32>], vector<16xi32>, vector<16xi1>
    %eq3A_2050 = arith.constant 1 : i32
    %eq3A_2051 = vector.broadcast %eq3A_2050 : i32 to vector<16xi32>
    %eq3A_2052 = arith.cmpi eq, %iota3A, %eq3A_2051 : vector<16xi32>
    tpu.vector_store_idx %arg8[%get3A_2046], %broadcast_in_dim3A_1108 masked %eq3A_2052 {add = true} : memref<8192xi32, #tpu.memory_space<vmem>>[vector<16xi32>], vector<16xi32>, vector<16xi1>
    %eq3A_2053 = arith.constant 2 : i32
    %eq3A_2054 = vector.broadcast %eq3A_2053 : i32 to vector<16xi32>
    %eq3A_2055 = arith.cmpi eq, %iota3A, %eq3A_2054 : vector<16xi32>
    tpu.vector_store_idx %arg8[%get3A_2046], %broadcast_in_dim3A_1108 masked %eq3A_2055 {add = true} : memref<8192xi32, #tpu.memory_space<vmem>>[vector<16xi32>], vector<16xi32>, vector<16xi1>
    %eq3A_2056 = arith.constant 3 : i32
    %eq3A_2057 = vector.broadcast %eq3A_2056 : i32 to vector<16xi32>
    %eq3A_2058 = arith.cmpi eq, %iota3A, %eq3A_2057 : vector<16xi32>
    tpu.vector_store_idx %arg8[%get3A_2046], %broadcast_in_dim3A_1108 masked %eq3A_2058 {add = true} : memref<8192xi32, #tpu.memory_space<vmem>>[vector<16xi32>], vector<16xi32>, vector<16xi1>
    %eq3A_2059 = arith.constant 4 : i32
    %eq3A_2060 = vector.broadcast %eq3A_2059 : i32 to vector<16xi32>
    %eq3A_2061 = arith.cmpi eq, %iota3A, %eq3A_2060 : vector<16xi32>
    tpu.vector_store_idx %arg8[%get3A_2046], %broadcast_in_dim3A_1108 masked %eq3A_2061 {add = true} : memref<8192xi32, #tpu.memory_space<vmem>>[vector<16xi32>], vector<16xi32>, vector<16xi1>
    %eq3A_2062 = arith.constant 5 : i32
    %eq3A_2063 = vector.broadcast %eq3A_2062 : i32 to vector<16xi32>
    %eq3A_2064 = arith.cmpi eq, %iota3A, %eq3A_2063 : vector<16xi32>
    tpu.vector_store_idx %arg8[%get3A_2046], %broadcast_in_dim3A_1108 masked %eq3A_2064 {add = true} : memref<8192xi32, #tpu.memory_space<vmem>>[vector<16xi32>], vector<16xi32>, vector<16xi1>
    %eq3A_2065 = arith.constant 6 : i32
    %eq3A_2066 = vector.broadcast %eq3A_2065 : i32 to vector<16xi32>
    %eq3A_2067 = arith.cmpi eq, %iota3A, %eq3A_2066 : vector<16xi32>
    tpu.vector_store_idx %arg8[%get3A_2046], %broadcast_in_dim3A_1108 masked %eq3A_2067 {add = true} : memref<8192xi32, #tpu.memory_space<vmem>>[vector<16xi32>], vector<16xi32>, vector<16xi1>
    %eq3A_2068 = arith.constant 7 : i32
    %eq3A_2069 = vector.broadcast %eq3A_2068 : i32 to vector<16xi32>
    %eq3A_2070 = arith.cmpi eq, %iota3A, %eq3A_2069 : vector<16xi32>
    tpu.vector_store_idx %arg8[%get3A_2046], %broadcast_in_dim3A_1108 masked %eq3A_2070 {add = true} : memref<8192xi32, #tpu.memory_space<vmem>>[vector<16xi32>], vector<16xi32>, vector<16xi1>
    %eq3A_2071 = arith.constant 8 : i32
    %eq3A_2072 = vector.broadcast %eq3A_2071 : i32 to vector<16xi32>
    %eq3A_2073 = arith.cmpi eq, %iota3A, %eq3A_2072 : vector<16xi32>
    tpu.vector_store_idx %arg8[%get3A_2046], %broadcast_in_dim3A_1108 masked %eq3A_2073 {add = true} : memref<8192xi32, #tpu.memory_space<vmem>>[vector<16xi32>], vector<16xi32>, vector<16xi1>
    %eq3A_2074 = arith.constant 9 : i32
    %eq3A_2075 = vector.broadcast %eq3A_2074 : i32 to vector<16xi32>
    %eq3A_2076 = arith.cmpi eq, %iota3A, %eq3A_2075 : vector<16xi32>
    tpu.vector_store_idx %arg8[%get3A_2046], %broadcast_in_dim3A_1108 masked %eq3A_2076 {add = true} : memref<8192xi32, #tpu.memory_space<vmem>>[vector<16xi32>], vector<16xi32>, vector<16xi1>
    %eq3A_2077 = arith.constant 10 : i32
    %eq3A_2078 = vector.broadcast %eq3A_2077 : i32 to vector<16xi32>
    %eq3A_2079 = arith.cmpi eq, %iota3A, %eq3A_2078 : vector<16xi32>
    tpu.vector_store_idx %arg8[%get3A_2046], %broadcast_in_dim3A_1108 masked %eq3A_2079 {add = true} : memref<8192xi32, #tpu.memory_space<vmem>>[vector<16xi32>], vector<16xi32>, vector<16xi1>
    %eq3A_2080 = arith.constant 11 : i32
    %eq3A_2081 = vector.broadcast %eq3A_2080 : i32 to vector<16xi32>
    %eq3A_2082 = arith.cmpi eq, %iota3A, %eq3A_2081 : vector<16xi32>
    tpu.vector_store_idx %arg8[%get3A_2046], %broadcast_in_dim3A_1108 masked %eq3A_2082 {add = true} : memref<8192xi32, #tpu.memory_space<vmem>>[vector<16xi32>], vector<16xi32>, vector<16xi1>
    %eq3A_2083 = arith.constant 12 : i32
    %eq3A_2084 = vector.broadcast %eq3A_2083 : i32 to vector<16xi32>
    %eq3A_2085 = arith.cmpi eq, %iota3A, %eq3A_2084 : vector<16xi32>
    tpu.vector_store_idx %arg8[%get3A_2046], %broadcast_in_dim3A_1108 masked %eq3A_2085 {add = true} : memref<8192xi32, #tpu.memory_space<vmem>>[vector<16xi32>], vector<16xi32>, vector<16xi1>
    %eq3A_2086 = arith.constant 13 : i32
    %eq3A_2087 = vector.broadcast %eq3A_2086 : i32 to vector<16xi32>
    %eq3A_2088 = arith.cmpi eq, %iota3A, %eq3A_2087 : vector<16xi32>
    tpu.vector_store_idx %arg8[%get3A_2046], %broadcast_in_dim3A_1108 masked %eq3A_2088 {add = true} : memref<8192xi32, #tpu.memory_space<vmem>>[vector<16xi32>], vector<16xi32>, vector<16xi1>
    %eq3A_2089 = arith.constant 14 : i32
    %eq3A_2090 = vector.broadcast %eq3A_2089 : i32 to vector<16xi32>
    %eq3A_2091 = arith.cmpi eq, %iota3A, %eq3A_2090 : vector<16xi32>
    tpu.vector_store_idx %arg8[%get3A_2046], %broadcast_in_dim3A_1108 masked %eq3A_2091 {add = true} : memref<8192xi32, #tpu.memory_space<vmem>>[vector<16xi32>], vector<16xi32>, vector<16xi1>
    %eq3A_2092 = arith.constant 15 : i32
    %eq3A_2093 = vector.broadcast %eq3A_2092 : i32 to vector<16xi32>
    %eq3A_2094 = arith.cmpi eq, %iota3A, %eq3A_2093 : vector<16xi32>
    tpu.vector_store_idx %arg8[%get3A_2046], %broadcast_in_dim3A_1108 masked %eq3A_2094 {add = true} : memref<8192xi32, #tpu.memory_space<vmem>>[vector<16xi32>], vector<16xi32>, vector<16xi1>
    %get3A_2095 = arith.constant 2 : i32
    %get3A_2096 = arith.index_cast %get3A_2095 : i32 to index
    %get3A_2097 = arith.constant 48 : index
    %get3A_2098 = tpu.vector_load %arg6[%get3A_2096, %get3A_2097] {strides = array<i32>} : memref<4x128xi32, #tpu.memory_space<vmem>>, vector<16xi32>,
    %eq3A_2099 = arith.constant 0 : i32
    %eq3A_2100 = vector.broadcast %eq3A_2099 : i32 to vector<16xi32>
    %eq3A_2101 = arith.cmpi eq, %iota3A, %eq3A_2100 : vector<16xi32>
    tpu.vector_store_idx %arg8[%get3A_2098], %broadcast_in_dim3A_1108 masked %eq3A_2101 {add = true} : memref<8192xi32, #tpu.memory_space<vmem>>[vector<16xi32>], vector<16xi32>, vector<16xi1>
    %eq3A_2102 = arith.constant 1 : i32
    %eq3A_2103 = vector.broadcast %eq3A_2102 : i32 to vector<16xi32>
    %eq3A_2104 = arith.cmpi eq, %iota3A, %eq3A_2103 : vector<16xi32>
    tpu.vector_store_idx %arg8[%get3A_2098], %broadcast_in_dim3A_1108 masked %eq3A_2104 {add = true} : memref<8192xi32, #tpu.memory_space<vmem>>[vector<16xi32>], vector<16xi32>, vector<16xi1>
    %eq3A_2105 = arith.constant 2 : i32
    %eq3A_2106 = vector.broadcast %eq3A_2105 : i32 to vector<16xi32>
    %eq3A_2107 = arith.cmpi eq, %iota3A, %eq3A_2106 : vector<16xi32>
    tpu.vector_store_idx %arg8[%get3A_2098], %broadcast_in_dim3A_1108 masked %eq3A_2107 {add = true} : memref<8192xi32, #tpu.memory_space<vmem>>[vector<16xi32>], vector<16xi32>, vector<16xi1>
    %eq3A_2108 = arith.constant 3 : i32
    %eq3A_2109 = vector.broadcast %eq3A_2108 : i32 to vector<16xi32>
    %eq3A_2110 = arith.cmpi eq, %iota3A, %eq3A_2109 : vector<16xi32>
    tpu.vector_store_idx %arg8[%get3A_2098], %broadcast_in_dim3A_1108 masked %eq3A_2110 {add = true} : memref<8192xi32, #tpu.memory_space<vmem>>[vector<16xi32>], vector<16xi32>, vector<16xi1>
    %eq3A_2111 = arith.constant 4 : i32
    %eq3A_2112 = vector.broadcast %eq3A_2111 : i32 to vector<16xi32>
    %eq3A_2113 = arith.cmpi eq, %iota3A, %eq3A_2112 : vector<16xi32>
    tpu.vector_store_idx %arg8[%get3A_2098], %broadcast_in_dim3A_1108 masked %eq3A_2113 {add = true} : memref<8192xi32, #tpu.memory_space<vmem>>[vector<16xi32>], vector<16xi32>, vector<16xi1>
    %eq3A_2114 = arith.constant 5 : i32
    %eq3A_2115 = vector.broadcast %eq3A_2114 : i32 to vector<16xi32>
    %eq3A_2116 = arith.cmpi eq, %iota3A, %eq3A_2115 : vector<16xi32>
    tpu.vector_store_idx %arg8[%get3A_2098], %broadcast_in_dim3A_1108 masked %eq3A_2116 {add = true} : memref<8192xi32, #tpu.memory_space<vmem>>[vector<16xi32>], vector<16xi32>, vector<16xi1>
    %eq3A_2117 = arith.constant 6 : i32
    %eq3A_2118 = vector.broadcast %eq3A_2117 : i32 to vector<16xi32>
    %eq3A_2119 = arith.cmpi eq, %iota3A, %eq3A_2118 : vector<16xi32>
    tpu.vector_store_idx %arg8[%get3A_2098], %broadcast_in_dim3A_1108 masked %eq3A_2119 {add = true} : memref<8192xi32, #tpu.memory_space<vmem>>[vector<16xi32>], vector<16xi32>, vector<16xi1>
    %eq3A_2120 = arith.constant 7 : i32
    %eq3A_2121 = vector.broadcast %eq3A_2120 : i32 to vector<16xi32>
    %eq3A_2122 = arith.cmpi eq, %iota3A, %eq3A_2121 : vector<16xi32>
    tpu.vector_store_idx %arg8[%get3A_2098], %broadcast_in_dim3A_1108 masked %eq3A_2122 {add = true} : memref<8192xi32, #tpu.memory_space<vmem>>[vector<16xi32>], vector<16xi32>, vector<16xi1>
    %eq3A_2123 = arith.constant 8 : i32
    %eq3A_2124 = vector.broadcast %eq3A_2123 : i32 to vector<16xi32>
    %eq3A_2125 = arith.cmpi eq, %iota3A, %eq3A_2124 : vector<16xi32>
    tpu.vector_store_idx %arg8[%get3A_2098], %broadcast_in_dim3A_1108 masked %eq3A_2125 {add = true} : memref<8192xi32, #tpu.memory_space<vmem>>[vector<16xi32>], vector<16xi32>, vector<16xi1>
    %eq3A_2126 = arith.constant 9 : i32
    %eq3A_2127 = vector.broadcast %eq3A_2126 : i32 to vector<16xi32>
    %eq3A_2128 = arith.cmpi eq, %iota3A, %eq3A_2127 : vector<16xi32>
    tpu.vector_store_idx %arg8[%get3A_2098], %broadcast_in_dim3A_1108 masked %eq3A_2128 {add = true} : memref<8192xi32, #tpu.memory_space<vmem>>[vector<16xi32>], vector<16xi32>, vector<16xi1>
    %eq3A_2129 = arith.constant 10 : i32
    %eq3A_2130 = vector.broadcast %eq3A_2129 : i32 to vector<16xi32>
    %eq3A_2131 = arith.cmpi eq, %iota3A, %eq3A_2130 : vector<16xi32>
    tpu.vector_store_idx %arg8[%get3A_2098], %broadcast_in_dim3A_1108 masked %eq3A_2131 {add = true} : memref<8192xi32, #tpu.memory_space<vmem>>[vector<16xi32>], vector<16xi32>, vector<16xi1>
    %eq3A_2132 = arith.constant 11 : i32
    %eq3A_2133 = vector.broadcast %eq3A_2132 : i32 to vector<16xi32>
    %eq3A_2134 = arith.cmpi eq, %iota3A, %eq3A_2133 : vector<16xi32>
    tpu.vector_store_idx %arg8[%get3A_2098], %broadcast_in_dim3A_1108 masked %eq3A_2134 {add = true} : memref<8192xi32, #tpu.memory_space<vmem>>[vector<16xi32>], vector<16xi32>, vector<16xi1>
    %eq3A_2135 = arith.constant 12 : i32
    %eq3A_2136 = vector.broadcast %eq3A_2135 : i32 to vector<16xi32>
    %eq3A_2137 = arith.cmpi eq, %iota3A, %eq3A_2136 : vector<16xi32>
    tpu.vector_store_idx %arg8[%get3A_2098], %broadcast_in_dim3A_1108 masked %eq3A_2137 {add = true} : memref<8192xi32, #tpu.memory_space<vmem>>[vector<16xi32>], vector<16xi32>, vector<16xi1>
    %eq3A_2138 = arith.constant 13 : i32
    %eq3A_2139 = vector.broadcast %eq3A_2138 : i32 to vector<16xi32>
    %eq3A_2140 = arith.cmpi eq, %iota3A, %eq3A_2139 : vector<16xi32>
    tpu.vector_store_idx %arg8[%get3A_2098], %broadcast_in_dim3A_1108 masked %eq3A_2140 {add = true} : memref<8192xi32, #tpu.memory_space<vmem>>[vector<16xi32>], vector<16xi32>, vector<16xi1>
    %eq3A_2141 = arith.constant 14 : i32
    %eq3A_2142 = vector.broadcast %eq3A_2141 : i32 to vector<16xi32>
    %eq3A_2143 = arith.cmpi eq, %iota3A, %eq3A_2142 : vector<16xi32>
    tpu.vector_store_idx %arg8[%get3A_2098], %broadcast_in_dim3A_1108 masked %eq3A_2143 {add = true} : memref<8192xi32, #tpu.memory_space<vmem>>[vector<16xi32>], vector<16xi32>, vector<16xi1>
    %eq3A_2144 = arith.constant 15 : i32
    %eq3A_2145 = vector.broadcast %eq3A_2144 : i32 to vector<16xi32>
    %eq3A_2146 = arith.cmpi eq, %iota3A, %eq3A_2145 : vector<16xi32>
    tpu.vector_store_idx %arg8[%get3A_2098], %broadcast_in_dim3A_1108 masked %eq3A_2146 {add = true} : memref<8192xi32, #tpu.memory_space<vmem>>[vector<16xi32>], vector<16xi32>, vector<16xi1>
    %get3A_2147 = arith.constant 2 : i32
    %get3A_2148 = arith.index_cast %get3A_2147 : i32 to index
    %get3A_2149 = arith.constant 64 : index
    %get3A_2150 = tpu.vector_load %arg6[%get3A_2148, %get3A_2149] {strides = array<i32>} : memref<4x128xi32, #tpu.memory_space<vmem>>, vector<16xi32>,
    %eq3A_2151 = arith.constant 0 : i32
    %eq3A_2152 = vector.broadcast %eq3A_2151 : i32 to vector<16xi32>
    %eq3A_2153 = arith.cmpi eq, %iota3A, %eq3A_2152 : vector<16xi32>
    tpu.vector_store_idx %arg8[%get3A_2150], %broadcast_in_dim3A_1108 masked %eq3A_2153 {add = true} : memref<8192xi32, #tpu.memory_space<vmem>>[vector<16xi32>], vector<16xi32>, vector<16xi1>
    %eq3A_2154 = arith.constant 1 : i32
    %eq3A_2155 = vector.broadcast %eq3A_2154 : i32 to vector<16xi32>
    %eq3A_2156 = arith.cmpi eq, %iota3A, %eq3A_2155 : vector<16xi32>
    tpu.vector_store_idx %arg8[%get3A_2150], %broadcast_in_dim3A_1108 masked %eq3A_2156 {add = true} : memref<8192xi32, #tpu.memory_space<vmem>>[vector<16xi32>], vector<16xi32>, vector<16xi1>
    %eq3A_2157 = arith.constant 2 : i32
    %eq3A_2158 = vector.broadcast %eq3A_2157 : i32 to vector<16xi32>
    %eq3A_2159 = arith.cmpi eq, %iota3A, %eq3A_2158 : vector<16xi32>
    tpu.vector_store_idx %arg8[%get3A_2150], %broadcast_in_dim3A_1108 masked %eq3A_2159 {add = true} : memref<8192xi32, #tpu.memory_space<vmem>>[vector<16xi32>], vector<16xi32>, vector<16xi1>
    %eq3A_2160 = arith.constant 3 : i32
    %eq3A_2161 = vector.broadcast %eq3A_2160 : i32 to vector<16xi32>
    %eq3A_2162 = arith.cmpi eq, %iota3A, %eq3A_2161 : vector<16xi32>
    tpu.vector_store_idx %arg8[%get3A_2150], %broadcast_in_dim3A_1108 masked %eq3A_2162 {add = true} : memref<8192xi32, #tpu.memory_space<vmem>>[vector<16xi32>], vector<16xi32>, vector<16xi1>
    %eq3A_2163 = arith.constant 4 : i32
    %eq3A_2164 = vector.broadcast %eq3A_2163 : i32 to vector<16xi32>
    %eq3A_2165 = arith.cmpi eq, %iota3A, %eq3A_2164 : vector<16xi32>
    tpu.vector_store_idx %arg8[%get3A_2150], %broadcast_in_dim3A_1108 masked %eq3A_2165 {add = true} : memref<8192xi32, #tpu.memory_space<vmem>>[vector<16xi32>], vector<16xi32>, vector<16xi1>
    %eq3A_2166 = arith.constant 5 : i32
    %eq3A_2167 = vector.broadcast %eq3A_2166 : i32 to vector<16xi32>
    %eq3A_2168 = arith.cmpi eq, %iota3A, %eq3A_2167 : vector<16xi32>
    tpu.vector_store_idx %arg8[%get3A_2150], %broadcast_in_dim3A_1108 masked %eq3A_2168 {add = true} : memref<8192xi32, #tpu.memory_space<vmem>>[vector<16xi32>], vector<16xi32>, vector<16xi1>
    %eq3A_2169 = arith.constant 6 : i32
    %eq3A_2170 = vector.broadcast %eq3A_2169 : i32 to vector<16xi32>
    %eq3A_2171 = arith.cmpi eq, %iota3A, %eq3A_2170 : vector<16xi32>
    tpu.vector_store_idx %arg8[%get3A_2150], %broadcast_in_dim3A_1108 masked %eq3A_2171 {add = true} : memref<8192xi32, #tpu.memory_space<vmem>>[vector<16xi32>], vector<16xi32>, vector<16xi1>
    %eq3A_2172 = arith.constant 7 : i32
    %eq3A_2173 = vector.broadcast %eq3A_2172 : i32 to vector<16xi32>
    %eq3A_2174 = arith.cmpi eq, %iota3A, %eq3A_2173 : vector<16xi32>
    tpu.vector_store_idx %arg8[%get3A_2150], %broadcast_in_dim3A_1108 masked %eq3A_2174 {add = true} : memref<8192xi32, #tpu.memory_space<vmem>>[vector<16xi32>], vector<16xi32>, vector<16xi1>
    %eq3A_2175 = arith.constant 8 : i32
    %eq3A_2176 = vector.broadcast %eq3A_2175 : i32 to vector<16xi32>
    %eq3A_2177 = arith.cmpi eq, %iota3A, %eq3A_2176 : vector<16xi32>
    tpu.vector_store_idx %arg8[%get3A_2150], %broadcast_in_dim3A_1108 masked %eq3A_2177 {add = true} : memref<8192xi32, #tpu.memory_space<vmem>>[vector<16xi32>], vector<16xi32>, vector<16xi1>
    %eq3A_2178 = arith.constant 9 : i32
    %eq3A_2179 = vector.broadcast %eq3A_2178 : i32 to vector<16xi32>
    %eq3A_2180 = arith.cmpi eq, %iota3A, %eq3A_2179 : vector<16xi32>
    tpu.vector_store_idx %arg8[%get3A_2150], %broadcast_in_dim3A_1108 masked %eq3A_2180 {add = true} : memref<8192xi32, #tpu.memory_space<vmem>>[vector<16xi32>], vector<16xi32>, vector<16xi1>
    %eq3A_2181 = arith.constant 10 : i32
    %eq3A_2182 = vector.broadcast %eq3A_2181 : i32 to vector<16xi32>
    %eq3A_2183 = arith.cmpi eq, %iota3A, %eq3A_2182 : vector<16xi32>
    tpu.vector_store_idx %arg8[%get3A_2150], %broadcast_in_dim3A_1108 masked %eq3A_2183 {add = true} : memref<8192xi32, #tpu.memory_space<vmem>>[vector<16xi32>], vector<16xi32>, vector<16xi1>
    %eq3A_2184 = arith.constant 11 : i32
    %eq3A_2185 = vector.broadcast %eq3A_2184 : i32 to vector<16xi32>
    %eq3A_2186 = arith.cmpi eq, %iota3A, %eq3A_2185 : vector<16xi32>
    tpu.vector_store_idx %arg8[%get3A_2150], %broadcast_in_dim3A_1108 masked %eq3A_2186 {add = true} : memref<8192xi32, #tpu.memory_space<vmem>>[vector<16xi32>], vector<16xi32>, vector<16xi1>
    %eq3A_2187 = arith.constant 12 : i32
    %eq3A_2188 = vector.broadcast %eq3A_2187 : i32 to vector<16xi32>
    %eq3A_2189 = arith.cmpi eq, %iota3A, %eq3A_2188 : vector<16xi32>
    tpu.vector_store_idx %arg8[%get3A_2150], %broadcast_in_dim3A_1108 masked %eq3A_2189 {add = true} : memref<8192xi32, #tpu.memory_space<vmem>>[vector<16xi32>], vector<16xi32>, vector<16xi1>
    %eq3A_2190 = arith.constant 13 : i32
    %eq3A_2191 = vector.broadcast %eq3A_2190 : i32 to vector<16xi32>
    %eq3A_2192 = arith.cmpi eq, %iota3A, %eq3A_2191 : vector<16xi32>
    tpu.vector_store_idx %arg8[%get3A_2150], %broadcast_in_dim3A_1108 masked %eq3A_2192 {add = true} : memref<8192xi32, #tpu.memory_space<vmem>>[vector<16xi32>], vector<16xi32>, vector<16xi1>
    %eq3A_2193 = arith.constant 14 : i32
    %eq3A_2194 = vector.broadcast %eq3A_2193 : i32 to vector<16xi32>
    %eq3A_2195 = arith.cmpi eq, %iota3A, %eq3A_2194 : vector<16xi32>
    tpu.vector_store_idx %arg8[%get3A_2150], %broadcast_in_dim3A_1108 masked %eq3A_2195 {add = true} : memref<8192xi32, #tpu.memory_space<vmem>>[vector<16xi32>], vector<16xi32>, vector<16xi1>
    %eq3A_2196 = arith.constant 15 : i32
    %eq3A_2197 = vector.broadcast %eq3A_2196 : i32 to vector<16xi32>
    %eq3A_2198 = arith.cmpi eq, %iota3A, %eq3A_2197 : vector<16xi32>
    tpu.vector_store_idx %arg8[%get3A_2150], %broadcast_in_dim3A_1108 masked %eq3A_2198 {add = true} : memref<8192xi32, #tpu.memory_space<vmem>>[vector<16xi32>], vector<16xi32>, vector<16xi1>
    %get3A_2199 = arith.constant 2 : i32
    %get3A_2200 = arith.index_cast %get3A_2199 : i32 to index
    %get3A_2201 = arith.constant 80 : index
    %get3A_2202 = tpu.vector_load %arg6[%get3A_2200, %get3A_2201] {strides = array<i32>} : memref<4x128xi32, #tpu.memory_space<vmem>>, vector<16xi32>,
    %eq3A_2203 = arith.constant 0 : i32
    %eq3A_2204 = vector.broadcast %eq3A_2203 : i32 to vector<16xi32>
    %eq3A_2205 = arith.cmpi eq, %iota3A, %eq3A_2204 : vector<16xi32>
    tpu.vector_store_idx %arg8[%get3A_2202], %broadcast_in_dim3A_1108 masked %eq3A_2205 {add = true} : memref<8192xi32, #tpu.memory_space<vmem>>[vector<16xi32>], vector<16xi32>, vector<16xi1>
    %eq3A_2206 = arith.constant 1 : i32
    %eq3A_2207 = vector.broadcast %eq3A_2206 : i32 to vector<16xi32>
    %eq3A_2208 = arith.cmpi eq, %iota3A, %eq3A_2207 : vector<16xi32>
    tpu.vector_store_idx %arg8[%get3A_2202], %broadcast_in_dim3A_1108 masked %eq3A_2208 {add = true} : memref<8192xi32, #tpu.memory_space<vmem>>[vector<16xi32>], vector<16xi32>, vector<16xi1>
    %eq3A_2209 = arith.constant 2 : i32
    %eq3A_2210 = vector.broadcast %eq3A_2209 : i32 to vector<16xi32>
    %eq3A_2211 = arith.cmpi eq, %iota3A, %eq3A_2210 : vector<16xi32>
    tpu.vector_store_idx %arg8[%get3A_2202], %broadcast_in_dim3A_1108 masked %eq3A_2211 {add = true} : memref<8192xi32, #tpu.memory_space<vmem>>[vector<16xi32>], vector<16xi32>, vector<16xi1>
    %eq3A_2212 = arith.constant 3 : i32
    %eq3A_2213 = vector.broadcast %eq3A_2212 : i32 to vector<16xi32>
    %eq3A_2214 = arith.cmpi eq, %iota3A, %eq3A_2213 : vector<16xi32>
    tpu.vector_store_idx %arg8[%get3A_2202], %broadcast_in_dim3A_1108 masked %eq3A_2214 {add = true} : memref<8192xi32, #tpu.memory_space<vmem>>[vector<16xi32>], vector<16xi32>, vector<16xi1>
    %eq3A_2215 = arith.constant 4 : i32
    %eq3A_2216 = vector.broadcast %eq3A_2215 : i32 to vector<16xi32>
    %eq3A_2217 = arith.cmpi eq, %iota3A, %eq3A_2216 : vector<16xi32>
    tpu.vector_store_idx %arg8[%get3A_2202], %broadcast_in_dim3A_1108 masked %eq3A_2217 {add = true} : memref<8192xi32, #tpu.memory_space<vmem>>[vector<16xi32>], vector<16xi32>, vector<16xi1>
    %eq3A_2218 = arith.constant 5 : i32
    %eq3A_2219 = vector.broadcast %eq3A_2218 : i32 to vector<16xi32>
    %eq3A_2220 = arith.cmpi eq, %iota3A, %eq3A_2219 : vector<16xi32>
    tpu.vector_store_idx %arg8[%get3A_2202], %broadcast_in_dim3A_1108 masked %eq3A_2220 {add = true} : memref<8192xi32, #tpu.memory_space<vmem>>[vector<16xi32>], vector<16xi32>, vector<16xi1>
    %eq3A_2221 = arith.constant 6 : i32
    %eq3A_2222 = vector.broadcast %eq3A_2221 : i32 to vector<16xi32>
    %eq3A_2223 = arith.cmpi eq, %iota3A, %eq3A_2222 : vector<16xi32>
    tpu.vector_store_idx %arg8[%get3A_2202], %broadcast_in_dim3A_1108 masked %eq3A_2223 {add = true} : memref<8192xi32, #tpu.memory_space<vmem>>[vector<16xi32>], vector<16xi32>, vector<16xi1>
    %eq3A_2224 = arith.constant 7 : i32
    %eq3A_2225 = vector.broadcast %eq3A_2224 : i32 to vector<16xi32>
    %eq3A_2226 = arith.cmpi eq, %iota3A, %eq3A_2225 : vector<16xi32>
    tpu.vector_store_idx %arg8[%get3A_2202], %broadcast_in_dim3A_1108 masked %eq3A_2226 {add = true} : memref<8192xi32, #tpu.memory_space<vmem>>[vector<16xi32>], vector<16xi32>, vector<16xi1>
    %eq3A_2227 = arith.constant 8 : i32
    %eq3A_2228 = vector.broadcast %eq3A_2227 : i32 to vector<16xi32>
    %eq3A_2229 = arith.cmpi eq, %iota3A, %eq3A_2228 : vector<16xi32>
    tpu.vector_store_idx %arg8[%get3A_2202], %broadcast_in_dim3A_1108 masked %eq3A_2229 {add = true} : memref<8192xi32, #tpu.memory_space<vmem>>[vector<16xi32>], vector<16xi32>, vector<16xi1>
    %eq3A_2230 = arith.constant 9 : i32
    %eq3A_2231 = vector.broadcast %eq3A_2230 : i32 to vector<16xi32>
    %eq3A_2232 = arith.cmpi eq, %iota3A, %eq3A_2231 : vector<16xi32>
    tpu.vector_store_idx %arg8[%get3A_2202], %broadcast_in_dim3A_1108 masked %eq3A_2232 {add = true} : memref<8192xi32, #tpu.memory_space<vmem>>[vector<16xi32>], vector<16xi32>, vector<16xi1>
    %eq3A_2233 = arith.constant 10 : i32
    %eq3A_2234 = vector.broadcast %eq3A_2233 : i32 to vector<16xi32>
    %eq3A_2235 = arith.cmpi eq, %iota3A, %eq3A_2234 : vector<16xi32>
    tpu.vector_store_idx %arg8[%get3A_2202], %broadcast_in_dim3A_1108 masked %eq3A_2235 {add = true} : memref<8192xi32, #tpu.memory_space<vmem>>[vector<16xi32>], vector<16xi32>, vector<16xi1>
    %eq3A_2236 = arith.constant 11 : i32
    %eq3A_2237 = vector.broadcast %eq3A_2236 : i32 to vector<16xi32>
    %eq3A_2238 = arith.cmpi eq, %iota3A, %eq3A_2237 : vector<16xi32>
    tpu.vector_store_idx %arg8[%get3A_2202], %broadcast_in_dim3A_1108 masked %eq3A_2238 {add = true} : memref<8192xi32, #tpu.memory_space<vmem>>[vector<16xi32>], vector<16xi32>, vector<16xi1>
    %eq3A_2239 = arith.constant 12 : i32
    %eq3A_2240 = vector.broadcast %eq3A_2239 : i32 to vector<16xi32>
    %eq3A_2241 = arith.cmpi eq, %iota3A, %eq3A_2240 : vector<16xi32>
    tpu.vector_store_idx %arg8[%get3A_2202], %broadcast_in_dim3A_1108 masked %eq3A_2241 {add = true} : memref<8192xi32, #tpu.memory_space<vmem>>[vector<16xi32>], vector<16xi32>, vector<16xi1>
    %eq3A_2242 = arith.constant 13 : i32
    %eq3A_2243 = vector.broadcast %eq3A_2242 : i32 to vector<16xi32>
    %eq3A_2244 = arith.cmpi eq, %iota3A, %eq3A_2243 : vector<16xi32>
    tpu.vector_store_idx %arg8[%get3A_2202], %broadcast_in_dim3A_1108 masked %eq3A_2244 {add = true} : memref<8192xi32, #tpu.memory_space<vmem>>[vector<16xi32>], vector<16xi32>, vector<16xi1>
    %eq3A_2245 = arith.constant 14 : i32
    %eq3A_2246 = vector.broadcast %eq3A_2245 : i32 to vector<16xi32>
    %eq3A_2247 = arith.cmpi eq, %iota3A, %eq3A_2246 : vector<16xi32>
    tpu.vector_store_idx %arg8[%get3A_2202], %broadcast_in_dim3A_1108 masked %eq3A_2247 {add = true} : memref<8192xi32, #tpu.memory_space<vmem>>[vector<16xi32>], vector<16xi32>, vector<16xi1>
    %eq3A_2248 = arith.constant 15 : i32
    %eq3A_2249 = vector.broadcast %eq3A_2248 : i32 to vector<16xi32>
    %eq3A_2250 = arith.cmpi eq, %iota3A, %eq3A_2249 : vector<16xi32>
    tpu.vector_store_idx %arg8[%get3A_2202], %broadcast_in_dim3A_1108 masked %eq3A_2250 {add = true} : memref<8192xi32, #tpu.memory_space<vmem>>[vector<16xi32>], vector<16xi32>, vector<16xi1>
    %get3A_2251 = arith.constant 2 : i32
    %get3A_2252 = arith.index_cast %get3A_2251 : i32 to index
    %get3A_2253 = arith.constant 96 : index
    %get3A_2254 = tpu.vector_load %arg6[%get3A_2252, %get3A_2253] {strides = array<i32>} : memref<4x128xi32, #tpu.memory_space<vmem>>, vector<16xi32>,
    %eq3A_2255 = arith.constant 0 : i32
    %eq3A_2256 = vector.broadcast %eq3A_2255 : i32 to vector<16xi32>
    %eq3A_2257 = arith.cmpi eq, %iota3A, %eq3A_2256 : vector<16xi32>
    tpu.vector_store_idx %arg8[%get3A_2254], %broadcast_in_dim3A_1108 masked %eq3A_2257 {add = true} : memref<8192xi32, #tpu.memory_space<vmem>>[vector<16xi32>], vector<16xi32>, vector<16xi1>
    %eq3A_2258 = arith.constant 1 : i32
    %eq3A_2259 = vector.broadcast %eq3A_2258 : i32 to vector<16xi32>
    %eq3A_2260 = arith.cmpi eq, %iota3A, %eq3A_2259 : vector<16xi32>
    tpu.vector_store_idx %arg8[%get3A_2254], %broadcast_in_dim3A_1108 masked %eq3A_2260 {add = true} : memref<8192xi32, #tpu.memory_space<vmem>>[vector<16xi32>], vector<16xi32>, vector<16xi1>
    %eq3A_2261 = arith.constant 2 : i32
    %eq3A_2262 = vector.broadcast %eq3A_2261 : i32 to vector<16xi32>
    %eq3A_2263 = arith.cmpi eq, %iota3A, %eq3A_2262 : vector<16xi32>
    tpu.vector_store_idx %arg8[%get3A_2254], %broadcast_in_dim3A_1108 masked %eq3A_2263 {add = true} : memref<8192xi32, #tpu.memory_space<vmem>>[vector<16xi32>], vector<16xi32>, vector<16xi1>
    %eq3A_2264 = arith.constant 3 : i32
    %eq3A_2265 = vector.broadcast %eq3A_2264 : i32 to vector<16xi32>
    %eq3A_2266 = arith.cmpi eq, %iota3A, %eq3A_2265 : vector<16xi32>
    tpu.vector_store_idx %arg8[%get3A_2254], %broadcast_in_dim3A_1108 masked %eq3A_2266 {add = true} : memref<8192xi32, #tpu.memory_space<vmem>>[vector<16xi32>], vector<16xi32>, vector<16xi1>
    %eq3A_2267 = arith.constant 4 : i32
    %eq3A_2268 = vector.broadcast %eq3A_2267 : i32 to vector<16xi32>
    %eq3A_2269 = arith.cmpi eq, %iota3A, %eq3A_2268 : vector<16xi32>
    tpu.vector_store_idx %arg8[%get3A_2254], %broadcast_in_dim3A_1108 masked %eq3A_2269 {add = true} : memref<8192xi32, #tpu.memory_space<vmem>>[vector<16xi32>], vector<16xi32>, vector<16xi1>
    %eq3A_2270 = arith.constant 5 : i32
    %eq3A_2271 = vector.broadcast %eq3A_2270 : i32 to vector<16xi32>
    %eq3A_2272 = arith.cmpi eq, %iota3A, %eq3A_2271 : vector<16xi32>
    tpu.vector_store_idx %arg8[%get3A_2254], %broadcast_in_dim3A_1108 masked %eq3A_2272 {add = true} : memref<8192xi32, #tpu.memory_space<vmem>>[vector<16xi32>], vector<16xi32>, vector<16xi1>
    %eq3A_2273 = arith.constant 6 : i32
    %eq3A_2274 = vector.broadcast %eq3A_2273 : i32 to vector<16xi32>
    %eq3A_2275 = arith.cmpi eq, %iota3A, %eq3A_2274 : vector<16xi32>
    tpu.vector_store_idx %arg8[%get3A_2254], %broadcast_in_dim3A_1108 masked %eq3A_2275 {add = true} : memref<8192xi32, #tpu.memory_space<vmem>>[vector<16xi32>], vector<16xi32>, vector<16xi1>
    %eq3A_2276 = arith.constant 7 : i32
    %eq3A_2277 = vector.broadcast %eq3A_2276 : i32 to vector<16xi32>
    %eq3A_2278 = arith.cmpi eq, %iota3A, %eq3A_2277 : vector<16xi32>
    tpu.vector_store_idx %arg8[%get3A_2254], %broadcast_in_dim3A_1108 masked %eq3A_2278 {add = true} : memref<8192xi32, #tpu.memory_space<vmem>>[vector<16xi32>], vector<16xi32>, vector<16xi1>
    %eq3A_2279 = arith.constant 8 : i32
    %eq3A_2280 = vector.broadcast %eq3A_2279 : i32 to vector<16xi32>
    %eq3A_2281 = arith.cmpi eq, %iota3A, %eq3A_2280 : vector<16xi32>
    tpu.vector_store_idx %arg8[%get3A_2254], %broadcast_in_dim3A_1108 masked %eq3A_2281 {add = true} : memref<8192xi32, #tpu.memory_space<vmem>>[vector<16xi32>], vector<16xi32>, vector<16xi1>
    %eq3A_2282 = arith.constant 9 : i32
    %eq3A_2283 = vector.broadcast %eq3A_2282 : i32 to vector<16xi32>
    %eq3A_2284 = arith.cmpi eq, %iota3A, %eq3A_2283 : vector<16xi32>
    tpu.vector_store_idx %arg8[%get3A_2254], %broadcast_in_dim3A_1108 masked %eq3A_2284 {add = true} : memref<8192xi32, #tpu.memory_space<vmem>>[vector<16xi32>], vector<16xi32>, vector<16xi1>
    %eq3A_2285 = arith.constant 10 : i32
    %eq3A_2286 = vector.broadcast %eq3A_2285 : i32 to vector<16xi32>
    %eq3A_2287 = arith.cmpi eq, %iota3A, %eq3A_2286 : vector<16xi32>
    tpu.vector_store_idx %arg8[%get3A_2254], %broadcast_in_dim3A_1108 masked %eq3A_2287 {add = true} : memref<8192xi32, #tpu.memory_space<vmem>>[vector<16xi32>], vector<16xi32>, vector<16xi1>
    %eq3A_2288 = arith.constant 11 : i32
    %eq3A_2289 = vector.broadcast %eq3A_2288 : i32 to vector<16xi32>
    %eq3A_2290 = arith.cmpi eq, %iota3A, %eq3A_2289 : vector<16xi32>
    tpu.vector_store_idx %arg8[%get3A_2254], %broadcast_in_dim3A_1108 masked %eq3A_2290 {add = true} : memref<8192xi32, #tpu.memory_space<vmem>>[vector<16xi32>], vector<16xi32>, vector<16xi1>
    %eq3A_2291 = arith.constant 12 : i32
    %eq3A_2292 = vector.broadcast %eq3A_2291 : i32 to vector<16xi32>
    %eq3A_2293 = arith.cmpi eq, %iota3A, %eq3A_2292 : vector<16xi32>
    tpu.vector_store_idx %arg8[%get3A_2254], %broadcast_in_dim3A_1108 masked %eq3A_2293 {add = true} : memref<8192xi32, #tpu.memory_space<vmem>>[vector<16xi32>], vector<16xi32>, vector<16xi1>
    %eq3A_2294 = arith.constant 13 : i32
    %eq3A_2295 = vector.broadcast %eq3A_2294 : i32 to vector<16xi32>
    %eq3A_2296 = arith.cmpi eq, %iota3A, %eq3A_2295 : vector<16xi32>
    tpu.vector_store_idx %arg8[%get3A_2254], %broadcast_in_dim3A_1108 masked %eq3A_2296 {add = true} : memref<8192xi32, #tpu.memory_space<vmem>>[vector<16xi32>], vector<16xi32>, vector<16xi1>
    %eq3A_2297 = arith.constant 14 : i32
    %eq3A_2298 = vector.broadcast %eq3A_2297 : i32 to vector<16xi32>
    %eq3A_2299 = arith.cmpi eq, %iota3A, %eq3A_2298 : vector<16xi32>
    tpu.vector_store_idx %arg8[%get3A_2254], %broadcast_in_dim3A_1108 masked %eq3A_2299 {add = true} : memref<8192xi32, #tpu.memory_space<vmem>>[vector<16xi32>], vector<16xi32>, vector<16xi1>
    %eq3A_2300 = arith.constant 15 : i32
    %eq3A_2301 = vector.broadcast %eq3A_2300 : i32 to vector<16xi32>
    %eq3A_2302 = arith.cmpi eq, %iota3A, %eq3A_2301 : vector<16xi32>
    tpu.vector_store_idx %arg8[%get3A_2254], %broadcast_in_dim3A_1108 masked %eq3A_2302 {add = true} : memref<8192xi32, #tpu.memory_space<vmem>>[vector<16xi32>], vector<16xi32>, vector<16xi1>
    %get3A_2303 = arith.constant 2 : i32
    %get3A_2304 = arith.index_cast %get3A_2303 : i32 to index
    %get3A_2305 = arith.constant 112 : index
    %get3A_2306 = tpu.vector_load %arg6[%get3A_2304, %get3A_2305] {strides = array<i32>} : memref<4x128xi32, #tpu.memory_space<vmem>>, vector<16xi32>,
    %eq3A_2307 = arith.constant 0 : i32
    %eq3A_2308 = vector.broadcast %eq3A_2307 : i32 to vector<16xi32>
    %eq3A_2309 = arith.cmpi eq, %iota3A, %eq3A_2308 : vector<16xi32>
    tpu.vector_store_idx %arg8[%get3A_2306], %broadcast_in_dim3A_1108 masked %eq3A_2309 {add = true} : memref<8192xi32, #tpu.memory_space<vmem>>[vector<16xi32>], vector<16xi32>, vector<16xi1>
    %eq3A_2310 = arith.constant 1 : i32
    %eq3A_2311 = vector.broadcast %eq3A_2310 : i32 to vector<16xi32>
    %eq3A_2312 = arith.cmpi eq, %iota3A, %eq3A_2311 : vector<16xi32>
    tpu.vector_store_idx %arg8[%get3A_2306], %broadcast_in_dim3A_1108 masked %eq3A_2312 {add = true} : memref<8192xi32, #tpu.memory_space<vmem>>[vector<16xi32>], vector<16xi32>, vector<16xi1>
    %eq3A_2313 = arith.constant 2 : i32
    %eq3A_2314 = vector.broadcast %eq3A_2313 : i32 to vector<16xi32>
    %eq3A_2315 = arith.cmpi eq, %iota3A, %eq3A_2314 : vector<16xi32>
    tpu.vector_store_idx %arg8[%get3A_2306], %broadcast_in_dim3A_1108 masked %eq3A_2315 {add = true} : memref<8192xi32, #tpu.memory_space<vmem>>[vector<16xi32>], vector<16xi32>, vector<16xi1>
    %eq3A_2316 = arith.constant 3 : i32
    %eq3A_2317 = vector.broadcast %eq3A_2316 : i32 to vector<16xi32>
    %eq3A_2318 = arith.cmpi eq, %iota3A, %eq3A_2317 : vector<16xi32>
    tpu.vector_store_idx %arg8[%get3A_2306], %broadcast_in_dim3A_1108 masked %eq3A_2318 {add = true} : memref<8192xi32, #tpu.memory_space<vmem>>[vector<16xi32>], vector<16xi32>, vector<16xi1>
    %eq3A_2319 = arith.constant 4 : i32
    %eq3A_2320 = vector.broadcast %eq3A_2319 : i32 to vector<16xi32>
    %eq3A_2321 = arith.cmpi eq, %iota3A, %eq3A_2320 : vector<16xi32>
    tpu.vector_store_idx %arg8[%get3A_2306], %broadcast_in_dim3A_1108 masked %eq3A_2321 {add = true} : memref<8192xi32, #tpu.memory_space<vmem>>[vector<16xi32>], vector<16xi32>, vector<16xi1>
    %eq3A_2322 = arith.constant 5 : i32
    %eq3A_2323 = vector.broadcast %eq3A_2322 : i32 to vector<16xi32>
    %eq3A_2324 = arith.cmpi eq, %iota3A, %eq3A_2323 : vector<16xi32>
    tpu.vector_store_idx %arg8[%get3A_2306], %broadcast_in_dim3A_1108 masked %eq3A_2324 {add = true} : memref<8192xi32, #tpu.memory_space<vmem>>[vector<16xi32>], vector<16xi32>, vector<16xi1>
    %eq3A_2325 = arith.constant 6 : i32
    %eq3A_2326 = vector.broadcast %eq3A_2325 : i32 to vector<16xi32>
    %eq3A_2327 = arith.cmpi eq, %iota3A, %eq3A_2326 : vector<16xi32>
    tpu.vector_store_idx %arg8[%get3A_2306], %broadcast_in_dim3A_1108 masked %eq3A_2327 {add = true} : memref<8192xi32, #tpu.memory_space<vmem>>[vector<16xi32>], vector<16xi32>, vector<16xi1>
    %eq3A_2328 = arith.constant 7 : i32
    %eq3A_2329 = vector.broadcast %eq3A_2328 : i32 to vector<16xi32>
    %eq3A_2330 = arith.cmpi eq, %iota3A, %eq3A_2329 : vector<16xi32>
    tpu.vector_store_idx %arg8[%get3A_2306], %broadcast_in_dim3A_1108 masked %eq3A_2330 {add = true} : memref<8192xi32, #tpu.memory_space<vmem>>[vector<16xi32>], vector<16xi32>, vector<16xi1>
    %eq3A_2331 = arith.constant 8 : i32
    %eq3A_2332 = vector.broadcast %eq3A_2331 : i32 to vector<16xi32>
    %eq3A_2333 = arith.cmpi eq, %iota3A, %eq3A_2332 : vector<16xi32>
    tpu.vector_store_idx %arg8[%get3A_2306], %broadcast_in_dim3A_1108 masked %eq3A_2333 {add = true} : memref<8192xi32, #tpu.memory_space<vmem>>[vector<16xi32>], vector<16xi32>, vector<16xi1>
    %eq3A_2334 = arith.constant 9 : i32
    %eq3A_2335 = vector.broadcast %eq3A_2334 : i32 to vector<16xi32>
    %eq3A_2336 = arith.cmpi eq, %iota3A, %eq3A_2335 : vector<16xi32>
    tpu.vector_store_idx %arg8[%get3A_2306], %broadcast_in_dim3A_1108 masked %eq3A_2336 {add = true} : memref<8192xi32, #tpu.memory_space<vmem>>[vector<16xi32>], vector<16xi32>, vector<16xi1>
    %eq3A_2337 = arith.constant 10 : i32
    %eq3A_2338 = vector.broadcast %eq3A_2337 : i32 to vector<16xi32>
    %eq3A_2339 = arith.cmpi eq, %iota3A, %eq3A_2338 : vector<16xi32>
    tpu.vector_store_idx %arg8[%get3A_2306], %broadcast_in_dim3A_1108 masked %eq3A_2339 {add = true} : memref<8192xi32, #tpu.memory_space<vmem>>[vector<16xi32>], vector<16xi32>, vector<16xi1>
    %eq3A_2340 = arith.constant 11 : i32
    %eq3A_2341 = vector.broadcast %eq3A_2340 : i32 to vector<16xi32>
    %eq3A_2342 = arith.cmpi eq, %iota3A, %eq3A_2341 : vector<16xi32>
    tpu.vector_store_idx %arg8[%get3A_2306], %broadcast_in_dim3A_1108 masked %eq3A_2342 {add = true} : memref<8192xi32, #tpu.memory_space<vmem>>[vector<16xi32>], vector<16xi32>, vector<16xi1>
    %eq3A_2343 = arith.constant 12 : i32
    %eq3A_2344 = vector.broadcast %eq3A_2343 : i32 to vector<16xi32>
    %eq3A_2345 = arith.cmpi eq, %iota3A, %eq3A_2344 : vector<16xi32>
    tpu.vector_store_idx %arg8[%get3A_2306], %broadcast_in_dim3A_1108 masked %eq3A_2345 {add = true} : memref<8192xi32, #tpu.memory_space<vmem>>[vector<16xi32>], vector<16xi32>, vector<16xi1>
    %eq3A_2346 = arith.constant 13 : i32
    %eq3A_2347 = vector.broadcast %eq3A_2346 : i32 to vector<16xi32>
    %eq3A_2348 = arith.cmpi eq, %iota3A, %eq3A_2347 : vector<16xi32>
    tpu.vector_store_idx %arg8[%get3A_2306], %broadcast_in_dim3A_1108 masked %eq3A_2348 {add = true} : memref<8192xi32, #tpu.memory_space<vmem>>[vector<16xi32>], vector<16xi32>, vector<16xi1>
    %eq3A_2349 = arith.constant 14 : i32
    %eq3A_2350 = vector.broadcast %eq3A_2349 : i32 to vector<16xi32>
    %eq3A_2351 = arith.cmpi eq, %iota3A, %eq3A_2350 : vector<16xi32>
    tpu.vector_store_idx %arg8[%get3A_2306], %broadcast_in_dim3A_1108 masked %eq3A_2351 {add = true} : memref<8192xi32, #tpu.memory_space<vmem>>[vector<16xi32>], vector<16xi32>, vector<16xi1>
    %eq3A_2352 = arith.constant 15 : i32
    %eq3A_2353 = vector.broadcast %eq3A_2352 : i32 to vector<16xi32>
    %eq3A_2354 = arith.cmpi eq, %iota3A, %eq3A_2353 : vector<16xi32>
    tpu.vector_store_idx %arg8[%get3A_2306], %broadcast_in_dim3A_1108 masked %eq3A_2354 {add = true} : memref<8192xi32, #tpu.memory_space<vmem>>[vector<16xi32>], vector<16xi32>, vector<16xi1>
    %get3A_2355 = arith.constant 3 : i32
    %get3A_2356 = arith.index_cast %get3A_2355 : i32 to index
    %get3A_2357 = arith.constant 0 : index
    %get3A_2358 = tpu.vector_load %arg6[%get3A_2356, %get3A_2357] {strides = array<i32>} : memref<4x128xi32, #tpu.memory_space<vmem>>, vector<16xi32>,
    %eq3A_2359 = arith.constant 0 : i32
    %eq3A_2360 = vector.broadcast %eq3A_2359 : i32 to vector<16xi32>
    %eq3A_2361 = arith.cmpi eq, %iota3A, %eq3A_2360 : vector<16xi32>
    tpu.vector_store_idx %arg8[%get3A_2358], %broadcast_in_dim3A_1108 masked %eq3A_2361 {add = true} : memref<8192xi32, #tpu.memory_space<vmem>>[vector<16xi32>], vector<16xi32>, vector<16xi1>
    %eq3A_2362 = arith.constant 1 : i32
    %eq3A_2363 = vector.broadcast %eq3A_2362 : i32 to vector<16xi32>
    %eq3A_2364 = arith.cmpi eq, %iota3A, %eq3A_2363 : vector<16xi32>
    tpu.vector_store_idx %arg8[%get3A_2358], %broadcast_in_dim3A_1108 masked %eq3A_2364 {add = true} : memref<8192xi32, #tpu.memory_space<vmem>>[vector<16xi32>], vector<16xi32>, vector<16xi1>
    %eq3A_2365 = arith.constant 2 : i32
    %eq3A_2366 = vector.broadcast %eq3A_2365 : i32 to vector<16xi32>
    %eq3A_2367 = arith.cmpi eq, %iota3A, %eq3A_2366 : vector<16xi32>
    tpu.vector_store_idx %arg8[%get3A_2358], %broadcast_in_dim3A_1108 masked %eq3A_2367 {add = true} : memref<8192xi32, #tpu.memory_space<vmem>>[vector<16xi32>], vector<16xi32>, vector<16xi1>
    %eq3A_2368 = arith.constant 3 : i32
    %eq3A_2369 = vector.broadcast %eq3A_2368 : i32 to vector<16xi32>
    %eq3A_2370 = arith.cmpi eq, %iota3A, %eq3A_2369 : vector<16xi32>
    tpu.vector_store_idx %arg8[%get3A_2358], %broadcast_in_dim3A_1108 masked %eq3A_2370 {add = true} : memref<8192xi32, #tpu.memory_space<vmem>>[vector<16xi32>], vector<16xi32>, vector<16xi1>
    %eq3A_2371 = arith.constant 4 : i32
    %eq3A_2372 = vector.broadcast %eq3A_2371 : i32 to vector<16xi32>
    %eq3A_2373 = arith.cmpi eq, %iota3A, %eq3A_2372 : vector<16xi32>
    tpu.vector_store_idx %arg8[%get3A_2358], %broadcast_in_dim3A_1108 masked %eq3A_2373 {add = true} : memref<8192xi32, #tpu.memory_space<vmem>>[vector<16xi32>], vector<16xi32>, vector<16xi1>
    %eq3A_2374 = arith.constant 5 : i32
    %eq3A_2375 = vector.broadcast %eq3A_2374 : i32 to vector<16xi32>
    %eq3A_2376 = arith.cmpi eq, %iota3A, %eq3A_2375 : vector<16xi32>
    tpu.vector_store_idx %arg8[%get3A_2358], %broadcast_in_dim3A_1108 masked %eq3A_2376 {add = true} : memref<8192xi32, #tpu.memory_space<vmem>>[vector<16xi32>], vector<16xi32>, vector<16xi1>
    %eq3A_2377 = arith.constant 6 : i32
    %eq3A_2378 = vector.broadcast %eq3A_2377 : i32 to vector<16xi32>
    %eq3A_2379 = arith.cmpi eq, %iota3A, %eq3A_2378 : vector<16xi32>
    tpu.vector_store_idx %arg8[%get3A_2358], %broadcast_in_dim3A_1108 masked %eq3A_2379 {add = true} : memref<8192xi32, #tpu.memory_space<vmem>>[vector<16xi32>], vector<16xi32>, vector<16xi1>
    %eq3A_2380 = arith.constant 7 : i32
    %eq3A_2381 = vector.broadcast %eq3A_2380 : i32 to vector<16xi32>
    %eq3A_2382 = arith.cmpi eq, %iota3A, %eq3A_2381 : vector<16xi32>
    tpu.vector_store_idx %arg8[%get3A_2358], %broadcast_in_dim3A_1108 masked %eq3A_2382 {add = true} : memref<8192xi32, #tpu.memory_space<vmem>>[vector<16xi32>], vector<16xi32>, vector<16xi1>
    %eq3A_2383 = arith.constant 8 : i32
    %eq3A_2384 = vector.broadcast %eq3A_2383 : i32 to vector<16xi32>
    %eq3A_2385 = arith.cmpi eq, %iota3A, %eq3A_2384 : vector<16xi32>
    tpu.vector_store_idx %arg8[%get3A_2358], %broadcast_in_dim3A_1108 masked %eq3A_2385 {add = true} : memref<8192xi32, #tpu.memory_space<vmem>>[vector<16xi32>], vector<16xi32>, vector<16xi1>
    %eq3A_2386 = arith.constant 9 : i32
    %eq3A_2387 = vector.broadcast %eq3A_2386 : i32 to vector<16xi32>
    %eq3A_2388 = arith.cmpi eq, %iota3A, %eq3A_2387 : vector<16xi32>
    tpu.vector_store_idx %arg8[%get3A_2358], %broadcast_in_dim3A_1108 masked %eq3A_2388 {add = true} : memref<8192xi32, #tpu.memory_space<vmem>>[vector<16xi32>], vector<16xi32>, vector<16xi1>
    %eq3A_2389 = arith.constant 10 : i32
    %eq3A_2390 = vector.broadcast %eq3A_2389 : i32 to vector<16xi32>
    %eq3A_2391 = arith.cmpi eq, %iota3A, %eq3A_2390 : vector<16xi32>
    tpu.vector_store_idx %arg8[%get3A_2358], %broadcast_in_dim3A_1108 masked %eq3A_2391 {add = true} : memref<8192xi32, #tpu.memory_space<vmem>>[vector<16xi32>], vector<16xi32>, vector<16xi1>
    %eq3A_2392 = arith.constant 11 : i32
    %eq3A_2393 = vector.broadcast %eq3A_2392 : i32 to vector<16xi32>
    %eq3A_2394 = arith.cmpi eq, %iota3A, %eq3A_2393 : vector<16xi32>
    tpu.vector_store_idx %arg8[%get3A_2358], %broadcast_in_dim3A_1108 masked %eq3A_2394 {add = true} : memref<8192xi32, #tpu.memory_space<vmem>>[vector<16xi32>], vector<16xi32>, vector<16xi1>
    %eq3A_2395 = arith.constant 12 : i32
    %eq3A_2396 = vector.broadcast %eq3A_2395 : i32 to vector<16xi32>
    %eq3A_2397 = arith.cmpi eq, %iota3A, %eq3A_2396 : vector<16xi32>
    tpu.vector_store_idx %arg8[%get3A_2358], %broadcast_in_dim3A_1108 masked %eq3A_2397 {add = true} : memref<8192xi32, #tpu.memory_space<vmem>>[vector<16xi32>], vector<16xi32>, vector<16xi1>
    %eq3A_2398 = arith.constant 13 : i32
    %eq3A_2399 = vector.broadcast %eq3A_2398 : i32 to vector<16xi32>
    %eq3A_2400 = arith.cmpi eq, %iota3A, %eq3A_2399 : vector<16xi32>
    tpu.vector_store_idx %arg8[%get3A_2358], %broadcast_in_dim3A_1108 masked %eq3A_2400 {add = true} : memref<8192xi32, #tpu.memory_space<vmem>>[vector<16xi32>], vector<16xi32>, vector<16xi1>
    %eq3A_2401 = arith.constant 14 : i32
    %eq3A_2402 = vector.broadcast %eq3A_2401 : i32 to vector<16xi32>
    %eq3A_2403 = arith.cmpi eq, %iota3A, %eq3A_2402 : vector<16xi32>
    tpu.vector_store_idx %arg8[%get3A_2358], %broadcast_in_dim3A_1108 masked %eq3A_2403 {add = true} : memref<8192xi32, #tpu.memory_space<vmem>>[vector<16xi32>], vector<16xi32>, vector<16xi1>
    %eq3A_2404 = arith.constant 15 : i32
    %eq3A_2405 = vector.broadcast %eq3A_2404 : i32 to vector<16xi32>
    %eq3A_2406 = arith.cmpi eq, %iota3A, %eq3A_2405 : vector<16xi32>
    tpu.vector_store_idx %arg8[%get3A_2358], %broadcast_in_dim3A_1108 masked %eq3A_2406 {add = true} : memref<8192xi32, #tpu.memory_space<vmem>>[vector<16xi32>], vector<16xi32>, vector<16xi1>
    %get3A_2407 = arith.constant 3 : i32
    %get3A_2408 = arith.index_cast %get3A_2407 : i32 to index
    %get3A_2409 = arith.constant 16 : index
    %get3A_2410 = tpu.vector_load %arg6[%get3A_2408, %get3A_2409] {strides = array<i32>} : memref<4x128xi32, #tpu.memory_space<vmem>>, vector<16xi32>,
    %eq3A_2411 = arith.constant 0 : i32
    %eq3A_2412 = vector.broadcast %eq3A_2411 : i32 to vector<16xi32>
    %eq3A_2413 = arith.cmpi eq, %iota3A, %eq3A_2412 : vector<16xi32>
    tpu.vector_store_idx %arg8[%get3A_2410], %broadcast_in_dim3A_1108 masked %eq3A_2413 {add = true} : memref<8192xi32, #tpu.memory_space<vmem>>[vector<16xi32>], vector<16xi32>, vector<16xi1>
    %eq3A_2414 = arith.constant 1 : i32
    %eq3A_2415 = vector.broadcast %eq3A_2414 : i32 to vector<16xi32>
    %eq3A_2416 = arith.cmpi eq, %iota3A, %eq3A_2415 : vector<16xi32>
    tpu.vector_store_idx %arg8[%get3A_2410], %broadcast_in_dim3A_1108 masked %eq3A_2416 {add = true} : memref<8192xi32, #tpu.memory_space<vmem>>[vector<16xi32>], vector<16xi32>, vector<16xi1>
    %eq3A_2417 = arith.constant 2 : i32
    %eq3A_2418 = vector.broadcast %eq3A_2417 : i32 to vector<16xi32>
    %eq3A_2419 = arith.cmpi eq, %iota3A, %eq3A_2418 : vector<16xi32>
    tpu.vector_store_idx %arg8[%get3A_2410], %broadcast_in_dim3A_1108 masked %eq3A_2419 {add = true} : memref<8192xi32, #tpu.memory_space<vmem>>[vector<16xi32>], vector<16xi32>, vector<16xi1>
    %eq3A_2420 = arith.constant 3 : i32
    %eq3A_2421 = vector.broadcast %eq3A_2420 : i32 to vector<16xi32>
    %eq3A_2422 = arith.cmpi eq, %iota3A, %eq3A_2421 : vector<16xi32>
    tpu.vector_store_idx %arg8[%get3A_2410], %broadcast_in_dim3A_1108 masked %eq3A_2422 {add = true} : memref<8192xi32, #tpu.memory_space<vmem>>[vector<16xi32>], vector<16xi32>, vector<16xi1>
    %eq3A_2423 = arith.constant 4 : i32
    %eq3A_2424 = vector.broadcast %eq3A_2423 : i32 to vector<16xi32>
    %eq3A_2425 = arith.cmpi eq, %iota3A, %eq3A_2424 : vector<16xi32>
    tpu.vector_store_idx %arg8[%get3A_2410], %broadcast_in_dim3A_1108 masked %eq3A_2425 {add = true} : memref<8192xi32, #tpu.memory_space<vmem>>[vector<16xi32>], vector<16xi32>, vector<16xi1>
    %eq3A_2426 = arith.constant 5 : i32
    %eq3A_2427 = vector.broadcast %eq3A_2426 : i32 to vector<16xi32>
    %eq3A_2428 = arith.cmpi eq, %iota3A, %eq3A_2427 : vector<16xi32>
    tpu.vector_store_idx %arg8[%get3A_2410], %broadcast_in_dim3A_1108 masked %eq3A_2428 {add = true} : memref<8192xi32, #tpu.memory_space<vmem>>[vector<16xi32>], vector<16xi32>, vector<16xi1>
    %eq3A_2429 = arith.constant 6 : i32
    %eq3A_2430 = vector.broadcast %eq3A_2429 : i32 to vector<16xi32>
    %eq3A_2431 = arith.cmpi eq, %iota3A, %eq3A_2430 : vector<16xi32>
    tpu.vector_store_idx %arg8[%get3A_2410], %broadcast_in_dim3A_1108 masked %eq3A_2431 {add = true} : memref<8192xi32, #tpu.memory_space<vmem>>[vector<16xi32>], vector<16xi32>, vector<16xi1>
    %eq3A_2432 = arith.constant 7 : i32
    %eq3A_2433 = vector.broadcast %eq3A_2432 : i32 to vector<16xi32>
    %eq3A_2434 = arith.cmpi eq, %iota3A, %eq3A_2433 : vector<16xi32>
    tpu.vector_store_idx %arg8[%get3A_2410], %broadcast_in_dim3A_1108 masked %eq3A_2434 {add = true} : memref<8192xi32, #tpu.memory_space<vmem>>[vector<16xi32>], vector<16xi32>, vector<16xi1>
    %eq3A_2435 = arith.constant 8 : i32
    %eq3A_2436 = vector.broadcast %eq3A_2435 : i32 to vector<16xi32>
    %eq3A_2437 = arith.cmpi eq, %iota3A, %eq3A_2436 : vector<16xi32>
    tpu.vector_store_idx %arg8[%get3A_2410], %broadcast_in_dim3A_1108 masked %eq3A_2437 {add = true} : memref<8192xi32, #tpu.memory_space<vmem>>[vector<16xi32>], vector<16xi32>, vector<16xi1>
    %eq3A_2438 = arith.constant 9 : i32
    %eq3A_2439 = vector.broadcast %eq3A_2438 : i32 to vector<16xi32>
    %eq3A_2440 = arith.cmpi eq, %iota3A, %eq3A_2439 : vector<16xi32>
    tpu.vector_store_idx %arg8[%get3A_2410], %broadcast_in_dim3A_1108 masked %eq3A_2440 {add = true} : memref<8192xi32, #tpu.memory_space<vmem>>[vector<16xi32>], vector<16xi32>, vector<16xi1>
    %eq3A_2441 = arith.constant 10 : i32
    %eq3A_2442 = vector.broadcast %eq3A_2441 : i32 to vector<16xi32>
    %eq3A_2443 = arith.cmpi eq, %iota3A, %eq3A_2442 : vector<16xi32>
    tpu.vector_store_idx %arg8[%get3A_2410], %broadcast_in_dim3A_1108 masked %eq3A_2443 {add = true} : memref<8192xi32, #tpu.memory_space<vmem>>[vector<16xi32>], vector<16xi32>, vector<16xi1>
    %eq3A_2444 = arith.constant 11 : i32
    %eq3A_2445 = vector.broadcast %eq3A_2444 : i32 to vector<16xi32>
    %eq3A_2446 = arith.cmpi eq, %iota3A, %eq3A_2445 : vector<16xi32>
    tpu.vector_store_idx %arg8[%get3A_2410], %broadcast_in_dim3A_1108 masked %eq3A_2446 {add = true} : memref<8192xi32, #tpu.memory_space<vmem>>[vector<16xi32>], vector<16xi32>, vector<16xi1>
    %eq3A_2447 = arith.constant 12 : i32
    %eq3A_2448 = vector.broadcast %eq3A_2447 : i32 to vector<16xi32>
    %eq3A_2449 = arith.cmpi eq, %iota3A, %eq3A_2448 : vector<16xi32>
    tpu.vector_store_idx %arg8[%get3A_2410], %broadcast_in_dim3A_1108 masked %eq3A_2449 {add = true} : memref<8192xi32, #tpu.memory_space<vmem>>[vector<16xi32>], vector<16xi32>, vector<16xi1>
    %eq3A_2450 = arith.constant 13 : i32
    %eq3A_2451 = vector.broadcast %eq3A_2450 : i32 to vector<16xi32>
    %eq3A_2452 = arith.cmpi eq, %iota3A, %eq3A_2451 : vector<16xi32>
    tpu.vector_store_idx %arg8[%get3A_2410], %broadcast_in_dim3A_1108 masked %eq3A_2452 {add = true} : memref<8192xi32, #tpu.memory_space<vmem>>[vector<16xi32>], vector<16xi32>, vector<16xi1>
    %eq3A_2453 = arith.constant 14 : i32
    %eq3A_2454 = vector.broadcast %eq3A_2453 : i32 to vector<16xi32>
    %eq3A_2455 = arith.cmpi eq, %iota3A, %eq3A_2454 : vector<16xi32>
    tpu.vector_store_idx %arg8[%get3A_2410], %broadcast_in_dim3A_1108 masked %eq3A_2455 {add = true} : memref<8192xi32, #tpu.memory_space<vmem>>[vector<16xi32>], vector<16xi32>, vector<16xi1>
    %eq3A_2456 = arith.constant 15 : i32
    %eq3A_2457 = vector.broadcast %eq3A_2456 : i32 to vector<16xi32>
    %eq3A_2458 = arith.cmpi eq, %iota3A, %eq3A_2457 : vector<16xi32>
    tpu.vector_store_idx %arg8[%get3A_2410], %broadcast_in_dim3A_1108 masked %eq3A_2458 {add = true} : memref<8192xi32, #tpu.memory_space<vmem>>[vector<16xi32>], vector<16xi32>, vector<16xi1>
    %get3A_2459 = arith.constant 3 : i32
    %get3A_2460 = arith.index_cast %get3A_2459 : i32 to index
    %get3A_2461 = arith.constant 32 : index
    %get3A_2462 = tpu.vector_load %arg6[%get3A_2460, %get3A_2461] {strides = array<i32>} : memref<4x128xi32, #tpu.memory_space<vmem>>, vector<16xi32>,
    %eq3A_2463 = arith.constant 0 : i32
    %eq3A_2464 = vector.broadcast %eq3A_2463 : i32 to vector<16xi32>
    %eq3A_2465 = arith.cmpi eq, %iota3A, %eq3A_2464 : vector<16xi32>
    tpu.vector_store_idx %arg8[%get3A_2462], %broadcast_in_dim3A_1108 masked %eq3A_2465 {add = true} : memref<8192xi32, #tpu.memory_space<vmem>>[vector<16xi32>], vector<16xi32>, vector<16xi1>
    %eq3A_2466 = arith.constant 1 : i32
    %eq3A_2467 = vector.broadcast %eq3A_2466 : i32 to vector<16xi32>
    %eq3A_2468 = arith.cmpi eq, %iota3A, %eq3A_2467 : vector<16xi32>
    tpu.vector_store_idx %arg8[%get3A_2462], %broadcast_in_dim3A_1108 masked %eq3A_2468 {add = true} : memref<8192xi32, #tpu.memory_space<vmem>>[vector<16xi32>], vector<16xi32>, vector<16xi1>
    %eq3A_2469 = arith.constant 2 : i32
    %eq3A_2470 = vector.broadcast %eq3A_2469 : i32 to vector<16xi32>
    %eq3A_2471 = arith.cmpi eq, %iota3A, %eq3A_2470 : vector<16xi32>
    tpu.vector_store_idx %arg8[%get3A_2462], %broadcast_in_dim3A_1108 masked %eq3A_2471 {add = true} : memref<8192xi32, #tpu.memory_space<vmem>>[vector<16xi32>], vector<16xi32>, vector<16xi1>
    %eq3A_2472 = arith.constant 3 : i32
    %eq3A_2473 = vector.broadcast %eq3A_2472 : i32 to vector<16xi32>
    %eq3A_2474 = arith.cmpi eq, %iota3A, %eq3A_2473 : vector<16xi32>
    tpu.vector_store_idx %arg8[%get3A_2462], %broadcast_in_dim3A_1108 masked %eq3A_2474 {add = true} : memref<8192xi32, #tpu.memory_space<vmem>>[vector<16xi32>], vector<16xi32>, vector<16xi1>
    %eq3A_2475 = arith.constant 4 : i32
    %eq3A_2476 = vector.broadcast %eq3A_2475 : i32 to vector<16xi32>
    %eq3A_2477 = arith.cmpi eq, %iota3A, %eq3A_2476 : vector<16xi32>
    tpu.vector_store_idx %arg8[%get3A_2462], %broadcast_in_dim3A_1108 masked %eq3A_2477 {add = true} : memref<8192xi32, #tpu.memory_space<vmem>>[vector<16xi32>], vector<16xi32>, vector<16xi1>
    %eq3A_2478 = arith.constant 5 : i32
    %eq3A_2479 = vector.broadcast %eq3A_2478 : i32 to vector<16xi32>
    %eq3A_2480 = arith.cmpi eq, %iota3A, %eq3A_2479 : vector<16xi32>
    tpu.vector_store_idx %arg8[%get3A_2462], %broadcast_in_dim3A_1108 masked %eq3A_2480 {add = true} : memref<8192xi32, #tpu.memory_space<vmem>>[vector<16xi32>], vector<16xi32>, vector<16xi1>
    %eq3A_2481 = arith.constant 6 : i32
    %eq3A_2482 = vector.broadcast %eq3A_2481 : i32 to vector<16xi32>
    %eq3A_2483 = arith.cmpi eq, %iota3A, %eq3A_2482 : vector<16xi32>
    tpu.vector_store_idx %arg8[%get3A_2462], %broadcast_in_dim3A_1108 masked %eq3A_2483 {add = true} : memref<8192xi32, #tpu.memory_space<vmem>>[vector<16xi32>], vector<16xi32>, vector<16xi1>
    %eq3A_2484 = arith.constant 7 : i32
    %eq3A_2485 = vector.broadcast %eq3A_2484 : i32 to vector<16xi32>
    %eq3A_2486 = arith.cmpi eq, %iota3A, %eq3A_2485 : vector<16xi32>
    tpu.vector_store_idx %arg8[%get3A_2462], %broadcast_in_dim3A_1108 masked %eq3A_2486 {add = true} : memref<8192xi32, #tpu.memory_space<vmem>>[vector<16xi32>], vector<16xi32>, vector<16xi1>
    %eq3A_2487 = arith.constant 8 : i32
    %eq3A_2488 = vector.broadcast %eq3A_2487 : i32 to vector<16xi32>
    %eq3A_2489 = arith.cmpi eq, %iota3A, %eq3A_2488 : vector<16xi32>
    tpu.vector_store_idx %arg8[%get3A_2462], %broadcast_in_dim3A_1108 masked %eq3A_2489 {add = true} : memref<8192xi32, #tpu.memory_space<vmem>>[vector<16xi32>], vector<16xi32>, vector<16xi1>
    %eq3A_2490 = arith.constant 9 : i32
    %eq3A_2491 = vector.broadcast %eq3A_2490 : i32 to vector<16xi32>
    %eq3A_2492 = arith.cmpi eq, %iota3A, %eq3A_2491 : vector<16xi32>
    tpu.vector_store_idx %arg8[%get3A_2462], %broadcast_in_dim3A_1108 masked %eq3A_2492 {add = true} : memref<8192xi32, #tpu.memory_space<vmem>>[vector<16xi32>], vector<16xi32>, vector<16xi1>
    %eq3A_2493 = arith.constant 10 : i32
    %eq3A_2494 = vector.broadcast %eq3A_2493 : i32 to vector<16xi32>
    %eq3A_2495 = arith.cmpi eq, %iota3A, %eq3A_2494 : vector<16xi32>
    tpu.vector_store_idx %arg8[%get3A_2462], %broadcast_in_dim3A_1108 masked %eq3A_2495 {add = true} : memref<8192xi32, #tpu.memory_space<vmem>>[vector<16xi32>], vector<16xi32>, vector<16xi1>
    %eq3A_2496 = arith.constant 11 : i32
    %eq3A_2497 = vector.broadcast %eq3A_2496 : i32 to vector<16xi32>
    %eq3A_2498 = arith.cmpi eq, %iota3A, %eq3A_2497 : vector<16xi32>
    tpu.vector_store_idx %arg8[%get3A_2462], %broadcast_in_dim3A_1108 masked %eq3A_2498 {add = true} : memref<8192xi32, #tpu.memory_space<vmem>>[vector<16xi32>], vector<16xi32>, vector<16xi1>
    %eq3A_2499 = arith.constant 12 : i32
    %eq3A_2500 = vector.broadcast %eq3A_2499 : i32 to vector<16xi32>
    %eq3A_2501 = arith.cmpi eq, %iota3A, %eq3A_2500 : vector<16xi32>
    tpu.vector_store_idx %arg8[%get3A_2462], %broadcast_in_dim3A_1108 masked %eq3A_2501 {add = true} : memref<8192xi32, #tpu.memory_space<vmem>>[vector<16xi32>], vector<16xi32>, vector<16xi1>
    %eq3A_2502 = arith.constant 13 : i32
    %eq3A_2503 = vector.broadcast %eq3A_2502 : i32 to vector<16xi32>
    %eq3A_2504 = arith.cmpi eq, %iota3A, %eq3A_2503 : vector<16xi32>
    tpu.vector_store_idx %arg8[%get3A_2462], %broadcast_in_dim3A_1108 masked %eq3A_2504 {add = true} : memref<8192xi32, #tpu.memory_space<vmem>>[vector<16xi32>], vector<16xi32>, vector<16xi1>
    %eq3A_2505 = arith.constant 14 : i32
    %eq3A_2506 = vector.broadcast %eq3A_2505 : i32 to vector<16xi32>
    %eq3A_2507 = arith.cmpi eq, %iota3A, %eq3A_2506 : vector<16xi32>
    tpu.vector_store_idx %arg8[%get3A_2462], %broadcast_in_dim3A_1108 masked %eq3A_2507 {add = true} : memref<8192xi32, #tpu.memory_space<vmem>>[vector<16xi32>], vector<16xi32>, vector<16xi1>
    %eq3A_2508 = arith.constant 15 : i32
    %eq3A_2509 = vector.broadcast %eq3A_2508 : i32 to vector<16xi32>
    %eq3A_2510 = arith.cmpi eq, %iota3A, %eq3A_2509 : vector<16xi32>
    tpu.vector_store_idx %arg8[%get3A_2462], %broadcast_in_dim3A_1108 masked %eq3A_2510 {add = true} : memref<8192xi32, #tpu.memory_space<vmem>>[vector<16xi32>], vector<16xi32>, vector<16xi1>
    %get3A_2511 = arith.constant 3 : i32
    %get3A_2512 = arith.index_cast %get3A_2511 : i32 to index
    %get3A_2513 = arith.constant 48 : index
    %get3A_2514 = tpu.vector_load %arg6[%get3A_2512, %get3A_2513] {strides = array<i32>} : memref<4x128xi32, #tpu.memory_space<vmem>>, vector<16xi32>,
    %eq3A_2515 = arith.constant 0 : i32
    %eq3A_2516 = vector.broadcast %eq3A_2515 : i32 to vector<16xi32>
    %eq3A_2517 = arith.cmpi eq, %iota3A, %eq3A_2516 : vector<16xi32>
    tpu.vector_store_idx %arg8[%get3A_2514], %broadcast_in_dim3A_1108 masked %eq3A_2517 {add = true} : memref<8192xi32, #tpu.memory_space<vmem>>[vector<16xi32>], vector<16xi32>, vector<16xi1>
    %eq3A_2518 = arith.constant 1 : i32
    %eq3A_2519 = vector.broadcast %eq3A_2518 : i32 to vector<16xi32>
    %eq3A_2520 = arith.cmpi eq, %iota3A, %eq3A_2519 : vector<16xi32>
    tpu.vector_store_idx %arg8[%get3A_2514], %broadcast_in_dim3A_1108 masked %eq3A_2520 {add = true} : memref<8192xi32, #tpu.memory_space<vmem>>[vector<16xi32>], vector<16xi32>, vector<16xi1>
    %eq3A_2521 = arith.constant 2 : i32
    %eq3A_2522 = vector.broadcast %eq3A_2521 : i32 to vector<16xi32>
    %eq3A_2523 = arith.cmpi eq, %iota3A, %eq3A_2522 : vector<16xi32>
    tpu.vector_store_idx %arg8[%get3A_2514], %broadcast_in_dim3A_1108 masked %eq3A_2523 {add = true} : memref<8192xi32, #tpu.memory_space<vmem>>[vector<16xi32>], vector<16xi32>, vector<16xi1>
    %eq3A_2524 = arith.constant 3 : i32
    %eq3A_2525 = vector.broadcast %eq3A_2524 : i32 to vector<16xi32>
    %eq3A_2526 = arith.cmpi eq, %iota3A, %eq3A_2525 : vector<16xi32>
    tpu.vector_store_idx %arg8[%get3A_2514], %broadcast_in_dim3A_1108 masked %eq3A_2526 {add = true} : memref<8192xi32, #tpu.memory_space<vmem>>[vector<16xi32>], vector<16xi32>, vector<16xi1>
    %eq3A_2527 = arith.constant 4 : i32
    %eq3A_2528 = vector.broadcast %eq3A_2527 : i32 to vector<16xi32>
    %eq3A_2529 = arith.cmpi eq, %iota3A, %eq3A_2528 : vector<16xi32>
    tpu.vector_store_idx %arg8[%get3A_2514], %broadcast_in_dim3A_1108 masked %eq3A_2529 {add = true} : memref<8192xi32, #tpu.memory_space<vmem>>[vector<16xi32>], vector<16xi32>, vector<16xi1>
    %eq3A_2530 = arith.constant 5 : i32
    %eq3A_2531 = vector.broadcast %eq3A_2530 : i32 to vector<16xi32>
    %eq3A_2532 = arith.cmpi eq, %iota3A, %eq3A_2531 : vector<16xi32>
    tpu.vector_store_idx %arg8[%get3A_2514], %broadcast_in_dim3A_1108 masked %eq3A_2532 {add = true} : memref<8192xi32, #tpu.memory_space<vmem>>[vector<16xi32>], vector<16xi32>, vector<16xi1>
    %eq3A_2533 = arith.constant 6 : i32
    %eq3A_2534 = vector.broadcast %eq3A_2533 : i32 to vector<16xi32>
    %eq3A_2535 = arith.cmpi eq, %iota3A, %eq3A_2534 : vector<16xi32>
    tpu.vector_store_idx %arg8[%get3A_2514], %broadcast_in_dim3A_1108 masked %eq3A_2535 {add = true} : memref<8192xi32, #tpu.memory_space<vmem>>[vector<16xi32>], vector<16xi32>, vector<16xi1>
    %eq3A_2536 = arith.constant 7 : i32
    %eq3A_2537 = vector.broadcast %eq3A_2536 : i32 to vector<16xi32>
    %eq3A_2538 = arith.cmpi eq, %iota3A, %eq3A_2537 : vector<16xi32>
    tpu.vector_store_idx %arg8[%get3A_2514], %broadcast_in_dim3A_1108 masked %eq3A_2538 {add = true} : memref<8192xi32, #tpu.memory_space<vmem>>[vector<16xi32>], vector<16xi32>, vector<16xi1>
    %eq3A_2539 = arith.constant 8 : i32
    %eq3A_2540 = vector.broadcast %eq3A_2539 : i32 to vector<16xi32>
    %eq3A_2541 = arith.cmpi eq, %iota3A, %eq3A_2540 : vector<16xi32>
    tpu.vector_store_idx %arg8[%get3A_2514], %broadcast_in_dim3A_1108 masked %eq3A_2541 {add = true} : memref<8192xi32, #tpu.memory_space<vmem>>[vector<16xi32>], vector<16xi32>, vector<16xi1>
    %eq3A_2542 = arith.constant 9 : i32
    %eq3A_2543 = vector.broadcast %eq3A_2542 : i32 to vector<16xi32>
    %eq3A_2544 = arith.cmpi eq, %iota3A, %eq3A_2543 : vector<16xi32>
    tpu.vector_store_idx %arg8[%get3A_2514], %broadcast_in_dim3A_1108 masked %eq3A_2544 {add = true} : memref<8192xi32, #tpu.memory_space<vmem>>[vector<16xi32>], vector<16xi32>, vector<16xi1>
    %eq3A_2545 = arith.constant 10 : i32
    %eq3A_2546 = vector.broadcast %eq3A_2545 : i32 to vector<16xi32>
    %eq3A_2547 = arith.cmpi eq, %iota3A, %eq3A_2546 : vector<16xi32>
    tpu.vector_store_idx %arg8[%get3A_2514], %broadcast_in_dim3A_1108 masked %eq3A_2547 {add = true} : memref<8192xi32, #tpu.memory_space<vmem>>[vector<16xi32>], vector<16xi32>, vector<16xi1>
    %eq3A_2548 = arith.constant 11 : i32
    %eq3A_2549 = vector.broadcast %eq3A_2548 : i32 to vector<16xi32>
    %eq3A_2550 = arith.cmpi eq, %iota3A, %eq3A_2549 : vector<16xi32>
    tpu.vector_store_idx %arg8[%get3A_2514], %broadcast_in_dim3A_1108 masked %eq3A_2550 {add = true} : memref<8192xi32, #tpu.memory_space<vmem>>[vector<16xi32>], vector<16xi32>, vector<16xi1>
    %eq3A_2551 = arith.constant 12 : i32
    %eq3A_2552 = vector.broadcast %eq3A_2551 : i32 to vector<16xi32>
    %eq3A_2553 = arith.cmpi eq, %iota3A, %eq3A_2552 : vector<16xi32>
    tpu.vector_store_idx %arg8[%get3A_2514], %broadcast_in_dim3A_1108 masked %eq3A_2553 {add = true} : memref<8192xi32, #tpu.memory_space<vmem>>[vector<16xi32>], vector<16xi32>, vector<16xi1>
    %eq3A_2554 = arith.constant 13 : i32
    %eq3A_2555 = vector.broadcast %eq3A_2554 : i32 to vector<16xi32>
    %eq3A_2556 = arith.cmpi eq, %iota3A, %eq3A_2555 : vector<16xi32>
    tpu.vector_store_idx %arg8[%get3A_2514], %broadcast_in_dim3A_1108 masked %eq3A_2556 {add = true} : memref<8192xi32, #tpu.memory_space<vmem>>[vector<16xi32>], vector<16xi32>, vector<16xi1>
    %eq3A_2557 = arith.constant 14 : i32
    %eq3A_2558 = vector.broadcast %eq3A_2557 : i32 to vector<16xi32>
    %eq3A_2559 = arith.cmpi eq, %iota3A, %eq3A_2558 : vector<16xi32>
    tpu.vector_store_idx %arg8[%get3A_2514], %broadcast_in_dim3A_1108 masked %eq3A_2559 {add = true} : memref<8192xi32, #tpu.memory_space<vmem>>[vector<16xi32>], vector<16xi32>, vector<16xi1>
    %eq3A_2560 = arith.constant 15 : i32
    %eq3A_2561 = vector.broadcast %eq3A_2560 : i32 to vector<16xi32>
    %eq3A_2562 = arith.cmpi eq, %iota3A, %eq3A_2561 : vector<16xi32>
    tpu.vector_store_idx %arg8[%get3A_2514], %broadcast_in_dim3A_1108 masked %eq3A_2562 {add = true} : memref<8192xi32, #tpu.memory_space<vmem>>[vector<16xi32>], vector<16xi32>, vector<16xi1>
    %get3A_2563 = arith.constant 3 : i32
    %get3A_2564 = arith.index_cast %get3A_2563 : i32 to index
    %get3A_2565 = arith.constant 64 : index
    %get3A_2566 = tpu.vector_load %arg6[%get3A_2564, %get3A_2565] {strides = array<i32>} : memref<4x128xi32, #tpu.memory_space<vmem>>, vector<16xi32>,
    %eq3A_2567 = arith.constant 0 : i32
    %eq3A_2568 = vector.broadcast %eq3A_2567 : i32 to vector<16xi32>
    %eq3A_2569 = arith.cmpi eq, %iota3A, %eq3A_2568 : vector<16xi32>
    tpu.vector_store_idx %arg8[%get3A_2566], %broadcast_in_dim3A_1108 masked %eq3A_2569 {add = true} : memref<8192xi32, #tpu.memory_space<vmem>>[vector<16xi32>], vector<16xi32>, vector<16xi1>
    %eq3A_2570 = arith.constant 1 : i32
    %eq3A_2571 = vector.broadcast %eq3A_2570 : i32 to vector<16xi32>
    %eq3A_2572 = arith.cmpi eq, %iota3A, %eq3A_2571 : vector<16xi32>
    tpu.vector_store_idx %arg8[%get3A_2566], %broadcast_in_dim3A_1108 masked %eq3A_2572 {add = true} : memref<8192xi32, #tpu.memory_space<vmem>>[vector<16xi32>], vector<16xi32>, vector<16xi1>
    %eq3A_2573 = arith.constant 2 : i32
    %eq3A_2574 = vector.broadcast %eq3A_2573 : i32 to vector<16xi32>
    %eq3A_2575 = arith.cmpi eq, %iota3A, %eq3A_2574 : vector<16xi32>
    tpu.vector_store_idx %arg8[%get3A_2566], %broadcast_in_dim3A_1108 masked %eq3A_2575 {add = true} : memref<8192xi32, #tpu.memory_space<vmem>>[vector<16xi32>], vector<16xi32>, vector<16xi1>
    %eq3A_2576 = arith.constant 3 : i32
    %eq3A_2577 = vector.broadcast %eq3A_2576 : i32 to vector<16xi32>
    %eq3A_2578 = arith.cmpi eq, %iota3A, %eq3A_2577 : vector<16xi32>
    tpu.vector_store_idx %arg8[%get3A_2566], %broadcast_in_dim3A_1108 masked %eq3A_2578 {add = true} : memref<8192xi32, #tpu.memory_space<vmem>>[vector<16xi32>], vector<16xi32>, vector<16xi1>
    %eq3A_2579 = arith.constant 4 : i32
    %eq3A_2580 = vector.broadcast %eq3A_2579 : i32 to vector<16xi32>
    %eq3A_2581 = arith.cmpi eq, %iota3A, %eq3A_2580 : vector<16xi32>
    tpu.vector_store_idx %arg8[%get3A_2566], %broadcast_in_dim3A_1108 masked %eq3A_2581 {add = true} : memref<8192xi32, #tpu.memory_space<vmem>>[vector<16xi32>], vector<16xi32>, vector<16xi1>
    %eq3A_2582 = arith.constant 5 : i32
    %eq3A_2583 = vector.broadcast %eq3A_2582 : i32 to vector<16xi32>
    %eq3A_2584 = arith.cmpi eq, %iota3A, %eq3A_2583 : vector<16xi32>
    tpu.vector_store_idx %arg8[%get3A_2566], %broadcast_in_dim3A_1108 masked %eq3A_2584 {add = true} : memref<8192xi32, #tpu.memory_space<vmem>>[vector<16xi32>], vector<16xi32>, vector<16xi1>
    %eq3A_2585 = arith.constant 6 : i32
    %eq3A_2586 = vector.broadcast %eq3A_2585 : i32 to vector<16xi32>
    %eq3A_2587 = arith.cmpi eq, %iota3A, %eq3A_2586 : vector<16xi32>
    tpu.vector_store_idx %arg8[%get3A_2566], %broadcast_in_dim3A_1108 masked %eq3A_2587 {add = true} : memref<8192xi32, #tpu.memory_space<vmem>>[vector<16xi32>], vector<16xi32>, vector<16xi1>
    %eq3A_2588 = arith.constant 7 : i32
    %eq3A_2589 = vector.broadcast %eq3A_2588 : i32 to vector<16xi32>
    %eq3A_2590 = arith.cmpi eq, %iota3A, %eq3A_2589 : vector<16xi32>
    tpu.vector_store_idx %arg8[%get3A_2566], %broadcast_in_dim3A_1108 masked %eq3A_2590 {add = true} : memref<8192xi32, #tpu.memory_space<vmem>>[vector<16xi32>], vector<16xi32>, vector<16xi1>
    %eq3A_2591 = arith.constant 8 : i32
    %eq3A_2592 = vector.broadcast %eq3A_2591 : i32 to vector<16xi32>
    %eq3A_2593 = arith.cmpi eq, %iota3A, %eq3A_2592 : vector<16xi32>
    tpu.vector_store_idx %arg8[%get3A_2566], %broadcast_in_dim3A_1108 masked %eq3A_2593 {add = true} : memref<8192xi32, #tpu.memory_space<vmem>>[vector<16xi32>], vector<16xi32>, vector<16xi1>
    %eq3A_2594 = arith.constant 9 : i32
    %eq3A_2595 = vector.broadcast %eq3A_2594 : i32 to vector<16xi32>
    %eq3A_2596 = arith.cmpi eq, %iota3A, %eq3A_2595 : vector<16xi32>
    tpu.vector_store_idx %arg8[%get3A_2566], %broadcast_in_dim3A_1108 masked %eq3A_2596 {add = true} : memref<8192xi32, #tpu.memory_space<vmem>>[vector<16xi32>], vector<16xi32>, vector<16xi1>
    %eq3A_2597 = arith.constant 10 : i32
    %eq3A_2598 = vector.broadcast %eq3A_2597 : i32 to vector<16xi32>
    %eq3A_2599 = arith.cmpi eq, %iota3A, %eq3A_2598 : vector<16xi32>
    tpu.vector_store_idx %arg8[%get3A_2566], %broadcast_in_dim3A_1108 masked %eq3A_2599 {add = true} : memref<8192xi32, #tpu.memory_space<vmem>>[vector<16xi32>], vector<16xi32>, vector<16xi1>
    %eq3A_2600 = arith.constant 11 : i32
    %eq3A_2601 = vector.broadcast %eq3A_2600 : i32 to vector<16xi32>
    %eq3A_2602 = arith.cmpi eq, %iota3A, %eq3A_2601 : vector<16xi32>
    tpu.vector_store_idx %arg8[%get3A_2566], %broadcast_in_dim3A_1108 masked %eq3A_2602 {add = true} : memref<8192xi32, #tpu.memory_space<vmem>>[vector<16xi32>], vector<16xi32>, vector<16xi1>
    %eq3A_2603 = arith.constant 12 : i32
    %eq3A_2604 = vector.broadcast %eq3A_2603 : i32 to vector<16xi32>
    %eq3A_2605 = arith.cmpi eq, %iota3A, %eq3A_2604 : vector<16xi32>
    tpu.vector_store_idx %arg8[%get3A_2566], %broadcast_in_dim3A_1108 masked %eq3A_2605 {add = true} : memref<8192xi32, #tpu.memory_space<vmem>>[vector<16xi32>], vector<16xi32>, vector<16xi1>
    %eq3A_2606 = arith.constant 13 : i32
    %eq3A_2607 = vector.broadcast %eq3A_2606 : i32 to vector<16xi32>
    %eq3A_2608 = arith.cmpi eq, %iota3A, %eq3A_2607 : vector<16xi32>
    tpu.vector_store_idx %arg8[%get3A_2566], %broadcast_in_dim3A_1108 masked %eq3A_2608 {add = true} : memref<8192xi32, #tpu.memory_space<vmem>>[vector<16xi32>], vector<16xi32>, vector<16xi1>
    %eq3A_2609 = arith.constant 14 : i32
    %eq3A_2610 = vector.broadcast %eq3A_2609 : i32 to vector<16xi32>
    %eq3A_2611 = arith.cmpi eq, %iota3A, %eq3A_2610 : vector<16xi32>
    tpu.vector_store_idx %arg8[%get3A_2566], %broadcast_in_dim3A_1108 masked %eq3A_2611 {add = true} : memref<8192xi32, #tpu.memory_space<vmem>>[vector<16xi32>], vector<16xi32>, vector<16xi1>
    %eq3A_2612 = arith.constant 15 : i32
    %eq3A_2613 = vector.broadcast %eq3A_2612 : i32 to vector<16xi32>
    %eq3A_2614 = arith.cmpi eq, %iota3A, %eq3A_2613 : vector<16xi32>
    tpu.vector_store_idx %arg8[%get3A_2566], %broadcast_in_dim3A_1108 masked %eq3A_2614 {add = true} : memref<8192xi32, #tpu.memory_space<vmem>>[vector<16xi32>], vector<16xi32>, vector<16xi1>
    %get3A_2615 = arith.constant 3 : i32
    %get3A_2616 = arith.index_cast %get3A_2615 : i32 to index
    %get3A_2617 = arith.constant 80 : index
    %get3A_2618 = tpu.vector_load %arg6[%get3A_2616, %get3A_2617] {strides = array<i32>} : memref<4x128xi32, #tpu.memory_space<vmem>>, vector<16xi32>,
    %eq3A_2619 = arith.constant 0 : i32
    %eq3A_2620 = vector.broadcast %eq3A_2619 : i32 to vector<16xi32>
    %eq3A_2621 = arith.cmpi eq, %iota3A, %eq3A_2620 : vector<16xi32>
    tpu.vector_store_idx %arg8[%get3A_2618], %broadcast_in_dim3A_1108 masked %eq3A_2621 {add = true} : memref<8192xi32, #tpu.memory_space<vmem>>[vector<16xi32>], vector<16xi32>, vector<16xi1>
    %eq3A_2622 = arith.constant 1 : i32
    %eq3A_2623 = vector.broadcast %eq3A_2622 : i32 to vector<16xi32>
    %eq3A_2624 = arith.cmpi eq, %iota3A, %eq3A_2623 : vector<16xi32>
    tpu.vector_store_idx %arg8[%get3A_2618], %broadcast_in_dim3A_1108 masked %eq3A_2624 {add = true} : memref<8192xi32, #tpu.memory_space<vmem>>[vector<16xi32>], vector<16xi32>, vector<16xi1>
    %eq3A_2625 = arith.constant 2 : i32
    %eq3A_2626 = vector.broadcast %eq3A_2625 : i32 to vector<16xi32>
    %eq3A_2627 = arith.cmpi eq, %iota3A, %eq3A_2626 : vector<16xi32>
    tpu.vector_store_idx %arg8[%get3A_2618], %broadcast_in_dim3A_1108 masked %eq3A_2627 {add = true} : memref<8192xi32, #tpu.memory_space<vmem>>[vector<16xi32>], vector<16xi32>, vector<16xi1>
    %eq3A_2628 = arith.constant 3 : i32
    %eq3A_2629 = vector.broadcast %eq3A_2628 : i32 to vector<16xi32>
    %eq3A_2630 = arith.cmpi eq, %iota3A, %eq3A_2629 : vector<16xi32>
    tpu.vector_store_idx %arg8[%get3A_2618], %broadcast_in_dim3A_1108 masked %eq3A_2630 {add = true} : memref<8192xi32, #tpu.memory_space<vmem>>[vector<16xi32>], vector<16xi32>, vector<16xi1>
    %eq3A_2631 = arith.constant 4 : i32
    %eq3A_2632 = vector.broadcast %eq3A_2631 : i32 to vector<16xi32>
    %eq3A_2633 = arith.cmpi eq, %iota3A, %eq3A_2632 : vector<16xi32>
    tpu.vector_store_idx %arg8[%get3A_2618], %broadcast_in_dim3A_1108 masked %eq3A_2633 {add = true} : memref<8192xi32, #tpu.memory_space<vmem>>[vector<16xi32>], vector<16xi32>, vector<16xi1>
    %eq3A_2634 = arith.constant 5 : i32
    %eq3A_2635 = vector.broadcast %eq3A_2634 : i32 to vector<16xi32>
    %eq3A_2636 = arith.cmpi eq, %iota3A, %eq3A_2635 : vector<16xi32>
    tpu.vector_store_idx %arg8[%get3A_2618], %broadcast_in_dim3A_1108 masked %eq3A_2636 {add = true} : memref<8192xi32, #tpu.memory_space<vmem>>[vector<16xi32>], vector<16xi32>, vector<16xi1>
    %eq3A_2637 = arith.constant 6 : i32
    %eq3A_2638 = vector.broadcast %eq3A_2637 : i32 to vector<16xi32>
    %eq3A_2639 = arith.cmpi eq, %iota3A, %eq3A_2638 : vector<16xi32>
    tpu.vector_store_idx %arg8[%get3A_2618], %broadcast_in_dim3A_1108 masked %eq3A_2639 {add = true} : memref<8192xi32, #tpu.memory_space<vmem>>[vector<16xi32>], vector<16xi32>, vector<16xi1>
    %eq3A_2640 = arith.constant 7 : i32
    %eq3A_2641 = vector.broadcast %eq3A_2640 : i32 to vector<16xi32>
    %eq3A_2642 = arith.cmpi eq, %iota3A, %eq3A_2641 : vector<16xi32>
    tpu.vector_store_idx %arg8[%get3A_2618], %broadcast_in_dim3A_1108 masked %eq3A_2642 {add = true} : memref<8192xi32, #tpu.memory_space<vmem>>[vector<16xi32>], vector<16xi32>, vector<16xi1>
    %eq3A_2643 = arith.constant 8 : i32
    %eq3A_2644 = vector.broadcast %eq3A_2643 : i32 to vector<16xi32>
    %eq3A_2645 = arith.cmpi eq, %iota3A, %eq3A_2644 : vector<16xi32>
    tpu.vector_store_idx %arg8[%get3A_2618], %broadcast_in_dim3A_1108 masked %eq3A_2645 {add = true} : memref<8192xi32, #tpu.memory_space<vmem>>[vector<16xi32>], vector<16xi32>, vector<16xi1>
    %eq3A_2646 = arith.constant 9 : i32
    %eq3A_2647 = vector.broadcast %eq3A_2646 : i32 to vector<16xi32>
    %eq3A_2648 = arith.cmpi eq, %iota3A, %eq3A_2647 : vector<16xi32>
    tpu.vector_store_idx %arg8[%get3A_2618], %broadcast_in_dim3A_1108 masked %eq3A_2648 {add = true} : memref<8192xi32, #tpu.memory_space<vmem>>[vector<16xi32>], vector<16xi32>, vector<16xi1>
    %eq3A_2649 = arith.constant 10 : i32
    %eq3A_2650 = vector.broadcast %eq3A_2649 : i32 to vector<16xi32>
    %eq3A_2651 = arith.cmpi eq, %iota3A, %eq3A_2650 : vector<16xi32>
    tpu.vector_store_idx %arg8[%get3A_2618], %broadcast_in_dim3A_1108 masked %eq3A_2651 {add = true} : memref<8192xi32, #tpu.memory_space<vmem>>[vector<16xi32>], vector<16xi32>, vector<16xi1>
    %eq3A_2652 = arith.constant 11 : i32
    %eq3A_2653 = vector.broadcast %eq3A_2652 : i32 to vector<16xi32>
    %eq3A_2654 = arith.cmpi eq, %iota3A, %eq3A_2653 : vector<16xi32>
    tpu.vector_store_idx %arg8[%get3A_2618], %broadcast_in_dim3A_1108 masked %eq3A_2654 {add = true} : memref<8192xi32, #tpu.memory_space<vmem>>[vector<16xi32>], vector<16xi32>, vector<16xi1>
    %eq3A_2655 = arith.constant 12 : i32
    %eq3A_2656 = vector.broadcast %eq3A_2655 : i32 to vector<16xi32>
    %eq3A_2657 = arith.cmpi eq, %iota3A, %eq3A_2656 : vector<16xi32>
    tpu.vector_store_idx %arg8[%get3A_2618], %broadcast_in_dim3A_1108 masked %eq3A_2657 {add = true} : memref<8192xi32, #tpu.memory_space<vmem>>[vector<16xi32>], vector<16xi32>, vector<16xi1>
    %eq3A_2658 = arith.constant 13 : i32
    %eq3A_2659 = vector.broadcast %eq3A_2658 : i32 to vector<16xi32>
    %eq3A_2660 = arith.cmpi eq, %iota3A, %eq3A_2659 : vector<16xi32>
    tpu.vector_store_idx %arg8[%get3A_2618], %broadcast_in_dim3A_1108 masked %eq3A_2660 {add = true} : memref<8192xi32, #tpu.memory_space<vmem>>[vector<16xi32>], vector<16xi32>, vector<16xi1>
    %eq3A_2661 = arith.constant 14 : i32
    %eq3A_2662 = vector.broadcast %eq3A_2661 : i32 to vector<16xi32>
    %eq3A_2663 = arith.cmpi eq, %iota3A, %eq3A_2662 : vector<16xi32>
    tpu.vector_store_idx %arg8[%get3A_2618], %broadcast_in_dim3A_1108 masked %eq3A_2663 {add = true} : memref<8192xi32, #tpu.memory_space<vmem>>[vector<16xi32>], vector<16xi32>, vector<16xi1>
    %eq3A_2664 = arith.constant 15 : i32
    %eq3A_2665 = vector.broadcast %eq3A_2664 : i32 to vector<16xi32>
    %eq3A_2666 = arith.cmpi eq, %iota3A, %eq3A_2665 : vector<16xi32>
    tpu.vector_store_idx %arg8[%get3A_2618], %broadcast_in_dim3A_1108 masked %eq3A_2666 {add = true} : memref<8192xi32, #tpu.memory_space<vmem>>[vector<16xi32>], vector<16xi32>, vector<16xi1>
    %get3A_2667 = arith.constant 3 : i32
    %get3A_2668 = arith.index_cast %get3A_2667 : i32 to index
    %get3A_2669 = arith.constant 96 : index
    %get3A_2670 = tpu.vector_load %arg6[%get3A_2668, %get3A_2669] {strides = array<i32>} : memref<4x128xi32, #tpu.memory_space<vmem>>, vector<16xi32>,
    %eq3A_2671 = arith.constant 0 : i32
    %eq3A_2672 = vector.broadcast %eq3A_2671 : i32 to vector<16xi32>
    %eq3A_2673 = arith.cmpi eq, %iota3A, %eq3A_2672 : vector<16xi32>
    tpu.vector_store_idx %arg8[%get3A_2670], %broadcast_in_dim3A_1108 masked %eq3A_2673 {add = true} : memref<8192xi32, #tpu.memory_space<vmem>>[vector<16xi32>], vector<16xi32>, vector<16xi1>
    %eq3A_2674 = arith.constant 1 : i32
    %eq3A_2675 = vector.broadcast %eq3A_2674 : i32 to vector<16xi32>
    %eq3A_2676 = arith.cmpi eq, %iota3A, %eq3A_2675 : vector<16xi32>
    tpu.vector_store_idx %arg8[%get3A_2670], %broadcast_in_dim3A_1108 masked %eq3A_2676 {add = true} : memref<8192xi32, #tpu.memory_space<vmem>>[vector<16xi32>], vector<16xi32>, vector<16xi1>
    %eq3A_2677 = arith.constant 2 : i32
    %eq3A_2678 = vector.broadcast %eq3A_2677 : i32 to vector<16xi32>
    %eq3A_2679 = arith.cmpi eq, %iota3A, %eq3A_2678 : vector<16xi32>
    tpu.vector_store_idx %arg8[%get3A_2670], %broadcast_in_dim3A_1108 masked %eq3A_2679 {add = true} : memref<8192xi32, #tpu.memory_space<vmem>>[vector<16xi32>], vector<16xi32>, vector<16xi1>
    %eq3A_2680 = arith.constant 3 : i32
    %eq3A_2681 = vector.broadcast %eq3A_2680 : i32 to vector<16xi32>
    %eq3A_2682 = arith.cmpi eq, %iota3A, %eq3A_2681 : vector<16xi32>
    tpu.vector_store_idx %arg8[%get3A_2670], %broadcast_in_dim3A_1108 masked %eq3A_2682 {add = true} : memref<8192xi32, #tpu.memory_space<vmem>>[vector<16xi32>], vector<16xi32>, vector<16xi1>
    %eq3A_2683 = arith.constant 4 : i32
    %eq3A_2684 = vector.broadcast %eq3A_2683 : i32 to vector<16xi32>
    %eq3A_2685 = arith.cmpi eq, %iota3A, %eq3A_2684 : vector<16xi32>
    tpu.vector_store_idx %arg8[%get3A_2670], %broadcast_in_dim3A_1108 masked %eq3A_2685 {add = true} : memref<8192xi32, #tpu.memory_space<vmem>>[vector<16xi32>], vector<16xi32>, vector<16xi1>
    %eq3A_2686 = arith.constant 5 : i32
    %eq3A_2687 = vector.broadcast %eq3A_2686 : i32 to vector<16xi32>
    %eq3A_2688 = arith.cmpi eq, %iota3A, %eq3A_2687 : vector<16xi32>
    tpu.vector_store_idx %arg8[%get3A_2670], %broadcast_in_dim3A_1108 masked %eq3A_2688 {add = true} : memref<8192xi32, #tpu.memory_space<vmem>>[vector<16xi32>], vector<16xi32>, vector<16xi1>
    %eq3A_2689 = arith.constant 6 : i32
    %eq3A_2690 = vector.broadcast %eq3A_2689 : i32 to vector<16xi32>
    %eq3A_2691 = arith.cmpi eq, %iota3A, %eq3A_2690 : vector<16xi32>
    tpu.vector_store_idx %arg8[%get3A_2670], %broadcast_in_dim3A_1108 masked %eq3A_2691 {add = true} : memref<8192xi32, #tpu.memory_space<vmem>>[vector<16xi32>], vector<16xi32>, vector<16xi1>
    %eq3A_2692 = arith.constant 7 : i32
    %eq3A_2693 = vector.broadcast %eq3A_2692 : i32 to vector<16xi32>
    %eq3A_2694 = arith.cmpi eq, %iota3A, %eq3A_2693 : vector<16xi32>
    tpu.vector_store_idx %arg8[%get3A_2670], %broadcast_in_dim3A_1108 masked %eq3A_2694 {add = true} : memref<8192xi32, #tpu.memory_space<vmem>>[vector<16xi32>], vector<16xi32>, vector<16xi1>
    %eq3A_2695 = arith.constant 8 : i32
    %eq3A_2696 = vector.broadcast %eq3A_2695 : i32 to vector<16xi32>
    %eq3A_2697 = arith.cmpi eq, %iota3A, %eq3A_2696 : vector<16xi32>
    tpu.vector_store_idx %arg8[%get3A_2670], %broadcast_in_dim3A_1108 masked %eq3A_2697 {add = true} : memref<8192xi32, #tpu.memory_space<vmem>>[vector<16xi32>], vector<16xi32>, vector<16xi1>
    %eq3A_2698 = arith.constant 9 : i32
    %eq3A_2699 = vector.broadcast %eq3A_2698 : i32 to vector<16xi32>
    %eq3A_2700 = arith.cmpi eq, %iota3A, %eq3A_2699 : vector<16xi32>
    tpu.vector_store_idx %arg8[%get3A_2670], %broadcast_in_dim3A_1108 masked %eq3A_2700 {add = true} : memref<8192xi32, #tpu.memory_space<vmem>>[vector<16xi32>], vector<16xi32>, vector<16xi1>
    %eq3A_2701 = arith.constant 10 : i32
    %eq3A_2702 = vector.broadcast %eq3A_2701 : i32 to vector<16xi32>
    %eq3A_2703 = arith.cmpi eq, %iota3A, %eq3A_2702 : vector<16xi32>
    tpu.vector_store_idx %arg8[%get3A_2670], %broadcast_in_dim3A_1108 masked %eq3A_2703 {add = true} : memref<8192xi32, #tpu.memory_space<vmem>>[vector<16xi32>], vector<16xi32>, vector<16xi1>
    %eq3A_2704 = arith.constant 11 : i32
    %eq3A_2705 = vector.broadcast %eq3A_2704 : i32 to vector<16xi32>
    %eq3A_2706 = arith.cmpi eq, %iota3A, %eq3A_2705 : vector<16xi32>
    tpu.vector_store_idx %arg8[%get3A_2670], %broadcast_in_dim3A_1108 masked %eq3A_2706 {add = true} : memref<8192xi32, #tpu.memory_space<vmem>>[vector<16xi32>], vector<16xi32>, vector<16xi1>
    %eq3A_2707 = arith.constant 12 : i32
    %eq3A_2708 = vector.broadcast %eq3A_2707 : i32 to vector<16xi32>
    %eq3A_2709 = arith.cmpi eq, %iota3A, %eq3A_2708 : vector<16xi32>
    tpu.vector_store_idx %arg8[%get3A_2670], %broadcast_in_dim3A_1108 masked %eq3A_2709 {add = true} : memref<8192xi32, #tpu.memory_space<vmem>>[vector<16xi32>], vector<16xi32>, vector<16xi1>
    %eq3A_2710 = arith.constant 13 : i32
    %eq3A_2711 = vector.broadcast %eq3A_2710 : i32 to vector<16xi32>
    %eq3A_2712 = arith.cmpi eq, %iota3A, %eq3A_2711 : vector<16xi32>
    tpu.vector_store_idx %arg8[%get3A_2670], %broadcast_in_dim3A_1108 masked %eq3A_2712 {add = true} : memref<8192xi32, #tpu.memory_space<vmem>>[vector<16xi32>], vector<16xi32>, vector<16xi1>
    %eq3A_2713 = arith.constant 14 : i32
    %eq3A_2714 = vector.broadcast %eq3A_2713 : i32 to vector<16xi32>
    %eq3A_2715 = arith.cmpi eq, %iota3A, %eq3A_2714 : vector<16xi32>
    tpu.vector_store_idx %arg8[%get3A_2670], %broadcast_in_dim3A_1108 masked %eq3A_2715 {add = true} : memref<8192xi32, #tpu.memory_space<vmem>>[vector<16xi32>], vector<16xi32>, vector<16xi1>
    %eq3A_2716 = arith.constant 15 : i32
    %eq3A_2717 = vector.broadcast %eq3A_2716 : i32 to vector<16xi32>
    %eq3A_2718 = arith.cmpi eq, %iota3A, %eq3A_2717 : vector<16xi32>
    tpu.vector_store_idx %arg8[%get3A_2670], %broadcast_in_dim3A_1108 masked %eq3A_2718 {add = true} : memref<8192xi32, #tpu.memory_space<vmem>>[vector<16xi32>], vector<16xi32>, vector<16xi1>
    %get3A_2719 = arith.constant 3 : i32
    %get3A_2720 = arith.index_cast %get3A_2719 : i32 to index
    %get3A_2721 = arith.constant 112 : index
    %get3A_2722 = tpu.vector_load %arg6[%get3A_2720, %get3A_2721] {strides = array<i32>} : memref<4x128xi32, #tpu.memory_space<vmem>>, vector<16xi32>,
    %eq3A_2723 = arith.constant 0 : i32
    %eq3A_2724 = vector.broadcast %eq3A_2723 : i32 to vector<16xi32>
    %eq3A_2725 = arith.cmpi eq, %iota3A, %eq3A_2724 : vector<16xi32>
    tpu.vector_store_idx %arg8[%get3A_2722], %broadcast_in_dim3A_1108 masked %eq3A_2725 {add = true} : memref<8192xi32, #tpu.memory_space<vmem>>[vector<16xi32>], vector<16xi32>, vector<16xi1>
    %eq3A_2726 = arith.constant 1 : i32
    %eq3A_2727 = vector.broadcast %eq3A_2726 : i32 to vector<16xi32>
    %eq3A_2728 = arith.cmpi eq, %iota3A, %eq3A_2727 : vector<16xi32>
    tpu.vector_store_idx %arg8[%get3A_2722], %broadcast_in_dim3A_1108 masked %eq3A_2728 {add = true} : memref<8192xi32, #tpu.memory_space<vmem>>[vector<16xi32>], vector<16xi32>, vector<16xi1>
    %eq3A_2729 = arith.constant 2 : i32
    %eq3A_2730 = vector.broadcast %eq3A_2729 : i32 to vector<16xi32>
    %eq3A_2731 = arith.cmpi eq, %iota3A, %eq3A_2730 : vector<16xi32>
    tpu.vector_store_idx %arg8[%get3A_2722], %broadcast_in_dim3A_1108 masked %eq3A_2731 {add = true} : memref<8192xi32, #tpu.memory_space<vmem>>[vector<16xi32>], vector<16xi32>, vector<16xi1>
    %eq3A_2732 = arith.constant 3 : i32
    %eq3A_2733 = vector.broadcast %eq3A_2732 : i32 to vector<16xi32>
    %eq3A_2734 = arith.cmpi eq, %iota3A, %eq3A_2733 : vector<16xi32>
    tpu.vector_store_idx %arg8[%get3A_2722], %broadcast_in_dim3A_1108 masked %eq3A_2734 {add = true} : memref<8192xi32, #tpu.memory_space<vmem>>[vector<16xi32>], vector<16xi32>, vector<16xi1>
    %eq3A_2735 = arith.constant 4 : i32
    %eq3A_2736 = vector.broadcast %eq3A_2735 : i32 to vector<16xi32>
    %eq3A_2737 = arith.cmpi eq, %iota3A, %eq3A_2736 : vector<16xi32>
    tpu.vector_store_idx %arg8[%get3A_2722], %broadcast_in_dim3A_1108 masked %eq3A_2737 {add = true} : memref<8192xi32, #tpu.memory_space<vmem>>[vector<16xi32>], vector<16xi32>, vector<16xi1>
    %eq3A_2738 = arith.constant 5 : i32
    %eq3A_2739 = vector.broadcast %eq3A_2738 : i32 to vector<16xi32>
    %eq3A_2740 = arith.cmpi eq, %iota3A, %eq3A_2739 : vector<16xi32>
    tpu.vector_store_idx %arg8[%get3A_2722], %broadcast_in_dim3A_1108 masked %eq3A_2740 {add = true} : memref<8192xi32, #tpu.memory_space<vmem>>[vector<16xi32>], vector<16xi32>, vector<16xi1>
    %eq3A_2741 = arith.constant 6 : i32
    %eq3A_2742 = vector.broadcast %eq3A_2741 : i32 to vector<16xi32>
    %eq3A_2743 = arith.cmpi eq, %iota3A, %eq3A_2742 : vector<16xi32>
    tpu.vector_store_idx %arg8[%get3A_2722], %broadcast_in_dim3A_1108 masked %eq3A_2743 {add = true} : memref<8192xi32, #tpu.memory_space<vmem>>[vector<16xi32>], vector<16xi32>, vector<16xi1>
    %eq3A_2744 = arith.constant 7 : i32
    %eq3A_2745 = vector.broadcast %eq3A_2744 : i32 to vector<16xi32>
    %eq3A_2746 = arith.cmpi eq, %iota3A, %eq3A_2745 : vector<16xi32>
    tpu.vector_store_idx %arg8[%get3A_2722], %broadcast_in_dim3A_1108 masked %eq3A_2746 {add = true} : memref<8192xi32, #tpu.memory_space<vmem>>[vector<16xi32>], vector<16xi32>, vector<16xi1>
    %eq3A_2747 = arith.constant 8 : i32
    %eq3A_2748 = vector.broadcast %eq3A_2747 : i32 to vector<16xi32>
    %eq3A_2749 = arith.cmpi eq, %iota3A, %eq3A_2748 : vector<16xi32>
    tpu.vector_store_idx %arg8[%get3A_2722], %broadcast_in_dim3A_1108 masked %eq3A_2749 {add = true} : memref<8192xi32, #tpu.memory_space<vmem>>[vector<16xi32>], vector<16xi32>, vector<16xi1>
    %eq3A_2750 = arith.constant 9 : i32
    %eq3A_2751 = vector.broadcast %eq3A_2750 : i32 to vector<16xi32>
    %eq3A_2752 = arith.cmpi eq, %iota3A, %eq3A_2751 : vector<16xi32>
    tpu.vector_store_idx %arg8[%get3A_2722], %broadcast_in_dim3A_1108 masked %eq3A_2752 {add = true} : memref<8192xi32, #tpu.memory_space<vmem>>[vector<16xi32>], vector<16xi32>, vector<16xi1>
    %eq3A_2753 = arith.constant 10 : i32
    %eq3A_2754 = vector.broadcast %eq3A_2753 : i32 to vector<16xi32>
    %eq3A_2755 = arith.cmpi eq, %iota3A, %eq3A_2754 : vector<16xi32>
    tpu.vector_store_idx %arg8[%get3A_2722], %broadcast_in_dim3A_1108 masked %eq3A_2755 {add = true} : memref<8192xi32, #tpu.memory_space<vmem>>[vector<16xi32>], vector<16xi32>, vector<16xi1>
    %eq3A_2756 = arith.constant 11 : i32
    %eq3A_2757 = vector.broadcast %eq3A_2756 : i32 to vector<16xi32>
    %eq3A_2758 = arith.cmpi eq, %iota3A, %eq3A_2757 : vector<16xi32>
    tpu.vector_store_idx %arg8[%get3A_2722], %broadcast_in_dim3A_1108 masked %eq3A_2758 {add = true} : memref<8192xi32, #tpu.memory_space<vmem>>[vector<16xi32>], vector<16xi32>, vector<16xi1>
    %eq3A_2759 = arith.constant 12 : i32
    %eq3A_2760 = vector.broadcast %eq3A_2759 : i32 to vector<16xi32>
    %eq3A_2761 = arith.cmpi eq, %iota3A, %eq3A_2760 : vector<16xi32>
    tpu.vector_store_idx %arg8[%get3A_2722], %broadcast_in_dim3A_1108 masked %eq3A_2761 {add = true} : memref<8192xi32, #tpu.memory_space<vmem>>[vector<16xi32>], vector<16xi32>, vector<16xi1>
    %eq3A_2762 = arith.constant 13 : i32
    %eq3A_2763 = vector.broadcast %eq3A_2762 : i32 to vector<16xi32>
    %eq3A_2764 = arith.cmpi eq, %iota3A, %eq3A_2763 : vector<16xi32>
    tpu.vector_store_idx %arg8[%get3A_2722], %broadcast_in_dim3A_1108 masked %eq3A_2764 {add = true} : memref<8192xi32, #tpu.memory_space<vmem>>[vector<16xi32>], vector<16xi32>, vector<16xi1>
    %eq3A_2765 = arith.constant 14 : i32
    %eq3A_2766 = vector.broadcast %eq3A_2765 : i32 to vector<16xi32>
    %eq3A_2767 = arith.cmpi eq, %iota3A, %eq3A_2766 : vector<16xi32>
    tpu.vector_store_idx %arg8[%get3A_2722], %broadcast_in_dim3A_1108 masked %eq3A_2767 {add = true} : memref<8192xi32, #tpu.memory_space<vmem>>[vector<16xi32>], vector<16xi32>, vector<16xi1>
    %eq3A_2768 = arith.constant 15 : i32
    %eq3A_2769 = vector.broadcast %eq3A_2768 : i32 to vector<16xi32>
    %eq3A_2770 = arith.cmpi eq, %iota3A, %eq3A_2769 : vector<16xi32>
    tpu.vector_store_idx %arg8[%get3A_2722], %broadcast_in_dim3A_1108 masked %eq3A_2770 {add = true} : memref<8192xi32, #tpu.memory_space<vmem>>[vector<16xi32>], vector<16xi32>, vector<16xi1>
    "tpu.region"() ({
      %run_scoped3A = tpu.sem_alloc : memref<!tpu.dma_semaphore, #tpu.memory_space<semaphore_mem>>
      %dma_start3A_2771 = arith.constant 0 : i32
      %dma_start3A_2772 = tpu.memref_slice %arg5[%add3A, %dma_start3A_2771] : memref<32x8192xi32, #tpu.memory_space<hbm>> -> memref<1x8192xi32, #tpu.memory_space<hbm>>
      %dma_start3A_2773 = tpu.memref_squeeze %dma_start3A_2772 : memref<1x8192xi32, #tpu.memory_space<hbm>> -> memref<8192xi32, #tpu.memory_space<hbm>>
      %dma_start3A_2774 = arith.constant 0 : i32
      %dma_start3A_2775 = tpu.memref_slice %arg5[%add3A, %dma_start3A_2774] : memref<32x8192xi32, #tpu.memory_space<hbm>> -> memref<1x8192xi32, #tpu.memory_space<hbm>>
      %dma_start3A_2776 = tpu.memref_squeeze %dma_start3A_2775 : memref<1x8192xi32, #tpu.memory_space<hbm>> -> memref<8192xi32, #tpu.memory_space<hbm>>
      tpu.enqueue_dma source(%arg8 : memref<8192xi32, #tpu.memory_space<vmem>>) target(%dma_start3A_2776 : memref<8192xi32, #tpu.memory_space<hbm>>) target_semaphore(%run_scoped3A : memref<!tpu.dma_semaphore, #tpu.memory_space<semaphore_mem>>)
      %dma_wait3A_2777 = arith.constant 0 : i32
      %dma_wait3A_2778 = tpu.memref_slice %arg5[%add3A, %dma_wait3A_2777] : memref<32x8192xi32, #tpu.memory_space<hbm>> -> memref<1x8192xi32, #tpu.memory_space<hbm>>
      %dma_wait3A_2779 = tpu.memref_squeeze %dma_wait3A_2778 : memref<1x8192xi32, #tpu.memory_space<hbm>> -> memref<8192xi32, #tpu.memory_space<hbm>>
      %dma_wait3A_2780 = arith.constant 0 : i32
      %dma_wait3A_2781 = tpu.memref_slice %arg5[%add3A, %dma_wait3A_2780] : memref<32x8192xi32, #tpu.memory_space<hbm>> -> memref<1x8192xi32, #tpu.memory_space<hbm>>
      %dma_wait3A_2782 = tpu.memref_squeeze %dma_wait3A_2781 : memref<1x8192xi32, #tpu.memory_space<hbm>> -> memref<8192xi32, #tpu.memory_space<hbm>>
      tpu.wait_dma2 semaphore(%run_scoped3A : memref<!tpu.dma_semaphore, #tpu.memory_space<semaphore_mem>>) src(%arg8 : memref<8192xi32, #tpu.memory_space<vmem>>) dst(%dma_wait3A_2782 : memref<8192xi32, #tpu.memory_space<hbm>>)
      tpu.yield
    }) : () -> ()
    return
  }
}

module attributes {stable_mosaic.version = 14 : i64} {
  func.func @_argmin_body(%arg0: i32, %arg1: memref<1x1x512xf32, #tpu.memory_space<vmem>>, %arg2: memref<1x8192xf32, #tpu.memory_space<vmem>>, %arg3: memref<512x64xf32, #tpu.memory_space<vmem>>, %arg4: memref<8192x64xf32, #tpu.memory_space<vmem>>, %arg5: memref<1x1x512xi32, #tpu.memory_space<vmem>>) attributes {dimension_semantics = [#tpu.dimension_semantics<arbitrary>], iteration_bounds = array<i64: 32>, scalar_prefetch = 0 : i64, scratch_operands = 0 : i64, tpu.core_type = #tpu.core_type<tc>, window_params = [{transform_indices = @transform_0, window_bounds = array<i64: 1, 1, 512>}, {pipeline_mode = #tpu.pipeline_mode<synchronous>, transform_indices = @transform_1, window_bounds = array<i64: 1, 8192>}, {transform_indices = @transform_2, window_bounds = array<i64: 512, 64>}, {pipeline_mode = #tpu.pipeline_mode<synchronous>, transform_indices = @transform_3, window_bounds = array<i64: 8192, 64>}, {transform_indices = @transform_4, window_bounds = array<i64: 1, 1, 512>}]} {
    %get3A = arith.constant 0 : index
    %get3A_0 = arith.constant 0 : index
    %get3A_1 = vector.load %arg3[%get3A, %get3A_0] : memref<512x64xf32, #tpu.memory_space<vmem>>, vector<512x64xf32>
    %get3A_2 = arith.constant 0 : index
    %get3A_3 = arith.constant 0 : index
    %get3A_4 = vector.load %arg4[%get3A_2, %get3A_3] : memref<8192x64xf32, #tpu.memory_space<vmem>>, vector<8192x64xf32>
    %dot_general3A = arith.constant dense<0.000000e+00> : vector<512x8192xf32>
    %dot_general3A_5 = tpu.matmul %get3A_1, %get3A_4, %dot_general3A {dimension_numbers = #tpu.dot_dimension_numbers<[1], [1], [0], [0], [0, 0, 1, 0], [], []>, transpose_lhs_hint = false} : vector<512x64xf32>, vector<8192x64xf32>, vector<512x8192xf32> -> vector<512x8192xf32>
    %get3A_6 = arith.constant 0 : index
    %get3A_7 = arith.constant 0 : index
    %get3A_8 = arith.constant 0 : index
    %get3A_9 = vector.load %arg1[%get3A_6, %get3A_7, %get3A_8] : memref<1x1x512xf32, #tpu.memory_space<vmem>>, vector<1x1x512xf32>
    %reshape3A = vector.shape_cast %get3A_9 : vector<1x1x512xf32> to vector<1x512xf32>
    %transpose3A = tpu.transpose %reshape3A, [1, 0] : vector<1x512xf32> -> vector<512x1xf32>
    %get3A_10 = arith.constant 0 : index
    %get3A_11 = arith.constant 0 : index
    %get3A_12 = vector.load %arg2[%get3A_10, %get3A_11] : memref<1x8192xf32, #tpu.memory_space<vmem>>, vector<1x8192xf32>
    %add3A = vector.broadcast %transpose3A : vector<512x1xf32> to vector<512x8192xf32>
    %add3A_13 = vector.broadcast %get3A_12 : vector<1x8192xf32> to vector<512x8192xf32>
    %add3A_14 = arith.addf %add3A, %add3A_13 : vector<512x8192xf32>
    %mul3A = arith.constant 2.000000e+00 : f32
    %mul3A_15 = vector.broadcast %mul3A : f32 to vector<512x8192xf32>
    %mul3A_16 = arith.mulf %mul3A_15, %dot_general3A_5 : vector<512x8192xf32>
    %sub3A = arith.subf %add3A_14, %mul3A_16 : vector<512x8192xf32>
    %slice3A = vector.extract_strided_slice %sub3A {offsets = [0, 0], sizes = [512, 4096], strides = [1, 1]} : vector<512x8192xf32> to vector<512x4096xf32>
    %slice3A_17 = vector.extract_strided_slice %sub3A {offsets = [0, 4096], sizes = [512, 4096], strides = [1, 1]} : vector<512x8192xf32> to vector<512x4096xf32>
    %reduce_min3A = arith.constant dense<0x7F800000> : vector<512xf32>
    %reduce_min3A_18 = vector.multi_reduction <minimumf>, %slice3A, %reduce_min3A [1] : vector<512x4096xf32> to vector<512xf32>
    %broadcast_in_dim3A = vector.shape_cast %reduce_min3A_18 : vector<512xf32> to vector<512x1xf32>
    %reduce_min3A_19 = arith.constant dense<0x7F800000> : vector<512xf32>
    %reduce_min3A_20 = vector.multi_reduction <minimumf>, %slice3A_17, %reduce_min3A_19 [1] : vector<512x4096xf32> to vector<512xf32>
    %broadcast_in_dim3A_21 = vector.shape_cast %reduce_min3A_20 : vector<512xf32> to vector<512x1xf32>
    %iota3A = tpu.iota {dimensions = array<i32: 1>} : vector<512x4096xi32>
    %eq3A = vector.broadcast %broadcast_in_dim3A : vector<512x1xf32> to vector<512x4096xf32>
    %eq3A_22 = arith.cmpf oeq, %slice3A, %eq3A : vector<512x4096xf32>
    %jit3A = arith.constant 1073741824 : i32
    %broadcast_in_dim3A_23 = vector.broadcast %jit3A : i32 to vector<512x4096xi32>
    %select_n3A = arith.select %eq3A_22, %iota3A, %broadcast_in_dim3A_23 : vector<512x4096xi1>, vector<512x4096xi32>
    %reduce_min3A_24 = arith.constant dense<2147483647> : vector<512xi32>
    %reduce_min3A_25 = vector.multi_reduction <minsi>, %select_n3A, %reduce_min3A_24 [1] : vector<512x4096xi32> to vector<512xi32>
    %eq3A_26 = vector.broadcast %broadcast_in_dim3A_21 : vector<512x1xf32> to vector<512x4096xf32>
    %eq3A_27 = arith.cmpf oeq, %slice3A_17, %eq3A_26 : vector<512x4096xf32>
    %jit3A_28 = arith.constant 1073741824 : i32
    %broadcast_in_dim3A_29 = vector.broadcast %jit3A_28 : i32 to vector<512x4096xi32>
    %select_n3A_30 = arith.select %eq3A_27, %iota3A, %broadcast_in_dim3A_29 : vector<512x4096xi1>, vector<512x4096xi32>
    %reduce_min3A_31 = arith.constant dense<2147483647> : vector<512xi32>
    %reduce_min3A_32 = vector.multi_reduction <minsi>, %select_n3A_30, %reduce_min3A_31 [1] : vector<512x4096xi32> to vector<512xi32>
    %add3A_33 = arith.constant 4096 : i32
    %add3A_34 = vector.broadcast %add3A_33 : i32 to vector<512xi32>
    %add3A_35 = arith.addi %reduce_min3A_32, %add3A_34 : vector<512xi32>
    %squeeze3A = vector.shape_cast %broadcast_in_dim3A : vector<512x1xf32> to vector<512xf32>
    %convert_element_type3A = arith.truncf %squeeze3A : vector<512xf32> to vector<512xbf16>
    %convert_element_type3A_36 = arith.extf %convert_element_type3A : vector<512xbf16> to vector<512xf32>
    %squeeze3A_37 = vector.shape_cast %broadcast_in_dim3A_21 : vector<512x1xf32> to vector<512xf32>
    %lt3A = arith.cmpf olt, %squeeze3A_37, %convert_element_type3A_36 : vector<512xf32>
    %select_n3A_38 = arith.select %lt3A, %add3A_35, %reduce_min3A_25 : vector<512xi1>, vector<512xi32>
    %reshape3A_39 = vector.shape_cast %select_n3A_38 : vector<512xi32> to vector<512x1xi32>
    %transpose3A_40 = tpu.transpose %reshape3A_39, [1, 0] : vector<512x1xi32> -> vector<1x512xi32>
    %reshape3A_41 = vector.shape_cast %transpose3A_40 : vector<1x512xi32> to vector<1x1x512xi32>
    %swap3A = arith.constant 0 : index
    %swap3A_42 = arith.constant 0 : index
    %swap3A_43 = arith.constant 0 : index
    %swap3A_44 = vector.load %arg5[%swap3A, %swap3A_42, %swap3A_43] : memref<1x1x512xi32, #tpu.memory_space<vmem>>, vector<1x1x512xi32>
    tpu.vector_store %arg5[%swap3A, %swap3A_42, %swap3A_43], %reshape3A_41 {strides = array<i32>} : memref<1x1x512xi32, #tpu.memory_space<vmem>>, vector<1x1x512xi32>,
    return
  }
  func.func @transform_0(%arg0: i32) -> (i32, i32, i32) {
    %c0_i32 = arith.constant 0 : i32
    %c0_i32_0 = arith.constant 0 : i32
    %c0_i32_1 = arith.constant 0 : i32
    return %arg0, %c0_i32, %c0_i32_0 : i32, i32, i32
  }
  func.func @transform_1(%arg0: i32) -> (i32, i32) {
    %c0_i32 = arith.constant 0 : i32
    %c0_i32_0 = arith.constant 0 : i32
    %c0_i32_1 = arith.constant 0 : i32
    return %c0_i32, %c0_i32_0 : i32, i32
  }
  func.func @transform_2(%arg0: i32) -> (i32, i32) {
    %c0_i32 = arith.constant 0 : i32
    %c0_i32_0 = arith.constant 0 : i32
    return %arg0, %c0_i32 : i32, i32
  }
  func.func @transform_3(%arg0: i32) -> (i32, i32) {
    %c0_i32 = arith.constant 0 : i32
    %c0_i32_0 = arith.constant 0 : i32
    %c0_i32_1 = arith.constant 0 : i32
    return %c0_i32, %c0_i32_0 : i32, i32
  }
  func.func @transform_4(%arg0: i32) -> (i32, i32, i32) {
    %c0_i32 = arith.constant 0 : i32
    %c0_i32_0 = arith.constant 0 : i32
    %c0_i32_1 = arith.constant 0 : i32
    return %arg0, %c0_i32, %c0_i32_0 : i32, i32, i32
  }
}

module attributes {stable_mosaic.version = 14 : i64} {
  func.func @_stats_body(%arg0: memref<16384x64xf32, #tpu.memory_space<vmem>>, %arg1: memref<16384x64xf32, #tpu.memory_space<vmem>>, %arg2: memref<32x8192xi32, #tpu.memory_space<vmem>>, %arg3: memref<16384x64xf32, #tpu.memory_space<vmem>>, %arg4: memref<1x8xf32, #tpu.memory_space<smem>>) attributes {dimension_semantics = [], scalar_prefetch = 0 : i64, scratch_operands = 0 : i64, tpu.core_type = #tpu.core_type<tc>} {
    %get3A = arith.constant 0 : index
    %get3A_0 = arith.constant 0 : index
    %get3A_1 = vector.load %arg0[%get3A, %get3A_0] : memref<16384x64xf32, #tpu.memory_space<vmem>>, vector<16384x64xf32>
    %get3A_2 = arith.constant 0 : index
    %get3A_3 = arith.constant 0 : index
    %get3A_4 = vector.load %arg1[%get3A_2, %get3A_3] : memref<16384x64xf32, #tpu.memory_space<vmem>>, vector<16384x64xf32>
    %sub3A = arith.subf %get3A_4, %get3A_1 : vector<16384x64xf32>
    %add3A = arith.addf %get3A_1, %sub3A : vector<16384x64xf32>
    %swap3A = arith.constant 0 : index
    %swap3A_5 = arith.constant 0 : index
    %swap3A_6 = vector.load %arg3[%swap3A, %swap3A_5] : memref<16384x64xf32, #tpu.memory_space<vmem>>, vector<16384x64xf32>
    tpu.vector_store %arg3[%swap3A, %swap3A_5], %add3A {strides = array<i32>} : memref<16384x64xf32, #tpu.memory_space<vmem>>, vector<16384x64xf32>,
    %sub3A_7 = arith.subf %get3A_4, %get3A_1 : vector<16384x64xf32>
    %integer_pow3A = arith.mulf %sub3A_7, %sub3A_7 : vector<16384x64xf32>
    %reduce_sum3A = vector.shape_cast %integer_pow3A : vector<16384x64xf32> to vector<1x16384x64xf32>
    %reduce_sum3A_8 = arith.constant dense<0.000000e+00> : vector<1xf32>
    %reduce_sum3A_9 = vector.multi_reduction <add>, %reduce_sum3A, %reduce_sum3A_8 [1, 2] : vector<1x16384x64xf32> to vector<1xf32>
    %reduce_sum3A_10 = vector.shape_cast %reduce_sum3A_9 : vector<1xf32> to vector<1x1x1xf32>
    %reduce_sum3A_11 = vector.extract %reduce_sum3A_10[0, 0, 0] : f32 from vector<1x1x1xf32>
    %div3A = arith.constant 0x49800000 : f32
    %div3A_12 = arith.divf %reduce_sum3A_11, %div3A : f32
    %sub3A_13 = arith.subf %get3A_1, %get3A_4 : vector<16384x64xf32>
    %integer_pow3A_14 = arith.mulf %sub3A_13, %sub3A_13 : vector<16384x64xf32>
    %reduce_sum3A_15 = vector.shape_cast %integer_pow3A_14 : vector<16384x64xf32> to vector<1x16384x64xf32>
    %reduce_sum3A_16 = arith.constant dense<0.000000e+00> : vector<1xf32>
    %reduce_sum3A_17 = vector.multi_reduction <add>, %reduce_sum3A_15, %reduce_sum3A_16 [1, 2] : vector<1x16384x64xf32> to vector<1xf32>
    %reduce_sum3A_18 = vector.shape_cast %reduce_sum3A_17 : vector<1xf32> to vector<1x1x1xf32>
    %reduce_sum3A_19 = vector.extract %reduce_sum3A_18[0, 0, 0] : f32 from vector<1x1x1xf32>
    %div3A_20 = arith.constant 0x49800000 : f32
    %div3A_21 = arith.divf %reduce_sum3A_19, %div3A_20 : f32
    %get3A_22 = arith.constant 0 : index
    %get3A_23 = arith.constant 0 : index
    %get3A_24 = vector.load %arg2[%get3A_22, %get3A_23] : memref<32x8192xi32, #tpu.memory_space<vmem>>, vector<32x8192xi32>
    %reduce_sum3A_25 = arith.constant dense<0> : vector<8192xi32>
    %reduce_sum3A_26 = vector.multi_reduction <add>, %get3A_24, %reduce_sum3A_25 [0] : vector<32x8192xi32> to vector<8192xi32>
    %convert_element_type3A = arith.sitofp %reduce_sum3A_26 : vector<8192xi32> to vector<8192xf32>
    %div3A_27 = arith.constant 1.638400e+04 : f32
    %div3A_28 = vector.broadcast %div3A_27 : f32 to vector<8192xf32>
    %div3A_29 = arith.divf %convert_element_type3A, %div3A_28 : vector<8192xf32>
    %add3A_30 = arith.constant 1.000000e-10 : f32
    %add3A_31 = vector.broadcast %add3A_30 : f32 to vector<8192xf32>
    %add3A_32 = arith.addf %div3A_29, %add3A_31 : vector<8192xf32>
    %log3A = math.log %add3A_32 : vector<8192xf32>
    %mul3A = arith.mulf %div3A_29, %log3A : vector<8192xf32>
    %reduce_sum3A_33 = vector.shape_cast %mul3A : vector<8192xf32> to vector<1x8192xf32>
    %reduce_sum3A_34 = arith.constant dense<0.000000e+00> : vector<1xf32>
    %reduce_sum3A_35 = vector.multi_reduction <add>, %reduce_sum3A_33, %reduce_sum3A_34 [1] : vector<1x8192xf32> to vector<1xf32>
    %reduce_sum3A_36 = vector.shape_cast %reduce_sum3A_35 : vector<1xf32> to vector<1x1xf32>
    %reduce_sum3A_37 = vector.extract %reduce_sum3A_36[0, 0] : f32 from vector<1x1xf32>
    %neg3A = arith.constant 0.000000e+00 : f32
    %neg3A_38 = arith.subf %neg3A, %reduce_sum3A_37 : f32
    %exp3A = math.exp %neg3A_38 : f32
    %gt3A = arith.constant 0.000000e+00 : f32
    %gt3A_39 = vector.broadcast %gt3A : f32 to vector<8192xf32>
    %gt3A_40 = arith.cmpf ogt, %div3A_29, %gt3A_39 : vector<8192xf32>
    %convert_element_type3A_41 = arith.extui %gt3A_40 : vector<8192xi1> to vector<8192xi32>
    %convert_element_type3A_42 = arith.sitofp %convert_element_type3A_41 : vector<8192xi32> to vector<8192xf32>
    %reduce_sum3A_43 = vector.shape_cast %convert_element_type3A_42 : vector<8192xf32> to vector<1x8192xf32>
    %reduce_sum3A_44 = arith.constant dense<0.000000e+00> : vector<1xf32>
    %reduce_sum3A_45 = vector.multi_reduction <add>, %reduce_sum3A_43, %reduce_sum3A_44 [1] : vector<1x8192xf32> to vector<1xf32>
    %reduce_sum3A_46 = vector.shape_cast %reduce_sum3A_45 : vector<1xf32> to vector<1x1xf32>
    %reduce_sum3A_47 = vector.extract %reduce_sum3A_46[0, 0] : f32 from vector<1x1xf32>
    %swap3A_48 = arith.constant 0 : index
    %swap3A_49 = arith.constant 0 : index
    %swap3A_50 = memref.load %arg4[%swap3A_48, %swap3A_49] : memref<1x8xf32, #tpu.memory_space<smem>>
    memref.store %div3A_12, %arg4[%swap3A_48, %swap3A_49] : memref<1x8xf32, #tpu.memory_space<smem>>
    %swap3A_51 = arith.constant 0 : index
    %swap3A_52 = arith.constant 1 : index
    %swap3A_53 = memref.load %arg4[%swap3A_51, %swap3A_52] : memref<1x8xf32, #tpu.memory_space<smem>>
    memref.store %div3A_21, %arg4[%swap3A_51, %swap3A_52] : memref<1x8xf32, #tpu.memory_space<smem>>
    %mul3A_54 = arith.constant 2.500000e-01 : f32
    %mul3A_55 = arith.mulf %mul3A_54, %div3A_21 : f32
    %add3A_56 = arith.addf %div3A_12, %mul3A_55 : f32
    %swap3A_57 = arith.constant 0 : index
    %swap3A_58 = arith.constant 2 : index
    %swap3A_59 = memref.load %arg4[%swap3A_57, %swap3A_58] : memref<1x8xf32, #tpu.memory_space<smem>>
    memref.store %add3A_56, %arg4[%swap3A_57, %swap3A_58] : memref<1x8xf32, #tpu.memory_space<smem>>
    %swap3A_60 = arith.constant 0 : index
    %swap3A_61 = arith.constant 3 : index
    %swap3A_62 = memref.load %arg4[%swap3A_60, %swap3A_61] : memref<1x8xf32, #tpu.memory_space<smem>>
    memref.store %exp3A, %arg4[%swap3A_60, %swap3A_61] : memref<1x8xf32, #tpu.memory_space<smem>>
    %swap3A_63 = arith.constant 0 : index
    %swap3A_64 = arith.constant 4 : index
    %swap3A_65 = memref.load %arg4[%swap3A_63, %swap3A_64] : memref<1x8xf32, #tpu.memory_space<smem>>
    memref.store %reduce_sum3A_47, %arg4[%swap3A_63, %swap3A_64] : memref<1x8xf32, #tpu.memory_space<smem>>
    return
  }
}

</mosaic_0001>

<sc_bundles>
// kernel: kernel.5.cloned.1.call-start
scs
__scs_entry_jumppad:
0x0: {  	(pc) =	sbr.rel $0x88, $3  }
0x1: {  	(tag) =	ssettag $0x0;
	lr =	simm.s32 $0x1  }
0x2: {  	[smem:$0x3F9F] =	sst lr;
	_ =	strace $0xD0000000  }
0x3: {  	_ = 	snop  }
0x4: {  	_ = 	snop  }
0x5: {  	_ = 	snop  }
0x6: {  	_ = 	snop  }
0x7: {  	_ = 	snop  }
__scs_overlays_trampoline_lowered:
0x8: {  	[smem:$0x3FAE] =	sst s0  }
0x9: {  	[smem:$0x3FAF] =	sst s1  }
0xa: {  	[smem:$0x3FB0] =	sst s2  }
0xb: {  	[smem:$0x3FB1] =	sst s3  }
0xc: {  	[smem:$0x3FB2] =	sst s4  }
0xd: {  	[smem:$0x3FB3] =	sst s5  }
0xe: {  	[smem:$0x3FB4] =	sst s6  }
0xf: {  	[smem:$0x3FB5] =	sst s7  }
0x10: {  	[smem:$0x3FB6] =	sst s8  }
0x11: {  	[smem:$0x3FB7] =	sst s9;
	s0 =	simm.s32 @!p0 $0x0  }
0x12: {  	s1 =	sld [smem:$0x3F9D];
	s0 =	simm.s32 @p0 $0x1  }
0x13: {  	[smem:$0x3FB8] =	sst s0;
	s0 =	simm.s32 @!p1 $0x0  }
0x14: {  	s2 =	sld [smem:$0x3F9C];
	s0 =	simm.s32 @p1 $0x1  }
0x15: {  	[smem:$0x3FB9] =	sst s0;
	s0 =	simm.s32 @!p2 $0x0  }
0x16: {  	s3 =	sld [smem:$0x3FDB];
	s0 =	simm.s32 @p2 $0x1  }
0x17: {  	s4 =	simm.s32 $0x1BF5;
	[smem:$0x3FBB] =	sst s0  }
0x18: {  	s0 =	sld [smem:$0x3F9E];
	_ =	swait.ge [sflag:s4], $0x0  }
0x19: {  	s7 =	sld [smem:$0x3F9F]  }
0x1a: {  	s8 =	sadd.s32 $0xFFFFE003, lr  }
0x1b: {  	s9 =	sadd.s32 $0xFFFFFEF7, lr;
	s5 =	simm.s32 $0xFFFFFFFF;
	p2 =	slt.u32 s8, $0xFFFFF086  }
0x1c: {  	p1 =	slt.u32 s9, $0xF7A;
	s5 =	simm.s32 @!p2 $0x0  }
0x1d: {  	s5 =	simm.s32 @p1 $0x1;
	p0 =	seq.s32 s7, s2  }
0x1e: {  	s7 =	smul.u32 @!p0 $0xF7A, s2;
	p2 =	seq.s32 @!p0 s5, $0x0  }
0x1f: {  	s9 =	smul.u32 $0xF7A, s1;
	s8 =	simm.s32 @!p0 $0x1BF5;
	p2 =	por !p2, p0  }
0x20: {  	[sflag:s8] =	ssyncset.s32 @!p0 $0xFFFFF086;
	s6 =	sadd.s32 @!p0 s3, s7;
	s7 =	simm.s32 @!p0 $0x108  }
0x21: {  	s3 =	sadd.s32 s3, s9;
	s6 =	sadd.s32 @!p0 $0x88, s6;
	s7 =	simm.s32 @p2 $0x1082  }
0x22: {  	[simem:s7], [sflag:s8] =	dma.local @!p0 [hbm:s6], $0xF7A  }
0x23: {  	s9 =	sor.u32 $0xD0000000, s2;
	s6 =	simm.s32 $0x108;
	_ =	swait.ge @!p0 [sflag:s8], $0x0  }
0x24: {  	s3 =	sadd.s32 $0x88, s3;
	s6 =	simm.s32 @!p1 $0x1082;
	[sflag:s4] =	ssyncset.s32 $0xFFFFF086  }
0x25: {  	[simem:s6], [sflag:s4] =	dma.local [hbm:s3], $0xF7A  }
0x26: {  	[smem:$0x3F9F] =	sst s1;
	(tag) =	ssettag s2;
	_ =	strace s9  }
0x27: {  	s1 =	sld [smem:$0x3FAF]  }
0x28: {  	s2 =	sld [smem:$0x3FB0]  }
0x29: {  	s4 =	sld [smem:$0x3FB2]  }
0x2a: {  	p0 =	seq.s32 s5, $0x0;
	s5 =	sld [smem:$0x3FB3]  }
0x2b: {  	s6 =	sld [smem:$0x3FB4]  }
0x2c: {  	s7 =	sld [smem:$0x3FB5]  }
0x2d: {  	s3 =	simm.s32 $0x108;
	s8 =	sld [smem:$0x3FB6]  }
0x2e: {  	s3 =	simm.s32 @!p0 $0x1082;
	s9 =	sld [smem:$0x3FB7]  }
0x2f: {  	lr =	sadd.s32 s0, s3;
	s0 =	sld [smem:$0x3FAE]  }
0x30: {  	s3 =	sld [smem:$0x3FB1]  }
0x31: {  	[smem:$0x3FBA] =	sst s10  }
0x32: {  	s10 =	sld [smem:$0x3FB8];
	_ =	sdelay $0x3  }
0x33: {  	p0 =	seq.s32 s10, $0x1;
	s10 =	sld [smem:$0x3FBA];
	_ =	sdelay $0x3  }
0x34: {  	[smem:$0x3FBA] =	sst s10  }
0x35: {  	s10 =	sld [smem:$0x3FB9];
	_ =	sdelay $0x3  }
0x36: {  	p1 =	seq.s32 s10, $0x1;
	s10 =	sld [smem:$0x3FBA];
	_ =	sdelay $0x3  }
0x37: {  	[smem:$0x3FBA] =	sst s10  }
0x38: {  	s10 =	sld [smem:$0x3FBB]  }
0x39: {  	_ = 	snop;
	(pc) =	sbr.ind lr, $3  }
0x3a: {  	_ = 	snop  }
0x3b: {  	_ = 	snop  }
0x3c: {  	p2 =	seq.s32 s10, $0x1;
	s10 =	sld [smem:$0x3FBA]  }
0x3d: {  	_ =	shalt  }
0x3e: {  	_ =	shalt  }
0x3f: {  	_ =	shalt  }
0x40: {  	_ =	shalt  }
0x41: {  	_ =	shalt  }
0x42: {  	_ =	shalt  }
0x43: {  	_ =	shalt  }
0x44: {  	_ =	shalt  }
0x45: {  	_ =	shalt  }
0x46: {  	_ =	shalt  }
0x47: {  	_ =	shalt  }
0x48: {  	_ =	shalt  }
0x49: {  	_ =	shalt  }
0x4a: {  	_ =	shalt  }
0x4b: {  	_ =	shalt  }
0x4c: {  	_ =	shalt  }
0x4d: {  	_ =	shalt  }
0x4e: {  	_ =	shalt  }
0x4f: {  	_ =	shalt  }
0x50: {  	_ =	shalt  }
0x51: {  	_ =	shalt  }
0x52: {  	_ =	shalt  }
0x53: {  	_ =	shalt  }
0x54: {  	_ =	shalt  }
0x55: {  	_ =	shalt  }
0x56: {  	_ =	shalt  }
0x57: {  	_ =	shalt  }
0x58: {  	_ =	shalt  }
0x59: {  	_ =	shalt  }
0x5a: {  	_ =	shalt  }
0x5b: {  	_ =	shalt  }
0x5c: {  	_ =	shalt  }
0x5d: {  	_ =	shalt  }
0x5e: {  	_ =	shalt  }
0x5f: {  	_ =	shalt  }
0x60: {  	_ =	shalt  }
0x61: {  	_ =	shalt  }
0x62: {  	_ =	shalt  }
0x63: {  	_ =	shalt  }
0x64: {  	_ =	shalt  }
0x65: {  	_ =	shalt  }
0x66: {  	_ =	shalt  }
0x67: {  	_ =	shalt  }
0x68: {  	_ =	shalt  }
0x69: {  	_ =	shalt  }
0x6a: {  	_ =	shalt  }
0x6b: {  	_ =	shalt  }
0x6c: {  	_ =	shalt  }
0x6d: {  	_ =	shalt  }
0x6e: {  	_ =	shalt  }
0x6f: {  	_ =	shalt  }
0x70: {  	_ =	shalt  }
0x71: {  	_ =	shalt  }
0x72: {  	_ =	shalt  }
0x73: {  	_ =	shalt  }
0x74: {  	_ =	shalt  }
0x75: {  	_ =	shalt  }
0x76: {  	_ =	shalt  }
0x77: {  	_ =	shalt  }
0x78: {  	_ =	shalt  }
0x79: {  	_ =	shalt  }
0x7a: {  	_ =	shalt  }
0x7b: {  	_ =	shalt  }
0x7c: {  	_ =	shalt  }
0x7d: {  	_ =	shalt  }
0x7e: {  	_ =	shalt  }
0x7f: {  	_ =	shalt  }
0x80: {  	_ =	shalt  }
0x81: {  	_ =	shalt  }
0x82: {  	_ =	shalt  }
0x83: {  	_ =	shalt  }
0x84: {  	_ =	shalt  }
0x85: {  	_ =	shalt  }
0x86: {  	_ =	shalt  }
0x87: {  	_ =	shalt  }
.Lfunc_end0:
.L_simem_size_0:
called_computation_lowered:
.L_overlay_start_0:
0x88: {  	s2 =	sld [smem:$0x3FD9]  }
0x89: {  	s3 =	sld [smem:$0x3FFE];
	_ =	sdelay $0x1  }
0x8a: {  	s1 =	srdreg.scid  }
0x8b: {  	s0 =	sand.u32 $0x1, s1  }
0x8c: {  	s14 =	sshll.u32 s0, $0xA;
	s2 =	sadd.s32 s3, s2  }
0x8d: {  	s2 =	sadd.s32 s2, s14  }
0x8e: {  	[smem:$0x3FC6] =	sst s2  }
0x8f: {  	_ = 	snop  }
0x90: {  	s2 =	sld [smem:$0x3FD0];
	_ =	sdelay $0x2  }
0x91: {  	s15 =	simm.s32 $0xA;
	s4 =	simm.s32 $0x10  }
0x92: {  	[smem:s4], [sflag:s15] =	dma.local [hbm:s2], $0x1  }
0x93: {  	_ =	swait.eq [sflag:s15], $0x1  }
0x94: {  	[sflag:s15] =	ssyncset.done $0x0  }
0x95: {  	s16 =	sld [smem:$0x10];
	[sflag:s15] =	ssyncadd.s32 $0xFFFFFFFF  }
0x96: {  	s17 =	sld [smem:$0x14];
	(tm) =	ssettm $0x1  }
0x97: {  	s18 =	sld [smem:$0x3FFB];
	_ =	sdelay $0x3  }
0x98: {  	_ =	strace s18  }
0x99: {  	s4 =	sld [smem:$0x3FFC];
	_ =	sdelay $0x3  }
0x9a: {  	_ =	strace s4  }
0x9b: {  	s4 =	sld [smem:$0x3FFD];
	_ =	sdelay $0x3  }
0x9c: {  	_ =	strace s4  }
0x9d: {  	_ =	strace $0x8FFFFFFF  }
0x9e: {  	s19 =	sld [smem:$0x3FDB];
	_ =	sdelay $0x1  }
0x9f: {  	s5 =	simm.s32 $_scs_section_size  }
0xa0: {  	s6 =	simm.s32 $_size__tile_overlayer_lowered;
	s7 =	simm.s32 $_tile_overlayer_lowered  }
0xa1: {  	s22 =	simm.s32 $0x1BFF;
	s21 =	sshll.u32 s7, $0x1;
	s4 =	sadd.s32 s5, s19  }
0xa2: {  	s8 =	simm.s32 $0x0;
	s20 =	sshll.u32 s6, $0x1;
	s6 =	sadd.s32 s21, s4  }
0xa3: {  	[timem:s8], [sflag:s22] =	dma.local [hbm:s6], s20  }
0xa4: {  	_ =	swait.ge [sflag:s22], s20  }
0xa5: {  	s5 =	ssub.s32 $0x0, s20;
	[sflag:s22] =	ssyncset.done $0x0  }
0xa6: {  	[sflag:s22] =	ssyncadd.s32 s5;
	_ =	sdelay $0x1  }
0xa7: {  	s23 =	simm.s32 $0x1B8B  }
0xa8: {  	_ =	swait.ge [sflag:s23], $0x1  }
0xa9: {  	[sflag:s23] =	ssyncset.done $0x0  }
0xaa: {  	s25 =	simm.s32 $0x1B8E;
	s24 =	sld [smem:$0x3FFE];
	[sflag:s23] =	ssyncadd.s32 $0xFFFFFFFF  }
0xab: {  	s26 =	simm.s32 $execute0_lowered;
	[smem:$0x3FD2] =	sst s25  }
0xac: {  	s6 =	sshll.u32 s26, $0x1;
	_ =	strace $0x80000046;
	[dreg:$0x1] =	wrdreg $0xFFFFFFFF  }
0xad: {  	s28 =	simm.s32 $_size_execute0_lowered;
	s4 =	sadd.s32 s4, s6;
	[dreg:$0x0] =	wrdreg $0x0  }
0xae: {  	s6 =	sshll.u32 s28, $0x1;
	[dreg:$0x2] =	wrdreg s4  }
0xaf: {  	[dreg:$0x3] =	wrdreg s6  }
0xb0: {  	[dreg:$0x4] =	wrdreg $0xC0  }
0xb1: {  	_ =	task [dreg:s8], $0x5FFFF  }
0xb2: {  	[dreg:$0x1] =	wrdreg $0xFFFFFFFF  }
0xb3: {  	[dreg:$0x0] =	wrdreg $0x60  }
0xb4: {  	[dreg:$0x2] =	wrdreg s17  }
0xb5: {  	[dreg:$0x3] =	wrdreg s24  }
0xb6: {  	[dreg:$0x4] =	wrdreg s16  }
0xb7: {  	[dreg:$0x5] =	wrdreg $0x9  }
0xb8: {  	_ =	task.clear_ibuf [dreg:s8], $0x6FFFF;
	_ =	strace $0x90000046  }
0xb9: {  	s29 =	simm.s32 $0x9;
	_ =	strace $0x80000048  }
0xba: {  	_ =	swait.ge [sflag:s29], $0x1  }
0xbb: {  	[sflag:s29] =	ssyncadd.s32 $0xFFFFFFFF  }
0xbc: {  	_ =	strace $0x90000048  }
0xbd: {  	_ =	sfence  }
0xbe: {  	s30 =	sld [smem:$0x0];
	_ =	sdelay $0x2  }
0xbf: {  	s31 =	sshll.u32 s1, $0xD;
	s1 =	sshrl.u32 s1, $0x2  }
0xc0: {  	s3 =	sand.u32 $0x4000, s31;
	s1 =	sadd.s32 s1, s30  }
0xc1: {  	s0 =	sor.u32 s3, s0;
	s1 =	sshll.u32 s1, $0x11  }
0xc2: {  	s0 =	sor.u32 s1, s0  }
0xc3: {  	s0 =	sadd.s32 $0x8F2B, s0  }
0xc4: {  	[sflag:s0] =	ssyncadd.remote.s32 $0x1  }
0xc5: {  	_ =	sfence.sel $0xFFFF  }
0xc6: {  	[dreg:$0x0] =	wrdreg $0xFFFFFFFF;
	(pc) =	sbr.abs _section_cstart, $3  }
0xc7: {  	[dreg:$0x1] =	wrdreg $0xFFFFFFFF  }
0xc8: {  	_ =	task.clear_ibuf [dreg:s8], $0x2FFFF;
	_ =	strace $0x9FFFFFFF  }
0xc9: {  	(tm) =	ssettm $0x7FFFFFFF  }
tec
execute0_lowered:
.L_overlay_start_1:
0x0: {  	(tag) =	ssettag $0x1  }
0x1: {  	s4 =	rddreg [dreg:$0x0]  }
0x2: {  	s5 =	rddreg [dreg:$0x1]  }
0x3: {  	s6 =	rddreg [dreg:$0x2]  }
0x4: {  	s0 =	rddreg [dreg:$0x3]  }
0x5: {  	s3 =	srdreg.scid;
	s1 =	stileid.u32;
	s2 =	simm.s32 $0x0  }
0x6: {  	s11 =	simm.s32 $0x2200;
	s12 =	simm.s32 $0x100;
	s13 =	simm.s32 $0x4200  }
0x7: {  	s14 =	simm.s32 $0x180;
	s15 =	simm.s32 $0x6200;
	s16 =	simm.s32 $0x1  }
0x8: {  	s17 =	simm.s32 $0x8200;
	s7 =	sand.u32 $0x1, s3;
	s30 =	sshll.u32 s1, $0x1  }
0x9: {  	v0 =	vimm.s32 $0x0;
	v1 =	vimm.s32 $0x1;
	[smem:$0x7FF] =	sst s2;
	s3 =	sadd.s32 $0x400, s5;
	s8 =	sor.u32 s7, s30  }
0xa: {  	vm0 =	vcmask $0x704;
	vm1 =	vcmask $0xB08;
	vm2 =	vcmask $0xF0C;
	_ =	strace $0x80000047;
	s31 =	ssub.s32 $0x2, s7;
	s9 =	sshll.u32 s8, $0xA  }
0xb: {  	vm3 =	vcmask $0x1310;
	vm4 =	vcmask $0x1714;
	vm5 =	vcmask $0x1B18;
	s7 =	sshrl.u32 s31, $0x1;
	s10 =	sshll.u32 s8, $0x6;
	s8 =	sshll.u32 s8, $0xC  }
0xc: {  	vm6 =	vcmask $0x1F1C;
	vm7 =	vcmask $0x2320;
	vm8 =	vcmask $0x2724;
	s9 =	sadd.s32 s9, s5;
	s7 =	ssub.s32 s31, s7;
	s4 =	sadd.s32 s4, s10  }
0xd: {  	vm9 =	vcmask $0x2B28;
	vm10 =	vcmask $0x2F2C;
	vm11 =	vcmask $0x3330;
	s5 =	sadd.s32 s6, s8;
	s8 =	simm.s32 $0x2;
	s10 =	simm.s32 $0x200  }
0xe: {  	vm12 =	vcmask $0x3734;
	vm13 =	vcmask $0x3B38;
	vm14 =	vcmask $0x3F3C;
	s6 =	sadd.s32 $0x10400, s9;
	s7 =	smax.u32 s7, $0x1;
	s9 =	simm.s32 $0x80  }
.LBB2_1:
0xf: {  	[tilespmem:s2], [sflag:$0x2] =	stream.linear.gather [hbm4b:s4+s2], $0x200, $0x38;
	[tilespmem:$0xA200] =	vst v63  }
0x10: {  	_ =	swait.ge [sflag:s8], $0x200  }
0x11: {  	[sflag:s8] =	ssyncset.done $0x0  }
0x12: {  	[sflag:s8] =	ssyncadd.s32 $0xFFFFFE00  }
0x13: {  	[tilespmem:s10], [sflag:$0x1] =	stream.indirect.gather [hbm4b:s3+s9], $0x40, s2, s9, $0xb8;
	[tilespmem:$0xA200] =	vst v63  }
0x14: {  	_ = 	snop  }
0x15: {  	[tilespmem:s11], [sflag:$0x1] =	stream.indirect.gather [hbm4b:s3+s9], $0x40, s9, s9, $0xb8;
	[tilespmem:$0xA200] =	vst v63  }
0x16: {  	_ = 	snop  }
0x17: {  	[tilespmem:s13], [sflag:$0x1] =	stream.indirect.gather [hbm4b:s3+s9], $0x40, s12, s9, $0xb8;
	[tilespmem:$0xA200] =	vst v63  }
0x18: {  	_ = 	snop  }
0x19: {  	[tilespmem:s15], [sflag:$0x1] =	stream.indirect.gather [hbm4b:s3+s9], $0x40, s14, s9, $0xb8;
	[tilespmem:$0xA200] =	vst v63  }
0x1a: {  	_ =	swait.ge [sflag:s16], $0x2000  }
0x1b: {  	[sflag:s16] =	ssyncset.done $0x0  }
0x1c: {  	[sflag:s16] =	ssyncadd.s32 $0xFFFFE000  }
0x1d: {  	_ =	swait.ge [sflag:s16], $0x2000  }
0x1e: {  	[sflag:s16] =	ssyncset.done $0x0  }
0x1f: {  	[sflag:s16] =	ssyncadd.s32 $0xFFFFE000  }
0x20: {  	_ =	swait.ge [sflag:s16], $0x2000  }
0x21: {  	[sflag:s16] =	ssyncset.done $0x0  }
0x22: {  	[sflag:s16] =	ssyncadd.s32 $0xFFFFE000  }
0x23: {  	_ =	swait.ge [sflag:s16], $0x2000  }
0x24: {  	[sflag:s16] =	ssyncset.done $0x0  }
0x25: {  	[sflag:s16] =	ssyncadd.s32 $0xFFFFE000  }
0x26: {  	[hbm4b:s5+s2] =	stream.linear.scatter [tilespmem:s10], [sflag:$0x2], $0x8000, $0x38;
	[tilespmem:$0xA200] =	vst v63  }
0x27: {  	_ =	swait.ge [sflag:s8], $0x8000  }
0x28: {  	[sflag:s8] =	ssyncset.done $0x0  }
0x29: {  	[sflag:s8] =	ssyncadd.s32 $0xFFFF8000  }
0x2a: {  	[tilespmem:$0x8200] =	vst v0  }
0x2b: {  	[tilespmem:$0x8210] =	vst v0  }
0x2c: {  	[tilespmem:$0x8220] =	vst v0  }
0x2d: {  	[tilespmem:$0x8230] =	vst v0  }
0x2e: {  	[tilespmem:$0x8240] =	vst v0  }
0x2f: {  	[tilespmem:$0x8250] =	vst v0  }
0x30: {  	[tilespmem:$0x8260] =	vst v0  }
0x31: {  	[tilespmem:$0x8270] =	vst v0  }
0x32: {  	[tilespmem:$0x8280] =	vst v0  }
0x33: {  	[tilespmem:$0x8290] =	vst v0  }
0x34: {  	[tilespmem:$0x82A0] =	vst v0  }
0x35: {  	[tilespmem:$0x82B0] =	vst v0  }
0x36: {  	[tilespmem:$0x82C0] =	vst v0  }
0x37: {  	[tilespmem:$0x82D0] =	vst v0  }
0x38: {  	[tilespmem:$0x82E0] =	vst v0  }
0x39: {  	[tilespmem:$0x82F0] =	vst v0  }
0x3a: {  	[tilespmem:$0x8300] =	vst v0  }
0x3b: {  	[tilespmem:$0x8310] =	vst v0  }
0x3c: {  	[tilespmem:$0x8320] =	vst v0  }
0x3d: {  	[tilespmem:$0x8330] =	vst v0  }
0x3e: {  	[tilespmem:$0x8340] =	vst v0  }
0x3f: {  	[tilespmem:$0x8350] =	vst v0  }
0x40: {  	[tilespmem:$0x8360] =	vst v0  }
0x41: {  	[tilespmem:$0x8370] =	vst v0  }
0x42: {  	[tilespmem:$0x8380] =	vst v0  }
0x43: {  	[tilespmem:$0x8390] =	vst v0  }
0x44: {  	[tilespmem:$0x83A0] =	vst v0  }
0x45: {  	[tilespmem:$0x83B0] =	vst v0  }
0x46: {  	[tilespmem:$0x83C0] =	vst v0  }
0x47: {  	[tilespmem:$0x83D0] =	vst v0  }
0x48: {  	[tilespmem:$0x83E0] =	vst v0  }
0x49: {  	[tilespmem:$0x83F0] =	vst v0  }
0x4a: {  	[tilespmem:$0x8400] =	vst v0  }
0x4b: {  	[tilespmem:$0x8410] =	vst v0  }
0x4c: {  	[tilespmem:$0x8420] =	vst v0  }
0x4d: {  	[tilespmem:$0x8430] =	vst v0  }
0x4e: {  	[tilespmem:$0x8440] =	vst v0  }
0x4f: {  	[tilespmem:$0x8450] =	vst v0  }
0x50: {  	[tilespmem:$0x8460] =	vst v0  }
0x51: {  	[tilespmem:$0x8470] =	vst v0  }
0x52: {  	[tilespmem:$0x8480] =	vst v0  }
0x53: {  	[tilespmem:$0x8490] =	vst v0  }
0x54: {  	[tilespmem:$0x84A0] =	vst v0  }
0x55: {  	[tilespmem:$0x84B0] =	vst v0  }
0x56: {  	[tilespmem:$0x84C0] =	vst v0  }
0x57: {  	[tilespmem:$0x84D0] =	vst v0  }
0x58: {  	[tilespmem:$0x84E0] =	vst v0  }
0x59: {  	[tilespmem:$0x84F0] =	vst v0  }
0x5a: {  	[tilespmem:$0x8500] =	vst v0  }
0x5b: {  	[tilespmem:$0x8510] =	vst v0  }
0x5c: {  	[tilespmem:$0x8520] =	vst v0  }
0x5d: {  	[tilespmem:$0x8530] =	vst v0  }
0x5e: {  	[tilespmem:$0x8540] =	vst v0  }
0x5f: {  	[tilespmem:$0x8550] =	vst v0  }
0x60: {  	[tilespmem:$0x8560] =	vst v0  }
0x61: {  	[tilespmem:$0x8570] =	vst v0  }
0x62: {  	[tilespmem:$0x8580] =	vst v0  }
0x63: {  	[tilespmem:$0x8590] =	vst v0  }
0x64: {  	[tilespmem:$0x85A0] =	vst v0  }
0x65: {  	[tilespmem:$0x85B0] =	vst v0  }
0x66: {  	[tilespmem:$0x85C0] =	vst v0  }
0x67: {  	[tilespmem:$0x85D0] =	vst v0  }
0x68: {  	[tilespmem:$0x85E0] =	vst v0  }
0x69: {  	[tilespmem:$0x85F0] =	vst v0  }
0x6a: {  	[tilespmem:$0x8600] =	vst v0  }
0x6b: {  	[tilespmem:$0x8610] =	vst v0  }
0x6c: {  	[tilespmem:$0x8620] =	vst v0  }
0x6d: {  	[tilespmem:$0x8630] =	vst v0  }
0x6e: {  	[tilespmem:$0x8640] =	vst v0  }
0x6f: {  	[tilespmem:$0x8650] =	vst v0  }
0x70: {  	[tilespmem:$0x8660] =	vst v0  }
0x71: {  	[tilespmem:$0x8670] =	vst v0  }
0x72: {  	[tilespmem:$0x8680] =	vst v0  }
0x73: {  	[tilespmem:$0x8690] =	vst v0  }
0x74: {  	[tilespmem:$0x86A0] =	vst v0  }
0x75: {  	[tilespmem:$0x86B0] =	vst v0  }
0x76: {  	[tilespmem:$0x86C0] =	vst v0  }
0x77: {  	[tilespmem:$0x86D0] =	vst v0  }
0x78: {  	[tilespmem:$0x86E0] =	vst v0  }
0x79: {  	[tilespmem:$0x86F0] =	vst v0  }
0x7a: {  	[tilespmem:$0x8700] =	vst v0  }
0x7b: {  	[tilespmem:$0x8710] =	vst v0  }
0x7c: {  	[tilespmem:$0x8720] =	vst v0  }
0x7d: {  	[tilespmem:$0x8730] =	vst v0  }
0x7e: {  	[tilespmem:$0x8740] =	vst v0  }
0x7f: {  	[tilespmem:$0x8750] =	vst v0  }
0x80: {  	[tilespmem:$0x8760] =	vst v0  }
0x81: {  	[tilespmem:$0x8770] =	vst v0  }
0x82: {  	[tilespmem:$0x8780] =	vst v0  }
0x83: {  	[tilespmem:$0x8790] =	vst v0  }
0x84: {  	[tilespmem:$0x87A0] =	vst v0  }
0x85: {  	[tilespmem:$0x87B0] =	vst v0  }
0x86: {  	[tilespmem:$0x87C0] =	vst v0  }
0x87: {  	[tilespmem:$0x87D0] =	vst v0  }
0x88: {  	[tilespmem:$0x87E0] =	vst v0  }
0x89: {  	[tilespmem:$0x87F0] =	vst v0  }
0x8a: {  	[tilespmem:$0x8800] =	vst v0  }
0x8b: {  	[tilespmem:$0x8810] =	vst v0  }
0x8c: {  	[tilespmem:$0x8820] =	vst v0  }
0x8d: {  	[tilespmem:$0x8830] =	vst v0  }
0x8e: {  	[tilespmem:$0x8840] =	vst v0  }
0x8f: {  	[tilespmem:$0x8850] =	vst v0  }
0x90: {  	[tilespmem:$0x8860] =	vst v0  }
0x91: {  	[tilespmem:$0x8870] =	vst v0  }
0x92: {  	[tilespmem:$0x8880] =	vst v0  }
0x93: {  	[tilespmem:$0x8890] =	vst v0  }
0x94: {  	[tilespmem:$0x88A0] =	vst v0  }
0x95: {  	[tilespmem:$0x88B0] =	vst v0  }
0x96: {  	[tilespmem:$0x88C0] =	vst v0  }
0x97: {  	[tilespmem:$0x88D0] =	vst v0  }
0x98: {  	[tilespmem:$0x88E0] =	vst v0  }
0x99: {  	[tilespmem:$0x88F0] =	vst v0  }
0x9a: {  	[tilespmem:$0x8900] =	vst v0  }
0x9b: {  	[tilespmem:$0x8910] =	vst v0  }
0x9c: {  	[tilespmem:$0x8920] =	vst v0  }
0x9d: {  	[tilespmem:$0x8930] =	vst v0  }
0x9e: {  	[tilespmem:$0x8940] =	vst v0  }
0x9f: {  	[tilespmem:$0x8950] =	vst v0  }
0xa0: {  	[tilespmem:$0x8960] =	vst v0  }
0xa1: {  	[tilespmem:$0x8970] =	vst v0  }
0xa2: {  	[tilespmem:$0x8980] =	vst v0  }
0xa3: {  	[tilespmem:$0x8990] =	vst v0  }
0xa4: {  	[tilespmem:$0x89A0] =	vst v0  }
0xa5: {  	[tilespmem:$0x89B0] =	vst v0  }
0xa6: {  	[tilespmem:$0x89C0] =	vst v0  }
0xa7: {  	[tilespmem:$0x89D0] =	vst v0  }
0xa8: {  	[tilespmem:$0x89E0] =	vst v0  }
0xa9: {  	[tilespmem:$0x89F0] =	vst v0  }
0xaa: {  	[tilespmem:$0x8A00] =	vst v0  }
0xab: {  	[tilespmem:$0x8A10] =	vst v0  }
0xac: {  	[tilespmem:$0x8A20] =	vst v0  }
0xad: {  	[tilespmem:$0x8A30] =	vst v0  }
0xae: {  	[tilespmem:$0x8A40] =	vst v0  }
0xaf: {  	[tilespmem:$0x8A50] =	vst v0  }
0xb0: {  	[tilespmem:$0x8A60] =	vst v0  }
0xb1: {  	[tilespmem:$0x8A70] =	vst v0  }
0xb2: {  	[tilespmem:$0x8A80] =	vst v0  }
0xb3: {  	[tilespmem:$0x8A90] =	vst v0  }
0xb4: {  	[tilespmem:$0x8AA0] =	vst v0  }
0xb5: {  	[tilespmem:$0x8AB0] =	vst v0  }
0xb6: {  	[tilespmem:$0x8AC0] =	vst v0  }
0xb7: {  	[tilespmem:$0x8AD0] =	vst v0  }
0xb8: {  	[tilespmem:$0x8AE0] =	vst v0  }
0xb9: {  	[tilespmem:$0x8AF0] =	vst v0  }
0xba: {  	[tilespmem:$0x8B00] =	vst v0  }
0xbb: {  	[tilespmem:$0x8B10] =	vst v0  }
0xbc: {  	[tilespmem:$0x8B20] =	vst v0  }
0xbd: {  	[tilespmem:$0x8B30] =	vst v0  }
0xbe: {  	[tilespmem:$0x8B40] =	vst v0  }
0xbf: {  	[tilespmem:$0x8B50] =	vst v0  }
0xc0: {  	[tilespmem:$0x8B60] =	vst v0  }
0xc1: {  	[tilespmem:$0x8B70] =	vst v0  }
0xc2: {  	[tilespmem:$0x8B80] =	vst v0  }
0xc3: {  	[tilespmem:$0x8B90] =	vst v0  }
0xc4: {  	[tilespmem:$0x8BA0] =	vst v0  }
0xc5: {  	[tilespmem:$0x8BB0] =	vst v0  }
0xc6: {  	[tilespmem:$0x8BC0] =	vst v0  }
0xc7: {  	[tilespmem:$0x8BD0] =	vst v0  }
0xc8: {  	[tilespmem:$0x8BE0] =	vst v0  }
0xc9: {  	[tilespmem:$0x8BF0] =	vst v0  }
0xca: {  	[tilespmem:$0x8C00] =	vst v0  }
0xcb: {  	[tilespmem:$0x8C10] =	vst v0  }
0xcc: {  	[tilespmem:$0x8C20] =	vst v0  }
0xcd: {  	[tilespmem:$0x8C30] =	vst v0  }
0xce: {  	[tilespmem:$0x8C40] =	vst v0  }
0xcf: {  	[tilespmem:$0x8C50] =	vst v0  }
0xd0: {  	[tilespmem:$0x8C60] =	vst v0  }
0xd1: {  	[tilespmem:$0x8C70] =	vst v0  }
0xd2: {  	[tilespmem:$0x8C80] =	vst v0  }
0xd3: {  	[tilespmem:$0x8C90] =	vst v0  }
0xd4: {  	[tilespmem:$0x8CA0] =	vst v0  }
0xd5: {  	[tilespmem:$0x8CB0] =	vst v0  }
0xd6: {  	[tilespmem:$0x8CC0] =	vst v0  }
0xd7: {  	[tilespmem:$0x8CD0] =	vst v0  }
0xd8: {  	[tilespmem:$0x8CE0] =	vst v0  }
0xd9: {  	[tilespmem:$0x8CF0] =	vst v0  }
0xda: {  	[tilespmem:$0x8D00] =	vst v0  }
0xdb: {  	[tilespmem:$0x8D10] =	vst v0  }
0xdc: {  	[tilespmem:$0x8D20] =	vst v0  }
0xdd: {  	[tilespmem:$0x8D30] =	vst v0  }
0xde: {  	[tilespmem:$0x8D40] =	vst v0  }
0xdf: {  	[tilespmem:$0x8D50] =	vst v0  }
0xe0: {  	[tilespmem:$0x8D60] =	vst v0  }
0xe1: {  	[tilespmem:$0x8D70] =	vst v0  }
0xe2: {  	[tilespmem:$0x8D80] =	vst v0  }
0xe3: {  	[tilespmem:$0x8D90] =	vst v0  }
0xe4: {  	[tilespmem:$0x8DA0] =	vst v0  }
0xe5: {  	[tilespmem:$0x8DB0] =	vst v0  }
0xe6: {  	[tilespmem:$0x8DC0] =	vst v0  }
0xe7: {  	[tilespmem:$0x8DD0] =	vst v0  }
0xe8: {  	[tilespmem:$0x8DE0] =	vst v0  }
0xe9: {  	[tilespmem:$0x8DF0] =	vst v0  }
0xea: {  	[tilespmem:$0x8E00] =	vst v0  }
0xeb: {  	[tilespmem:$0x8E10] =	vst v0  }
0xec: {  	[tilespmem:$0x8E20] =	vst v0  }
0xed: {  	[tilespmem:$0x8E30] =	vst v0  }
0xee: {  	[tilespmem:$0x8E40] =	vst v0  }
0xef: {  	[tilespmem:$0x8E50] =	vst v0  }
0xf0: {  	[tilespmem:$0x8E60] =	vst v0  }
0xf1: {  	[tilespmem:$0x8E70] =	vst v0  }
0xf2: {  	[tilespmem:$0x8E80] =	vst v0  }
0xf3: {  	[tilespmem:$0x8E90] =	vst v0  }
0xf4: {  	[tilespmem:$0x8EA0] =	vst v0  }
0xf5: {  	[tilespmem:$0x8EB0] =	vst v0  }
0xf6: {  	[tilespmem:$0x8EC0] =	vst v0  }
0xf7: {  	[tilespmem:$0x8ED0] =	vst v0  }
0xf8: {  	[tilespmem:$0x8EE0] =	vst v0  }
0xf9: {  	[tilespmem:$0x8EF0] =	vst v0  }
0xfa: {  	[tilespmem:$0x8F00] =	vst v0  }
0xfb: {  	[tilespmem:$0x8F10] =	vst v0  }
0xfc: {  	[tilespmem:$0x8F20] =	vst v0  }
0xfd: {  	[tilespmem:$0x8F30] =	vst v0  }
0xfe: {  	[tilespmem:$0x8F40] =	vst v0  }
0xff: {  	[tilespmem:$0x8F50] =	vst v0  }
0x100: {  	[tilespmem:$0x8F60] =	vst v0  }
0x101: {  	[tilespmem:$0x8F70] =	vst v0  }
0x102: {  	[tilespmem:$0x8F80] =	vst v0  }
0x103: {  	[tilespmem:$0x8F90] =	vst v0  }
0x104: {  	[tilespmem:$0x8FA0] =	vst v0  }
0x105: {  	[tilespmem:$0x8FB0] =	vst v0  }
0x106: {  	[tilespmem:$0x8FC0] =	vst v0  }
0x107: {  	[tilespmem:$0x8FD0] =	vst v0  }
0x108: {  	[tilespmem:$0x8FE0] =	vst v0  }
0x109: {  	[tilespmem:$0x8FF0] =	vst v0  }
0x10a: {  	[tilespmem:$0x9000] =	vst v0  }
0x10b: {  	[tilespmem:$0x9010] =	vst v0  }
0x10c: {  	[tilespmem:$0x9020] =	vst v0  }
0x10d: {  	[tilespmem:$0x9030] =	vst v0  }
0x10e: {  	[tilespmem:$0x9040] =	vst v0  }
0x10f: {  	[tilespmem:$0x9050] =	vst v0  }
0x110: {  	[tilespmem:$0x9060] =	vst v0  }
0x111: {  	[tilespmem:$0x9070] =	vst v0  }
0x112: {  	[tilespmem:$0x9080] =	vst v0  }
0x113: {  	[tilespmem:$0x9090] =	vst v0  }
0x114: {  	[tilespmem:$0x90A0] =	vst v0  }
0x115: {  	[tilespmem:$0x90B0] =	vst v0  }
0x116: {  	[tilespmem:$0x90C0] =	vst v0  }
0x117: {  	[tilespmem:$0x90D0] =	vst v0  }
0x118: {  	[tilespmem:$0x90E0] =	vst v0  }
0x119: {  	[tilespmem:$0x90F0] =	vst v0  }
0x11a: {  	[tilespmem:$0x9100] =	vst v0  }
0x11b: {  	[tilespmem:$0x9110] =	vst v0  }
0x11c: {  	[tilespmem:$0x9120] =	vst v0  }
0x11d: {  	[tilespmem:$0x9130] =	vst v0  }
0x11e: {  	[tilespmem:$0x9140] =	vst v0  }
0x11f: {  	[tilespmem:$0x9150] =	vst v0  }
0x120: {  	[tilespmem:$0x9160] =	vst v0  }
0x121: {  	[tilespmem:$0x9170] =	vst v0  }
0x122: {  	[tilespmem:$0x9180] =	vst v0  }
0x123: {  	[tilespmem:$0x9190] =	vst v0  }
0x124: {  	[tilespmem:$0x91A0] =	vst v0  }
0x125: {  	[tilespmem:$0x91B0] =	vst v0  }
0x126: {  	[tilespmem:$0x91C0] =	vst v0  }
0x127: {  	[tilespmem:$0x91D0] =	vst v0  }
0x128: {  	[tilespmem:$0x91E0] =	vst v0  }
0x129: {  	[tilespmem:$0x91F0] =	vst v0  }
0x12a: {  	[tilespmem:$0x9200] =	vst v0  }
0x12b: {  	[tilespmem:$0x9210] =	vst v0  }
0x12c: {  	[tilespmem:$0x9220] =	vst v0  }
0x12d: {  	[tilespmem:$0x9230] =	vst v0  }
0x12e: {  	[tilespmem:$0x9240] =	vst v0  }
0x12f: {  	[tilespmem:$0x9250] =	vst v0  }
0x130: {  	[tilespmem:$0x9260] =	vst v0  }
0x131: {  	[tilespmem:$0x9270] =	vst v0  }
0x132: {  	[tilespmem:$0x9280] =	vst v0  }
0x133: {  	[tilespmem:$0x9290] =	vst v0  }
0x134: {  	[tilespmem:$0x92A0] =	vst v0  }
0x135: {  	[tilespmem:$0x92B0] =	vst v0  }
0x136: {  	[tilespmem:$0x92C0] =	vst v0  }
0x137: {  	[tilespmem:$0x92D0] =	vst v0  }
0x138: {  	[tilespmem:$0x92E0] =	vst v0  }
0x139: {  	[tilespmem:$0x92F0] =	vst v0  }
0x13a: {  	[tilespmem:$0x9300] =	vst v0  }
0x13b: {  	[tilespmem:$0x9310] =	vst v0  }
0x13c: {  	[tilespmem:$0x9320] =	vst v0  }
0x13d: {  	[tilespmem:$0x9330] =	vst v0  }
0x13e: {  	[tilespmem:$0x9340] =	vst v0  }
0x13f: {  	[tilespmem:$0x9350] =	vst v0  }
0x140: {  	[tilespmem:$0x9360] =	vst v0  }
0x141: {  	[tilespmem:$0x9370] =	vst v0  }
0x142: {  	[tilespmem:$0x9380] =	vst v0  }
0x143: {  	[tilespmem:$0x9390] =	vst v0  }
0x144: {  	[tilespmem:$0x93A0] =	vst v0  }
0x145: {  	[tilespmem:$0x93B0] =	vst v0  }
0x146: {  	[tilespmem:$0x93C0] =	vst v0  }
0x147: {  	[tilespmem:$0x93D0] =	vst v0  }
0x148: {  	[tilespmem:$0x93E0] =	vst v0  }
0x149: {  	[tilespmem:$0x93F0] =	vst v0  }
0x14a: {  	[tilespmem:$0x9400] =	vst v0  }
0x14b: {  	[tilespmem:$0x9410] =	vst v0  }
0x14c: {  	[tilespmem:$0x9420] =	vst v0  }
0x14d: {  	[tilespmem:$0x9430] =	vst v0  }
0x14e: {  	[tilespmem:$0x9440] =	vst v0  }
0x14f: {  	[tilespmem:$0x9450] =	vst v0  }
0x150: {  	[tilespmem:$0x9460] =	vst v0  }
0x151: {  	[tilespmem:$0x9470] =	vst v0  }
0x152: {  	[tilespmem:$0x9480] =	vst v0  }
0x153: {  	[tilespmem:$0x9490] =	vst v0  }
0x154: {  	[tilespmem:$0x94A0] =	vst v0  }
0x155: {  	[tilespmem:$0x94B0] =	vst v0  }
0x156: {  	[tilespmem:$0x94C0] =	vst v0  }
0x157: {  	[tilespmem:$0x94D0] =	vst v0  }
0x158: {  	[tilespmem:$0x94E0] =	vst v0  }
0x159: {  	[tilespmem:$0x94F0] =	vst v0  }
0x15a: {  	[tilespmem:$0x9500] =	vst v0  }
0x15b: {  	[tilespmem:$0x9510] =	vst v0  }
0x15c: {  	[tilespmem:$0x9520] =	vst v0  }
0x15d: {  	[tilespmem:$0x9530] =	vst v0  }
0x15e: {  	[tilespmem:$0x9540] =	vst v0  }
0x15f: {  	[tilespmem:$0x9550] =	vst v0  }
0x160: {  	[tilespmem:$0x9560] =	vst v0  }
0x161: {  	[tilespmem:$0x9570] =	vst v0  }
0x162: {  	[tilespmem:$0x9580] =	vst v0  }
0x163: {  	[tilespmem:$0x9590] =	vst v0  }
0x164: {  	[tilespmem:$0x95A0] =	vst v0  }
0x165: {  	[tilespmem:$0x95B0] =	vst v0  }
0x166: {  	[tilespmem:$0x95C0] =	vst v0  }
0x167: {  	[tilespmem:$0x95D0] =	vst v0  }
0x168: {  	[tilespmem:$0x95E0] =	vst v0  }
0x169: {  	[tilespmem:$0x95F0] =	vst v0  }
0x16a: {  	[tilespmem:$0x9600] =	vst v0  }
0x16b: {  	[tilespmem:$0xA170] =	vst v0  }
0x16c: {  	[tilespmem:$0x9620] =	vst v0  }
0x16d: {  	[tilespmem:$0x9630] =	vst v0  }
0x16e: {  	[tilespmem:$0x9640] =	vst v0  }
0x16f: {  	[tilespmem:$0x9650] =	vst v0  }
0x170: {  	[tilespmem:$0x9660] =	vst v0  }
0x171: {  	[tilespmem:$0x9670] =	vst v0  }
0x172: {  	[tilespmem:$0x9680] =	vst v0  }
0x173: {  	[tilespmem:$0x9690] =	vst v0  }
0x174: {  	[tilespmem:$0x96A0] =	vst v0  }
0x175: {  	[tilespmem:$0x96B0] =	vst v0  }
0x176: {  	[tilespmem:$0x96C0] =	vst v0  }
0x177: {  	[tilespmem:$0x96D0] =	vst v0  }
0x178: {  	[tilespmem:$0x96E0] =	vst v0  }
0x179: {  	[tilespmem:$0x96F0] =	vst v0  }
0x17a: {  	[tilespmem:$0x9700] =	vst v0  }
0x17b: {  	[tilespmem:$0x9710] =	vst v0  }
0x17c: {  	[tilespmem:$0x9720] =	vst v0  }
0x17d: {  	[tilespmem:$0x9730] =	vst v0  }
0x17e: {  	[tilespmem:$0x9740] =	vst v0  }
0x17f: {  	[tilespmem:$0x9750] =	vst v0  }
0x180: {  	[tilespmem:$0x9760] =	vst v0  }
0x181: {  	[tilespmem:$0x9770] =	vst v0  }
0x182: {  	[tilespmem:$0x9780] =	vst v0  }
0x183: {  	[tilespmem:$0x9790] =	vst v0  }
0x184: {  	[tilespmem:$0x97A0] =	vst v0  }
0x185: {  	[tilespmem:$0x97B0] =	vst v0  }
0x186: {  	[tilespmem:$0x97C0] =	vst v0  }
0x187: {  	[tilespmem:$0x97D0] =	vst v0  }
0x188: {  	[tilespmem:$0x97E0] =	vst v0  }
0x189: {  	[tilespmem:$0x97F0] =	vst v0  }
0x18a: {  	[tilespmem:$0x9800] =	vst v0  }
0x18b: {  	[tilespmem:$0x9810] =	vst v0  }
0x18c: {  	[tilespmem:$0x9820] =	vst v0  }
0x18d: {  	[tilespmem:$0x9830] =	vst v0  }
0x18e: {  	[tilespmem:$0x9840] =	vst v0  }
0x18f: {  	[tilespmem:$0x9850] =	vst v0  }
0x190: {  	[tilespmem:$0x9860] =	vst v0  }
0x191: {  	[tilespmem:$0x9870] =	vst v0  }
0x192: {  	[tilespmem:$0x9880] =	vst v0  }
0x193: {  	[tilespmem:$0x9890] =	vst v0  }
0x194: {  	[tilespmem:$0x98A0] =	vst v0  }
0x195: {  	[tilespmem:$0x98B0] =	vst v0  }
0x196: {  	[tilespmem:$0x98C0] =	vst v0  }
0x197: {  	[tilespmem:$0x98D0] =	vst v0  }
0x198: {  	[tilespmem:$0x98E0] =	vst v0  }
0x199: {  	[tilespmem:$0x98F0] =	vst v0  }
0x19a: {  	[tilespmem:$0x9900] =	vst v0  }
0x19b: {  	[tilespmem:$0x9910] =	vst v0  }
0x19c: {  	[tilespmem:$0x9920] =	vst v0  }
0x19d: {  	[tilespmem:$0x9930] =	vst v0  }
0x19e: {  	[tilespmem:$0x9940] =	vst v0  }
0x19f: {  	[tilespmem:$0x9950] =	vst v0  }
0x1a0: {  	[tilespmem:$0x9960] =	vst v0  }
0x1a1: {  	[tilespmem:$0x9970] =	vst v0  }
0x1a2: {  	[tilespmem:$0x9980] =	vst v0  }
0x1a3: {  	[tilespmem:$0x9990] =	vst v0  }
0x1a4: {  	[tilespmem:$0x99A0] =	vst v0  }
0x1a5: {  	[tilespmem:$0x99B0] =	vst v0  }
0x1a6: {  	[tilespmem:$0x99C0] =	vst v0  }
0x1a7: {  	[tilespmem:$0x99D0] =	vst v0  }
0x1a8: {  	[tilespmem:$0x99E0] =	vst v0  }
0x1a9: {  	[tilespmem:$0x99F0] =	vst v0  }
0x1aa: {  	[tilespmem:$0x9A00] =	vst v0  }
0x1ab: {  	[tilespmem:$0x9A10] =	vst v0  }
0x1ac: {  	[tilespmem:$0x9A20] =	vst v0  }
0x1ad: {  	[tilespmem:$0x9A30] =	vst v0  }
0x1ae: {  	[tilespmem:$0x9A40] =	vst v0  }
0x1af: {  	[tilespmem:$0x9A50] =	vst v0  }
0x1b0: {  	[tilespmem:$0x9A60] =	vst v0  }
0x1b1: {  	[tilespmem:$0x9A70] =	vst v0  }
0x1b2: {  	[tilespmem:$0x9A80] =	vst v0  }
0x1b3: {  	[tilespmem:$0x9A90] =	vst v0  }
0x1b4: {  	[tilespmem:$0x9AA0] =	vst v0  }
0x1b5: {  	[tilespmem:$0x9AB0] =	vst v0  }
0x1b6: {  	[tilespmem:$0x9AC0] =	vst v0  }
0x1b7: {  	[tilespmem:$0x9AD0] =	vst v0  }
0x1b8: {  	[tilespmem:$0x9AE0] =	vst v0  }
0x1b9: {  	[tilespmem:$0x9AF0] =	vst v0  }
0x1ba: {  	[tilespmem:$0x9B00] =	vst v0  }
0x1bb: {  	[tilespmem:$0x9B10] =	vst v0  }
0x1bc: {  	[tilespmem:$0x9B20] =	vst v0  }
0x1bd: {  	[tilespmem:$0x9B30] =	vst v0  }
0x1be: {  	[tilespmem:$0x9B40] =	vst v0  }
0x1bf: {  	[tilespmem:$0x9B50] =	vst v0  }
0x1c0: {  	[tilespmem:$0x9B60] =	vst v0  }
0x1c1: {  	[tilespmem:$0x9B70] =	vst v0  }
0x1c2: {  	[tilespmem:$0x9B80] =	vst v0  }
0x1c3: {  	[tilespmem:$0x9B90] =	vst v0  }
0x1c4: {  	[tilespmem:$0x9BA0] =	vst v0  }
0x1c5: {  	[tilespmem:$0x9BB0] =	vst v0  }
0x1c6: {  	[tilespmem:$0x9BC0] =	vst v0  }
0x1c7: {  	[tilespmem:$0x9BD0] =	vst v0  }
0x1c8: {  	[tilespmem:$0x9BE0] =	vst v0  }
0x1c9: {  	[tilespmem:$0x9BF0] =	vst v0  }
0x1ca: {  	[tilespmem:$0x9C00] =	vst v0  }
0x1cb: {  	[tilespmem:$0x9C10] =	vst v0  }
0x1cc: {  	[tilespmem:$0x9C20] =	vst v0  }
0x1cd: {  	[tilespmem:$0x9C30] =	vst v0  }
0x1ce: {  	[tilespmem:$0x9C40] =	vst v0  }
0x1cf: {  	[tilespmem:$0x9C50] =	vst v0  }
0x1d0: {  	[tilespmem:$0x9C60] =	vst v0  }
0x1d1: {  	[tilespmem:$0x9C70] =	vst v0  }
0x1d2: {  	[tilespmem:$0x9C80] =	vst v0  }
0x1d3: {  	[tilespmem:$0x9C90] =	vst v0  }
0x1d4: {  	[tilespmem:$0x9CA0] =	vst v0  }
0x1d5: {  	[tilespmem:$0x9CB0] =	vst v0  }
0x1d6: {  	[tilespmem:$0x9CC0] =	vst v0  }
0x1d7: {  	[tilespmem:$0x9CD0] =	vst v0  }
0x1d8: {  	[tilespmem:$0x9CE0] =	vst v0  }
0x1d9: {  	[tilespmem:$0x9CF0] =	vst v0  }
0x1da: {  	[tilespmem:$0x9D00] =	vst v0  }
0x1db: {  	[tilespmem:$0x9D10] =	vst v0  }
0x1dc: {  	[tilespmem:$0x9D20] =	vst v0  }
0x1dd: {  	[tilespmem:$0x9D30] =	vst v0  }
0x1de: {  	[tilespmem:$0x9D40] =	vst v0  }
0x1df: {  	[tilespmem:$0x9D50] =	vst v0  }
0x1e0: {  	[tilespmem:$0x9D60] =	vst v0  }
0x1e1: {  	[tilespmem:$0x9D70] =	vst v0  }
0x1e2: {  	[tilespmem:$0x9D80] =	vst v0  }
0x1e3: {  	[tilespmem:$0x9D90] =	vst v0  }
0x1e4: {  	[tilespmem:$0x9DA0] =	vst v0  }
0x1e5: {  	[tilespmem:$0x9DB0] =	vst v0  }
0x1e6: {  	[tilespmem:$0x9DC0] =	vst v0  }
0x1e7: {  	[tilespmem:$0x9DD0] =	vst v0  }
0x1e8: {  	[tilespmem:$0x9DE0] =	vst v0  }
0x1e9: {  	[tilespmem:$0x9DF0] =	vst v0  }
0x1ea: {  	[tilespmem:$0x9E00] =	vst v0  }
0x1eb: {  	[tilespmem:$0x9E10] =	vst v0  }
0x1ec: {  	[tilespmem:$0x9E20] =	vst v0  }
0x1ed: {  	[tilespmem:$0x9E30] =	vst v0  }
0x1ee: {  	[tilespmem:$0x9E40] =	vst v0  }
0x1ef: {  	[tilespmem:$0x9E50] =	vst v0  }
0x1f0: {  	[tilespmem:$0x9E60] =	vst v0  }
0x1f1: {  	[tilespmem:$0x9E70] =	vst v0  }
0x1f2: {  	[tilespmem:$0x9E80] =	vst v0  }
0x1f3: {  	[tilespmem:$0x9E90] =	vst v0  }
0x1f4: {  	[tilespmem:$0x9EA0] =	vst v0  }
0x1f5: {  	[tilespmem:$0x9EB0] =	vst v0  }
0x1f6: {  	[tilespmem:$0x9EC0] =	vst v0  }
0x1f7: {  	[tilespmem:$0x9ED0] =	vst v0  }
0x1f8: {  	[tilespmem:$0x9EE0] =	vst v0  }
0x1f9: {  	[tilespmem:$0x9EF0] =	vst v0  }
0x1fa: {  	[tilespmem:$0x9F00] =	vst v0  }
0x1fb: {  	[tilespmem:$0x9F10] =	vst v0  }
0x1fc: {  	[tilespmem:$0x9F20] =	vst v0  }
0x1fd: {  	[tilespmem:$0x9F30] =	vst v0  }
0x1fe: {  	[tilespmem:$0x9F40] =	vst v0  }
0x1ff: {  	[tilespmem:$0x9F50] =	vst v0  }
0x200: {  	[tilespmem:$0x9F60] =	vst v0  }
0x201: {  	[tilespmem:$0x9F70] =	vst v0  }
0x202: {  	[tilespmem:$0x9F80] =	vst v0  }
0x203: {  	[tilespmem:$0x9F90] =	vst v0  }
0x204: {  	[tilespmem:$0x9FA0] =	vst v0  }
0x205: {  	[tilespmem:$0x9FB0] =	vst v0  }
0x206: {  	[tilespmem:$0x9FC0] =	vst v0  }
0x207: {  	[tilespmem:$0x9FD0] =	vst v0  }
0x208: {  	[tilespmem:$0x9FE0] =	vst v0  }
0x209: {  	[tilespmem:$0x9FF0] =	vst v0  }
0x20a: {  	[tilespmem:$0xA000] =	vst v0  }
0x20b: {  	[tilespmem:$0xA010] =	vst v0  }
0x20c: {  	[tilespmem:$0xA020] =	vst v0  }
0x20d: {  	[tilespmem:$0xA030] =	vst v0  }
0x20e: {  	[tilespmem:$0xA040] =	vst v0  }
0x20f: {  	[tilespmem:$0xA050] =	vst v0  }
0x210: {  	[tilespmem:$0xA060] =	vst v0  }
0x211: {  	[tilespmem:$0xA070] =	vst v0  }
0x212: {  	[tilespmem:$0xA080] =	vst v0  }
0x213: {  	[tilespmem:$0xA090] =	vst v0  }
0x214: {  	[tilespmem:$0xA0A0] =	vst v0  }
0x215: {  	[tilespmem:$0xA0B0] =	vst v0  }
0x216: {  	[tilespmem:$0xA0C0] =	vst v0  }
0x217: {  	[tilespmem:$0xA0D0] =	vst v0  }
0x218: {  	[tilespmem:$0xA0E0] =	vst v0  }
0x219: {  	[tilespmem:$0xA0F0] =	vst v0  }
0x21a: {  	[tilespmem:$0xA100] =	vst v0  }
0x21b: {  	[tilespmem:$0xA110] =	vst v0  }
0x21c: {  	[tilespmem:$0xA120] =	vst v0  }
0x21d: {  	[tilespmem:$0xA130] =	vst v0  }
0x21e: {  	[tilespmem:$0xA140] =	vst v0  }
0x21f: {  	[tilespmem:$0xA150] =	vst v0  }
0x220: {  	[tilespmem:$0xA160] =	vst v0  }
0x221: {  	[tilespmem:$0xA180] =	vst v0  }
0x222: {  	v2 =	vld [tilespmem:$0x0];
	[tilespmem:$0xA190] =	vst v0  }
0x223: {  	[tilespmem:$0xA1A0] =	vst v0  }
0x224: {  	[tilespmem:$0xA1B0] =	vst v0  }
0x225: {  	[tilespmem:$0xA1C0] =	vst v0  }
0x226: {  	[tilespmem:$0xA1D0] =	vst v0  }
0x227: {  	[tilespmem:$0xA1E0] =	vst v0  }
0x228: {  	[tilespmem:$0x9610] =	vst v0  }
0x229: {  	[tilespmem:$0xA1F0] =	vst v0  }
0x22a: {  	[tilespmem:v2+s17+$0x0] =	vst.idx.add.s32.msk $0x1, v1  }
0x22b: {  	[tilespmem:v2+s17+$0x0] =	vst.idx.add.s32.msk vm0, v1  }
0x22c: {  	[tilespmem:v2+s17+$0x0] =	vst.idx.add.s32.msk vm1, v1  }
0x22d: {  	[tilespmem:v2+s17+$0x0] =	vst.idx.add.s32.msk vm2, v1  }
0x22e: {  	[tilespmem:v2+s17+$0x0] =	vst.idx.add.s32.msk vm3, v1  }
0x22f: {  	[tilespmem:v2+s17+$0x0] =	vst.idx.add.s32.msk vm4, v1  }
0x230: {  	[tilespmem:v2+s17+$0x0] =	vst.idx.add.s32.msk vm5, v1  }
0x231: {  	[tilespmem:v2+s17+$0x0] =	vst.idx.add.s32.msk vm6, v1  }
0x232: {  	[tilespmem:v2+s17+$0x0] =	vst.idx.add.s32.msk vm7, v1  }
0x233: {  	[tilespmem:v2+s17+$0x0] =	vst.idx.add.s32.msk vm8, v1  }
0x234: {  	[tilespmem:v2+s17+$0x0] =	vst.idx.add.s32.msk vm9, v1  }
0x235: {  	[tilespmem:v2+s17+$0x0] =	vst.idx.add.s32.msk vm10, v1  }
0x236: {  	[tilespmem:v2+s17+$0x0] =	vst.idx.add.s32.msk vm11, v1  }
0x237: {  	[tilespmem:v2+s17+$0x0] =	vst.idx.add.s32.msk vm12, v1  }
0x238: {  	[tilespmem:v2+s17+$0x0] =	vst.idx.add.s32.msk vm13, v1  }
0x239: {  	[tilespmem:v2+s17+$0x0] =	vst.idx.add.s32.msk vm14, v1  }
0x23a: {  	v2 =	vld [tilespmem:$0x10];
	_ =	sdelay $0x7  }
0x23b: {  	[tilespmem:v2+s17+$0x0] =	vst.idx.add.s32.msk $0x1, v1  }
0x23c: {  	[tilespmem:v2+s17+$0x0] =	vst.idx.add.s32.msk vm0, v1  }
0x23d: {  	[tilespmem:v2+s17+$0x0] =	vst.idx.add.s32.msk vm1, v1  }
0x23e: {  	[tilespmem:v2+s17+$0x0] =	vst.idx.add.s32.msk vm2, v1  }
0x23f: {  	[tilespmem:v2+s17+$0x0] =	vst.idx.add.s32.msk vm3, v1  }
0x240: {  	[tilespmem:v2+s17+$0x0] =	vst.idx.add.s32.msk vm4, v1  }
0x241: {  	[tilespmem:v2+s17+$0x0] =	vst.idx.add.s32.msk vm5, v1  }
0x242: {  	[tilespmem:v2+s17+$0x0] =	vst.idx.add.s32.msk vm6, v1  }
0x243: {  	[tilespmem:v2+s17+$0x0] =	vst.idx.add.s32.msk vm7, v1  }
0x244: {  	[tilespmem:v2+s17+$0x0] =	vst.idx.add.s32.msk vm8, v1  }
0x245: {  	[tilespmem:v2+s17+$0x0] =	vst.idx.add.s32.msk vm9, v1  }
0x246: {  	[tilespmem:v2+s17+$0x0] =	vst.idx.add.s32.msk vm10, v1  }
0x247: {  	[tilespmem:v2+s17+$0x0] =	vst.idx.add.s32.msk vm11, v1  }
0x248: {  	[tilespmem:v2+s17+$0x0] =	vst.idx.add.s32.msk vm12, v1  }
0x249: {  	[tilespmem:v2+s17+$0x0] =	vst.idx.add.s32.msk vm13, v1  }
0x24a: {  	[tilespmem:v2+s17+$0x0] =	vst.idx.add.s32.msk vm14, v1  }
0x24b: {  	v2 =	vld [tilespmem:$0x20];
	_ =	sdelay $0x7  }
0x24c: {  	[tilespmem:v2+s17+$0x0] =	vst.idx.add.s32.msk $0x1, v1  }
0x24d: {  	[tilespmem:v2+s17+$0x0] =	vst.idx.add.s32.msk vm0, v1  }
0x24e: {  	[tilespmem:v2+s17+$0x0] =	vst.idx.add.s32.msk vm1, v1  }
0x24f: {  	[tilespmem:v2+s17+$0x0] =	vst.idx.add.s32.msk vm2, v1  }
0x250: {  	[tilespmem:v2+s17+$0x0] =	vst.idx.add.s32.msk vm3, v1  }
0x251: {  	[tilespmem:v2+s17+$0x0] =	vst.idx.add.s32.msk vm4, v1  }
0x252: {  	[tilespmem:v2+s17+$0x0] =	vst.idx.add.s32.msk vm5, v1  }
0x253: {  	[tilespmem:v2+s17+$0x0] =	vst.idx.add.s32.msk vm6, v1  }
0x254: {  	[tilespmem:v2+s17+$0x0] =	vst.idx.add.s32.msk vm7, v1  }
0x255: {  	[tilespmem:v2+s17+$0x0] =	vst.idx.add.s32.msk vm8, v1  }
0x256: {  	[tilespmem:v2+s17+$0x0] =	vst.idx.add.s32.msk vm9, v1  }
0x257: {  	[tilespmem:v2+s17+$0x0] =	vst.idx.add.s32.msk vm10, v1  }
0x258: {  	[tilespmem:v2+s17+$0x0] =	vst.idx.add.s32.msk vm11, v1  }
0x259: {  	[tilespmem:v2+s17+$0x0] =	vst.idx.add.s32.msk vm12, v1  }
0x25a: {  	[tilespmem:v2+s17+$0x0] =	vst.idx.add.s32.msk vm13, v1  }
0x25b: {  	[tilespmem:v2+s17+$0x0] =	vst.idx.add.s32.msk vm14, v1  }
0x25c: {  	v2 =	vld [tilespmem:$0x30];
	_ =	sdelay $0x7  }
0x25d: {  	[tilespmem:v2+s17+$0x0] =	vst.idx.add.s32.msk $0x1, v1  }
0x25e: {  	[tilespmem:v2+s17+$0x0] =	vst.idx.add.s32.msk vm0, v1  }
0x25f: {  	[tilespmem:v2+s17+$0x0] =	vst.idx.add.s32.msk vm1, v1  }
0x260: {  	[tilespmem:v2+s17+$0x0] =	vst.idx.add.s32.msk vm2, v1  }
0x261: {  	[tilespmem:v2+s17+$0x0] =	vst.idx.add.s32.msk vm3, v1  }
0x262: {  	[tilespmem:v2+s17+$0x0] =	vst.idx.add.s32.msk vm4, v1  }
0x263: {  	[tilespmem:v2+s17+$0x0] =	vst.idx.add.s32.msk vm5, v1  }
0x264: {  	[tilespmem:v2+s17+$0x0] =	vst.idx.add.s32.msk vm6, v1  }
0x265: {  	[tilespmem:v2+s17+$0x0] =	vst.idx.add.s32.msk vm7, v1  }
0x266: {  	[tilespmem:v2+s17+$0x0] =	vst.idx.add.s32.msk vm8, v1  }
0x267: {  	[tilespmem:v2+s17+$0x0] =	vst.idx.add.s32.msk vm9, v1  }
0x268: {  	[tilespmem:v2+s17+$0x0] =	vst.idx.add.s32.msk vm10, v1  }
0x269: {  	[tilespmem:v2+s17+$0x0] =	vst.idx.add.s32.msk vm11, v1  }
0x26a: {  	[tilespmem:v2+s17+$0x0] =	vst.idx.add.s32.msk vm12, v1  }
0x26b: {  	[tilespmem:v2+s17+$0x0] =	vst.idx.add.s32.msk vm13, v1  }
0x26c: {  	[tilespmem:v2+s17+$0x0] =	vst.idx.add.s32.msk vm14, v1  }
0x26d: {  	v2 =	vld [tilespmem:$0x40];
	_ =	sdelay $0x7  }
0x26e: {  	[tilespmem:v2+s17+$0x0] =	vst.idx.add.s32.msk $0x1, v1  }
0x26f: {  	[tilespmem:v2+s17+$0x0] =	vst.idx.add.s32.msk vm0, v1  }
0x270: {  	[tilespmem:v2+s17+$0x0] =	vst.idx.add.s32.msk vm1, v1  }
0x271: {  	[tilespmem:v2+s17+$0x0] =	vst.idx.add.s32.msk vm2, v1  }
0x272: {  	[tilespmem:v2+s17+$0x0] =	vst.idx.add.s32.msk vm3, v1  }
0x273: {  	[tilespmem:v2+s17+$0x0] =	vst.idx.add.s32.msk vm4, v1  }
0x274: {  	[tilespmem:v2+s17+$0x0] =	vst.idx.add.s32.msk vm5, v1  }
0x275: {  	[tilespmem:v2+s17+$0x0] =	vst.idx.add.s32.msk vm6, v1  }
0x276: {  	[tilespmem:v2+s17+$0x0] =	vst.idx.add.s32.msk vm7, v1  }
0x277: {  	[tilespmem:v2+s17+$0x0] =	vst.idx.add.s32.msk vm8, v1  }
0x278: {  	[tilespmem:v2+s17+$0x0] =	vst.idx.add.s32.msk vm9, v1  }
0x279: {  	[tilespmem:v2+s17+$0x0] =	vst.idx.add.s32.msk vm10, v1  }
0x27a: {  	[tilespmem:v2+s17+$0x0] =	vst.idx.add.s32.msk vm11, v1  }
0x27b: {  	[tilespmem:v2+s17+$0x0] =	vst.idx.add.s32.msk vm12, v1  }
0x27c: {  	[tilespmem:v2+s17+$0x0] =	vst.idx.add.s32.msk vm13, v1  }
0x27d: {  	[tilespmem:v2+s17+$0x0] =	vst.idx.add.s32.msk vm14, v1  }
0x27e: {  	v2 =	vld [tilespmem:$0x50];
	_ =	sdelay $0x7  }
0x27f: {  	[tilespmem:v2+s17+$0x0] =	vst.idx.add.s32.msk $0x1, v1  }
0x280: {  	[tilespmem:v2+s17+$0x0] =	vst.idx.add.s32.msk vm0, v1  }
0x281: {  	[tilespmem:v2+s17+$0x0] =	vst.idx.add.s32.msk vm1, v1  }
0x282: {  	[tilespmem:v2+s17+$0x0] =	vst.idx.add.s32.msk vm2, v1  }
0x283: {  	[tilespmem:v2+s17+$0x0] =	vst.idx.add.s32.msk vm3, v1  }
0x284: {  	[tilespmem:v2+s17+$0x0] =	vst.idx.add.s32.msk vm4, v1  }
0x285: {  	[tilespmem:v2+s17+$0x0] =	vst.idx.add.s32.msk vm5, v1  }
0x286: {  	[tilespmem:v2+s17+$0x0] =	vst.idx.add.s32.msk vm6, v1  }
0x287: {  	[tilespmem:v2+s17+$0x0] =	vst.idx.add.s32.msk vm7, v1  }
0x288: {  	[tilespmem:v2+s17+$0x0] =	vst.idx.add.s32.msk vm8, v1  }
0x289: {  	[tilespmem:v2+s17+$0x0] =	vst.idx.add.s32.msk vm9, v1  }
0x28a: {  	[tilespmem:v2+s17+$0x0] =	vst.idx.add.s32.msk vm10, v1  }
0x28b: {  	[tilespmem:v2+s17+$0x0] =	vst.idx.add.s32.msk vm11, v1  }
0x28c: {  	[tilespmem:v2+s17+$0x0] =	vst.idx.add.s32.msk vm12, v1  }
0x28d: {  	[tilespmem:v2+s17+$0x0] =	vst.idx.add.s32.msk vm13, v1  }
0x28e: {  	[tilespmem:v2+s17+$0x0] =	vst.idx.add.s32.msk vm14, v1  }
0x28f: {  	v2 =	vld [tilespmem:$0x60];
	_ =	sdelay $0x7  }
0x290: {  	[tilespmem:v2+s17+$0x0] =	vst.idx.add.s32.msk $0x1, v1  }
0x291: {  	[tilespmem:v2+s17+$0x0] =	vst.idx.add.s32.msk vm0, v1  }
0x292: {  	[tilespmem:v2+s17+$0x0] =	vst.idx.add.s32.msk vm1, v1  }
0x293: {  	[tilespmem:v2+s17+$0x0] =	vst.idx.add.s32.msk vm2, v1  }
0x294: {  	[tilespmem:v2+s17+$0x0] =	vst.idx.add.s32.msk vm3, v1  }
0x295: {  	[tilespmem:v2+s17+$0x0] =	vst.idx.add.s32.msk vm4, v1  }
0x296: {  	[tilespmem:v2+s17+$0x0] =	vst.idx.add.s32.msk vm5, v1  }
0x297: {  	[tilespmem:v2+s17+$0x0] =	vst.idx.add.s32.msk vm6, v1  }
0x298: {  	[tilespmem:v2+s17+$0x0] =	vst.idx.add.s32.msk vm7, v1  }
0x299: {  	[tilespmem:v2+s17+$0x0] =	vst.idx.add.s32.msk vm8, v1  }
0x29a: {  	[tilespmem:v2+s17+$0x0] =	vst.idx.add.s32.msk vm9, v1  }
0x29b: {  	[tilespmem:v2+s17+$0x0] =	vst.idx.add.s32.msk vm10, v1  }
0x29c: {  	[tilespmem:v2+s17+$0x0] =	vst.idx.add.s32.msk vm11, v1  }
0x29d: {  	[tilespmem:v2+s17+$0x0] =	vst.idx.add.s32.msk vm12, v1  }
0x29e: {  	[tilespmem:v2+s17+$0x0] =	vst.idx.add.s32.msk vm13, v1  }
0x29f: {  	[tilespmem:v2+s17+$0x0] =	vst.idx.add.s32.msk vm14, v1  }
0x2a0: {  	v2 =	vld [tilespmem:$0x70];
	_ =	sdelay $0x7  }
0x2a1: {  	[tilespmem:v2+s17+$0x0] =	vst.idx.add.s32.msk $0x1, v1  }
0x2a2: {  	[tilespmem:v2+s17+$0x0] =	vst.idx.add.s32.msk vm0, v1  }
0x2a3: {  	[tilespmem:v2+s17+$0x0] =	vst.idx.add.s32.msk vm1, v1  }
0x2a4: {  	[tilespmem:v2+s17+$0x0] =	vst.idx.add.s32.msk vm2, v1  }
0x2a5: {  	[tilespmem:v2+s17+$0x0] =	vst.idx.add.s32.msk vm3, v1  }
0x2a6: {  	[tilespmem:v2+s17+$0x0] =	vst.idx.add.s32.msk vm4, v1  }
0x2a7: {  	[tilespmem:v2+s17+$0x0] =	vst.idx.add.s32.msk vm5, v1  }
0x2a8: {  	[tilespmem:v2+s17+$0x0] =	vst.idx.add.s32.msk vm6, v1  }
0x2a9: {  	[tilespmem:v2+s17+$0x0] =	vst.idx.add.s32.msk vm7, v1  }
0x2aa: {  	[tilespmem:v2+s17+$0x0] =	vst.idx.add.s32.msk vm8, v1  }
0x2ab: {  	[tilespmem:v2+s17+$0x0] =	vst.idx.add.s32.msk vm9, v1  }
0x2ac: {  	[tilespmem:v2+s17+$0x0] =	vst.idx.add.s32.msk vm10, v1  }
0x2ad: {  	[tilespmem:v2+s17+$0x0] =	vst.idx.add.s32.msk vm11, v1  }
0x2ae: {  	[tilespmem:v2+s17+$0x0] =	vst.idx.add.s32.msk vm12, v1  }
0x2af: {  	[tilespmem:v2+s17+$0x0] =	vst.idx.add.s32.msk vm13, v1  }
0x2b0: {  	[tilespmem:v2+s17+$0x0] =	vst.idx.add.s32.msk vm14, v1  }
0x2b1: {  	v2 =	vld [tilespmem:$0x80];
	_ =	sdelay $0x7  }
0x2b2: {  	[tilespmem:v2+s17+$0x0] =	vst.idx.add.s32.msk $0x1, v1  }
0x2b3: {  	[tilespmem:v2+s17+$0x0] =	vst.idx.add.s32.msk vm0, v1  }
0x2b4: {  	[tilespmem:v2+s17+$0x0] =	vst.idx.add.s32.msk vm1, v1  }
0x2b5: {  	[tilespmem:v2+s17+$0x0] =	vst.idx.add.s32.msk vm2, v1  }
0x2b6: {  	[tilespmem:v2+s17+$0x0] =	vst.idx.add.s32.msk vm3, v1  }
0x2b7: {  	[tilespmem:v2+s17+$0x0] =	vst.idx.add.s32.msk vm4, v1  }
0x2b8: {  	[tilespmem:v2+s17+$0x0] =	vst.idx.add.s32.msk vm5, v1  }
0x2b9: {  	[tilespmem:v2+s17+$0x0] =	vst.idx.add.s32.msk vm6, v1  }
0x2ba: {  	[tilespmem:v2+s17+$0x0] =	vst.idx.add.s32.msk vm7, v1  }
0x2bb: {  	[tilespmem:v2+s17+$0x0] =	vst.idx.add.s32.msk vm8, v1  }
0x2bc: {  	[tilespmem:v2+s17+$0x0] =	vst.idx.add.s32.msk vm9, v1  }
0x2bd: {  	[tilespmem:v2+s17+$0x0] =	vst.idx.add.s32.msk vm10, v1  }
0x2be: {  	[tilespmem:v2+s17+$0x0] =	vst.idx.add.s32.msk vm11, v1  }
0x2bf: {  	[tilespmem:v2+s17+$0x0] =	vst.idx.add.s32.msk vm12, v1  }
0x2c0: {  	[tilespmem:v2+s17+$0x0] =	vst.idx.add.s32.msk vm13, v1  }
0x2c1: {  	[tilespmem:v2+s17+$0x0] =	vst.idx.add.s32.msk vm14, v1  }
0x2c2: {  	v2 =	vld [tilespmem:$0x90];
	_ =	sdelay $0x7  }
0x2c3: {  	[tilespmem:v2+s17+$0x0] =	vst.idx.add.s32.msk $0x1, v1  }
0x2c4: {  	[tilespmem:v2+s17+$0x0] =	vst.idx.add.s32.msk vm0, v1  }
0x2c5: {  	[tilespmem:v2+s17+$0x0] =	vst.idx.add.s32.msk vm1, v1  }
0x2c6: {  	[tilespmem:v2+s17+$0x0] =	vst.idx.add.s32.msk vm2, v1  }
0x2c7: {  	[tilespmem:v2+s17+$0x0] =	vst.idx.add.s32.msk vm3, v1  }
0x2c8: {  	[tilespmem:v2+s17+$0x0] =	vst.idx.add.s32.msk vm4, v1  }
0x2c9: {  	[tilespmem:v2+s17+$0x0] =	vst.idx.add.s32.msk vm5, v1  }
0x2ca: {  	[tilespmem:v2+s17+$0x0] =	vst.idx.add.s32.msk vm6, v1  }
0x2cb: {  	[tilespmem:v2+s17+$0x0] =	vst.idx.add.s32.msk vm7, v1  }
0x2cc: {  	[tilespmem:v2+s17+$0x0] =	vst.idx.add.s32.msk vm8, v1  }
0x2cd: {  	[tilespmem:v2+s17+$0x0] =	vst.idx.add.s32.msk vm9, v1  }
0x2ce: {  	[tilespmem:v2+s17+$0x0] =	vst.idx.add.s32.msk vm10, v1  }
0x2cf: {  	[tilespmem:v2+s17+$0x0] =	vst.idx.add.s32.msk vm11, v1  }
0x2d0: {  	[tilespmem:v2+s17+$0x0] =	vst.idx.add.s32.msk vm12, v1  }
0x2d1: {  	[tilespmem:v2+s17+$0x0] =	vst.idx.add.s32.msk vm13, v1  }
0x2d2: {  	[tilespmem:v2+s17+$0x0] =	vst.idx.add.s32.msk vm14, v1  }
0x2d3: {  	v2 =	vld [tilespmem:$0xA0];
	_ =	sdelay $0x7  }
0x2d4: {  	[tilespmem:v2+s17+$0x0] =	vst.idx.add.s32.msk $0x1, v1  }
0x2d5: {  	[tilespmem:v2+s17+$0x0] =	vst.idx.add.s32.msk vm0, v1  }
0x2d6: {  	[tilespmem:v2+s17+$0x0] =	vst.idx.add.s32.msk vm1, v1  }
0x2d7: {  	[tilespmem:v2+s17+$0x0] =	vst.idx.add.s32.msk vm2, v1  }
0x2d8: {  	[tilespmem:v2+s17+$0x0] =	vst.idx.add.s32.msk vm3, v1  }
0x2d9: {  	[tilespmem:v2+s17+$0x0] =	vst.idx.add.s32.msk vm4, v1  }
0x2da: {  	[tilespmem:v2+s17+$0x0] =	vst.idx.add.s32.msk vm5, v1  }
0x2db: {  	[tilespmem:v2+s17+$0x0] =	vst.idx.add.s32.msk vm6, v1  }
0x2dc: {  	[tilespmem:v2+s17+$0x0] =	vst.idx.add.s32.msk vm7, v1  }
0x2dd: {  	[tilespmem:v2+s17+$0x0] =	vst.idx.add.s32.msk vm8, v1  }
0x2de: {  	[tilespmem:v2+s17+$0x0] =	vst.idx.add.s32.msk vm9, v1  }
0x2df: {  	[tilespmem:v2+s17+$0x0] =	vst.idx.add.s32.msk vm10, v1  }
0x2e0: {  	[tilespmem:v2+s17+$0x0] =	vst.idx.add.s32.msk vm11, v1  }
0x2e1: {  	[tilespmem:v2+s17+$0x0] =	vst.idx.add.s32.msk vm12, v1  }
0x2e2: {  	[tilespmem:v2+s17+$0x0] =	vst.idx.add.s32.msk vm13, v1  }
0x2e3: {  	[tilespmem:v2+s17+$0x0] =	vst.idx.add.s32.msk vm14, v1  }
0x2e4: {  	v2 =	vld [tilespmem:$0xB0];
	_ =	sdelay $0x7  }
0x2e5: {  	[tilespmem:v2+s17+$0x0] =	vst.idx.add.s32.msk $0x1, v1  }
0x2e6: {  	[tilespmem:v2+s17+$0x0] =	vst.idx.add.s32.msk vm0, v1  }
0x2e7: {  	[tilespmem:v2+s17+$0x0] =	vst.idx.add.s32.msk vm1, v1  }
0x2e8: {  	[tilespmem:v2+s17+$0x0] =	vst.idx.add.s32.msk vm2, v1  }
0x2e9: {  	[tilespmem:v2+s17+$0x0] =	vst.idx.add.s32.msk vm3, v1  }
0x2ea: {  	[tilespmem:v2+s17+$0x0] =	vst.idx.add.s32.msk vm4, v1  }
0x2eb: {  	[tilespmem:v2+s17+$0x0] =	vst.idx.add.s32.msk vm5, v1  }
0x2ec: {  	[tilespmem:v2+s17+$0x0] =	vst.idx.add.s32.msk vm6, v1  }
0x2ed: {  	[tilespmem:v2+s17+$0x0] =	vst.idx.add.s32.msk vm7, v1  }
0x2ee: {  	[tilespmem:v2+s17+$0x0] =	vst.idx.add.s32.msk vm8, v1  }
0x2ef: {  	[tilespmem:v2+s17+$0x0] =	vst.idx.add.s32.msk vm9, v1  }
0x2f0: {  	[tilespmem:v2+s17+$0x0] =	vst.idx.add.s32.msk vm10, v1  }
0x2f1: {  	[tilespmem:v2+s17+$0x0] =	vst.idx.add.s32.msk vm11, v1  }
0x2f2: {  	[tilespmem:v2+s17+$0x0] =	vst.idx.add.s32.msk vm12, v1  }
0x2f3: {  	[tilespmem:v2+s17+$0x0] =	vst.idx.add.s32.msk vm13, v1  }
0x2f4: {  	[tilespmem:v2+s17+$0x0] =	vst.idx.add.s32.msk vm14, v1  }
0x2f5: {  	v2 =	vld [tilespmem:$0xC0];
	_ =	sdelay $0x7  }
0x2f6: {  	[tilespmem:v2+s17+$0x0] =	vst.idx.add.s32.msk $0x1, v1  }
0x2f7: {  	[tilespmem:v2+s17+$0x0] =	vst.idx.add.s32.msk vm0, v1  }
0x2f8: {  	[tilespmem:v2+s17+$0x0] =	vst.idx.add.s32.msk vm1, v1  }
0x2f9: {  	[tilespmem:v2+s17+$0x0] =	vst.idx.add.s32.msk vm2, v1  }
0x2fa: {  	[tilespmem:v2+s17+$0x0] =	vst.idx.add.s32.msk vm3, v1  }
0x2fb: {  	[tilespmem:v2+s17+$0x0] =	vst.idx.add.s32.msk vm4, v1  }
0x2fc: {  	[tilespmem:v2+s17+$0x0] =	vst.idx.add.s32.msk vm5, v1  }
0x2fd: {  	[tilespmem:v2+s17+$0x0] =	vst.idx.add.s32.msk vm6, v1  }
0x2fe: {  	[tilespmem:v2+s17+$0x0] =	vst.idx.add.s32.msk vm7, v1  }
0x2ff: {  	[tilespmem:v2+s17+$0x0] =	vst.idx.add.s32.msk vm8, v1  }
0x300: {  	[tilespmem:v2+s17+$0x0] =	vst.idx.add.s32.msk vm9, v1  }
0x301: {  	[tilespmem:v2+s17+$0x0] =	vst.idx.add.s32.msk vm10, v1  }
0x302: {  	[tilespmem:v2+s17+$0x0] =	vst.idx.add.s32.msk vm11, v1  }
0x303: {  	[tilespmem:v2+s17+$0x0] =	vst.idx.add.s32.msk vm12, v1  }
0x304: {  	[tilespmem:v2+s17+$0x0] =	vst.idx.add.s32.msk vm13, v1  }
0x305: {  	[tilespmem:v2+s17+$0x0] =	vst.idx.add.s32.msk vm14, v1  }
0x306: {  	v2 =	vld [tilespmem:$0xD0];
	_ =	sdelay $0x7  }
0x307: {  	[tilespmem:v2+s17+$0x0] =	vst.idx.add.s32.msk $0x1, v1  }
0x308: {  	[tilespmem:v2+s17+$0x0] =	vst.idx.add.s32.msk vm0, v1  }
0x309: {  	[tilespmem:v2+s17+$0x0] =	vst.idx.add.s32.msk vm1, v1  }
0x30a: {  	[tilespmem:v2+s17+$0x0] =	vst.idx.add.s32.msk vm2, v1  }
0x30b: {  	[tilespmem:v2+s17+$0x0] =	vst.idx.add.s32.msk vm3, v1  }
0x30c: {  	[tilespmem:v2+s17+$0x0] =	vst.idx.add.s32.msk vm4, v1  }
0x30d: {  	[tilespmem:v2+s17+$0x0] =	vst.idx.add.s32.msk vm5, v1  }
0x30e: {  	[tilespmem:v2+s17+$0x0] =	vst.idx.add.s32.msk vm6, v1  }
0x30f: {  	[tilespmem:v2+s17+$0x0] =	vst.idx.add.s32.msk vm7, v1  }
0x310: {  	[tilespmem:v2+s17+$0x0] =	vst.idx.add.s32.msk vm8, v1  }
0x311: {  	[tilespmem:v2+s17+$0x0] =	vst.idx.add.s32.msk vm9, v1  }
0x312: {  	[tilespmem:v2+s17+$0x0] =	vst.idx.add.s32.msk vm10, v1  }
0x313: {  	[tilespmem:v2+s17+$0x0] =	vst.idx.add.s32.msk vm11, v1  }
0x314: {  	[tilespmem:v2+s17+$0x0] =	vst.idx.add.s32.msk vm12, v1  }
0x315: {  	[tilespmem:v2+s17+$0x0] =	vst.idx.add.s32.msk vm13, v1  }
0x316: {  	[tilespmem:v2+s17+$0x0] =	vst.idx.add.s32.msk vm14, v1  }
0x317: {  	v2 =	vld [tilespmem:$0xE0];
	_ =	sdelay $0x7  }
0x318: {  	[tilespmem:v2+s17+$0x0] =	vst.idx.add.s32.msk $0x1, v1  }
0x319: {  	[tilespmem:v2+s17+$0x0] =	vst.idx.add.s32.msk vm0, v1  }
0x31a: {  	[tilespmem:v2+s17+$0x0] =	vst.idx.add.s32.msk vm1, v1  }
0x31b: {  	[tilespmem:v2+s17+$0x0] =	vst.idx.add.s32.msk vm2, v1  }
0x31c: {  	[tilespmem:v2+s17+$0x0] =	vst.idx.add.s32.msk vm3, v1  }
0x31d: {  	[tilespmem:v2+s17+$0x0] =	vst.idx.add.s32.msk vm4, v1  }
0x31e: {  	[tilespmem:v2+s17+$0x0] =	vst.idx.add.s32.msk vm5, v1  }
0x31f: {  	[tilespmem:v2+s17+$0x0] =	vst.idx.add.s32.msk vm6, v1  }
0x320: {  	[tilespmem:v2+s17+$0x0] =	vst.idx.add.s32.msk vm7, v1  }
0x321: {  	[tilespmem:v2+s17+$0x0] =	vst.idx.add.s32.msk vm8, v1  }
0x322: {  	[tilespmem:v2+s17+$0x0] =	vst.idx.add.s32.msk vm9, v1  }
0x323: {  	[tilespmem:v2+s17+$0x0] =	vst.idx.add.s32.msk vm10, v1  }
0x324: {  	[tilespmem:v2+s17+$0x0] =	vst.idx.add.s32.msk vm11, v1  }
0x325: {  	[tilespmem:v2+s17+$0x0] =	vst.idx.add.s32.msk vm12, v1  }
0x326: {  	[tilespmem:v2+s17+$0x0] =	vst.idx.add.s32.msk vm13, v1  }
0x327: {  	[tilespmem:v2+s17+$0x0] =	vst.idx.add.s32.msk vm14, v1  }
0x328: {  	v2 =	vld [tilespmem:$0xF0];
	_ =	sdelay $0x7  }
0x329: {  	[tilespmem:v2+s17+$0x0] =	vst.idx.add.s32.msk $0x1, v1  }
0x32a: {  	[tilespmem:v2+s17+$0x0] =	vst.idx.add.s32.msk vm0, v1  }
0x32b: {  	[tilespmem:v2+s17+$0x0] =	vst.idx.add.s32.msk vm1, v1  }
0x32c: {  	[tilespmem:v2+s17+$0x0] =	vst.idx.add.s32.msk vm2, v1  }
0x32d: {  	[tilespmem:v2+s17+$0x0] =	vst.idx.add.s32.msk vm3, v1  }
0x32e: {  	[tilespmem:v2+s17+$0x0] =	vst.idx.add.s32.msk vm4, v1  }
0x32f: {  	[tilespmem:v2+s17+$0x0] =	vst.idx.add.s32.msk vm5, v1  }
0x330: {  	[tilespmem:v2+s17+$0x0] =	vst.idx.add.s32.msk vm6, v1  }
0x331: {  	[tilespmem:v2+s17+$0x0] =	vst.idx.add.s32.msk vm7, v1  }
0x332: {  	[tilespmem:v2+s17+$0x0] =	vst.idx.add.s32.msk vm8, v1  }
0x333: {  	[tilespmem:v2+s17+$0x0] =	vst.idx.add.s32.msk vm9, v1  }
0x334: {  	[tilespmem:v2+s17+$0x0] =	vst.idx.add.s32.msk vm10, v1  }
0x335: {  	[tilespmem:v2+s17+$0x0] =	vst.idx.add.s32.msk vm11, v1  }
0x336: {  	[tilespmem:v2+s17+$0x0] =	vst.idx.add.s32.msk vm12, v1  }
0x337: {  	[tilespmem:v2+s17+$0x0] =	vst.idx.add.s32.msk vm13, v1  }
0x338: {  	[tilespmem:v2+s17+$0x0] =	vst.idx.add.s32.msk vm14, v1  }
0x339: {  	v2 =	vld [tilespmem:$0x100];
	_ =	sdelay $0x7  }
0x33a: {  	[tilespmem:v2+s17+$0x0] =	vst.idx.add.s32.msk $0x1, v1  }
0x33b: {  	[tilespmem:v2+s17+$0x0] =	vst.idx.add.s32.msk vm0, v1  }
0x33c: {  	[tilespmem:v2+s17+$0x0] =	vst.idx.add.s32.msk vm1, v1  }
0x33d: {  	[tilespmem:v2+s17+$0x0] =	vst.idx.add.s32.msk vm2, v1  }
0x33e: {  	[tilespmem:v2+s17+$0x0] =	vst.idx.add.s32.msk vm3, v1  }
0x33f: {  	[tilespmem:v2+s17+$0x0] =	vst.idx.add.s32.msk vm4, v1  }
0x340: {  	[tilespmem:v2+s17+$0x0] =	vst.idx.add.s32.msk vm5, v1  }
0x341: {  	[tilespmem:v2+s17+$0x0] =	vst.idx.add.s32.msk vm6, v1  }
0x342: {  	[tilespmem:v2+s17+$0x0] =	vst.idx.add.s32.msk vm7, v1  }
0x343: {  	[tilespmem:v2+s17+$0x0] =	vst.idx.add.s32.msk vm8, v1  }
0x344: {  	[tilespmem:v2+s17+$0x0] =	vst.idx.add.s32.msk vm9, v1  }
0x345: {  	[tilespmem:v2+s17+$0x0] =	vst.idx.add.s32.msk vm10, v1  }
0x346: {  	[tilespmem:v2+s17+$0x0] =	vst.idx.add.s32.msk vm11, v1  }
0x347: {  	[tilespmem:v2+s17+$0x0] =	vst.idx.add.s32.msk vm12, v1  }
0x348: {  	[tilespmem:v2+s17+$0x0] =	vst.idx.add.s32.msk vm13, v1  }
0x349: {  	[tilespmem:v2+s17+$0x0] =	vst.idx.add.s32.msk vm14, v1  }
0x34a: {  	v2 =	vld [tilespmem:$0x110];
	_ =	sdelay $0x7  }
0x34b: {  	[tilespmem:v2+s17+$0x0] =	vst.idx.add.s32.msk $0x1, v1  }
0x34c: {  	[tilespmem:v2+s17+$0x0] =	vst.idx.add.s32.msk vm0, v1  }
0x34d: {  	[tilespmem:v2+s17+$0x0] =	vst.idx.add.s32.msk vm1, v1  }
0x34e: {  	[tilespmem:v2+s17+$0x0] =	vst.idx.add.s32.msk vm2, v1  }
0x34f: {  	[tilespmem:v2+s17+$0x0] =	vst.idx.add.s32.msk vm3, v1  }
0x350: {  	[tilespmem:v2+s17+$0x0] =	vst.idx.add.s32.msk vm4, v1  }
0x351: {  	[tilespmem:v2+s17+$0x0] =	vst.idx.add.s32.msk vm5, v1  }
0x352: {  	[tilespmem:v2+s17+$0x0] =	vst.idx.add.s32.msk vm6, v1  }
0x353: {  	[tilespmem:v2+s17+$0x0] =	vst.idx.add.s32.msk vm7, v1  }
0x354: {  	[tilespmem:v2+s17+$0x0] =	vst.idx.add.s32.msk vm8, v1  }
0x355: {  	[tilespmem:v2+s17+$0x0] =	vst.idx.add.s32.msk vm9, v1  }
0x356: {  	[tilespmem:v2+s17+$0x0] =	vst.idx.add.s32.msk vm10, v1  }
0x357: {  	[tilespmem:v2+s17+$0x0] =	vst.idx.add.s32.msk vm11, v1  }
0x358: {  	[tilespmem:v2+s17+$0x0] =	vst.idx.add.s32.msk vm12, v1  }
0x359: {  	[tilespmem:v2+s17+$0x0] =	vst.idx.add.s32.msk vm13, v1  }
0x35a: {  	[tilespmem:v2+s17+$0x0] =	vst.idx.add.s32.msk vm14, v1  }
0x35b: {  	v2 =	vld [tilespmem:$0x120];
	_ =	sdelay $0x7  }
0x35c: {  	[tilespmem:v2+s17+$0x0] =	vst.idx.add.s32.msk $0x1, v1  }
0x35d: {  	[tilespmem:v2+s17+$0x0] =	vst.idx.add.s32.msk vm0, v1  }
0x35e: {  	[tilespmem:v2+s17+$0x0] =	vst.idx.add.s32.msk vm1, v1  }
0x35f: {  	[tilespmem:v2+s17+$0x0] =	vst.idx.add.s32.msk vm2, v1  }
0x360: {  	[tilespmem:v2+s17+$0x0] =	vst.idx.add.s32.msk vm3, v1  }
0x361: {  	[tilespmem:v2+s17+$0x0] =	vst.idx.add.s32.msk vm4, v1  }
0x362: {  	[tilespmem:v2+s17+$0x0] =	vst.idx.add.s32.msk vm5, v1  }
0x363: {  	[tilespmem:v2+s17+$0x0] =	vst.idx.add.s32.msk vm6, v1  }
0x364: {  	[tilespmem:v2+s17+$0x0] =	vst.idx.add.s32.msk vm7, v1  }
0x365: {  	[tilespmem:v2+s17+$0x0] =	vst.idx.add.s32.msk vm8, v1  }
0x366: {  	[tilespmem:v2+s17+$0x0] =	vst.idx.add.s32.msk vm9, v1  }
0x367: {  	[tilespmem:v2+s17+$0x0] =	vst.idx.add.s32.msk vm10, v1  }
0x368: {  	[tilespmem:v2+s17+$0x0] =	vst.idx.add.s32.msk vm11, v1  }
0x369: {  	[tilespmem:v2+s17+$0x0] =	vst.idx.add.s32.msk vm12, v1  }
0x36a: {  	[tilespmem:v2+s17+$0x0] =	vst.idx.add.s32.msk vm13, v1  }
0x36b: {  	[tilespmem:v2+s17+$0x0] =	vst.idx.add.s32.msk vm14, v1  }
0x36c: {  	v2 =	vld [tilespmem:$0x130];
	_ =	sdelay $0x7  }
0x36d: {  	[tilespmem:v2+s17+$0x0] =	vst.idx.add.s32.msk $0x1, v1  }
0x36e: {  	[tilespmem:v2+s17+$0x0] =	vst.idx.add.s32.msk vm0, v1  }
0x36f: {  	[tilespmem:v2+s17+$0x0] =	vst.idx.add.s32.msk vm1, v1  }
0x370: {  	[tilespmem:v2+s17+$0x0] =	vst.idx.add.s32.msk vm2, v1  }
0x371: {  	[tilespmem:v2+s17+$0x0] =	vst.idx.add.s32.msk vm3, v1  }
0x372: {  	[tilespmem:v2+s17+$0x0] =	vst.idx.add.s32.msk vm4, v1  }
0x373: {  	[tilespmem:v2+s17+$0x0] =	vst.idx.add.s32.msk vm5, v1  }
0x374: {  	[tilespmem:v2+s17+$0x0] =	vst.idx.add.s32.msk vm6, v1  }
0x375: {  	[tilespmem:v2+s17+$0x0] =	vst.idx.add.s32.msk vm7, v1  }
0x376: {  	[tilespmem:v2+s17+$0x0] =	vst.idx.add.s32.msk vm8, v1  }
0x377: {  	[tilespmem:v2+s17+$0x0] =	vst.idx.add.s32.msk vm9, v1  }
0x378: {  	[tilespmem:v2+s17+$0x0] =	vst.idx.add.s32.msk vm10, v1  }
0x379: {  	[tilespmem:v2+s17+$0x0] =	vst.idx.add.s32.msk vm11, v1  }
0x37a: {  	[tilespmem:v2+s17+$0x0] =	vst.idx.add.s32.msk vm12, v1  }
0x37b: {  	[tilespmem:v2+s17+$0x0] =	vst.idx.add.s32.msk vm13, v1  }
0x37c: {  	[tilespmem:v2+s17+$0x0] =	vst.idx.add.s32.msk vm14, v1  }
0x37d: {  	v2 =	vld [tilespmem:$0x140];
	_ =	sdelay $0x7  }
0x37e: {  	[tilespmem:v2+s17+$0x0] =	vst.idx.add.s32.msk $0x1, v1  }
0x37f: {  	[tilespmem:v2+s17+$0x0] =	vst.idx.add.s32.msk vm0, v1  }
0x380: {  	[tilespmem:v2+s17+$0x0] =	vst.idx.add.s32.msk vm1, v1  }
0x381: {  	[tilespmem:v2+s17+$0x0] =	vst.idx.add.s32.msk vm2, v1  }
0x382: {  	[tilespmem:v2+s17+$0x0] =	vst.idx.add.s32.msk vm3, v1  }
0x383: {  	[tilespmem:v2+s17+$0x0] =	vst.idx.add.s32.msk vm4, v1  }
0x384: {  	[tilespmem:v2+s17+$0x0] =	vst.idx.add.s32.msk vm5, v1  }
0x385: {  	[tilespmem:v2+s17+$0x0] =	vst.idx.add.s32.msk vm6, v1  }
0x386: {  	[tilespmem:v2+s17+$0x0] =	vst.idx.add.s32.msk vm7, v1  }
0x387: {  	[tilespmem:v2+s17+$0x0] =	vst.idx.add.s32.msk vm8, v1  }
0x388: {  	[tilespmem:v2+s17+$0x0] =	vst.idx.add.s32.msk vm9, v1  }
0x389: {  	[tilespmem:v2+s17+$0x0] =	vst.idx.add.s32.msk vm10, v1  }
0x38a: {  	[tilespmem:v2+s17+$0x0] =	vst.idx.add.s32.msk vm11, v1  }
0x38b: {  	[tilespmem:v2+s17+$0x0] =	vst.idx.add.s32.msk vm12, v1  }
0x38c: {  	[tilespmem:v2+s17+$0x0] =	vst.idx.add.s32.msk vm13, v1  }
0x38d: {  	[tilespmem:v2+s17+$0x0] =	vst.idx.add.s32.msk vm14, v1  }
0x38e: {  	v2 =	vld [tilespmem:$0x150];
	_ =	sdelay $0x7  }
0x38f: {  	[tilespmem:v2+s17+$0x0] =	vst.idx.add.s32.msk $0x1, v1  }
0x390: {  	[tilespmem:v2+s17+$0x0] =	vst.idx.add.s32.msk vm0, v1  }
0x391: {  	[tilespmem:v2+s17+$0x0] =	vst.idx.add.s32.msk vm1, v1  }
0x392: {  	[tilespmem:v2+s17+$0x0] =	vst.idx.add.s32.msk vm2, v1  }
0x393: {  	[tilespmem:v2+s17+$0x0] =	vst.idx.add.s32.msk vm3, v1  }
0x394: {  	[tilespmem:v2+s17+$0x0] =	vst.idx.add.s32.msk vm4, v1  }
0x395: {  	[tilespmem:v2+s17+$0x0] =	vst.idx.add.s32.msk vm5, v1  }
0x396: {  	[tilespmem:v2+s17+$0x0] =	vst.idx.add.s32.msk vm6, v1  }
0x397: {  	[tilespmem:v2+s17+$0x0] =	vst.idx.add.s32.msk vm7, v1  }
0x398: {  	[tilespmem:v2+s17+$0x0] =	vst.idx.add.s32.msk vm8, v1  }
0x399: {  	[tilespmem:v2+s17+$0x0] =	vst.idx.add.s32.msk vm9, v1  }
0x39a: {  	[tilespmem:v2+s17+$0x0] =	vst.idx.add.s32.msk vm10, v1  }
0x39b: {  	[tilespmem:v2+s17+$0x0] =	vst.idx.add.s32.msk vm11, v1  }
0x39c: {  	[tilespmem:v2+s17+$0x0] =	vst.idx.add.s32.msk vm12, v1  }
0x39d: {  	[tilespmem:v2+s17+$0x0] =	vst.idx.add.s32.msk vm13, v1  }
0x39e: {  	[tilespmem:v2+s17+$0x0] =	vst.idx.add.s32.msk vm14, v1  }
0x39f: {  	v2 =	vld [tilespmem:$0x160];
	_ =	sdelay $0x7  }
0x3a0: {  	[tilespmem:v2+s17+$0x0] =	vst.idx.add.s32.msk $0x1, v1  }
0x3a1: {  	[tilespmem:v2+s17+$0x0] =	vst.idx.add.s32.msk vm0, v1  }
0x3a2: {  	[tilespmem:v2+s17+$0x0] =	vst.idx.add.s32.msk vm1, v1  }
0x3a3: {  	[tilespmem:v2+s17+$0x0] =	vst.idx.add.s32.msk vm2, v1  }
0x3a4: {  	[tilespmem:v2+s17+$0x0] =	vst.idx.add.s32.msk vm3, v1  }
0x3a5: {  	[tilespmem:v2+s17+$0x0] =	vst.idx.add.s32.msk vm4, v1  }
0x3a6: {  	[tilespmem:v2+s17+$0x0] =	vst.idx.add.s32.msk vm5, v1  }
0x3a7: {  	[tilespmem:v2+s17+$0x0] =	vst.idx.add.s32.msk vm6, v1  }
0x3a8: {  	[tilespmem:v2+s17+$0x0] =	vst.idx.add.s32.msk vm7, v1  }
0x3a9: {  	[tilespmem:v2+s17+$0x0] =	vst.idx.add.s32.msk vm8, v1  }
0x3aa: {  	[tilespmem:v2+s17+$0x0] =	vst.idx.add.s32.msk vm9, v1  }
0x3ab: {  	[tilespmem:v2+s17+$0x0] =	vst.idx.add.s32.msk vm10, v1  }
0x3ac: {  	[tilespmem:v2+s17+$0x0] =	vst.idx.add.s32.msk vm11, v1  }
0x3ad: {  	[tilespmem:v2+s17+$0x0] =	vst.idx.add.s32.msk vm12, v1  }
0x3ae: {  	[tilespmem:v2+s17+$0x0] =	vst.idx.add.s32.msk vm13, v1  }
0x3af: {  	[tilespmem:v2+s17+$0x0] =	vst.idx.add.s32.msk vm14, v1  }
0x3b0: {  	v2 =	vld [tilespmem:$0x170];
	_ =	sdelay $0x7  }
0x3b1: {  	[tilespmem:v2+s17+$0x0] =	vst.idx.add.s32.msk $0x1, v1  }
0x3b2: {  	[tilespmem:v2+s17+$0x0] =	vst.idx.add.s32.msk vm0, v1  }
0x3b3: {  	[tilespmem:v2+s17+$0x0] =	vst.idx.add.s32.msk vm1, v1  }
0x3b4: {  	[tilespmem:v2+s17+$0x0] =	vst.idx.add.s32.msk vm2, v1  }
0x3b5: {  	[tilespmem:v2+s17+$0x0] =	vst.idx.add.s32.msk vm3, v1  }
0x3b6: {  	[tilespmem:v2+s17+$0x0] =	vst.idx.add.s32.msk vm4, v1  }
0x3b7: {  	[tilespmem:v2+s17+$0x0] =	vst.idx.add.s32.msk vm5, v1  }
0x3b8: {  	[tilespmem:v2+s17+$0x0] =	vst.idx.add.s32.msk vm6, v1  }
0x3b9: {  	[tilespmem:v2+s17+$0x0] =	vst.idx.add.s32.msk vm7, v1  }
0x3ba: {  	[tilespmem:v2+s17+$0x0] =	vst.idx.add.s32.msk vm8, v1  }
0x3bb: {  	[tilespmem:v2+s17+$0x0] =	vst.idx.add.s32.msk vm9, v1  }
0x3bc: {  	[tilespmem:v2+s17+$0x0] =	vst.idx.add.s32.msk vm10, v1  }
0x3bd: {  	[tilespmem:v2+s17+$0x0] =	vst.idx.add.s32.msk vm11, v1  }
0x3be: {  	[tilespmem:v2+s17+$0x0] =	vst.idx.add.s32.msk vm12, v1  }
0x3bf: {  	[tilespmem:v2+s17+$0x0] =	vst.idx.add.s32.msk vm13, v1  }
0x3c0: {  	[tilespmem:v2+s17+$0x0] =	vst.idx.add.s32.msk vm14, v1  }
0x3c1: {  	v2 =	vld [tilespmem:$0x180];
	_ =	sdelay $0x7  }
0x3c2: {  	[tilespmem:v2+s17+$0x0] =	vst.idx.add.s32.msk $0x1, v1  }
0x3c3: {  	[tilespmem:v2+s17+$0x0] =	vst.idx.add.s32.msk vm0, v1  }
0x3c4: {  	[tilespmem:v2+s17+$0x0] =	vst.idx.add.s32.msk vm1, v1  }
0x3c5: {  	[tilespmem:v2+s17+$0x0] =	vst.idx.add.s32.msk vm2, v1  }
0x3c6: {  	[tilespmem:v2+s17+$0x0] =	vst.idx.add.s32.msk vm3, v1  }
0x3c7: {  	[tilespmem:v2+s17+$0x0] =	vst.idx.add.s32.msk vm4, v1  }
0x3c8: {  	[tilespmem:v2+s17+$0x0] =	vst.idx.add.s32.msk vm5, v1  }
0x3c9: {  	[tilespmem:v2+s17+$0x0] =	vst.idx.add.s32.msk vm6, v1  }
0x3ca: {  	[tilespmem:v2+s17+$0x0] =	vst.idx.add.s32.msk vm7, v1  }
0x3cb: {  	[tilespmem:v2+s17+$0x0] =	vst.idx.add.s32.msk vm8, v1  }
0x3cc: {  	[tilespmem:v2+s17+$0x0] =	vst.idx.add.s32.msk vm9, v1  }
0x3cd: {  	[tilespmem:v2+s17+$0x0] =	vst.idx.add.s32.msk vm10, v1  }
0x3ce: {  	[tilespmem:v2+s17+$0x0] =	vst.idx.add.s32.msk vm11, v1  }
0x3cf: {  	[tilespmem:v2+s17+$0x0] =	vst.idx.add.s32.msk vm12, v1  }
0x3d0: {  	[tilespmem:v2+s17+$0x0] =	vst.idx.add.s32.msk vm13, v1  }
0x3d1: {  	[tilespmem:v2+s17+$0x0] =	vst.idx.add.s32.msk vm14, v1  }
0x3d2: {  	v2 =	vld [tilespmem:$0x190];
	_ =	sdelay $0x7  }
0x3d3: {  	[tilespmem:v2+s17+$0x0] =	vst.idx.add.s32.msk $0x1, v1  }
0x3d4: {  	[tilespmem:v2+s17+$0x0] =	vst.idx.add.s32.msk vm0, v1  }
0x3d5: {  	[tilespmem:v2+s17+$0x0] =	vst.idx.add.s32.msk vm1, v1  }
0x3d6: {  	[tilespmem:v2+s17+$0x0] =	vst.idx.add.s32.msk vm2, v1  }
0x3d7: {  	[tilespmem:v2+s17+$0x0] =	vst.idx.add.s32.msk vm3, v1  }
0x3d8: {  	[tilespmem:v2+s17+$0x0] =	vst.idx.add.s32.msk vm4, v1  }
0x3d9: {  	[tilespmem:v2+s17+$0x0] =	vst.idx.add.s32.msk vm5, v1  }
0x3da: {  	[tilespmem:v2+s17+$0x0] =	vst.idx.add.s32.msk vm6, v1  }
0x3db: {  	[tilespmem:v2+s17+$0x0] =	vst.idx.add.s32.msk vm7, v1  }
0x3dc: {  	[tilespmem:v2+s17+$0x0] =	vst.idx.add.s32.msk vm8, v1  }
0x3dd: {  	[tilespmem:v2+s17+$0x0] =	vst.idx.add.s32.msk vm9, v1  }
0x3de: {  	[tilespmem:v2+s17+$0x0] =	vst.idx.add.s32.msk vm10, v1  }
0x3df: {  	[tilespmem:v2+s17+$0x0] =	vst.idx.add.s32.msk vm11, v1  }
0x3e0: {  	[tilespmem:v2+s17+$0x0] =	vst.idx.add.s32.msk vm12, v1  }
0x3e1: {  	[tilespmem:v2+s17+$0x0] =	vst.idx.add.s32.msk vm13, v1  }
0x3e2: {  	[tilespmem:v2+s17+$0x0] =	vst.idx.add.s32.msk vm14, v1  }
0x3e3: {  	v2 =	vld [tilespmem:$0x1A0];
	_ =	sdelay $0x7  }
0x3e4: {  	[tilespmem:v2+s17+$0x0] =	vst.idx.add.s32.msk $0x1, v1  }
0x3e5: {  	[tilespmem:v2+s17+$0x0] =	vst.idx.add.s32.msk vm0, v1  }
0x3e6: {  	[tilespmem:v2+s17+$0x0] =	vst.idx.add.s32.msk vm1, v1  }
0x3e7: {  	[tilespmem:v2+s17+$0x0] =	vst.idx.add.s32.msk vm2, v1  }
0x3e8: {  	[tilespmem:v2+s17+$0x0] =	vst.idx.add.s32.msk vm3, v1  }
0x3e9: {  	[tilespmem:v2+s17+$0x0] =	vst.idx.add.s32.msk vm4, v1  }
0x3ea: {  	[tilespmem:v2+s17+$0x0] =	vst.idx.add.s32.msk vm5, v1  }
0x3eb: {  	[tilespmem:v2+s17+$0x0] =	vst.idx.add.s32.msk vm6, v1  }
0x3ec: {  	[tilespmem:v2+s17+$0x0] =	vst.idx.add.s32.msk vm7, v1  }
0x3ed: {  	[tilespmem:v2+s17+$0x0] =	vst.idx.add.s32.msk vm8, v1  }
0x3ee: {  	[tilespmem:v2+s17+$0x0] =	vst.idx.add.s32.msk vm9, v1  }
0x3ef: {  	[tilespmem:v2+s17+$0x0] =	vst.idx.add.s32.msk vm10, v1  }
0x3f0: {  	[tilespmem:v2+s17+$0x0] =	vst.idx.add.s32.msk vm11, v1  }
0x3f1: {  	[tilespmem:v2+s17+$0x0] =	vst.idx.add.s32.msk vm12, v1  }
0x3f2: {  	[tilespmem:v2+s17+$0x0] =	vst.idx.add.s32.msk vm13, v1  }
0x3f3: {  	[tilespmem:v2+s17+$0x0] =	vst.idx.add.s32.msk vm14, v1  }
0x3f4: {  	v2 =	vld [tilespmem:$0x1B0];
	_ =	sdelay $0x7  }
0x3f5: {  	[tilespmem:v2+s17+$0x0] =	vst.idx.add.s32.msk $0x1, v1  }
0x3f6: {  	[tilespmem:v2+s17+$0x0] =	vst.idx.add.s32.msk vm0, v1  }
0x3f7: {  	[tilespmem:v2+s17+$0x0] =	vst.idx.add.s32.msk vm1, v1  }
0x3f8: {  	[tilespmem:v2+s17+$0x0] =	vst.idx.add.s32.msk vm2, v1  }
0x3f9: {  	[tilespmem:v2+s17+$0x0] =	vst.idx.add.s32.msk vm3, v1  }
0x3fa: {  	[tilespmem:v2+s17+$0x0] =	vst.idx.add.s32.msk vm4, v1  }
0x3fb: {  	[tilespmem:v2+s17+$0x0] =	vst.idx.add.s32.msk vm5, v1  }
0x3fc: {  	[tilespmem:v2+s17+$0x0] =	vst.idx.add.s32.msk vm6, v1  }
0x3fd: {  	[tilespmem:v2+s17+$0x0] =	vst.idx.add.s32.msk vm7, v1  }
0x3fe: {  	[tilespmem:v2+s17+$0x0] =	vst.idx.add.s32.msk vm8, v1  }
0x3ff: {  	[tilespmem:v2+s17+$0x0] =	vst.idx.add.s32.msk vm9, v1  }
0x400: {  	[tilespmem:v2+s17+$0x0] =	vst.idx.add.s32.msk vm10, v1  }
0x401: {  	[tilespmem:v2+s17+$0x0] =	vst.idx.add.s32.msk vm11, v1  }
0x402: {  	[tilespmem:v2+s17+$0x0] =	vst.idx.add.s32.msk vm12, v1  }
0x403: {  	[tilespmem:v2+s17+$0x0] =	vst.idx.add.s32.msk vm13, v1  }
0x404: {  	[tilespmem:v2+s17+$0x0] =	vst.idx.add.s32.msk vm14, v1  }
0x405: {  	v2 =	vld [tilespmem:$0x1C0];
	_ =	sdelay $0x7  }
0x406: {  	[tilespmem:v2+s17+$0x0] =	vst.idx.add.s32.msk $0x1, v1  }
0x407: {  	[tilespmem:v2+s17+$0x0] =	vst.idx.add.s32.msk vm0, v1  }
0x408: {  	[tilespmem:v2+s17+$0x0] =	vst.idx.add.s32.msk vm1, v1  }
0x409: {  	[tilespmem:v2+s17+$0x0] =	vst.idx.add.s32.msk vm2, v1  }
0x40a: {  	[tilespmem:v2+s17+$0x0] =	vst.idx.add.s32.msk vm3, v1  }
0x40b: {  	[tilespmem:v2+s17+$0x0] =	vst.idx.add.s32.msk vm4, v1  }
0x40c: {  	[tilespmem:v2+s17+$0x0] =	vst.idx.add.s32.msk vm5, v1  }
0x40d: {  	[tilespmem:v2+s17+$0x0] =	vst.idx.add.s32.msk vm6, v1  }
0x40e: {  	[tilespmem:v2+s17+$0x0] =	vst.idx.add.s32.msk vm7, v1  }
0x40f: {  	[tilespmem:v2+s17+$0x0] =	vst.idx.add.s32.msk vm8, v1  }
0x410: {  	[tilespmem:v2+s17+$0x0] =	vst.idx.add.s32.msk vm9, v1  }
0x411: {  	[tilespmem:v2+s17+$0x0] =	vst.idx.add.s32.msk vm10, v1  }
0x412: {  	[tilespmem:v2+s17+$0x0] =	vst.idx.add.s32.msk vm11, v1  }
0x413: {  	[tilespmem:v2+s17+$0x0] =	vst.idx.add.s32.msk vm12, v1  }
0x414: {  	[tilespmem:v2+s17+$0x0] =	vst.idx.add.s32.msk vm13, v1  }
0x415: {  	[tilespmem:v2+s17+$0x0] =	vst.idx.add.s32.msk vm14, v1  }
0x416: {  	v2 =	vld [tilespmem:$0x1D0];
	_ =	sdelay $0x7  }
0x417: {  	[tilespmem:v2+s17+$0x0] =	vst.idx.add.s32.msk $0x1, v1  }
0x418: {  	[tilespmem:v2+s17+$0x0] =	vst.idx.add.s32.msk vm0, v1  }
0x419: {  	[tilespmem:v2+s17+$0x0] =	vst.idx.add.s32.msk vm1, v1  }
0x41a: {  	[tilespmem:v2+s17+$0x0] =	vst.idx.add.s32.msk vm2, v1  }
0x41b: {  	[tilespmem:v2+s17+$0x0] =	vst.idx.add.s32.msk vm3, v1  }
0x41c: {  	[tilespmem:v2+s17+$0x0] =	vst.idx.add.s32.msk vm4, v1  }
0x41d: {  	[tilespmem:v2+s17+$0x0] =	vst.idx.add.s32.msk vm5, v1  }
0x41e: {  	[tilespmem:v2+s17+$0x0] =	vst.idx.add.s32.msk vm6, v1  }
0x41f: {  	[tilespmem:v2+s17+$0x0] =	vst.idx.add.s32.msk vm7, v1  }
0x420: {  	[tilespmem:v2+s17+$0x0] =	vst.idx.add.s32.msk vm8, v1  }
0x421: {  	[tilespmem:v2+s17+$0x0] =	vst.idx.add.s32.msk vm9, v1  }
0x422: {  	[tilespmem:v2+s17+$0x0] =	vst.idx.add.s32.msk vm10, v1  }
0x423: {  	[tilespmem:v2+s17+$0x0] =	vst.idx.add.s32.msk vm11, v1  }
0x424: {  	[tilespmem:v2+s17+$0x0] =	vst.idx.add.s32.msk vm12, v1  }
0x425: {  	[tilespmem:v2+s17+$0x0] =	vst.idx.add.s32.msk vm13, v1  }
0x426: {  	[tilespmem:v2+s17+$0x0] =	vst.idx.add.s32.msk vm14, v1  }
0x427: {  	v2 =	vld [tilespmem:$0x1E0];
	_ =	sdelay $0x7  }
0x428: {  	[tilespmem:v2+s17+$0x0] =	vst.idx.add.s32.msk $0x1, v1  }
0x429: {  	[tilespmem:v2+s17+$0x0] =	vst.idx.add.s32.msk vm0, v1  }
0x42a: {  	[tilespmem:v2+s17+$0x0] =	vst.idx.add.s32.msk vm1, v1  }
0x42b: {  	[tilespmem:v2+s17+$0x0] =	vst.idx.add.s32.msk vm2, v1  }
0x42c: {  	[tilespmem:v2+s17+$0x0] =	vst.idx.add.s32.msk vm3, v1  }
0x42d: {  	[tilespmem:v2+s17+$0x0] =	vst.idx.add.s32.msk vm4, v1  }
0x42e: {  	[tilespmem:v2+s17+$0x0] =	vst.idx.add.s32.msk vm5, v1  }
0x42f: {  	[tilespmem:v2+s17+$0x0] =	vst.idx.add.s32.msk vm6, v1  }
0x430: {  	[tilespmem:v2+s17+$0x0] =	vst.idx.add.s32.msk vm7, v1  }
0x431: {  	[tilespmem:v2+s17+$0x0] =	vst.idx.add.s32.msk vm8, v1  }
0x432: {  	[tilespmem:v2+s17+$0x0] =	vst.idx.add.s32.msk vm9, v1  }
0x433: {  	[tilespmem:v2+s17+$0x0] =	vst.idx.add.s32.msk vm10, v1  }
0x434: {  	[tilespmem:v2+s17+$0x0] =	vst.idx.add.s32.msk vm11, v1  }
0x435: {  	[tilespmem:v2+s17+$0x0] =	vst.idx.add.s32.msk vm12, v1  }
0x436: {  	[tilespmem:v2+s17+$0x0] =	vst.idx.add.s32.msk vm13, v1  }
0x437: {  	[tilespmem:v2+s17+$0x0] =	vst.idx.add.s32.msk vm14, v1  }
0x438: {  	v2 =	vld [tilespmem:$0x1F0];
	_ =	sdelay $0x7  }
0x439: {  	[tilespmem:v2+s17+$0x0] =	vst.idx.add.s32.msk $0x1, v1  }
0x43a: {  	[tilespmem:v2+s17+$0x0] =	vst.idx.add.s32.msk vm0, v1  }
0x43b: {  	[tilespmem:v2+s17+$0x0] =	vst.idx.add.s32.msk vm1, v1  }
0x43c: {  	[tilespmem:v2+s17+$0x0] =	vst.idx.add.s32.msk vm2, v1  }
0x43d: {  	[tilespmem:v2+s17+$0x0] =	vst.idx.add.s32.msk vm3, v1  }
0x43e: {  	[tilespmem:v2+s17+$0x0] =	vst.idx.add.s32.msk vm4, v1  }
0x43f: {  	[tilespmem:v2+s17+$0x0] =	vst.idx.add.s32.msk vm5, v1  }
0x440: {  	[tilespmem:v2+s17+$0x0] =	vst.idx.add.s32.msk vm6, v1  }
0x441: {  	[tilespmem:v2+s17+$0x0] =	vst.idx.add.s32.msk vm7, v1  }
0x442: {  	[tilespmem:v2+s17+$0x0] =	vst.idx.add.s32.msk vm8, v1  }
0x443: {  	[tilespmem:v2+s17+$0x0] =	vst.idx.add.s32.msk vm9, v1  }
0x444: {  	[tilespmem:v2+s17+$0x0] =	vst.idx.add.s32.msk vm10, v1  }
0x445: {  	[tilespmem:v2+s17+$0x0] =	vst.idx.add.s32.msk vm11, v1  }
0x446: {  	[tilespmem:v2+s17+$0x0] =	vst.idx.add.s32.msk vm12, v1  }
0x447: {  	p0 =	sne.s32 s7, $0x1;
	[tilespmem:v2+s17+$0x0] =	vst.idx.add.s32.msk vm13, v1  }
.Ltmp0:
0x448: {  	[tilespmem:v2+s17+$0x0] =	vst.idx.add.s32.msk vm14, v1;
	(pc) =	sbr.rel @p0 .LBB2_1-.Ltmp0, $4  }
0x449: {  	[hbm4b:s6+s2] =	stream.linear.scatter [tilespmem:s17], [sflag:$0x2], $0x2000, $0x38;
	[tilespmem:$0xA200] =	vst v63  }
0x44a: {  	_ =	swait.ge [sflag:s8], $0x2000  }
0x44b: {  	[sflag:s8] =	ssyncset.done $0x0  }
0x44c: {  	s7 =	sadd.s32 $0xFFFFFFFF, s7;
	[sflag:s8] =	ssyncadd.s32 $0xFFFFE000  }
0x44d: {  	_ =	sfence.sel $0x180000  }
0x44e: {  	[bflag:$0x0] =	sbarrier.arrive $0xFFFF  }
0x44f: {  	p0 =	sne.s32 s1, $0x0;
	_ =	strace $0x90000047  }
0x450: {  	s0 =	sadd.s32 @!p0 $0x100000, s0;
	[bflag:$0x2] =	sbarrier.arrive $0xFFFF  }
0x451: {  	[sflag:s0] =	ssyncadd.tile.s32 @!p0 $0x1;
	_ =	shalt  }
.Lfunc_end2:
_tile_overlayer_lowered:
.L_overlay_start_2:
0x452: {  	(tag) =	ssettag $0x2  }
0x453: {  	s0 =	rddreg [dreg:$0x0];
	s2 =	stileid.u32  }
0x454: {  	s1 =	rddreg [dreg:$0x1];
	p0 =	sne.s32 s2, $0x0  }
0x455: {  	s3 =	rddreg [dreg:$0x2];
	[bflag:$0x3] =	sbarrier.arrive $0xFFFF;
	s2 =	simm.s32 @!p0 $0x1C02  }
0x456: {  	[timem:s3], [sflag:s2] =	dma.local @!p0 [hbm:s0], s1  }
0x457: {  	s0 =	simm.s32 @!p0 $0x2  }
0x458: {  	_ =	swait.ge @!p0 [sflag:s0], s1  }
0x459: {  	s1 =	ssub.s32 @!p0 $0x0, s1;
	[sflag:s0] =	ssyncset.done @!p0 $0x0  }
0x45a: {  	[sflag:s0] =	ssyncadd.s32 @!p0 s1  }
0x45b: {  	[bflag:$0x3] =	sbarrier.arrive $0xFFFF  }
0x45c: {  	_ =	shalt  }

</sc_bundles>
